<compile_context>
chip_gen: v7x
topology: tpu7x:2x2x1
jax: 0.10.2.dev20260603
libtpu: 0.0.44.dev20260713+nightly
codegen_flags: <defaults>
</compile_context>

<pallas_src>
import functools

import jax
import jax.numpy as jnp
from jax import lax
from jax.experimental import pallas as pl
from jax.experimental.pallas import tpu as pltpu
from jax.experimental.pallas import tpu_sc as plsc

BATCH = 4096
SEQ = 200
DIM = 64
NLANE = 16
NC = 2
NS = 16
NW = NC * NS
BPW = BATCH // NW
DT = DIM // 8
NBUF = 4
NST = 2


def _sc_embed(x_t, class_table, pos_table):
    mesh = plsc.VectorSubcoreMesh(core_axis_name="c", subcore_axis_name="s")

    @functools.partial(
        pl.kernel,
        out_type=jax.ShapeDtypeStruct((SEQ, DT, NW, 8, 128), jnp.float32),
        mesh=mesh,
        compiler_params=pltpu.CompilerParams(
            use_tc_tiling_on_sc=False, needs_layout_passes=False),
        scratch_types=[
            pltpu.VMEM((SEQ, BPW), jnp.int32),
            pltpu.VMEM((SEQ, DIM), jnp.float32),
            [pltpu.VMEM((BPW, DIM), jnp.float32) for _ in range(NBUF)],
            [pltpu.VMEM((DIM, 129), jnp.float32) for _ in range(NST)],
            [pltpu.SemaphoreType.DMA for _ in range(NBUF)],
            [pltpu.SemaphoreType.DMA for _ in range(NST)],
        ],
    )
    def kern(xt_hbm, tab_hbm, pos_hbm, out_hbm, idx_v, pos_v, bufs, stg,
             gsems, osems):
        wid = lax.axis_index("s") * NC + lax.axis_index("c")
        bcol = pl.multiple_of(wid * BPW, 8)
        pltpu.sync_copy(xt_hbm.at[:, pl.ds(bcol, BPW)], idx_v)
        pltpu.sync_copy(pos_hbm, pos_v)

        lane = lax.broadcasted_iota(jnp.int32, (NLANE,), 0)

        def start_gather(s, b):
            pltpu.async_copy(tab_hbm.at[idx_v.at[s]], bufs[b], gsems[b])

        def wait_gather(b):
            pltpu.make_async_copy(
                tab_hbm.at[pl.ds(0, BPW)], bufs[b], gsems[b]).wait()

        def wait_tiles(sb):
            for ti in range(DT):
                pltpu.make_async_copy(
                    stg[sb].at[pl.ds(ti * 8, 8), pl.ds(0, 128)],
                    out_hbm.at[0, ti, 0], osems[sb]).wait()

        for s0 in range(NBUF - 1):
            start_gather(s0, s0)

        def chunk_step(s, b, sb):
            wait_gather(b)

            @pl.when(s + (NBUF - 1) < SEQ)
            def _():
                start_gather(s + (NBUF - 1), (b + NBUF - 1) % NBUF)

            @pl.when(s >= NST)
            def _():
                wait_tiles(sb)

            pos_r = [pos_v[s, pl.ds(j * NLANE, NLANE)]
                     for j in range(DIM // NLANE)]
            rowidx = [lane + j * NLANE for j in range(DIM // NLANE)]

            @plsc.parallel_loop(0, BPW, unroll=4)
            def _(r):
                col = jnp.broadcast_to(r, (NLANE,))
                for j in range(DIM // NLANE):
                    v = bufs[b][r, pl.ds(j * NLANE, NLANE)] + pos_r[j]
                    plsc.store_scatter(stg[sb], [rowidx[j], col], v)

            for ti in range(DT):
                pltpu.async_copy(
                    stg[sb].at[pl.ds(ti * 8, 8), pl.ds(0, 128)],
                    out_hbm.at[s, ti, wid], osems[sb])

        @pl.loop(0, SEQ // NBUF)
        def _(g):
            for bb in range(NBUF):
                chunk_step(g * NBUF + bb, bb, bb % NST)

        for sb in range(NST):
            wait_tiles(sb)

    return kern(x_t, class_table, pos_table)


def kernel(x, class_table, pos_table):
    x_t = jnp.swapaxes(x, 0, 1).astype(jnp.int32)
    y5 = _sc_embed(x_t, class_table, pos_table)
    return y5.transpose(2, 4, 0, 1, 3).reshape(BATCH, SEQ, DIM)

# --- scband reference (transcript-rebuilt; emitter-appended) ---
"""Pipeline reference for scband-embedding-29231547416670 (READ-ONLY COPY).

The authoritative reference and input builder live on the scoring server;
editing this copy changes nothing except your own understanding.
"""

import jax, jax.numpy as jnp
import numpy as np

VOCAB = 1000000
MAX_LEN = 200
DIM = 64
BATCH = 4096
SEQ = 200

def setup_inputs(seed: int = 0) -> dict:
    key = jax.random.key(seed)
    k1, k2, k3 = jax.random.split(key, 3)
    x = jax.random.randint(k1, (BATCH, SEQ), 0, VOCAB, dtype=jnp.int64 if jax.config.jax_enable_x64 else jnp.int32)
    class_table = jax.random.normal(k2, (VOCAB, DIM), dtype=jnp.float32)
    pos_table = jax.random.normal(k3, (MAX_LEN, DIM), dtype=jnp.float32)
    return {"x": x, "class_table": class_table, "pos_table": pos_table}

def reference(x, class_table, pos_table):
    # class embedding: gather rows from class_table
    emb = jnp.take(class_table, x, axis=0)  # [B, S, D]
    # positional embedding: indices 0..S-1
    pos = jnp.arange(emb.shape[1])
    pos_emb = jnp.take(pos_table, pos, axis=0)  # [S, D]
    out = emb + pos_emb[None, :, :]
    return out

if __name__ == "__main__":
    import jax
    _d = setup_inputs()
    print(jax.jit(kernel)(*tuple(_d.values())))

</pallas_src>

<mosaic_0001>
#map = affine_map<(d0, d1) -> (0, 0)>
#map1 = affine_map<(d0, d1) -> (0, 0, 0, 0, 0)>
module attributes {stable_mosaic.version = 14 : i64} {
  func.func @kern(%arg0: i32, %arg1: i32, %arg2: memref<200x4096xi32, #tpu.memory_space<hbm>>, %arg3: memref<1000000x64xf32, #tpu.memory_space<hbm>>, %arg4: memref<200x64xf32, #tpu.memory_space<hbm>>, %arg5: memref<200x8x32x8x128xf32, #tpu.memory_space<hbm>>, %arg6: memref<200x128xi32, #tpu.memory_space<vmem>>, %arg7: memref<200x64xf32, #tpu.memory_space<vmem>>, %arg8: memref<128x64xf32, #tpu.memory_space<vmem>>, %arg9: memref<128x64xf32, #tpu.memory_space<vmem>>, %arg10: memref<128x64xf32, #tpu.memory_space<vmem>>, %arg11: memref<128x64xf32, #tpu.memory_space<vmem>>, %arg12: memref<64x129xf32, #tpu.memory_space<vmem>>, %arg13: memref<64x129xf32, #tpu.memory_space<vmem>>, %arg14: memref<!tpu.dma_semaphore, #tpu.memory_space<semaphore_mem>>, %arg15: memref<!tpu.dma_semaphore, #tpu.memory_space<semaphore_mem>>, %arg16: memref<!tpu.dma_semaphore, #tpu.memory_space<semaphore_mem>>, %arg17: memref<!tpu.dma_semaphore, #tpu.memory_space<semaphore_mem>>, %arg18: memref<!tpu.dma_semaphore, #tpu.memory_space<semaphore_mem>>, %arg19: memref<!tpu.dma_semaphore, #tpu.memory_space<semaphore_mem>>) attributes {dimension_semantics = [#tpu.dimension_semantics<core_parallel>, #tpu.dimension_semantics<subcore_parallel>], iteration_bounds = array<i64: 2, 16>, scalar_prefetch = 0 : i64, scratch_operands = 14 : i64, tpu.core_type = #tpu.core_type<sc_vector_subcore>, window_params = [{transform_indices = #map}, {transform_indices = #map}, {transform_indices = #map}, {transform_indices = #map1}]} {
    %mul3A = arith.constant 2 : i32
    %mul3A_0 = arith.muli %arg1, %mul3A : i32
    %add3A = arith.addi %mul3A_0, %arg0 : i32
    %mul3A_1 = arith.constant 128 : i32
    %mul3A_2 = arith.muli %add3A, %mul3A_1 : i32
    %multiple_of3A = tpu.assume_multiple %mul3A_2, 8 : i32
    "tpu.region"() ({
      %run_scoped3A = tpu.sem_alloc : memref<!tpu.dma_semaphore, #tpu.memory_space<semaphore_mem>>
      %dma_start3A_298 = arith.constant 0 : i32
      %dma_start3A_299 = tpu.memref_slice %arg2[%dma_start3A_298, %multiple_of3A] : memref<200x4096xi32, #tpu.memory_space<hbm>> -> memref<200x128xi32, #tpu.memory_space<hbm>>
      %dma_start3A_300 = arith.constant 0 : i32
      %dma_start3A_301 = tpu.memref_slice %arg2[%dma_start3A_300, %multiple_of3A] : memref<200x4096xi32, #tpu.memory_space<hbm>> -> memref<200x128xi32, #tpu.memory_space<hbm>>
      tpu.enqueue_dma source(%dma_start3A_301 : memref<200x128xi32, #tpu.memory_space<hbm>>) target(%arg6 : memref<200x128xi32, #tpu.memory_space<vmem>>) target_semaphore(%run_scoped3A : memref<!tpu.dma_semaphore, #tpu.memory_space<semaphore_mem>>)
      %dma_wait3A_302 = arith.constant 0 : i32
      %dma_wait3A_303 = tpu.memref_slice %arg2[%dma_wait3A_302, %multiple_of3A] : memref<200x4096xi32, #tpu.memory_space<hbm>> -> memref<200x128xi32, #tpu.memory_space<hbm>>
      %dma_wait3A_304 = arith.constant 0 : i32
      %dma_wait3A_305 = tpu.memref_slice %arg2[%dma_wait3A_304, %multiple_of3A] : memref<200x4096xi32, #tpu.memory_space<hbm>> -> memref<200x128xi32, #tpu.memory_space<hbm>>
      tpu.wait_dma2 semaphore(%run_scoped3A : memref<!tpu.dma_semaphore, #tpu.memory_space<semaphore_mem>>) src(%dma_wait3A_305 : memref<200x128xi32, #tpu.memory_space<hbm>>) dst(%arg6 : memref<200x128xi32, #tpu.memory_space<vmem>>)
      tpu.yield
    }) : () -> ()
    "tpu.region"() ({
      %run_scoped3A = tpu.sem_alloc : memref<!tpu.dma_semaphore, #tpu.memory_space<semaphore_mem>>
      tpu.enqueue_dma source(%arg4 : memref<200x64xf32, #tpu.memory_space<hbm>>) target(%arg7 : memref<200x64xf32, #tpu.memory_space<vmem>>) target_semaphore(%run_scoped3A : memref<!tpu.dma_semaphore, #tpu.memory_space<semaphore_mem>>)
      tpu.wait_dma2 semaphore(%run_scoped3A : memref<!tpu.dma_semaphore, #tpu.memory_space<semaphore_mem>>) src(%arg4 : memref<200x64xf32, #tpu.memory_space<hbm>>) dst(%arg7 : memref<200x64xf32, #tpu.memory_space<vmem>>)
      tpu.yield
    }) : () -> ()
    %iota3A = tpu.iota {dimensions = array<i32: 0>} : vector<16xi32>
    %dma_start3A = arith.constant 0 : i32
    %dma_start3A_3 = arith.constant 0 : i32
    %dma_start3A_4 = tpu.memref_slice %arg6[%dma_start3A, %dma_start3A_3] : memref<200x128xi32, #tpu.memory_space<vmem>> -> memref<1x128xi32, #tpu.memory_space<vmem>>
    %dma_start3A_5 = tpu.memref_squeeze %dma_start3A_4 : memref<1x128xi32, #tpu.memory_space<vmem>> -> memref<128xi32, #tpu.memory_space<vmem>>
    %dma_start3A_6 = arith.constant 0 : i32
    %dma_start3A_7 = arith.constant 0 : i32
    %dma_start3A_8 = tpu.memref_slice %arg3[%dma_start3A_6, %dma_start3A_7] : memref<1000000x64xf32, #tpu.memory_space<hbm>> -> memref<1000000x64xf32, #tpu.memory_space<hbm>>
    tpu.enqueue_indirect_dma source(%dma_start3A_8 : memref<1000000x64xf32, #tpu.memory_space<hbm>>) target(%arg8 : memref<128x64xf32, #tpu.memory_space<vmem>>) offsets(%dma_start3A_5 : memref<128xi32, #tpu.memory_space<vmem>>) semaphore(%arg14 : memref<!tpu.dma_semaphore, #tpu.memory_space<semaphore_mem>>)
    %dma_start3A_9 = arith.constant 1 : i32
    %dma_start3A_10 = arith.constant 0 : i32
    %dma_start3A_11 = tpu.memref_slice %arg6[%dma_start3A_9, %dma_start3A_10] : memref<200x128xi32, #tpu.memory_space<vmem>> -> memref<1x128xi32, #tpu.memory_space<vmem>>
    %dma_start3A_12 = tpu.memref_squeeze %dma_start3A_11 : memref<1x128xi32, #tpu.memory_space<vmem>> -> memref<128xi32, #tpu.memory_space<vmem>>
    %dma_start3A_13 = arith.constant 0 : i32
    %dma_start3A_14 = arith.constant 0 : i32
    %dma_start3A_15 = tpu.memref_slice %arg3[%dma_start3A_13, %dma_start3A_14] : memref<1000000x64xf32, #tpu.memory_space<hbm>> -> memref<1000000x64xf32, #tpu.memory_space<hbm>>
    tpu.enqueue_indirect_dma source(%dma_start3A_15 : memref<1000000x64xf32, #tpu.memory_space<hbm>>) target(%arg9 : memref<128x64xf32, #tpu.memory_space<vmem>>) offsets(%dma_start3A_12 : memref<128xi32, #tpu.memory_space<vmem>>) semaphore(%arg15 : memref<!tpu.dma_semaphore, #tpu.memory_space<semaphore_mem>>)
    %dma_start3A_16 = arith.constant 2 : i32
    %dma_start3A_17 = arith.constant 0 : i32
    %dma_start3A_18 = tpu.memref_slice %arg6[%dma_start3A_16, %dma_start3A_17] : memref<200x128xi32, #tpu.memory_space<vmem>> -> memref<1x128xi32, #tpu.memory_space<vmem>>
    %dma_start3A_19 = tpu.memref_squeeze %dma_start3A_18 : memref<1x128xi32, #tpu.memory_space<vmem>> -> memref<128xi32, #tpu.memory_space<vmem>>
    %dma_start3A_20 = arith.constant 0 : i32
    %dma_start3A_21 = arith.constant 0 : i32
    %dma_start3A_22 = tpu.memref_slice %arg3[%dma_start3A_20, %dma_start3A_21] : memref<1000000x64xf32, #tpu.memory_space<hbm>> -> memref<1000000x64xf32, #tpu.memory_space<hbm>>
    tpu.enqueue_indirect_dma source(%dma_start3A_22 : memref<1000000x64xf32, #tpu.memory_space<hbm>>) target(%arg10 : memref<128x64xf32, #tpu.memory_space<vmem>>) offsets(%dma_start3A_19 : memref<128xi32, #tpu.memory_space<vmem>>) semaphore(%arg16 : memref<!tpu.dma_semaphore, #tpu.memory_space<semaphore_mem>>)
    %scan3A = arith.constant 0 : i32
    %scan3A_23 = arith.constant 50 : i32
    %scan3A_24 = arith.addi %scan3A, %scan3A_23 : i32
    %scan3A_25 = arith.constant 1 : i32
    scf.for %scan3A_298 = %scan3A to %scan3A_24 step %scan3A_25  : i32 {
      %mul3A_299 = arith.constant 1 : i32
      %mul3A_300 = arith.muli %scan3A_298, %mul3A_299 : i32
      %add3A_301 = arith.constant 0 : i32
      %add3A_302 = arith.addi %add3A_301, %mul3A_300 : i32
      %mul3A_303 = arith.constant 4 : i32
      %mul3A_304 = arith.muli %add3A_302, %mul3A_303 : i32
      %add3A_305 = arith.constant 0 : i32
      %add3A_306 = arith.addi %mul3A_304, %add3A_305 : i32
      %dma_wait3A_307 = arith.constant 0 : i32
      %dma_wait3A_308 = arith.constant 0 : i32
      %dma_wait3A_309 = tpu.memref_slice %arg3[%dma_wait3A_307, %dma_wait3A_308] : memref<1000000x64xf32, #tpu.memory_space<hbm>> -> memref<128x64xf32, #tpu.memory_space<hbm>>
      %dma_wait3A_310 = arith.constant 0 : i32
      %dma_wait3A_311 = arith.constant 0 : i32
      %dma_wait3A_312 = tpu.memref_slice %arg3[%dma_wait3A_310, %dma_wait3A_311] : memref<1000000x64xf32, #tpu.memory_space<hbm>> -> memref<128x64xf32, #tpu.memory_space<hbm>>
      tpu.wait_dma2 semaphore(%arg14 : memref<!tpu.dma_semaphore, #tpu.memory_space<semaphore_mem>>) src(%dma_wait3A_312 : memref<128x64xf32, #tpu.memory_space<hbm>>) dst(%arg8 : memref<128x64xf32, #tpu.memory_space<vmem>>)
      %add3A_313 = arith.constant 3 : i32
      %add3A_314 = arith.addi %add3A_306, %add3A_313 : i32
      %lt3A = arith.constant 200 : i32
      %lt3A_315 = arith.cmpi slt, %add3A_314, %lt3A : i32
      %convert_element_type3A = arith.extui %lt3A_315 : i1 to i32
      %cond3A = arith.constant 0 : i32
      %cond3A_316 = arith.cmpi ne, %convert_element_type3A, %cond3A : i32
      scf.if %cond3A_316 {
        %add3A_973 = arith.constant 3 : i32
        %add3A_974 = arith.addi %add3A_306, %add3A_973 : i32
        %dma_start3A_975 = arith.constant 0 : i32
        %dma_start3A_976 = tpu.memref_slice %arg6[%add3A_974, %dma_start3A_975] : memref<200x128xi32, #tpu.memory_space<vmem>> -> memref<1x128xi32, #tpu.memory_space<vmem>>
        %dma_start3A_977 = tpu.memref_squeeze %dma_start3A_976 : memref<1x128xi32, #tpu.memory_space<vmem>> -> memref<128xi32, #tpu.memory_space<vmem>>
        %dma_start3A_978 = arith.constant 0 : i32
        %dma_start3A_979 = arith.constant 0 : i32
        %dma_start3A_980 = tpu.memref_slice %arg3[%dma_start3A_978, %dma_start3A_979] : memref<1000000x64xf32, #tpu.memory_space<hbm>> -> memref<1000000x64xf32, #tpu.memory_space<hbm>>
        tpu.enqueue_indirect_dma source(%dma_start3A_980 : memref<1000000x64xf32, #tpu.memory_space<hbm>>) target(%arg11 : memref<128x64xf32, #tpu.memory_space<vmem>>) offsets(%dma_start3A_977 : memref<128xi32, #tpu.memory_space<vmem>>) semaphore(%arg17 : memref<!tpu.dma_semaphore, #tpu.memory_space<semaphore_mem>>)
      } else {
      }
      %ge3A = arith.constant 2 : i32
      %ge3A_317 = arith.cmpi sge, %add3A_306, %ge3A : i32
      %convert_element_type3A_318 = arith.extui %ge3A_317 : i1 to i32
      %cond3A_319 = arith.constant 0 : i32
      %cond3A_320 = arith.cmpi ne, %convert_element_type3A_318, %cond3A_319 : i32
      scf.if %cond3A_320 {
        %dma_wait3A_973 = arith.constant 0 : i32
        %dma_wait3A_974 = arith.constant 0 : i32
        %dma_wait3A_975 = arith.constant 0 : i32
        %dma_wait3A_976 = arith.constant 0 : i32
        %dma_wait3A_977 = arith.constant 0 : i32
        %dma_wait3A_978 = tpu.memref_slice %arg12[%dma_wait3A_976, %dma_wait3A_977] : memref<64x129xf32, #tpu.memory_space<vmem>> -> memref<8x128xf32, #tpu.memory_space<vmem>>
        %dma_wait3A_979 = arith.constant 0 : i32
        %dma_wait3A_980 = arith.constant 0 : i32
        %dma_wait3A_981 = tpu.memref_slice %arg5[%dma_wait3A_973, %dma_wait3A_974, %dma_wait3A_975, %dma_wait3A_979, %dma_wait3A_980] : memref<200x8x32x8x128xf32, #tpu.memory_space<hbm>> -> memref<1x1x1x8x128xf32, #tpu.memory_space<hbm>>
        %dma_wait3A_982 = tpu.memref_squeeze %dma_wait3A_981 : memref<1x1x1x8x128xf32, #tpu.memory_space<hbm>> -> memref<8x128xf32, #tpu.memory_space<hbm>>
        %dma_wait3A_983 = arith.constant 0 : i32
        %dma_wait3A_984 = arith.constant 0 : i32
        %dma_wait3A_985 = tpu.memref_slice %arg5[%dma_wait3A_973, %dma_wait3A_974, %dma_wait3A_975, %dma_wait3A_983, %dma_wait3A_984] : memref<200x8x32x8x128xf32, #tpu.memory_space<hbm>> -> memref<1x1x1x8x128xf32, #tpu.memory_space<hbm>>
        %dma_wait3A_986 = tpu.memref_squeeze %dma_wait3A_985 : memref<1x1x1x8x128xf32, #tpu.memory_space<hbm>> -> memref<8x128xf32, #tpu.memory_space<hbm>>
        %dma_wait3A_987 = arith.constant 0 : i32
        %dma_wait3A_988 = arith.constant 0 : i32
        %dma_wait3A_989 = tpu.memref_slice %arg12[%dma_wait3A_987, %dma_wait3A_988] : memref<64x129xf32, #tpu.memory_space<vmem>> -> memref<8x128xf32, #tpu.memory_space<vmem>>
        tpu.wait_dma2 semaphore(%arg18 : memref<!tpu.dma_semaphore, #tpu.memory_space<semaphore_mem>>) src(%dma_wait3A_989 : memref<8x128xf32, #tpu.memory_space<vmem>>) dst(%dma_wait3A_986 : memref<8x128xf32, #tpu.memory_space<hbm>>)
        %dma_wait3A_990 = arith.constant 0 : i32
        %dma_wait3A_991 = arith.constant 1 : i32
        %dma_wait3A_992 = arith.constant 0 : i32
        %dma_wait3A_993 = arith.constant 8 : i32
        %dma_wait3A_994 = arith.constant 0 : i32
        %dma_wait3A_995 = tpu.memref_slice %arg12[%dma_wait3A_993, %dma_wait3A_994] : memref<64x129xf32, #tpu.memory_space<vmem>> -> memref<8x128xf32, #tpu.memory_space<vmem>>
        %dma_wait3A_996 = arith.constant 0 : i32
        %dma_wait3A_997 = arith.constant 0 : i32
        %dma_wait3A_998 = tpu.memref_slice %arg5[%dma_wait3A_990, %dma_wait3A_991, %dma_wait3A_992, %dma_wait3A_996, %dma_wait3A_997] : memref<200x8x32x8x128xf32, #tpu.memory_space<hbm>> -> memref<1x1x1x8x128xf32, #tpu.memory_space<hbm>>
        %dma_wait3A_999 = tpu.memref_squeeze %dma_wait3A_998 : memref<1x1x1x8x128xf32, #tpu.memory_space<hbm>> -> memref<8x128xf32, #tpu.memory_space<hbm>>
        %dma_wait3A_1000 = arith.constant 0 : i32
        %dma_wait3A_1001 = arith.constant 0 : i32
        %dma_wait3A_1002 = tpu.memref_slice %arg5[%dma_wait3A_990, %dma_wait3A_991, %dma_wait3A_992, %dma_wait3A_1000, %dma_wait3A_1001] : memref<200x8x32x8x128xf32, #tpu.memory_space<hbm>> -> memref<1x1x1x8x128xf32, #tpu.memory_space<hbm>>
        %dma_wait3A_1003 = tpu.memref_squeeze %dma_wait3A_1002 : memref<1x1x1x8x128xf32, #tpu.memory_space<hbm>> -> memref<8x128xf32, #tpu.memory_space<hbm>>
        %dma_wait3A_1004 = arith.constant 8 : i32
        %dma_wait3A_1005 = arith.constant 0 : i32
        %dma_wait3A_1006 = tpu.memref_slice %arg12[%dma_wait3A_1004, %dma_wait3A_1005] : memref<64x129xf32, #tpu.memory_space<vmem>> -> memref<8x128xf32, #tpu.memory_space<vmem>>
        tpu.wait_dma2 semaphore(%arg18 : memref<!tpu.dma_semaphore, #tpu.memory_space<semaphore_mem>>) src(%dma_wait3A_1006 : memref<8x128xf32, #tpu.memory_space<vmem>>) dst(%dma_wait3A_1003 : memref<8x128xf32, #tpu.memory_space<hbm>>)
        %dma_wait3A_1007 = arith.constant 0 : i32
        %dma_wait3A_1008 = arith.constant 2 : i32
        %dma_wait3A_1009 = arith.constant 0 : i32
        %dma_wait3A_1010 = arith.constant 16 : i32
        %dma_wait3A_1011 = arith.constant 0 : i32
        %dma_wait3A_1012 = tpu.memref_slice %arg12[%dma_wait3A_1010, %dma_wait3A_1011] : memref<64x129xf32, #tpu.memory_space<vmem>> -> memref<8x128xf32, #tpu.memory_space<vmem>>
        %dma_wait3A_1013 = arith.constant 0 : i32
        %dma_wait3A_1014 = arith.constant 0 : i32
        %dma_wait3A_1015 = tpu.memref_slice %arg5[%dma_wait3A_1007, %dma_wait3A_1008, %dma_wait3A_1009, %dma_wait3A_1013, %dma_wait3A_1014] : memref<200x8x32x8x128xf32, #tpu.memory_space<hbm>> -> memref<1x1x1x8x128xf32, #tpu.memory_space<hbm>>
        %dma_wait3A_1016 = tpu.memref_squeeze %dma_wait3A_1015 : memref<1x1x1x8x128xf32, #tpu.memory_space<hbm>> -> memref<8x128xf32, #tpu.memory_space<hbm>>
        %dma_wait3A_1017 = arith.constant 0 : i32
        %dma_wait3A_1018 = arith.constant 0 : i32
        %dma_wait3A_1019 = tpu.memref_slice %arg5[%dma_wait3A_1007, %dma_wait3A_1008, %dma_wait3A_1009, %dma_wait3A_1017, %dma_wait3A_1018] : memref<200x8x32x8x128xf32, #tpu.memory_space<hbm>> -> memref<1x1x1x8x128xf32, #tpu.memory_space<hbm>>
        %dma_wait3A_1020 = tpu.memref_squeeze %dma_wait3A_1019 : memref<1x1x1x8x128xf32, #tpu.memory_space<hbm>> -> memref<8x128xf32, #tpu.memory_space<hbm>>
        %dma_wait3A_1021 = arith.constant 16 : i32
        %dma_wait3A_1022 = arith.constant 0 : i32
        %dma_wait3A_1023 = tpu.memref_slice %arg12[%dma_wait3A_1021, %dma_wait3A_1022] : memref<64x129xf32, #tpu.memory_space<vmem>> -> memref<8x128xf32, #tpu.memory_space<vmem>>
        tpu.wait_dma2 semaphore(%arg18 : memref<!tpu.dma_semaphore, #tpu.memory_space<semaphore_mem>>) src(%dma_wait3A_1023 : memref<8x128xf32, #tpu.memory_space<vmem>>) dst(%dma_wait3A_1020 : memref<8x128xf32, #tpu.memory_space<hbm>>)
        %dma_wait3A_1024 = arith.constant 0 : i32
        %dma_wait3A_1025 = arith.constant 3 : i32
        %dma_wait3A_1026 = arith.constant 0 : i32
        %dma_wait3A_1027 = arith.constant 24 : i32
        %dma_wait3A_1028 = arith.constant 0 : i32
        %dma_wait3A_1029 = tpu.memref_slice %arg12[%dma_wait3A_1027, %dma_wait3A_1028] : memref<64x129xf32, #tpu.memory_space<vmem>> -> memref<8x128xf32, #tpu.memory_space<vmem>>
        %dma_wait3A_1030 = arith.constant 0 : i32
        %dma_wait3A_1031 = arith.constant 0 : i32
        %dma_wait3A_1032 = tpu.memref_slice %arg5[%dma_wait3A_1024, %dma_wait3A_1025, %dma_wait3A_1026, %dma_wait3A_1030, %dma_wait3A_1031] : memref<200x8x32x8x128xf32, #tpu.memory_space<hbm>> -> memref<1x1x1x8x128xf32, #tpu.memory_space<hbm>>
        %dma_wait3A_1033 = tpu.memref_squeeze %dma_wait3A_1032 : memref<1x1x1x8x128xf32, #tpu.memory_space<hbm>> -> memref<8x128xf32, #tpu.memory_space<hbm>>
        %dma_wait3A_1034 = arith.constant 0 : i32
        %dma_wait3A_1035 = arith.constant 0 : i32
        %dma_wait3A_1036 = tpu.memref_slice %arg5[%dma_wait3A_1024, %dma_wait3A_1025, %dma_wait3A_1026, %dma_wait3A_1034, %dma_wait3A_1035] : memref<200x8x32x8x128xf32, #tpu.memory_space<hbm>> -> memref<1x1x1x8x128xf32, #tpu.memory_space<hbm>>
        %dma_wait3A_1037 = tpu.memref_squeeze %dma_wait3A_1036 : memref<1x1x1x8x128xf32, #tpu.memory_space<hbm>> -> memref<8x128xf32, #tpu.memory_space<hbm>>
        %dma_wait3A_1038 = arith.constant 24 : i32
        %dma_wait3A_1039 = arith.constant 0 : i32
        %dma_wait3A_1040 = tpu.memref_slice %arg12[%dma_wait3A_1038, %dma_wait3A_1039] : memref<64x129xf32, #tpu.memory_space<vmem>> -> memref<8x128xf32, #tpu.memory_space<vmem>>
        tpu.wait_dma2 semaphore(%arg18 : memref<!tpu.dma_semaphore, #tpu.memory_space<semaphore_mem>>) src(%dma_wait3A_1040 : memref<8x128xf32, #tpu.memory_space<vmem>>) dst(%dma_wait3A_1037 : memref<8x128xf32, #tpu.memory_space<hbm>>)
        %dma_wait3A_1041 = arith.constant 0 : i32
        %dma_wait3A_1042 = arith.constant 4 : i32
        %dma_wait3A_1043 = arith.constant 0 : i32
        %dma_wait3A_1044 = arith.constant 32 : i32
        %dma_wait3A_1045 = arith.constant 0 : i32
        %dma_wait3A_1046 = tpu.memref_slice %arg12[%dma_wait3A_1044, %dma_wait3A_1045] : memref<64x129xf32, #tpu.memory_space<vmem>> -> memref<8x128xf32, #tpu.memory_space<vmem>>
        %dma_wait3A_1047 = arith.constant 0 : i32
        %dma_wait3A_1048 = arith.constant 0 : i32
        %dma_wait3A_1049 = tpu.memref_slice %arg5[%dma_wait3A_1041, %dma_wait3A_1042, %dma_wait3A_1043, %dma_wait3A_1047, %dma_wait3A_1048] : memref<200x8x32x8x128xf32, #tpu.memory_space<hbm>> -> memref<1x1x1x8x128xf32, #tpu.memory_space<hbm>>
        %dma_wait3A_1050 = tpu.memref_squeeze %dma_wait3A_1049 : memref<1x1x1x8x128xf32, #tpu.memory_space<hbm>> -> memref<8x128xf32, #tpu.memory_space<hbm>>
        %dma_wait3A_1051 = arith.constant 0 : i32
        %dma_wait3A_1052 = arith.constant 0 : i32
        %dma_wait3A_1053 = tpu.memref_slice %arg5[%dma_wait3A_1041, %dma_wait3A_1042, %dma_wait3A_1043, %dma_wait3A_1051, %dma_wait3A_1052] : memref<200x8x32x8x128xf32, #tpu.memory_space<hbm>> -> memref<1x1x1x8x128xf32, #tpu.memory_space<hbm>>
        %dma_wait3A_1054 = tpu.memref_squeeze %dma_wait3A_1053 : memref<1x1x1x8x128xf32, #tpu.memory_space<hbm>> -> memref<8x128xf32, #tpu.memory_space<hbm>>
        %dma_wait3A_1055 = arith.constant 32 : i32
        %dma_wait3A_1056 = arith.constant 0 : i32
        %dma_wait3A_1057 = tpu.memref_slice %arg12[%dma_wait3A_1055, %dma_wait3A_1056] : memref<64x129xf32, #tpu.memory_space<vmem>> -> memref<8x128xf32, #tpu.memory_space<vmem>>
        tpu.wait_dma2 semaphore(%arg18 : memref<!tpu.dma_semaphore, #tpu.memory_space<semaphore_mem>>) src(%dma_wait3A_1057 : memref<8x128xf32, #tpu.memory_space<vmem>>) dst(%dma_wait3A_1054 : memref<8x128xf32, #tpu.memory_space<hbm>>)
        %dma_wait3A_1058 = arith.constant 0 : i32
        %dma_wait3A_1059 = arith.constant 5 : i32
        %dma_wait3A_1060 = arith.constant 0 : i32
        %dma_wait3A_1061 = arith.constant 40 : i32
        %dma_wait3A_1062 = arith.constant 0 : i32
        %dma_wait3A_1063 = tpu.memref_slice %arg12[%dma_wait3A_1061, %dma_wait3A_1062] : memref<64x129xf32, #tpu.memory_space<vmem>> -> memref<8x128xf32, #tpu.memory_space<vmem>>
        %dma_wait3A_1064 = arith.constant 0 : i32
        %dma_wait3A_1065 = arith.constant 0 : i32
        %dma_wait3A_1066 = tpu.memref_slice %arg5[%dma_wait3A_1058, %dma_wait3A_1059, %dma_wait3A_1060, %dma_wait3A_1064, %dma_wait3A_1065] : memref<200x8x32x8x128xf32, #tpu.memory_space<hbm>> -> memref<1x1x1x8x128xf32, #tpu.memory_space<hbm>>
        %dma_wait3A_1067 = tpu.memref_squeeze %dma_wait3A_1066 : memref<1x1x1x8x128xf32, #tpu.memory_space<hbm>> -> memref<8x128xf32, #tpu.memory_space<hbm>>
        %dma_wait3A_1068 = arith.constant 0 : i32
        %dma_wait3A_1069 = arith.constant 0 : i32
        %dma_wait3A_1070 = tpu.memref_slice %arg5[%dma_wait3A_1058, %dma_wait3A_1059, %dma_wait3A_1060, %dma_wait3A_1068, %dma_wait3A_1069] : memref<200x8x32x8x128xf32, #tpu.memory_space<hbm>> -> memref<1x1x1x8x128xf32, #tpu.memory_space<hbm>>
        %dma_wait3A_1071 = tpu.memref_squeeze %dma_wait3A_1070 : memref<1x1x1x8x128xf32, #tpu.memory_space<hbm>> -> memref<8x128xf32, #tpu.memory_space<hbm>>
        %dma_wait3A_1072 = arith.constant 40 : i32
        %dma_wait3A_1073 = arith.constant 0 : i32
        %dma_wait3A_1074 = tpu.memref_slice %arg12[%dma_wait3A_1072, %dma_wait3A_1073] : memref<64x129xf32, #tpu.memory_space<vmem>> -> memref<8x128xf32, #tpu.memory_space<vmem>>
        tpu.wait_dma2 semaphore(%arg18 : memref<!tpu.dma_semaphore, #tpu.memory_space<semaphore_mem>>) src(%dma_wait3A_1074 : memref<8x128xf32, #tpu.memory_space<vmem>>) dst(%dma_wait3A_1071 : memref<8x128xf32, #tpu.memory_space<hbm>>)
        %dma_wait3A_1075 = arith.constant 0 : i32
        %dma_wait3A_1076 = arith.constant 6 : i32
        %dma_wait3A_1077 = arith.constant 0 : i32
        %dma_wait3A_1078 = arith.constant 48 : i32
        %dma_wait3A_1079 = arith.constant 0 : i32
        %dma_wait3A_1080 = tpu.memref_slice %arg12[%dma_wait3A_1078, %dma_wait3A_1079] : memref<64x129xf32, #tpu.memory_space<vmem>> -> memref<8x128xf32, #tpu.memory_space<vmem>>
        %dma_wait3A_1081 = arith.constant 0 : i32
        %dma_wait3A_1082 = arith.constant 0 : i32
        %dma_wait3A_1083 = tpu.memref_slice %arg5[%dma_wait3A_1075, %dma_wait3A_1076, %dma_wait3A_1077, %dma_wait3A_1081, %dma_wait3A_1082] : memref<200x8x32x8x128xf32, #tpu.memory_space<hbm>> -> memref<1x1x1x8x128xf32, #tpu.memory_space<hbm>>
        %dma_wait3A_1084 = tpu.memref_squeeze %dma_wait3A_1083 : memref<1x1x1x8x128xf32, #tpu.memory_space<hbm>> -> memref<8x128xf32, #tpu.memory_space<hbm>>
        %dma_wait3A_1085 = arith.constant 0 : i32
        %dma_wait3A_1086 = arith.constant 0 : i32
        %dma_wait3A_1087 = tpu.memref_slice %arg5[%dma_wait3A_1075, %dma_wait3A_1076, %dma_wait3A_1077, %dma_wait3A_1085, %dma_wait3A_1086] : memref<200x8x32x8x128xf32, #tpu.memory_space<hbm>> -> memref<1x1x1x8x128xf32, #tpu.memory_space<hbm>>
        %dma_wait3A_1088 = tpu.memref_squeeze %dma_wait3A_1087 : memref<1x1x1x8x128xf32, #tpu.memory_space<hbm>> -> memref<8x128xf32, #tpu.memory_space<hbm>>
        %dma_wait3A_1089 = arith.constant 48 : i32
        %dma_wait3A_1090 = arith.constant 0 : i32
        %dma_wait3A_1091 = tpu.memref_slice %arg12[%dma_wait3A_1089, %dma_wait3A_1090] : memref<64x129xf32, #tpu.memory_space<vmem>> -> memref<8x128xf32, #tpu.memory_space<vmem>>
        tpu.wait_dma2 semaphore(%arg18 : memref<!tpu.dma_semaphore, #tpu.memory_space<semaphore_mem>>) src(%dma_wait3A_1091 : memref<8x128xf32, #tpu.memory_space<vmem>>) dst(%dma_wait3A_1088 : memref<8x128xf32, #tpu.memory_space<hbm>>)
        %dma_wait3A_1092 = arith.constant 0 : i32
        %dma_wait3A_1093 = arith.constant 7 : i32
        %dma_wait3A_1094 = arith.constant 0 : i32
        %dma_wait3A_1095 = arith.constant 56 : i32
        %dma_wait3A_1096 = arith.constant 0 : i32
        %dma_wait3A_1097 = tpu.memref_slice %arg12[%dma_wait3A_1095, %dma_wait3A_1096] : memref<64x129xf32, #tpu.memory_space<vmem>> -> memref<8x128xf32, #tpu.memory_space<vmem>>
        %dma_wait3A_1098 = arith.constant 0 : i32
        %dma_wait3A_1099 = arith.constant 0 : i32
        %dma_wait3A_1100 = tpu.memref_slice %arg5[%dma_wait3A_1092, %dma_wait3A_1093, %dma_wait3A_1094, %dma_wait3A_1098, %dma_wait3A_1099] : memref<200x8x32x8x128xf32, #tpu.memory_space<hbm>> -> memref<1x1x1x8x128xf32, #tpu.memory_space<hbm>>
        %dma_wait3A_1101 = tpu.memref_squeeze %dma_wait3A_1100 : memref<1x1x1x8x128xf32, #tpu.memory_space<hbm>> -> memref<8x128xf32, #tpu.memory_space<hbm>>
        %dma_wait3A_1102 = arith.constant 0 : i32
        %dma_wait3A_1103 = arith.constant 0 : i32
        %dma_wait3A_1104 = tpu.memref_slice %arg5[%dma_wait3A_1092, %dma_wait3A_1093, %dma_wait3A_1094, %dma_wait3A_1102, %dma_wait3A_1103] : memref<200x8x32x8x128xf32, #tpu.memory_space<hbm>> -> memref<1x1x1x8x128xf32, #tpu.memory_space<hbm>>
        %dma_wait3A_1105 = tpu.memref_squeeze %dma_wait3A_1104 : memref<1x1x1x8x128xf32, #tpu.memory_space<hbm>> -> memref<8x128xf32, #tpu.memory_space<hbm>>
        %dma_wait3A_1106 = arith.constant 56 : i32
        %dma_wait3A_1107 = arith.constant 0 : i32
        %dma_wait3A_1108 = tpu.memref_slice %arg12[%dma_wait3A_1106, %dma_wait3A_1107] : memref<64x129xf32, #tpu.memory_space<vmem>> -> memref<8x128xf32, #tpu.memory_space<vmem>>
        tpu.wait_dma2 semaphore(%arg18 : memref<!tpu.dma_semaphore, #tpu.memory_space<semaphore_mem>>) src(%dma_wait3A_1108 : memref<8x128xf32, #tpu.memory_space<vmem>>) dst(%dma_wait3A_1105 : memref<8x128xf32, #tpu.memory_space<hbm>>)
      } else {
      }
      %get3A = arith.index_cast %add3A_306 : i32 to index
      %get3A_321 = arith.constant 0 : index
      %get3A_322 = tpu.vector_load %arg7[%get3A, %get3A_321] {strides = array<i32>} : memref<200x64xf32, #tpu.memory_space<vmem>>, vector<16xf32>,
      %get3A_323 = arith.index_cast %add3A_306 : i32 to index
      %get3A_324 = arith.constant 16 : index
      %get3A_325 = tpu.vector_load %arg7[%get3A_323, %get3A_324] {strides = array<i32>} : memref<200x64xf32, #tpu.memory_space<vmem>>, vector<16xf32>,
      %get3A_326 = arith.index_cast %add3A_306 : i32 to index
      %get3A_327 = arith.constant 32 : index
      %get3A_328 = tpu.vector_load %arg7[%get3A_326, %get3A_327] {strides = array<i32>} : memref<200x64xf32, #tpu.memory_space<vmem>>, vector<16xf32>,
      %get3A_329 = arith.index_cast %add3A_306 : i32 to index
      %get3A_330 = arith.constant 48 : index
      %get3A_331 = tpu.vector_load %arg7[%get3A_329, %get3A_330] {strides = array<i32>} : memref<200x64xf32, #tpu.memory_space<vmem>>, vector<16xf32>,
      %add3A_332 = arith.constant 0 : i32
      %add3A_333 = vector.broadcast %add3A_332 : i32 to vector<16xi32>
      %add3A_334 = arith.addi %iota3A, %add3A_333 : vector<16xi32>
      %add3A_335 = arith.constant 16 : i32
      %add3A_336 = vector.broadcast %add3A_335 : i32 to vector<16xi32>
      %add3A_337 = arith.addi %iota3A, %add3A_336 : vector<16xi32>
      %add3A_338 = arith.constant 32 : i32
      %add3A_339 = vector.broadcast %add3A_338 : i32 to vector<16xi32>
      %add3A_340 = arith.addi %iota3A, %add3A_339 : vector<16xi32>
      %add3A_341 = arith.constant 48 : i32
      %add3A_342 = vector.broadcast %add3A_341 : i32 to vector<16xi32>
      %add3A_343 = arith.addi %iota3A, %add3A_342 : vector<16xi32>
      %parallel_loop3A = arith.constant 0 : i32
      %parallel_loop3A_344 = arith.constant 128 : i32
      %parallel_loop3A_345 = arith.constant 1 : i32
      scf.for %parallel_loop3A_973 = %parallel_loop3A to %parallel_loop3A_344 step %parallel_loop3A_345  : i32 {
        %parallel_loop3A_974 = vector.broadcast %parallel_loop3A_973 : i32 to vector<16xi32>
        %parallel_loop3A_975 = arith.index_cast %parallel_loop3A_973 : i32 to index
        %parallel_loop3A_976 = arith.constant 0 : index
        %parallel_loop3A_977 = tpu.vector_load %arg8[%parallel_loop3A_975, %parallel_loop3A_976] {strides = array<i32>} : memref<128x64xf32, #tpu.memory_space<vmem>>, vector<16xf32>,
        %parallel_loop3A_978 = arith.addf %parallel_loop3A_977, %get3A_322 : vector<16xf32>
        tpu.vector_store_idx %arg12[%add3A_334, %parallel_loop3A_974], %parallel_loop3A_978 : memref<64x129xf32, #tpu.memory_space<vmem>>[vector<16xi32>, vector<16xi32>], vector<16xf32>,
        %parallel_loop3A_979 = arith.index_cast %parallel_loop3A_973 : i32 to index
        %parallel_loop3A_980 = arith.constant 16 : index
        %parallel_loop3A_981 = tpu.vector_load %arg8[%parallel_loop3A_979, %parallel_loop3A_980] {strides = array<i32>} : memref<128x64xf32, #tpu.memory_space<vmem>>, vector<16xf32>,
        %parallel_loop3A_982 = arith.addf %parallel_loop3A_981, %get3A_325 : vector<16xf32>
        tpu.vector_store_idx %arg12[%add3A_337, %parallel_loop3A_974], %parallel_loop3A_982 : memref<64x129xf32, #tpu.memory_space<vmem>>[vector<16xi32>, vector<16xi32>], vector<16xf32>,
        %parallel_loop3A_983 = arith.index_cast %parallel_loop3A_973 : i32 to index
        %parallel_loop3A_984 = arith.constant 32 : index
        %parallel_loop3A_985 = tpu.vector_load %arg8[%parallel_loop3A_983, %parallel_loop3A_984] {strides = array<i32>} : memref<128x64xf32, #tpu.memory_space<vmem>>, vector<16xf32>,
        %parallel_loop3A_986 = arith.addf %parallel_loop3A_985, %get3A_328 : vector<16xf32>
        tpu.vector_store_idx %arg12[%add3A_340, %parallel_loop3A_974], %parallel_loop3A_986 : memref<64x129xf32, #tpu.memory_space<vmem>>[vector<16xi32>, vector<16xi32>], vector<16xf32>,
        %parallel_loop3A_987 = arith.index_cast %parallel_loop3A_973 : i32 to index
        %parallel_loop3A_988 = arith.constant 48 : index
        %parallel_loop3A_989 = tpu.vector_load %arg8[%parallel_loop3A_987, %parallel_loop3A_988] {strides = array<i32>} : memref<128x64xf32, #tpu.memory_space<vmem>>, vector<16xf32>,
        %parallel_loop3A_990 = arith.addf %parallel_loop3A_989, %get3A_331 : vector<16xf32>
        tpu.vector_store_idx %arg12[%add3A_343, %parallel_loop3A_974], %parallel_loop3A_990 : memref<64x129xf32, #tpu.memory_space<vmem>>[vector<16xi32>, vector<16xi32>], vector<16xf32>,
      } {sc.loop_unroll_factor = 4 : i64, sc.parallel_access}
      %dma_start3A_346 = arith.constant 0 : i32
      %dma_start3A_347 = arith.constant 0 : i32
      %dma_start3A_348 = arith.constant 0 : i32
      %dma_start3A_349 = tpu.memref_slice %arg12[%dma_start3A_347, %dma_start3A_348] : memref<64x129xf32, #tpu.memory_space<vmem>> -> memref<8x128xf32, #tpu.memory_space<vmem>>
      %dma_start3A_350 = arith.constant 0 : i32
      %dma_start3A_351 = arith.constant 0 : i32
      %dma_start3A_352 = tpu.memref_slice %arg5[%add3A_306, %dma_start3A_346, %add3A, %dma_start3A_350, %dma_start3A_351] : memref<200x8x32x8x128xf32, #tpu.memory_space<hbm>> -> memref<1x1x1x8x128xf32, #tpu.memory_space<hbm>>
      %dma_start3A_353 = tpu.memref_squeeze %dma_start3A_352 : memref<1x1x1x8x128xf32, #tpu.memory_space<hbm>> -> memref<8x128xf32, #tpu.memory_space<hbm>>
      %dma_start3A_354 = arith.constant 0 : i32
      %dma_start3A_355 = arith.constant 0 : i32
      %dma_start3A_356 = tpu.memref_slice %arg5[%add3A_306, %dma_start3A_346, %add3A, %dma_start3A_354, %dma_start3A_355] : memref<200x8x32x8x128xf32, #tpu.memory_space<hbm>> -> memref<1x1x1x8x128xf32, #tpu.memory_space<hbm>>
      %dma_start3A_357 = tpu.memref_squeeze %dma_start3A_356 : memref<1x1x1x8x128xf32, #tpu.memory_space<hbm>> -> memref<8x128xf32, #tpu.memory_space<hbm>>
      %dma_start3A_358 = arith.constant 0 : i32
      %dma_start3A_359 = arith.constant 0 : i32
      %dma_start3A_360 = tpu.memref_slice %arg12[%dma_start3A_358, %dma_start3A_359] : memref<64x129xf32, #tpu.memory_space<vmem>> -> memref<8x128xf32, #tpu.memory_space<vmem>>
      tpu.enqueue_dma source(%dma_start3A_360 : memref<8x128xf32, #tpu.memory_space<vmem>>) target(%dma_start3A_357 : memref<8x128xf32, #tpu.memory_space<hbm>>) target_semaphore(%arg18 : memref<!tpu.dma_semaphore, #tpu.memory_space<semaphore_mem>>)
      %dma_start3A_361 = arith.constant 1 : i32
      %dma_start3A_362 = arith.constant 8 : i32
      %dma_start3A_363 = arith.constant 0 : i32
      %dma_start3A_364 = tpu.memref_slice %arg12[%dma_start3A_362, %dma_start3A_363] : memref<64x129xf32, #tpu.memory_space<vmem>> -> memref<8x128xf32, #tpu.memory_space<vmem>>
      %dma_start3A_365 = arith.constant 0 : i32
      %dma_start3A_366 = arith.constant 0 : i32
      %dma_start3A_367 = tpu.memref_slice %arg5[%add3A_306, %dma_start3A_361, %add3A, %dma_start3A_365, %dma_start3A_366] : memref<200x8x32x8x128xf32, #tpu.memory_space<hbm>> -> memref<1x1x1x8x128xf32, #tpu.memory_space<hbm>>
      %dma_start3A_368 = tpu.memref_squeeze %dma_start3A_367 : memref<1x1x1x8x128xf32, #tpu.memory_space<hbm>> -> memref<8x128xf32, #tpu.memory_space<hbm>>
      %dma_start3A_369 = arith.constant 0 : i32
      %dma_start3A_370 = arith.constant 0 : i32
      %dma_start3A_371 = tpu.memref_slice %arg5[%add3A_306, %dma_start3A_361, %add3A, %dma_start3A_369, %dma_start3A_370] : memref<200x8x32x8x128xf32, #tpu.memory_space<hbm>> -> memref<1x1x1x8x128xf32, #tpu.memory_space<hbm>>
      %dma_start3A_372 = tpu.memref_squeeze %dma_start3A_371 : memref<1x1x1x8x128xf32, #tpu.memory_space<hbm>> -> memref<8x128xf32, #tpu.memory_space<hbm>>
      %dma_start3A_373 = arith.constant 8 : i32
      %dma_start3A_374 = arith.constant 0 : i32
      %dma_start3A_375 = tpu.memref_slice %arg12[%dma_start3A_373, %dma_start3A_374] : memref<64x129xf32, #tpu.memory_space<vmem>> -> memref<8x128xf32, #tpu.memory_space<vmem>>
      tpu.enqueue_dma source(%dma_start3A_375 : memref<8x128xf32, #tpu.memory_space<vmem>>) target(%dma_start3A_372 : memref<8x128xf32, #tpu.memory_space<hbm>>) target_semaphore(%arg18 : memref<!tpu.dma_semaphore, #tpu.memory_space<semaphore_mem>>)
      %dma_start3A_376 = arith.constant 2 : i32
      %dma_start3A_377 = arith.constant 16 : i32
      %dma_start3A_378 = arith.constant 0 : i32
      %dma_start3A_379 = tpu.memref_slice %arg12[%dma_start3A_377, %dma_start3A_378] : memref<64x129xf32, #tpu.memory_space<vmem>> -> memref<8x128xf32, #tpu.memory_space<vmem>>
      %dma_start3A_380 = arith.constant 0 : i32
      %dma_start3A_381 = arith.constant 0 : i32
      %dma_start3A_382 = tpu.memref_slice %arg5[%add3A_306, %dma_start3A_376, %add3A, %dma_start3A_380, %dma_start3A_381] : memref<200x8x32x8x128xf32, #tpu.memory_space<hbm>> -> memref<1x1x1x8x128xf32, #tpu.memory_space<hbm>>
      %dma_start3A_383 = tpu.memref_squeeze %dma_start3A_382 : memref<1x1x1x8x128xf32, #tpu.memory_space<hbm>> -> memref<8x128xf32, #tpu.memory_space<hbm>>
      %dma_start3A_384 = arith.constant 0 : i32
      %dma_start3A_385 = arith.constant 0 : i32
      %dma_start3A_386 = tpu.memref_slice %arg5[%add3A_306, %dma_start3A_376, %add3A, %dma_start3A_384, %dma_start3A_385] : memref<200x8x32x8x128xf32, #tpu.memory_space<hbm>> -> memref<1x1x1x8x128xf32, #tpu.memory_space<hbm>>
      %dma_start3A_387 = tpu.memref_squeeze %dma_start3A_386 : memref<1x1x1x8x128xf32, #tpu.memory_space<hbm>> -> memref<8x128xf32, #tpu.memory_space<hbm>>
      %dma_start3A_388 = arith.constant 16 : i32
      %dma_start3A_389 = arith.constant 0 : i32
      %dma_start3A_390 = tpu.memref_slice %arg12[%dma_start3A_388, %dma_start3A_389] : memref<64x129xf32, #tpu.memory_space<vmem>> -> memref<8x128xf32, #tpu.memory_space<vmem>>
      tpu.enqueue_dma source(%dma_start3A_390 : memref<8x128xf32, #tpu.memory_space<vmem>>) target(%dma_start3A_387 : memref<8x128xf32, #tpu.memory_space<hbm>>) target_semaphore(%arg18 : memref<!tpu.dma_semaphore, #tpu.memory_space<semaphore_mem>>)
      %dma_start3A_391 = arith.constant 3 : i32
      %dma_start3A_392 = arith.constant 24 : i32
      %dma_start3A_393 = arith.constant 0 : i32
      %dma_start3A_394 = tpu.memref_slice %arg12[%dma_start3A_392, %dma_start3A_393] : memref<64x129xf32, #tpu.memory_space<vmem>> -> memref<8x128xf32, #tpu.memory_space<vmem>>
      %dma_start3A_395 = arith.constant 0 : i32
      %dma_start3A_396 = arith.constant 0 : i32
      %dma_start3A_397 = tpu.memref_slice %arg5[%add3A_306, %dma_start3A_391, %add3A, %dma_start3A_395, %dma_start3A_396] : memref<200x8x32x8x128xf32, #tpu.memory_space<hbm>> -> memref<1x1x1x8x128xf32, #tpu.memory_space<hbm>>
      %dma_start3A_398 = tpu.memref_squeeze %dma_start3A_397 : memref<1x1x1x8x128xf32, #tpu.memory_space<hbm>> -> memref<8x128xf32, #tpu.memory_space<hbm>>
      %dma_start3A_399 = arith.constant 0 : i32
      %dma_start3A_400 = arith.constant 0 : i32
      %dma_start3A_401 = tpu.memref_slice %arg5[%add3A_306, %dma_start3A_391, %add3A, %dma_start3A_399, %dma_start3A_400] : memref<200x8x32x8x128xf32, #tpu.memory_space<hbm>> -> memref<1x1x1x8x128xf32, #tpu.memory_space<hbm>>
      %dma_start3A_402 = tpu.memref_squeeze %dma_start3A_401 : memref<1x1x1x8x128xf32, #tpu.memory_space<hbm>> -> memref<8x128xf32, #tpu.memory_space<hbm>>
      %dma_start3A_403 = arith.constant 24 : i32
      %dma_start3A_404 = arith.constant 0 : i32
      %dma_start3A_405 = tpu.memref_slice %arg12[%dma_start3A_403, %dma_start3A_404] : memref<64x129xf32, #tpu.memory_space<vmem>> -> memref<8x128xf32, #tpu.memory_space<vmem>>
      tpu.enqueue_dma source(%dma_start3A_405 : memref<8x128xf32, #tpu.memory_space<vmem>>) target(%dma_start3A_402 : memref<8x128xf32, #tpu.memory_space<hbm>>) target_semaphore(%arg18 : memref<!tpu.dma_semaphore, #tpu.memory_space<semaphore_mem>>)
      %dma_start3A_406 = arith.constant 4 : i32
      %dma_start3A_407 = arith.constant 32 : i32
      %dma_start3A_408 = arith.constant 0 : i32
      %dma_start3A_409 = tpu.memref_slice %arg12[%dma_start3A_407, %dma_start3A_408] : memref<64x129xf32, #tpu.memory_space<vmem>> -> memref<8x128xf32, #tpu.memory_space<vmem>>
      %dma_start3A_410 = arith.constant 0 : i32
      %dma_start3A_411 = arith.constant 0 : i32
      %dma_start3A_412 = tpu.memref_slice %arg5[%add3A_306, %dma_start3A_406, %add3A, %dma_start3A_410, %dma_start3A_411] : memref<200x8x32x8x128xf32, #tpu.memory_space<hbm>> -> memref<1x1x1x8x128xf32, #tpu.memory_space<hbm>>
      %dma_start3A_413 = tpu.memref_squeeze %dma_start3A_412 : memref<1x1x1x8x128xf32, #tpu.memory_space<hbm>> -> memref<8x128xf32, #tpu.memory_space<hbm>>
      %dma_start3A_414 = arith.constant 0 : i32
      %dma_start3A_415 = arith.constant 0 : i32
      %dma_start3A_416 = tpu.memref_slice %arg5[%add3A_306, %dma_start3A_406, %add3A, %dma_start3A_414, %dma_start3A_415] : memref<200x8x32x8x128xf32, #tpu.memory_space<hbm>> -> memref<1x1x1x8x128xf32, #tpu.memory_space<hbm>>
      %dma_start3A_417 = tpu.memref_squeeze %dma_start3A_416 : memref<1x1x1x8x128xf32, #tpu.memory_space<hbm>> -> memref<8x128xf32, #tpu.memory_space<hbm>>
      %dma_start3A_418 = arith.constant 32 : i32
      %dma_start3A_419 = arith.constant 0 : i32
      %dma_start3A_420 = tpu.memref_slice %arg12[%dma_start3A_418, %dma_start3A_419] : memref<64x129xf32, #tpu.memory_space<vmem>> -> memref<8x128xf32, #tpu.memory_space<vmem>>
      tpu.enqueue_dma source(%dma_start3A_420 : memref<8x128xf32, #tpu.memory_space<vmem>>) target(%dma_start3A_417 : memref<8x128xf32, #tpu.memory_space<hbm>>) target_semaphore(%arg18 : memref<!tpu.dma_semaphore, #tpu.memory_space<semaphore_mem>>)
      %dma_start3A_421 = arith.constant 5 : i32
      %dma_start3A_422 = arith.constant 40 : i32
      %dma_start3A_423 = arith.constant 0 : i32
      %dma_start3A_424 = tpu.memref_slice %arg12[%dma_start3A_422, %dma_start3A_423] : memref<64x129xf32, #tpu.memory_space<vmem>> -> memref<8x128xf32, #tpu.memory_space<vmem>>
      %dma_start3A_425 = arith.constant 0 : i32
      %dma_start3A_426 = arith.constant 0 : i32
      %dma_start3A_427 = tpu.memref_slice %arg5[%add3A_306, %dma_start3A_421, %add3A, %dma_start3A_425, %dma_start3A_426] : memref<200x8x32x8x128xf32, #tpu.memory_space<hbm>> -> memref<1x1x1x8x128xf32, #tpu.memory_space<hbm>>
      %dma_start3A_428 = tpu.memref_squeeze %dma_start3A_427 : memref<1x1x1x8x128xf32, #tpu.memory_space<hbm>> -> memref<8x128xf32, #tpu.memory_space<hbm>>
      %dma_start3A_429 = arith.constant 0 : i32
      %dma_start3A_430 = arith.constant 0 : i32
      %dma_start3A_431 = tpu.memref_slice %arg5[%add3A_306, %dma_start3A_421, %add3A, %dma_start3A_429, %dma_start3A_430] : memref<200x8x32x8x128xf32, #tpu.memory_space<hbm>> -> memref<1x1x1x8x128xf32, #tpu.memory_space<hbm>>
      %dma_start3A_432 = tpu.memref_squeeze %dma_start3A_431 : memref<1x1x1x8x128xf32, #tpu.memory_space<hbm>> -> memref<8x128xf32, #tpu.memory_space<hbm>>
      %dma_start3A_433 = arith.constant 40 : i32
      %dma_start3A_434 = arith.constant 0 : i32
      %dma_start3A_435 = tpu.memref_slice %arg12[%dma_start3A_433, %dma_start3A_434] : memref<64x129xf32, #tpu.memory_space<vmem>> -> memref<8x128xf32, #tpu.memory_space<vmem>>
      tpu.enqueue_dma source(%dma_start3A_435 : memref<8x128xf32, #tpu.memory_space<vmem>>) target(%dma_start3A_432 : memref<8x128xf32, #tpu.memory_space<hbm>>) target_semaphore(%arg18 : memref<!tpu.dma_semaphore, #tpu.memory_space<semaphore_mem>>)
      %dma_start3A_436 = arith.constant 6 : i32
      %dma_start3A_437 = arith.constant 48 : i32
      %dma_start3A_438 = arith.constant 0 : i32
      %dma_start3A_439 = tpu.memref_slice %arg12[%dma_start3A_437, %dma_start3A_438] : memref<64x129xf32, #tpu.memory_space<vmem>> -> memref<8x128xf32, #tpu.memory_space<vmem>>
      %dma_start3A_440 = arith.constant 0 : i32
      %dma_start3A_441 = arith.constant 0 : i32
      %dma_start3A_442 = tpu.memref_slice %arg5[%add3A_306, %dma_start3A_436, %add3A, %dma_start3A_440, %dma_start3A_441] : memref<200x8x32x8x128xf32, #tpu.memory_space<hbm>> -> memref<1x1x1x8x128xf32, #tpu.memory_space<hbm>>
      %dma_start3A_443 = tpu.memref_squeeze %dma_start3A_442 : memref<1x1x1x8x128xf32, #tpu.memory_space<hbm>> -> memref<8x128xf32, #tpu.memory_space<hbm>>
      %dma_start3A_444 = arith.constant 0 : i32
      %dma_start3A_445 = arith.constant 0 : i32
      %dma_start3A_446 = tpu.memref_slice %arg5[%add3A_306, %dma_start3A_436, %add3A, %dma_start3A_444, %dma_start3A_445] : memref<200x8x32x8x128xf32, #tpu.memory_space<hbm>> -> memref<1x1x1x8x128xf32, #tpu.memory_space<hbm>>
      %dma_start3A_447 = tpu.memref_squeeze %dma_start3A_446 : memref<1x1x1x8x128xf32, #tpu.memory_space<hbm>> -> memref<8x128xf32, #tpu.memory_space<hbm>>
      %dma_start3A_448 = arith.constant 48 : i32
      %dma_start3A_449 = arith.constant 0 : i32
      %dma_start3A_450 = tpu.memref_slice %arg12[%dma_start3A_448, %dma_start3A_449] : memref<64x129xf32, #tpu.memory_space<vmem>> -> memref<8x128xf32, #tpu.memory_space<vmem>>
      tpu.enqueue_dma source(%dma_start3A_450 : memref<8x128xf32, #tpu.memory_space<vmem>>) target(%dma_start3A_447 : memref<8x128xf32, #tpu.memory_space<hbm>>) target_semaphore(%arg18 : memref<!tpu.dma_semaphore, #tpu.memory_space<semaphore_mem>>)
      %dma_start3A_451 = arith.constant 7 : i32
      %dma_start3A_452 = arith.constant 56 : i32
      %dma_start3A_453 = arith.constant 0 : i32
      %dma_start3A_454 = tpu.memref_slice %arg12[%dma_start3A_452, %dma_start3A_453] : memref<64x129xf32, #tpu.memory_space<vmem>> -> memref<8x128xf32, #tpu.memory_space<vmem>>
      %dma_start3A_455 = arith.constant 0 : i32
      %dma_start3A_456 = arith.constant 0 : i32
      %dma_start3A_457 = tpu.memref_slice %arg5[%add3A_306, %dma_start3A_451, %add3A, %dma_start3A_455, %dma_start3A_456] : memref<200x8x32x8x128xf32, #tpu.memory_space<hbm>> -> memref<1x1x1x8x128xf32, #tpu.memory_space<hbm>>
      %dma_start3A_458 = tpu.memref_squeeze %dma_start3A_457 : memref<1x1x1x8x128xf32, #tpu.memory_space<hbm>> -> memref<8x128xf32, #tpu.memory_space<hbm>>
      %dma_start3A_459 = arith.constant 0 : i32
      %dma_start3A_460 = arith.constant 0 : i32
      %dma_start3A_461 = tpu.memref_slice %arg5[%add3A_306, %dma_start3A_451, %add3A, %dma_start3A_459, %dma_start3A_460] : memref<200x8x32x8x128xf32, #tpu.memory_space<hbm>> -> memref<1x1x1x8x128xf32, #tpu.memory_space<hbm>>
      %dma_start3A_462 = tpu.memref_squeeze %dma_start3A_461 : memref<1x1x1x8x128xf32, #tpu.memory_space<hbm>> -> memref<8x128xf32, #tpu.memory_space<hbm>>
      %dma_start3A_463 = arith.constant 56 : i32
      %dma_start3A_464 = arith.constant 0 : i32
      %dma_start3A_465 = tpu.memref_slice %arg12[%dma_start3A_463, %dma_start3A_464] : memref<64x129xf32, #tpu.memory_space<vmem>> -> memref<8x128xf32, #tpu.memory_space<vmem>>
      tpu.enqueue_dma source(%dma_start3A_465 : memref<8x128xf32, #tpu.memory_space<vmem>>) target(%dma_start3A_462 : memref<8x128xf32, #tpu.memory_space<hbm>>) target_semaphore(%arg18 : memref<!tpu.dma_semaphore, #tpu.memory_space<semaphore_mem>>)
      %mul3A_466 = arith.constant 4 : i32
      %mul3A_467 = arith.muli %add3A_302, %mul3A_466 : i32
      %add3A_468 = arith.constant 1 : i32
      %add3A_469 = arith.addi %mul3A_467, %add3A_468 : i32
      %dma_wait3A_470 = arith.constant 0 : i32
      %dma_wait3A_471 = arith.constant 0 : i32
      %dma_wait3A_472 = tpu.memref_slice %arg3[%dma_wait3A_470, %dma_wait3A_471] : memref<1000000x64xf32, #tpu.memory_space<hbm>> -> memref<128x64xf32, #tpu.memory_space<hbm>>
      %dma_wait3A_473 = arith.constant 0 : i32
      %dma_wait3A_474 = arith.constant 0 : i32
      %dma_wait3A_475 = tpu.memref_slice %arg3[%dma_wait3A_473, %dma_wait3A_474] : memref<1000000x64xf32, #tpu.memory_space<hbm>> -> memref<128x64xf32, #tpu.memory_space<hbm>>
      tpu.wait_dma2 semaphore(%arg15 : memref<!tpu.dma_semaphore, #tpu.memory_space<semaphore_mem>>) src(%dma_wait3A_475 : memref<128x64xf32, #tpu.memory_space<hbm>>) dst(%arg9 : memref<128x64xf32, #tpu.memory_space<vmem>>)
      %add3A_476 = arith.constant 3 : i32
      %add3A_477 = arith.addi %add3A_469, %add3A_476 : i32
      %lt3A_478 = arith.constant 200 : i32
      %lt3A_479 = arith.cmpi slt, %add3A_477, %lt3A_478 : i32
      %convert_element_type3A_480 = arith.extui %lt3A_479 : i1 to i32
      %cond3A_481 = arith.constant 0 : i32
      %cond3A_482 = arith.cmpi ne, %convert_element_type3A_480, %cond3A_481 : i32
      scf.if %cond3A_482 {
        %add3A_973 = arith.constant 3 : i32
        %add3A_974 = arith.addi %add3A_469, %add3A_973 : i32
        %dma_start3A_975 = arith.constant 0 : i32
        %dma_start3A_976 = tpu.memref_slice %arg6[%add3A_974, %dma_start3A_975] : memref<200x128xi32, #tpu.memory_space<vmem>> -> memref<1x128xi32, #tpu.memory_space<vmem>>
        %dma_start3A_977 = tpu.memref_squeeze %dma_start3A_976 : memref<1x128xi32, #tpu.memory_space<vmem>> -> memref<128xi32, #tpu.memory_space<vmem>>
        %dma_start3A_978 = arith.constant 0 : i32
        %dma_start3A_979 = arith.constant 0 : i32
        %dma_start3A_980 = tpu.memref_slice %arg3[%dma_start3A_978, %dma_start3A_979] : memref<1000000x64xf32, #tpu.memory_space<hbm>> -> memref<1000000x64xf32, #tpu.memory_space<hbm>>
        tpu.enqueue_indirect_dma source(%dma_start3A_980 : memref<1000000x64xf32, #tpu.memory_space<hbm>>) target(%arg8 : memref<128x64xf32, #tpu.memory_space<vmem>>) offsets(%dma_start3A_977 : memref<128xi32, #tpu.memory_space<vmem>>) semaphore(%arg14 : memref<!tpu.dma_semaphore, #tpu.memory_space<semaphore_mem>>)
      } else {
      }
      %ge3A_483 = arith.constant 2 : i32
      %ge3A_484 = arith.cmpi sge, %add3A_469, %ge3A_483 : i32
      %convert_element_type3A_485 = arith.extui %ge3A_484 : i1 to i32
      %cond3A_486 = arith.constant 0 : i32
      %cond3A_487 = arith.cmpi ne, %convert_element_type3A_485, %cond3A_486 : i32
      scf.if %cond3A_487 {
        %dma_wait3A_973 = arith.constant 0 : i32
        %dma_wait3A_974 = arith.constant 0 : i32
        %dma_wait3A_975 = arith.constant 0 : i32
        %dma_wait3A_976 = arith.constant 0 : i32
        %dma_wait3A_977 = arith.constant 0 : i32
        %dma_wait3A_978 = tpu.memref_slice %arg13[%dma_wait3A_976, %dma_wait3A_977] : memref<64x129xf32, #tpu.memory_space<vmem>> -> memref<8x128xf32, #tpu.memory_space<vmem>>
        %dma_wait3A_979 = arith.constant 0 : i32
        %dma_wait3A_980 = arith.constant 0 : i32
        %dma_wait3A_981 = tpu.memref_slice %arg5[%dma_wait3A_973, %dma_wait3A_974, %dma_wait3A_975, %dma_wait3A_979, %dma_wait3A_980] : memref<200x8x32x8x128xf32, #tpu.memory_space<hbm>> -> memref<1x1x1x8x128xf32, #tpu.memory_space<hbm>>
        %dma_wait3A_982 = tpu.memref_squeeze %dma_wait3A_981 : memref<1x1x1x8x128xf32, #tpu.memory_space<hbm>> -> memref<8x128xf32, #tpu.memory_space<hbm>>
        %dma_wait3A_983 = arith.constant 0 : i32
        %dma_wait3A_984 = arith.constant 0 : i32
        %dma_wait3A_985 = tpu.memref_slice %arg5[%dma_wait3A_973, %dma_wait3A_974, %dma_wait3A_975, %dma_wait3A_983, %dma_wait3A_984] : memref<200x8x32x8x128xf32, #tpu.memory_space<hbm>> -> memref<1x1x1x8x128xf32, #tpu.memory_space<hbm>>
        %dma_wait3A_986 = tpu.memref_squeeze %dma_wait3A_985 : memref<1x1x1x8x128xf32, #tpu.memory_space<hbm>> -> memref<8x128xf32, #tpu.memory_space<hbm>>
        %dma_wait3A_987 = arith.constant 0 : i32
        %dma_wait3A_988 = arith.constant 0 : i32
        %dma_wait3A_989 = tpu.memref_slice %arg13[%dma_wait3A_987, %dma_wait3A_988] : memref<64x129xf32, #tpu.memory_space<vmem>> -> memref<8x128xf32, #tpu.memory_space<vmem>>
        tpu.wait_dma2 semaphore(%arg19 : memref<!tpu.dma_semaphore, #tpu.memory_space<semaphore_mem>>) src(%dma_wait3A_989 : memref<8x128xf32, #tpu.memory_space<vmem>>) dst(%dma_wait3A_986 : memref<8x128xf32, #tpu.memory_space<hbm>>)
        %dma_wait3A_990 = arith.constant 0 : i32
        %dma_wait3A_991 = arith.constant 1 : i32
        %dma_wait3A_992 = arith.constant 0 : i32
        %dma_wait3A_993 = arith.constant 8 : i32
        %dma_wait3A_994 = arith.constant 0 : i32
        %dma_wait3A_995 = tpu.memref_slice %arg13[%dma_wait3A_993, %dma_wait3A_994] : memref<64x129xf32, #tpu.memory_space<vmem>> -> memref<8x128xf32, #tpu.memory_space<vmem>>
        %dma_wait3A_996 = arith.constant 0 : i32
        %dma_wait3A_997 = arith.constant 0 : i32
        %dma_wait3A_998 = tpu.memref_slice %arg5[%dma_wait3A_990, %dma_wait3A_991, %dma_wait3A_992, %dma_wait3A_996, %dma_wait3A_997] : memref<200x8x32x8x128xf32, #tpu.memory_space<hbm>> -> memref<1x1x1x8x128xf32, #tpu.memory_space<hbm>>
        %dma_wait3A_999 = tpu.memref_squeeze %dma_wait3A_998 : memref<1x1x1x8x128xf32, #tpu.memory_space<hbm>> -> memref<8x128xf32, #tpu.memory_space<hbm>>
        %dma_wait3A_1000 = arith.constant 0 : i32
        %dma_wait3A_1001 = arith.constant 0 : i32
        %dma_wait3A_1002 = tpu.memref_slice %arg5[%dma_wait3A_990, %dma_wait3A_991, %dma_wait3A_992, %dma_wait3A_1000, %dma_wait3A_1001] : memref<200x8x32x8x128xf32, #tpu.memory_space<hbm>> -> memref<1x1x1x8x128xf32, #tpu.memory_space<hbm>>
        %dma_wait3A_1003 = tpu.memref_squeeze %dma_wait3A_1002 : memref<1x1x1x8x128xf32, #tpu.memory_space<hbm>> -> memref<8x128xf32, #tpu.memory_space<hbm>>
        %dma_wait3A_1004 = arith.constant 8 : i32
        %dma_wait3A_1005 = arith.constant 0 : i32
        %dma_wait3A_1006 = tpu.memref_slice %arg13[%dma_wait3A_1004, %dma_wait3A_1005] : memref<64x129xf32, #tpu.memory_space<vmem>> -> memref<8x128xf32, #tpu.memory_space<vmem>>
        tpu.wait_dma2 semaphore(%arg19 : memref<!tpu.dma_semaphore, #tpu.memory_space<semaphore_mem>>) src(%dma_wait3A_1006 : memref<8x128xf32, #tpu.memory_space<vmem>>) dst(%dma_wait3A_1003 : memref<8x128xf32, #tpu.memory_space<hbm>>)
        %dma_wait3A_1007 = arith.constant 0 : i32
        %dma_wait3A_1008 = arith.constant 2 : i32
        %dma_wait3A_1009 = arith.constant 0 : i32
        %dma_wait3A_1010 = arith.constant 16 : i32
        %dma_wait3A_1011 = arith.constant 0 : i32
        %dma_wait3A_1012 = tpu.memref_slice %arg13[%dma_wait3A_1010, %dma_wait3A_1011] : memref<64x129xf32, #tpu.memory_space<vmem>> -> memref<8x128xf32, #tpu.memory_space<vmem>>
        %dma_wait3A_1013 = arith.constant 0 : i32
        %dma_wait3A_1014 = arith.constant 0 : i32
        %dma_wait3A_1015 = tpu.memref_slice %arg5[%dma_wait3A_1007, %dma_wait3A_1008, %dma_wait3A_1009, %dma_wait3A_1013, %dma_wait3A_1014] : memref<200x8x32x8x128xf32, #tpu.memory_space<hbm>> -> memref<1x1x1x8x128xf32, #tpu.memory_space<hbm>>
        %dma_wait3A_1016 = tpu.memref_squeeze %dma_wait3A_1015 : memref<1x1x1x8x128xf32, #tpu.memory_space<hbm>> -> memref<8x128xf32, #tpu.memory_space<hbm>>
        %dma_wait3A_1017 = arith.constant 0 : i32
        %dma_wait3A_1018 = arith.constant 0 : i32
        %dma_wait3A_1019 = tpu.memref_slice %arg5[%dma_wait3A_1007, %dma_wait3A_1008, %dma_wait3A_1009, %dma_wait3A_1017, %dma_wait3A_1018] : memref<200x8x32x8x128xf32, #tpu.memory_space<hbm>> -> memref<1x1x1x8x128xf32, #tpu.memory_space<hbm>>
        %dma_wait3A_1020 = tpu.memref_squeeze %dma_wait3A_1019 : memref<1x1x1x8x128xf32, #tpu.memory_space<hbm>> -> memref<8x128xf32, #tpu.memory_space<hbm>>
        %dma_wait3A_1021 = arith.constant 16 : i32
        %dma_wait3A_1022 = arith.constant 0 : i32
        %dma_wait3A_1023 = tpu.memref_slice %arg13[%dma_wait3A_1021, %dma_wait3A_1022] : memref<64x129xf32, #tpu.memory_space<vmem>> -> memref<8x128xf32, #tpu.memory_space<vmem>>
        tpu.wait_dma2 semaphore(%arg19 : memref<!tpu.dma_semaphore, #tpu.memory_space<semaphore_mem>>) src(%dma_wait3A_1023 : memref<8x128xf32, #tpu.memory_space<vmem>>) dst(%dma_wait3A_1020 : memref<8x128xf32, #tpu.memory_space<hbm>>)
        %dma_wait3A_1024 = arith.constant 0 : i32
        %dma_wait3A_1025 = arith.constant 3 : i32
        %dma_wait3A_1026 = arith.constant 0 : i32
        %dma_wait3A_1027 = arith.constant 24 : i32
        %dma_wait3A_1028 = arith.constant 0 : i32
        %dma_wait3A_1029 = tpu.memref_slice %arg13[%dma_wait3A_1027, %dma_wait3A_1028] : memref<64x129xf32, #tpu.memory_space<vmem>> -> memref<8x128xf32, #tpu.memory_space<vmem>>
        %dma_wait3A_1030 = arith.constant 0 : i32
        %dma_wait3A_1031 = arith.constant 0 : i32
        %dma_wait3A_1032 = tpu.memref_slice %arg5[%dma_wait3A_1024, %dma_wait3A_1025, %dma_wait3A_1026, %dma_wait3A_1030, %dma_wait3A_1031] : memref<200x8x32x8x128xf32, #tpu.memory_space<hbm>> -> memref<1x1x1x8x128xf32, #tpu.memory_space<hbm>>
        %dma_wait3A_1033 = tpu.memref_squeeze %dma_wait3A_1032 : memref<1x1x1x8x128xf32, #tpu.memory_space<hbm>> -> memref<8x128xf32, #tpu.memory_space<hbm>>
        %dma_wait3A_1034 = arith.constant 0 : i32
        %dma_wait3A_1035 = arith.constant 0 : i32
        %dma_wait3A_1036 = tpu.memref_slice %arg5[%dma_wait3A_1024, %dma_wait3A_1025, %dma_wait3A_1026, %dma_wait3A_1034, %dma_wait3A_1035] : memref<200x8x32x8x128xf32, #tpu.memory_space<hbm>> -> memref<1x1x1x8x128xf32, #tpu.memory_space<hbm>>
        %dma_wait3A_1037 = tpu.memref_squeeze %dma_wait3A_1036 : memref<1x1x1x8x128xf32, #tpu.memory_space<hbm>> -> memref<8x128xf32, #tpu.memory_space<hbm>>
        %dma_wait3A_1038 = arith.constant 24 : i32
        %dma_wait3A_1039 = arith.constant 0 : i32
        %dma_wait3A_1040 = tpu.memref_slice %arg13[%dma_wait3A_1038, %dma_wait3A_1039] : memref<64x129xf32, #tpu.memory_space<vmem>> -> memref<8x128xf32, #tpu.memory_space<vmem>>
        tpu.wait_dma2 semaphore(%arg19 : memref<!tpu.dma_semaphore, #tpu.memory_space<semaphore_mem>>) src(%dma_wait3A_1040 : memref<8x128xf32, #tpu.memory_space<vmem>>) dst(%dma_wait3A_1037 : memref<8x128xf32, #tpu.memory_space<hbm>>)
        %dma_wait3A_1041 = arith.constant 0 : i32
        %dma_wait3A_1042 = arith.constant 4 : i32
        %dma_wait3A_1043 = arith.constant 0 : i32
        %dma_wait3A_1044 = arith.constant 32 : i32
        %dma_wait3A_1045 = arith.constant 0 : i32
        %dma_wait3A_1046 = tpu.memref_slice %arg13[%dma_wait3A_1044, %dma_wait3A_1045] : memref<64x129xf32, #tpu.memory_space<vmem>> -> memref<8x128xf32, #tpu.memory_space<vmem>>
        %dma_wait3A_1047 = arith.constant 0 : i32
        %dma_wait3A_1048 = arith.constant 0 : i32
        %dma_wait3A_1049 = tpu.memref_slice %arg5[%dma_wait3A_1041, %dma_wait3A_1042, %dma_wait3A_1043, %dma_wait3A_1047, %dma_wait3A_1048] : memref<200x8x32x8x128xf32, #tpu.memory_space<hbm>> -> memref<1x1x1x8x128xf32, #tpu.memory_space<hbm>>
        %dma_wait3A_1050 = tpu.memref_squeeze %dma_wait3A_1049 : memref<1x1x1x8x128xf32, #tpu.memory_space<hbm>> -> memref<8x128xf32, #tpu.memory_space<hbm>>
        %dma_wait3A_1051 = arith.constant 0 : i32
        %dma_wait3A_1052 = arith.constant 0 : i32
        %dma_wait3A_1053 = tpu.memref_slice %arg5[%dma_wait3A_1041, %dma_wait3A_1042, %dma_wait3A_1043, %dma_wait3A_1051, %dma_wait3A_1052] : memref<200x8x32x8x128xf32, #tpu.memory_space<hbm>> -> memref<1x1x1x8x128xf32, #tpu.memory_space<hbm>>
        %dma_wait3A_1054 = tpu.memref_squeeze %dma_wait3A_1053 : memref<1x1x1x8x128xf32, #tpu.memory_space<hbm>> -> memref<8x128xf32, #tpu.memory_space<hbm>>
        %dma_wait3A_1055 = arith.constant 32 : i32
        %dma_wait3A_1056 = arith.constant 0 : i32
        %dma_wait3A_1057 = tpu.memref_slice %arg13[%dma_wait3A_1055, %dma_wait3A_1056] : memref<64x129xf32, #tpu.memory_space<vmem>> -> memref<8x128xf32, #tpu.memory_space<vmem>>
        tpu.wait_dma2 semaphore(%arg19 : memref<!tpu.dma_semaphore, #tpu.memory_space<semaphore_mem>>) src(%dma_wait3A_1057 : memref<8x128xf32, #tpu.memory_space<vmem>>) dst(%dma_wait3A_1054 : memref<8x128xf32, #tpu.memory_space<hbm>>)
        %dma_wait3A_1058 = arith.constant 0 : i32
        %dma_wait3A_1059 = arith.constant 5 : i32
        %dma_wait3A_1060 = arith.constant 0 : i32
        %dma_wait3A_1061 = arith.constant 40 : i32
        %dma_wait3A_1062 = arith.constant 0 : i32
        %dma_wait3A_1063 = tpu.memref_slice %arg13[%dma_wait3A_1061, %dma_wait3A_1062] : memref<64x129xf32, #tpu.memory_space<vmem>> -> memref<8x128xf32, #tpu.memory_space<vmem>>
        %dma_wait3A_1064 = arith.constant 0 : i32
        %dma_wait3A_1065 = arith.constant 0 : i32
        %dma_wait3A_1066 = tpu.memref_slice %arg5[%dma_wait3A_1058, %dma_wait3A_1059, %dma_wait3A_1060, %dma_wait3A_1064, %dma_wait3A_1065] : memref<200x8x32x8x128xf32, #tpu.memory_space<hbm>> -> memref<1x1x1x8x128xf32, #tpu.memory_space<hbm>>
        %dma_wait3A_1067 = tpu.memref_squeeze %dma_wait3A_1066 : memref<1x1x1x8x128xf32, #tpu.memory_space<hbm>> -> memref<8x128xf32, #tpu.memory_space<hbm>>
        %dma_wait3A_1068 = arith.constant 0 : i32
        %dma_wait3A_1069 = arith.constant 0 : i32
        %dma_wait3A_1070 = tpu.memref_slice %arg5[%dma_wait3A_1058, %dma_wait3A_1059, %dma_wait3A_1060, %dma_wait3A_1068, %dma_wait3A_1069] : memref<200x8x32x8x128xf32, #tpu.memory_space<hbm>> -> memref<1x1x1x8x128xf32, #tpu.memory_space<hbm>>
        %dma_wait3A_1071 = tpu.memref_squeeze %dma_wait3A_1070 : memref<1x1x1x8x128xf32, #tpu.memory_space<hbm>> -> memref<8x128xf32, #tpu.memory_space<hbm>>
        %dma_wait3A_1072 = arith.constant 40 : i32
        %dma_wait3A_1073 = arith.constant 0 : i32
        %dma_wait3A_1074 = tpu.memref_slice %arg13[%dma_wait3A_1072, %dma_wait3A_1073] : memref<64x129xf32, #tpu.memory_space<vmem>> -> memref<8x128xf32, #tpu.memory_space<vmem>>
        tpu.wait_dma2 semaphore(%arg19 : memref<!tpu.dma_semaphore, #tpu.memory_space<semaphore_mem>>) src(%dma_wait3A_1074 : memref<8x128xf32, #tpu.memory_space<vmem>>) dst(%dma_wait3A_1071 : memref<8x128xf32, #tpu.memory_space<hbm>>)
        %dma_wait3A_1075 = arith.constant 0 : i32
        %dma_wait3A_1076 = arith.constant 6 : i32
        %dma_wait3A_1077 = arith.constant 0 : i32
        %dma_wait3A_1078 = arith.constant 48 : i32
        %dma_wait3A_1079 = arith.constant 0 : i32
        %dma_wait3A_1080 = tpu.memref_slice %arg13[%dma_wait3A_1078, %dma_wait3A_1079] : memref<64x129xf32, #tpu.memory_space<vmem>> -> memref<8x128xf32, #tpu.memory_space<vmem>>
        %dma_wait3A_1081 = arith.constant 0 : i32
        %dma_wait3A_1082 = arith.constant 0 : i32
        %dma_wait3A_1083 = tpu.memref_slice %arg5[%dma_wait3A_1075, %dma_wait3A_1076, %dma_wait3A_1077, %dma_wait3A_1081, %dma_wait3A_1082] : memref<200x8x32x8x128xf32, #tpu.memory_space<hbm>> -> memref<1x1x1x8x128xf32, #tpu.memory_space<hbm>>
        %dma_wait3A_1084 = tpu.memref_squeeze %dma_wait3A_1083 : memref<1x1x1x8x128xf32, #tpu.memory_space<hbm>> -> memref<8x128xf32, #tpu.memory_space<hbm>>
        %dma_wait3A_1085 = arith.constant 0 : i32
        %dma_wait3A_1086 = arith.constant 0 : i32
        %dma_wait3A_1087 = tpu.memref_slice %arg5[%dma_wait3A_1075, %dma_wait3A_1076, %dma_wait3A_1077, %dma_wait3A_1085, %dma_wait3A_1086] : memref<200x8x32x8x128xf32, #tpu.memory_space<hbm>> -> memref<1x1x1x8x128xf32, #tpu.memory_space<hbm>>
        %dma_wait3A_1088 = tpu.memref_squeeze %dma_wait3A_1087 : memref<1x1x1x8x128xf32, #tpu.memory_space<hbm>> -> memref<8x128xf32, #tpu.memory_space<hbm>>
        %dma_wait3A_1089 = arith.constant 48 : i32
        %dma_wait3A_1090 = arith.constant 0 : i32
        %dma_wait3A_1091 = tpu.memref_slice %arg13[%dma_wait3A_1089, %dma_wait3A_1090] : memref<64x129xf32, #tpu.memory_space<vmem>> -> memref<8x128xf32, #tpu.memory_space<vmem>>
        tpu.wait_dma2 semaphore(%arg19 : memref<!tpu.dma_semaphore, #tpu.memory_space<semaphore_mem>>) src(%dma_wait3A_1091 : memref<8x128xf32, #tpu.memory_space<vmem>>) dst(%dma_wait3A_1088 : memref<8x128xf32, #tpu.memory_space<hbm>>)
        %dma_wait3A_1092 = arith.constant 0 : i32
        %dma_wait3A_1093 = arith.constant 7 : i32
        %dma_wait3A_1094 = arith.constant 0 : i32
        %dma_wait3A_1095 = arith.constant 56 : i32
        %dma_wait3A_1096 = arith.constant 0 : i32
        %dma_wait3A_1097 = tpu.memref_slice %arg13[%dma_wait3A_1095, %dma_wait3A_1096] : memref<64x129xf32, #tpu.memory_space<vmem>> -> memref<8x128xf32, #tpu.memory_space<vmem>>
        %dma_wait3A_1098 = arith.constant 0 : i32
        %dma_wait3A_1099 = arith.constant 0 : i32
        %dma_wait3A_1100 = tpu.memref_slice %arg5[%dma_wait3A_1092, %dma_wait3A_1093, %dma_wait3A_1094, %dma_wait3A_1098, %dma_wait3A_1099] : memref<200x8x32x8x128xf32, #tpu.memory_space<hbm>> -> memref<1x1x1x8x128xf32, #tpu.memory_space<hbm>>
        %dma_wait3A_1101 = tpu.memref_squeeze %dma_wait3A_1100 : memref<1x1x1x8x128xf32, #tpu.memory_space<hbm>> -> memref<8x128xf32, #tpu.memory_space<hbm>>
        %dma_wait3A_1102 = arith.constant 0 : i32
        %dma_wait3A_1103 = arith.constant 0 : i32
        %dma_wait3A_1104 = tpu.memref_slice %arg5[%dma_wait3A_1092, %dma_wait3A_1093, %dma_wait3A_1094, %dma_wait3A_1102, %dma_wait3A_1103] : memref<200x8x32x8x128xf32, #tpu.memory_space<hbm>> -> memref<1x1x1x8x128xf32, #tpu.memory_space<hbm>>
        %dma_wait3A_1105 = tpu.memref_squeeze %dma_wait3A_1104 : memref<1x1x1x8x128xf32, #tpu.memory_space<hbm>> -> memref<8x128xf32, #tpu.memory_space<hbm>>
        %dma_wait3A_1106 = arith.constant 56 : i32
        %dma_wait3A_1107 = arith.constant 0 : i32
        %dma_wait3A_1108 = tpu.memref_slice %arg13[%dma_wait3A_1106, %dma_wait3A_1107] : memref<64x129xf32, #tpu.memory_space<vmem>> -> memref<8x128xf32, #tpu.memory_space<vmem>>
        tpu.wait_dma2 semaphore(%arg19 : memref<!tpu.dma_semaphore, #tpu.memory_space<semaphore_mem>>) src(%dma_wait3A_1108 : memref<8x128xf32, #tpu.memory_space<vmem>>) dst(%dma_wait3A_1105 : memref<8x128xf32, #tpu.memory_space<hbm>>)
      } else {
      }
      %get3A_488 = arith.index_cast %add3A_469 : i32 to index
      %get3A_489 = arith.constant 0 : index
      %get3A_490 = tpu.vector_load %arg7[%get3A_488, %get3A_489] {strides = array<i32>} : memref<200x64xf32, #tpu.memory_space<vmem>>, vector<16xf32>,
      %get3A_491 = arith.index_cast %add3A_469 : i32 to index
      %get3A_492 = arith.constant 16 : index
      %get3A_493 = tpu.vector_load %arg7[%get3A_491, %get3A_492] {strides = array<i32>} : memref<200x64xf32, #tpu.memory_space<vmem>>, vector<16xf32>,
      %get3A_494 = arith.index_cast %add3A_469 : i32 to index
      %get3A_495 = arith.constant 32 : index
      %get3A_496 = tpu.vector_load %arg7[%get3A_494, %get3A_495] {strides = array<i32>} : memref<200x64xf32, #tpu.memory_space<vmem>>, vector<16xf32>,
      %get3A_497 = arith.index_cast %add3A_469 : i32 to index
      %get3A_498 = arith.constant 48 : index
      %get3A_499 = tpu.vector_load %arg7[%get3A_497, %get3A_498] {strides = array<i32>} : memref<200x64xf32, #tpu.memory_space<vmem>>, vector<16xf32>,
      %add3A_500 = arith.constant 0 : i32
      %add3A_501 = vector.broadcast %add3A_500 : i32 to vector<16xi32>
      %add3A_502 = arith.addi %iota3A, %add3A_501 : vector<16xi32>
      %add3A_503 = arith.constant 16 : i32
      %add3A_504 = vector.broadcast %add3A_503 : i32 to vector<16xi32>
      %add3A_505 = arith.addi %iota3A, %add3A_504 : vector<16xi32>
      %add3A_506 = arith.constant 32 : i32
      %add3A_507 = vector.broadcast %add3A_506 : i32 to vector<16xi32>
      %add3A_508 = arith.addi %iota3A, %add3A_507 : vector<16xi32>
      %add3A_509 = arith.constant 48 : i32
      %add3A_510 = vector.broadcast %add3A_509 : i32 to vector<16xi32>
      %add3A_511 = arith.addi %iota3A, %add3A_510 : vector<16xi32>
      %parallel_loop3A_512 = arith.constant 0 : i32
      %parallel_loop3A_513 = arith.constant 128 : i32
      %parallel_loop3A_514 = arith.constant 1 : i32
      scf.for %parallel_loop3A_973 = %parallel_loop3A_512 to %parallel_loop3A_513 step %parallel_loop3A_514  : i32 {
        %parallel_loop3A_974 = vector.broadcast %parallel_loop3A_973 : i32 to vector<16xi32>
        %parallel_loop3A_975 = arith.index_cast %parallel_loop3A_973 : i32 to index
        %parallel_loop3A_976 = arith.constant 0 : index
        %parallel_loop3A_977 = tpu.vector_load %arg9[%parallel_loop3A_975, %parallel_loop3A_976] {strides = array<i32>} : memref<128x64xf32, #tpu.memory_space<vmem>>, vector<16xf32>,
        %parallel_loop3A_978 = arith.addf %parallel_loop3A_977, %get3A_490 : vector<16xf32>
        tpu.vector_store_idx %arg13[%add3A_502, %parallel_loop3A_974], %parallel_loop3A_978 : memref<64x129xf32, #tpu.memory_space<vmem>>[vector<16xi32>, vector<16xi32>], vector<16xf32>,
        %parallel_loop3A_979 = arith.index_cast %parallel_loop3A_973 : i32 to index
        %parallel_loop3A_980 = arith.constant 16 : index
        %parallel_loop3A_981 = tpu.vector_load %arg9[%parallel_loop3A_979, %parallel_loop3A_980] {strides = array<i32>} : memref<128x64xf32, #tpu.memory_space<vmem>>, vector<16xf32>,
        %parallel_loop3A_982 = arith.addf %parallel_loop3A_981, %get3A_493 : vector<16xf32>
        tpu.vector_store_idx %arg13[%add3A_505, %parallel_loop3A_974], %parallel_loop3A_982 : memref<64x129xf32, #tpu.memory_space<vmem>>[vector<16xi32>, vector<16xi32>], vector<16xf32>,
        %parallel_loop3A_983 = arith.index_cast %parallel_loop3A_973 : i32 to index
        %parallel_loop3A_984 = arith.constant 32 : index
        %parallel_loop3A_985 = tpu.vector_load %arg9[%parallel_loop3A_983, %parallel_loop3A_984] {strides = array<i32>} : memref<128x64xf32, #tpu.memory_space<vmem>>, vector<16xf32>,
        %parallel_loop3A_986 = arith.addf %parallel_loop3A_985, %get3A_496 : vector<16xf32>
        tpu.vector_store_idx %arg13[%add3A_508, %parallel_loop3A_974], %parallel_loop3A_986 : memref<64x129xf32, #tpu.memory_space<vmem>>[vector<16xi32>, vector<16xi32>], vector<16xf32>,
        %parallel_loop3A_987 = arith.index_cast %parallel_loop3A_973 : i32 to index
        %parallel_loop3A_988 = arith.constant 48 : index
        %parallel_loop3A_989 = tpu.vector_load %arg9[%parallel_loop3A_987, %parallel_loop3A_988] {strides = array<i32>} : memref<128x64xf32, #tpu.memory_space<vmem>>, vector<16xf32>,
        %parallel_loop3A_990 = arith.addf %parallel_loop3A_989, %get3A_499 : vector<16xf32>
        tpu.vector_store_idx %arg13[%add3A_511, %parallel_loop3A_974], %parallel_loop3A_990 : memref<64x129xf32, #tpu.memory_space<vmem>>[vector<16xi32>, vector<16xi32>], vector<16xf32>,
      } {sc.loop_unroll_factor = 4 : i64, sc.parallel_access}
      %dma_start3A_515 = arith.constant 0 : i32
      %dma_start3A_516 = arith.constant 0 : i32
      %dma_start3A_517 = arith.constant 0 : i32
      %dma_start3A_518 = tpu.memref_slice %arg13[%dma_start3A_516, %dma_start3A_517] : memref<64x129xf32, #tpu.memory_space<vmem>> -> memref<8x128xf32, #tpu.memory_space<vmem>>
      %dma_start3A_519 = arith.constant 0 : i32
      %dma_start3A_520 = arith.constant 0 : i32
      %dma_start3A_521 = tpu.memref_slice %arg5[%add3A_469, %dma_start3A_515, %add3A, %dma_start3A_519, %dma_start3A_520] : memref<200x8x32x8x128xf32, #tpu.memory_space<hbm>> -> memref<1x1x1x8x128xf32, #tpu.memory_space<hbm>>
      %dma_start3A_522 = tpu.memref_squeeze %dma_start3A_521 : memref<1x1x1x8x128xf32, #tpu.memory_space<hbm>> -> memref<8x128xf32, #tpu.memory_space<hbm>>
      %dma_start3A_523 = arith.constant 0 : i32
      %dma_start3A_524 = arith.constant 0 : i32
      %dma_start3A_525 = tpu.memref_slice %arg5[%add3A_469, %dma_start3A_515, %add3A, %dma_start3A_523, %dma_start3A_524] : memref<200x8x32x8x128xf32, #tpu.memory_space<hbm>> -> memref<1x1x1x8x128xf32, #tpu.memory_space<hbm>>
      %dma_start3A_526 = tpu.memref_squeeze %dma_start3A_525 : memref<1x1x1x8x128xf32, #tpu.memory_space<hbm>> -> memref<8x128xf32, #tpu.memory_space<hbm>>
      %dma_start3A_527 = arith.constant 0 : i32
      %dma_start3A_528 = arith.constant 0 : i32
      %dma_start3A_529 = tpu.memref_slice %arg13[%dma_start3A_527, %dma_start3A_528] : memref<64x129xf32, #tpu.memory_space<vmem>> -> memref<8x128xf32, #tpu.memory_space<vmem>>
      tpu.enqueue_dma source(%dma_start3A_529 : memref<8x128xf32, #tpu.memory_space<vmem>>) target(%dma_start3A_526 : memref<8x128xf32, #tpu.memory_space<hbm>>) target_semaphore(%arg19 : memref<!tpu.dma_semaphore, #tpu.memory_space<semaphore_mem>>)
      %dma_start3A_530 = arith.constant 1 : i32
      %dma_start3A_531 = arith.constant 8 : i32
      %dma_start3A_532 = arith.constant 0 : i32
      %dma_start3A_533 = tpu.memref_slice %arg13[%dma_start3A_531, %dma_start3A_532] : memref<64x129xf32, #tpu.memory_space<vmem>> -> memref<8x128xf32, #tpu.memory_space<vmem>>
      %dma_start3A_534 = arith.constant 0 : i32
      %dma_start3A_535 = arith.constant 0 : i32
      %dma_start3A_536 = tpu.memref_slice %arg5[%add3A_469, %dma_start3A_530, %add3A, %dma_start3A_534, %dma_start3A_535] : memref<200x8x32x8x128xf32, #tpu.memory_space<hbm>> -> memref<1x1x1x8x128xf32, #tpu.memory_space<hbm>>
      %dma_start3A_537 = tpu.memref_squeeze %dma_start3A_536 : memref<1x1x1x8x128xf32, #tpu.memory_space<hbm>> -> memref<8x128xf32, #tpu.memory_space<hbm>>
      %dma_start3A_538 = arith.constant 0 : i32
      %dma_start3A_539 = arith.constant 0 : i32
      %dma_start3A_540 = tpu.memref_slice %arg5[%add3A_469, %dma_start3A_530, %add3A, %dma_start3A_538, %dma_start3A_539] : memref<200x8x32x8x128xf32, #tpu.memory_space<hbm>> -> memref<1x1x1x8x128xf32, #tpu.memory_space<hbm>>
      %dma_start3A_541 = tpu.memref_squeeze %dma_start3A_540 : memref<1x1x1x8x128xf32, #tpu.memory_space<hbm>> -> memref<8x128xf32, #tpu.memory_space<hbm>>
      %dma_start3A_542 = arith.constant 8 : i32
      %dma_start3A_543 = arith.constant 0 : i32
      %dma_start3A_544 = tpu.memref_slice %arg13[%dma_start3A_542, %dma_start3A_543] : memref<64x129xf32, #tpu.memory_space<vmem>> -> memref<8x128xf32, #tpu.memory_space<vmem>>
      tpu.enqueue_dma source(%dma_start3A_544 : memref<8x128xf32, #tpu.memory_space<vmem>>) target(%dma_start3A_541 : memref<8x128xf32, #tpu.memory_space<hbm>>) target_semaphore(%arg19 : memref<!tpu.dma_semaphore, #tpu.memory_space<semaphore_mem>>)
      %dma_start3A_545 = arith.constant 2 : i32
      %dma_start3A_546 = arith.constant 16 : i32
      %dma_start3A_547 = arith.constant 0 : i32
      %dma_start3A_548 = tpu.memref_slice %arg13[%dma_start3A_546, %dma_start3A_547] : memref<64x129xf32, #tpu.memory_space<vmem>> -> memref<8x128xf32, #tpu.memory_space<vmem>>
      %dma_start3A_549 = arith.constant 0 : i32
      %dma_start3A_550 = arith.constant 0 : i32
      %dma_start3A_551 = tpu.memref_slice %arg5[%add3A_469, %dma_start3A_545, %add3A, %dma_start3A_549, %dma_start3A_550] : memref<200x8x32x8x128xf32, #tpu.memory_space<hbm>> -> memref<1x1x1x8x128xf32, #tpu.memory_space<hbm>>
      %dma_start3A_552 = tpu.memref_squeeze %dma_start3A_551 : memref<1x1x1x8x128xf32, #tpu.memory_space<hbm>> -> memref<8x128xf32, #tpu.memory_space<hbm>>
      %dma_start3A_553 = arith.constant 0 : i32
      %dma_start3A_554 = arith.constant 0 : i32
      %dma_start3A_555 = tpu.memref_slice %arg5[%add3A_469, %dma_start3A_545, %add3A, %dma_start3A_553, %dma_start3A_554] : memref<200x8x32x8x128xf32, #tpu.memory_space<hbm>> -> memref<1x1x1x8x128xf32, #tpu.memory_space<hbm>>
      %dma_start3A_556 = tpu.memref_squeeze %dma_start3A_555 : memref<1x1x1x8x128xf32, #tpu.memory_space<hbm>> -> memref<8x128xf32, #tpu.memory_space<hbm>>
      %dma_start3A_557 = arith.constant 16 : i32
      %dma_start3A_558 = arith.constant 0 : i32
      %dma_start3A_559 = tpu.memref_slice %arg13[%dma_start3A_557, %dma_start3A_558] : memref<64x129xf32, #tpu.memory_space<vmem>> -> memref<8x128xf32, #tpu.memory_space<vmem>>
      tpu.enqueue_dma source(%dma_start3A_559 : memref<8x128xf32, #tpu.memory_space<vmem>>) target(%dma_start3A_556 : memref<8x128xf32, #tpu.memory_space<hbm>>) target_semaphore(%arg19 : memref<!tpu.dma_semaphore, #tpu.memory_space<semaphore_mem>>)
      %dma_start3A_560 = arith.constant 3 : i32
      %dma_start3A_561 = arith.constant 24 : i32
      %dma_start3A_562 = arith.constant 0 : i32
      %dma_start3A_563 = tpu.memref_slice %arg13[%dma_start3A_561, %dma_start3A_562] : memref<64x129xf32, #tpu.memory_space<vmem>> -> memref<8x128xf32, #tpu.memory_space<vmem>>
      %dma_start3A_564 = arith.constant 0 : i32
      %dma_start3A_565 = arith.constant 0 : i32
      %dma_start3A_566 = tpu.memref_slice %arg5[%add3A_469, %dma_start3A_560, %add3A, %dma_start3A_564, %dma_start3A_565] : memref<200x8x32x8x128xf32, #tpu.memory_space<hbm>> -> memref<1x1x1x8x128xf32, #tpu.memory_space<hbm>>
      %dma_start3A_567 = tpu.memref_squeeze %dma_start3A_566 : memref<1x1x1x8x128xf32, #tpu.memory_space<hbm>> -> memref<8x128xf32, #tpu.memory_space<hbm>>
      %dma_start3A_568 = arith.constant 0 : i32
      %dma_start3A_569 = arith.constant 0 : i32
      %dma_start3A_570 = tpu.memref_slice %arg5[%add3A_469, %dma_start3A_560, %add3A, %dma_start3A_568, %dma_start3A_569] : memref<200x8x32x8x128xf32, #tpu.memory_space<hbm>> -> memref<1x1x1x8x128xf32, #tpu.memory_space<hbm>>
      %dma_start3A_571 = tpu.memref_squeeze %dma_start3A_570 : memref<1x1x1x8x128xf32, #tpu.memory_space<hbm>> -> memref<8x128xf32, #tpu.memory_space<hbm>>
      %dma_start3A_572 = arith.constant 24 : i32
      %dma_start3A_573 = arith.constant 0 : i32
      %dma_start3A_574 = tpu.memref_slice %arg13[%dma_start3A_572, %dma_start3A_573] : memref<64x129xf32, #tpu.memory_space<vmem>> -> memref<8x128xf32, #tpu.memory_space<vmem>>
      tpu.enqueue_dma source(%dma_start3A_574 : memref<8x128xf32, #tpu.memory_space<vmem>>) target(%dma_start3A_571 : memref<8x128xf32, #tpu.memory_space<hbm>>) target_semaphore(%arg19 : memref<!tpu.dma_semaphore, #tpu.memory_space<semaphore_mem>>)
      %dma_start3A_575 = arith.constant 4 : i32
      %dma_start3A_576 = arith.constant 32 : i32
      %dma_start3A_577 = arith.constant 0 : i32
      %dma_start3A_578 = tpu.memref_slice %arg13[%dma_start3A_576, %dma_start3A_577] : memref<64x129xf32, #tpu.memory_space<vmem>> -> memref<8x128xf32, #tpu.memory_space<vmem>>
      %dma_start3A_579 = arith.constant 0 : i32
      %dma_start3A_580 = arith.constant 0 : i32
      %dma_start3A_581 = tpu.memref_slice %arg5[%add3A_469, %dma_start3A_575, %add3A, %dma_start3A_579, %dma_start3A_580] : memref<200x8x32x8x128xf32, #tpu.memory_space<hbm>> -> memref<1x1x1x8x128xf32, #tpu.memory_space<hbm>>
      %dma_start3A_582 = tpu.memref_squeeze %dma_start3A_581 : memref<1x1x1x8x128xf32, #tpu.memory_space<hbm>> -> memref<8x128xf32, #tpu.memory_space<hbm>>
      %dma_start3A_583 = arith.constant 0 : i32
      %dma_start3A_584 = arith.constant 0 : i32
      %dma_start3A_585 = tpu.memref_slice %arg5[%add3A_469, %dma_start3A_575, %add3A, %dma_start3A_583, %dma_start3A_584] : memref<200x8x32x8x128xf32, #tpu.memory_space<hbm>> -> memref<1x1x1x8x128xf32, #tpu.memory_space<hbm>>
      %dma_start3A_586 = tpu.memref_squeeze %dma_start3A_585 : memref<1x1x1x8x128xf32, #tpu.memory_space<hbm>> -> memref<8x128xf32, #tpu.memory_space<hbm>>
      %dma_start3A_587 = arith.constant 32 : i32
      %dma_start3A_588 = arith.constant 0 : i32
      %dma_start3A_589 = tpu.memref_slice %arg13[%dma_start3A_587, %dma_start3A_588] : memref<64x129xf32, #tpu.memory_space<vmem>> -> memref<8x128xf32, #tpu.memory_space<vmem>>
      tpu.enqueue_dma source(%dma_start3A_589 : memref<8x128xf32, #tpu.memory_space<vmem>>) target(%dma_start3A_586 : memref<8x128xf32, #tpu.memory_space<hbm>>) target_semaphore(%arg19 : memref<!tpu.dma_semaphore, #tpu.memory_space<semaphore_mem>>)
      %dma_start3A_590 = arith.constant 5 : i32
      %dma_start3A_591 = arith.constant 40 : i32
      %dma_start3A_592 = arith.constant 0 : i32
      %dma_start3A_593 = tpu.memref_slice %arg13[%dma_start3A_591, %dma_start3A_592] : memref<64x129xf32, #tpu.memory_space<vmem>> -> memref<8x128xf32, #tpu.memory_space<vmem>>
      %dma_start3A_594 = arith.constant 0 : i32
      %dma_start3A_595 = arith.constant 0 : i32
      %dma_start3A_596 = tpu.memref_slice %arg5[%add3A_469, %dma_start3A_590, %add3A, %dma_start3A_594, %dma_start3A_595] : memref<200x8x32x8x128xf32, #tpu.memory_space<hbm>> -> memref<1x1x1x8x128xf32, #tpu.memory_space<hbm>>
      %dma_start3A_597 = tpu.memref_squeeze %dma_start3A_596 : memref<1x1x1x8x128xf32, #tpu.memory_space<hbm>> -> memref<8x128xf32, #tpu.memory_space<hbm>>
      %dma_start3A_598 = arith.constant 0 : i32
      %dma_start3A_599 = arith.constant 0 : i32
      %dma_start3A_600 = tpu.memref_slice %arg5[%add3A_469, %dma_start3A_590, %add3A, %dma_start3A_598, %dma_start3A_599] : memref<200x8x32x8x128xf32, #tpu.memory_space<hbm>> -> memref<1x1x1x8x128xf32, #tpu.memory_space<hbm>>
      %dma_start3A_601 = tpu.memref_squeeze %dma_start3A_600 : memref<1x1x1x8x128xf32, #tpu.memory_space<hbm>> -> memref<8x128xf32, #tpu.memory_space<hbm>>
      %dma_start3A_602 = arith.constant 40 : i32
      %dma_start3A_603 = arith.constant 0 : i32
      %dma_start3A_604 = tpu.memref_slice %arg13[%dma_start3A_602, %dma_start3A_603] : memref<64x129xf32, #tpu.memory_space<vmem>> -> memref<8x128xf32, #tpu.memory_space<vmem>>
      tpu.enqueue_dma source(%dma_start3A_604 : memref<8x128xf32, #tpu.memory_space<vmem>>) target(%dma_start3A_601 : memref<8x128xf32, #tpu.memory_space<hbm>>) target_semaphore(%arg19 : memref<!tpu.dma_semaphore, #tpu.memory_space<semaphore_mem>>)
      %dma_start3A_605 = arith.constant 6 : i32
      %dma_start3A_606 = arith.constant 48 : i32
      %dma_start3A_607 = arith.constant 0 : i32
      %dma_start3A_608 = tpu.memref_slice %arg13[%dma_start3A_606, %dma_start3A_607] : memref<64x129xf32, #tpu.memory_space<vmem>> -> memref<8x128xf32, #tpu.memory_space<vmem>>
      %dma_start3A_609 = arith.constant 0 : i32
      %dma_start3A_610 = arith.constant 0 : i32
      %dma_start3A_611 = tpu.memref_slice %arg5[%add3A_469, %dma_start3A_605, %add3A, %dma_start3A_609, %dma_start3A_610] : memref<200x8x32x8x128xf32, #tpu.memory_space<hbm>> -> memref<1x1x1x8x128xf32, #tpu.memory_space<hbm>>
      %dma_start3A_612 = tpu.memref_squeeze %dma_start3A_611 : memref<1x1x1x8x128xf32, #tpu.memory_space<hbm>> -> memref<8x128xf32, #tpu.memory_space<hbm>>
      %dma_start3A_613 = arith.constant 0 : i32
      %dma_start3A_614 = arith.constant 0 : i32
      %dma_start3A_615 = tpu.memref_slice %arg5[%add3A_469, %dma_start3A_605, %add3A, %dma_start3A_613, %dma_start3A_614] : memref<200x8x32x8x128xf32, #tpu.memory_space<hbm>> -> memref<1x1x1x8x128xf32, #tpu.memory_space<hbm>>
      %dma_start3A_616 = tpu.memref_squeeze %dma_start3A_615 : memref<1x1x1x8x128xf32, #tpu.memory_space<hbm>> -> memref<8x128xf32, #tpu.memory_space<hbm>>
      %dma_start3A_617 = arith.constant 48 : i32
      %dma_start3A_618 = arith.constant 0 : i32
      %dma_start3A_619 = tpu.memref_slice %arg13[%dma_start3A_617, %dma_start3A_618] : memref<64x129xf32, #tpu.memory_space<vmem>> -> memref<8x128xf32, #tpu.memory_space<vmem>>
      tpu.enqueue_dma source(%dma_start3A_619 : memref<8x128xf32, #tpu.memory_space<vmem>>) target(%dma_start3A_616 : memref<8x128xf32, #tpu.memory_space<hbm>>) target_semaphore(%arg19 : memref<!tpu.dma_semaphore, #tpu.memory_space<semaphore_mem>>)
      %dma_start3A_620 = arith.constant 7 : i32
      %dma_start3A_621 = arith.constant 56 : i32
      %dma_start3A_622 = arith.constant 0 : i32
      %dma_start3A_623 = tpu.memref_slice %arg13[%dma_start3A_621, %dma_start3A_622] : memref<64x129xf32, #tpu.memory_space<vmem>> -> memref<8x128xf32, #tpu.memory_space<vmem>>
      %dma_start3A_624 = arith.constant 0 : i32
      %dma_start3A_625 = arith.constant 0 : i32
      %dma_start3A_626 = tpu.memref_slice %arg5[%add3A_469, %dma_start3A_620, %add3A, %dma_start3A_624, %dma_start3A_625] : memref<200x8x32x8x128xf32, #tpu.memory_space<hbm>> -> memref<1x1x1x8x128xf32, #tpu.memory_space<hbm>>
      %dma_start3A_627 = tpu.memref_squeeze %dma_start3A_626 : memref<1x1x1x8x128xf32, #tpu.memory_space<hbm>> -> memref<8x128xf32, #tpu.memory_space<hbm>>
      %dma_start3A_628 = arith.constant 0 : i32
      %dma_start3A_629 = arith.constant 0 : i32
      %dma_start3A_630 = tpu.memref_slice %arg5[%add3A_469, %dma_start3A_620, %add3A, %dma_start3A_628, %dma_start3A_629] : memref<200x8x32x8x128xf32, #tpu.memory_space<hbm>> -> memref<1x1x1x8x128xf32, #tpu.memory_space<hbm>>
      %dma_start3A_631 = tpu.memref_squeeze %dma_start3A_630 : memref<1x1x1x8x128xf32, #tpu.memory_space<hbm>> -> memref<8x128xf32, #tpu.memory_space<hbm>>
      %dma_start3A_632 = arith.constant 56 : i32
      %dma_start3A_633 = arith.constant 0 : i32
      %dma_start3A_634 = tpu.memref_slice %arg13[%dma_start3A_632, %dma_start3A_633] : memref<64x129xf32, #tpu.memory_space<vmem>> -> memref<8x128xf32, #tpu.memory_space<vmem>>
      tpu.enqueue_dma source(%dma_start3A_634 : memref<8x128xf32, #tpu.memory_space<vmem>>) target(%dma_start3A_631 : memref<8x128xf32, #tpu.memory_space<hbm>>) target_semaphore(%arg19 : memref<!tpu.dma_semaphore, #tpu.memory_space<semaphore_mem>>)
      %mul3A_635 = arith.constant 4 : i32
      %mul3A_636 = arith.muli %add3A_302, %mul3A_635 : i32
      %add3A_637 = arith.constant 2 : i32
      %add3A_638 = arith.addi %mul3A_636, %add3A_637 : i32
      %dma_wait3A_639 = arith.constant 0 : i32
      %dma_wait3A_640 = arith.constant 0 : i32
      %dma_wait3A_641 = tpu.memref_slice %arg3[%dma_wait3A_639, %dma_wait3A_640] : memref<1000000x64xf32, #tpu.memory_space<hbm>> -> memref<128x64xf32, #tpu.memory_space<hbm>>
      %dma_wait3A_642 = arith.constant 0 : i32
      %dma_wait3A_643 = arith.constant 0 : i32
      %dma_wait3A_644 = tpu.memref_slice %arg3[%dma_wait3A_642, %dma_wait3A_643] : memref<1000000x64xf32, #tpu.memory_space<hbm>> -> memref<128x64xf32, #tpu.memory_space<hbm>>
      tpu.wait_dma2 semaphore(%arg16 : memref<!tpu.dma_semaphore, #tpu.memory_space<semaphore_mem>>) src(%dma_wait3A_644 : memref<128x64xf32, #tpu.memory_space<hbm>>) dst(%arg10 : memref<128x64xf32, #tpu.memory_space<vmem>>)
      %add3A_645 = arith.constant 3 : i32
      %add3A_646 = arith.addi %add3A_638, %add3A_645 : i32
      %lt3A_647 = arith.constant 200 : i32
      %lt3A_648 = arith.cmpi slt, %add3A_646, %lt3A_647 : i32
      %convert_element_type3A_649 = arith.extui %lt3A_648 : i1 to i32
      %cond3A_650 = arith.constant 0 : i32
      %cond3A_651 = arith.cmpi ne, %convert_element_type3A_649, %cond3A_650 : i32
      scf.if %cond3A_651 {
        %add3A_973 = arith.constant 3 : i32
        %add3A_974 = arith.addi %add3A_638, %add3A_973 : i32
        %dma_start3A_975 = arith.constant 0 : i32
        %dma_start3A_976 = tpu.memref_slice %arg6[%add3A_974, %dma_start3A_975] : memref<200x128xi32, #tpu.memory_space<vmem>> -> memref<1x128xi32, #tpu.memory_space<vmem>>
        %dma_start3A_977 = tpu.memref_squeeze %dma_start3A_976 : memref<1x128xi32, #tpu.memory_space<vmem>> -> memref<128xi32, #tpu.memory_space<vmem>>
        %dma_start3A_978 = arith.constant 0 : i32
        %dma_start3A_979 = arith.constant 0 : i32
        %dma_start3A_980 = tpu.memref_slice %arg3[%dma_start3A_978, %dma_start3A_979] : memref<1000000x64xf32, #tpu.memory_space<hbm>> -> memref<1000000x64xf32, #tpu.memory_space<hbm>>
        tpu.enqueue_indirect_dma source(%dma_start3A_980 : memref<1000000x64xf32, #tpu.memory_space<hbm>>) target(%arg9 : memref<128x64xf32, #tpu.memory_space<vmem>>) offsets(%dma_start3A_977 : memref<128xi32, #tpu.memory_space<vmem>>) semaphore(%arg15 : memref<!tpu.dma_semaphore, #tpu.memory_space<semaphore_mem>>)
      } else {
      }
      %ge3A_652 = arith.constant 2 : i32
      %ge3A_653 = arith.cmpi sge, %add3A_638, %ge3A_652 : i32
      %convert_element_type3A_654 = arith.extui %ge3A_653 : i1 to i32
      %cond3A_655 = arith.constant 0 : i32
      %cond3A_656 = arith.cmpi ne, %convert_element_type3A_654, %cond3A_655 : i32
      scf.if %cond3A_656 {
        %dma_wait3A_973 = arith.constant 0 : i32
        %dma_wait3A_974 = arith.constant 0 : i32
        %dma_wait3A_975 = arith.constant 0 : i32
        %dma_wait3A_976 = arith.constant 0 : i32
        %dma_wait3A_977 = arith.constant 0 : i32
        %dma_wait3A_978 = tpu.memref_slice %arg12[%dma_wait3A_976, %dma_wait3A_977] : memref<64x129xf32, #tpu.memory_space<vmem>> -> memref<8x128xf32, #tpu.memory_space<vmem>>
        %dma_wait3A_979 = arith.constant 0 : i32
        %dma_wait3A_980 = arith.constant 0 : i32
        %dma_wait3A_981 = tpu.memref_slice %arg5[%dma_wait3A_973, %dma_wait3A_974, %dma_wait3A_975, %dma_wait3A_979, %dma_wait3A_980] : memref<200x8x32x8x128xf32, #tpu.memory_space<hbm>> -> memref<1x1x1x8x128xf32, #tpu.memory_space<hbm>>
        %dma_wait3A_982 = tpu.memref_squeeze %dma_wait3A_981 : memref<1x1x1x8x128xf32, #tpu.memory_space<hbm>> -> memref<8x128xf32, #tpu.memory_space<hbm>>
        %dma_wait3A_983 = arith.constant 0 : i32
        %dma_wait3A_984 = arith.constant 0 : i32
        %dma_wait3A_985 = tpu.memref_slice %arg5[%dma_wait3A_973, %dma_wait3A_974, %dma_wait3A_975, %dma_wait3A_983, %dma_wait3A_984] : memref<200x8x32x8x128xf32, #tpu.memory_space<hbm>> -> memref<1x1x1x8x128xf32, #tpu.memory_space<hbm>>
        %dma_wait3A_986 = tpu.memref_squeeze %dma_wait3A_985 : memref<1x1x1x8x128xf32, #tpu.memory_space<hbm>> -> memref<8x128xf32, #tpu.memory_space<hbm>>
        %dma_wait3A_987 = arith.constant 0 : i32
        %dma_wait3A_988 = arith.constant 0 : i32
        %dma_wait3A_989 = tpu.memref_slice %arg12[%dma_wait3A_987, %dma_wait3A_988] : memref<64x129xf32, #tpu.memory_space<vmem>> -> memref<8x128xf32, #tpu.memory_space<vmem>>
        tpu.wait_dma2 semaphore(%arg18 : memref<!tpu.dma_semaphore, #tpu.memory_space<semaphore_mem>>) src(%dma_wait3A_989 : memref<8x128xf32, #tpu.memory_space<vmem>>) dst(%dma_wait3A_986 : memref<8x128xf32, #tpu.memory_space<hbm>>)
        %dma_wait3A_990 = arith.constant 0 : i32
        %dma_wait3A_991 = arith.constant 1 : i32
        %dma_wait3A_992 = arith.constant 0 : i32
        %dma_wait3A_993 = arith.constant 8 : i32
        %dma_wait3A_994 = arith.constant 0 : i32
        %dma_wait3A_995 = tpu.memref_slice %arg12[%dma_wait3A_993, %dma_wait3A_994] : memref<64x129xf32, #tpu.memory_space<vmem>> -> memref<8x128xf32, #tpu.memory_space<vmem>>
        %dma_wait3A_996 = arith.constant 0 : i32
        %dma_wait3A_997 = arith.constant 0 : i32
        %dma_wait3A_998 = tpu.memref_slice %arg5[%dma_wait3A_990, %dma_wait3A_991, %dma_wait3A_992, %dma_wait3A_996, %dma_wait3A_997] : memref<200x8x32x8x128xf32, #tpu.memory_space<hbm>> -> memref<1x1x1x8x128xf32, #tpu.memory_space<hbm>>
        %dma_wait3A_999 = tpu.memref_squeeze %dma_wait3A_998 : memref<1x1x1x8x128xf32, #tpu.memory_space<hbm>> -> memref<8x128xf32, #tpu.memory_space<hbm>>
        %dma_wait3A_1000 = arith.constant 0 : i32
        %dma_wait3A_1001 = arith.constant 0 : i32
        %dma_wait3A_1002 = tpu.memref_slice %arg5[%dma_wait3A_990, %dma_wait3A_991, %dma_wait3A_992, %dma_wait3A_1000, %dma_wait3A_1001] : memref<200x8x32x8x128xf32, #tpu.memory_space<hbm>> -> memref<1x1x1x8x128xf32, #tpu.memory_space<hbm>>
        %dma_wait3A_1003 = tpu.memref_squeeze %dma_wait3A_1002 : memref<1x1x1x8x128xf32, #tpu.memory_space<hbm>> -> memref<8x128xf32, #tpu.memory_space<hbm>>
        %dma_wait3A_1004 = arith.constant 8 : i32
        %dma_wait3A_1005 = arith.constant 0 : i32
        %dma_wait3A_1006 = tpu.memref_slice %arg12[%dma_wait3A_1004, %dma_wait3A_1005] : memref<64x129xf32, #tpu.memory_space<vmem>> -> memref<8x128xf32, #tpu.memory_space<vmem>>
        tpu.wait_dma2 semaphore(%arg18 : memref<!tpu.dma_semaphore, #tpu.memory_space<semaphore_mem>>) src(%dma_wait3A_1006 : memref<8x128xf32, #tpu.memory_space<vmem>>) dst(%dma_wait3A_1003 : memref<8x128xf32, #tpu.memory_space<hbm>>)
        %dma_wait3A_1007 = arith.constant 0 : i32
        %dma_wait3A_1008 = arith.constant 2 : i32
        %dma_wait3A_1009 = arith.constant 0 : i32
        %dma_wait3A_1010 = arith.constant 16 : i32
        %dma_wait3A_1011 = arith.constant 0 : i32
        %dma_wait3A_1012 = tpu.memref_slice %arg12[%dma_wait3A_1010, %dma_wait3A_1011] : memref<64x129xf32, #tpu.memory_space<vmem>> -> memref<8x128xf32, #tpu.memory_space<vmem>>
        %dma_wait3A_1013 = arith.constant 0 : i32
        %dma_wait3A_1014 = arith.constant 0 : i32
        %dma_wait3A_1015 = tpu.memref_slice %arg5[%dma_wait3A_1007, %dma_wait3A_1008, %dma_wait3A_1009, %dma_wait3A_1013, %dma_wait3A_1014] : memref<200x8x32x8x128xf32, #tpu.memory_space<hbm>> -> memref<1x1x1x8x128xf32, #tpu.memory_space<hbm>>
        %dma_wait3A_1016 = tpu.memref_squeeze %dma_wait3A_1015 : memref<1x1x1x8x128xf32, #tpu.memory_space<hbm>> -> memref<8x128xf32, #tpu.memory_space<hbm>>
        %dma_wait3A_1017 = arith.constant 0 : i32
        %dma_wait3A_1018 = arith.constant 0 : i32
        %dma_wait3A_1019 = tpu.memref_slice %arg5[%dma_wait3A_1007, %dma_wait3A_1008, %dma_wait3A_1009, %dma_wait3A_1017, %dma_wait3A_1018] : memref<200x8x32x8x128xf32, #tpu.memory_space<hbm>> -> memref<1x1x1x8x128xf32, #tpu.memory_space<hbm>>
        %dma_wait3A_1020 = tpu.memref_squeeze %dma_wait3A_1019 : memref<1x1x1x8x128xf32, #tpu.memory_space<hbm>> -> memref<8x128xf32, #tpu.memory_space<hbm>>
        %dma_wait3A_1021 = arith.constant 16 : i32
        %dma_wait3A_1022 = arith.constant 0 : i32
        %dma_wait3A_1023 = tpu.memref_slice %arg12[%dma_wait3A_1021, %dma_wait3A_1022] : memref<64x129xf32, #tpu.memory_space<vmem>> -> memref<8x128xf32, #tpu.memory_space<vmem>>
        tpu.wait_dma2 semaphore(%arg18 : memref<!tpu.dma_semaphore, #tpu.memory_space<semaphore_mem>>) src(%dma_wait3A_1023 : memref<8x128xf32, #tpu.memory_space<vmem>>) dst(%dma_wait3A_1020 : memref<8x128xf32, #tpu.memory_space<hbm>>)
        %dma_wait3A_1024 = arith.constant 0 : i32
        %dma_wait3A_1025 = arith.constant 3 : i32
        %dma_wait3A_1026 = arith.constant 0 : i32
        %dma_wait3A_1027 = arith.constant 24 : i32
        %dma_wait3A_1028 = arith.constant 0 : i32
        %dma_wait3A_1029 = tpu.memref_slice %arg12[%dma_wait3A_1027, %dma_wait3A_1028] : memref<64x129xf32, #tpu.memory_space<vmem>> -> memref<8x128xf32, #tpu.memory_space<vmem>>
        %dma_wait3A_1030 = arith.constant 0 : i32
        %dma_wait3A_1031 = arith.constant 0 : i32
        %dma_wait3A_1032 = tpu.memref_slice %arg5[%dma_wait3A_1024, %dma_wait3A_1025, %dma_wait3A_1026, %dma_wait3A_1030, %dma_wait3A_1031] : memref<200x8x32x8x128xf32, #tpu.memory_space<hbm>> -> memref<1x1x1x8x128xf32, #tpu.memory_space<hbm>>
        %dma_wait3A_1033 = tpu.memref_squeeze %dma_wait3A_1032 : memref<1x1x1x8x128xf32, #tpu.memory_space<hbm>> -> memref<8x128xf32, #tpu.memory_space<hbm>>
        %dma_wait3A_1034 = arith.constant 0 : i32
        %dma_wait3A_1035 = arith.constant 0 : i32
        %dma_wait3A_1036 = tpu.memref_slice %arg5[%dma_wait3A_1024, %dma_wait3A_1025, %dma_wait3A_1026, %dma_wait3A_1034, %dma_wait3A_1035] : memref<200x8x32x8x128xf32, #tpu.memory_space<hbm>> -> memref<1x1x1x8x128xf32, #tpu.memory_space<hbm>>
        %dma_wait3A_1037 = tpu.memref_squeeze %dma_wait3A_1036 : memref<1x1x1x8x128xf32, #tpu.memory_space<hbm>> -> memref<8x128xf32, #tpu.memory_space<hbm>>
        %dma_wait3A_1038 = arith.constant 24 : i32
        %dma_wait3A_1039 = arith.constant 0 : i32
        %dma_wait3A_1040 = tpu.memref_slice %arg12[%dma_wait3A_1038, %dma_wait3A_1039] : memref<64x129xf32, #tpu.memory_space<vmem>> -> memref<8x128xf32, #tpu.memory_space<vmem>>
        tpu.wait_dma2 semaphore(%arg18 : memref<!tpu.dma_semaphore, #tpu.memory_space<semaphore_mem>>) src(%dma_wait3A_1040 : memref<8x128xf32, #tpu.memory_space<vmem>>) dst(%dma_wait3A_1037 : memref<8x128xf32, #tpu.memory_space<hbm>>)
        %dma_wait3A_1041 = arith.constant 0 : i32
        %dma_wait3A_1042 = arith.constant 4 : i32
        %dma_wait3A_1043 = arith.constant 0 : i32
        %dma_wait3A_1044 = arith.constant 32 : i32
        %dma_wait3A_1045 = arith.constant 0 : i32
        %dma_wait3A_1046 = tpu.memref_slice %arg12[%dma_wait3A_1044, %dma_wait3A_1045] : memref<64x129xf32, #tpu.memory_space<vmem>> -> memref<8x128xf32, #tpu.memory_space<vmem>>
        %dma_wait3A_1047 = arith.constant 0 : i32
        %dma_wait3A_1048 = arith.constant 0 : i32
        %dma_wait3A_1049 = tpu.memref_slice %arg5[%dma_wait3A_1041, %dma_wait3A_1042, %dma_wait3A_1043, %dma_wait3A_1047, %dma_wait3A_1048] : memref<200x8x32x8x128xf32, #tpu.memory_space<hbm>> -> memref<1x1x1x8x128xf32, #tpu.memory_space<hbm>>
        %dma_wait3A_1050 = tpu.memref_squeeze %dma_wait3A_1049 : memref<1x1x1x8x128xf32, #tpu.memory_space<hbm>> -> memref<8x128xf32, #tpu.memory_space<hbm>>
        %dma_wait3A_1051 = arith.constant 0 : i32
        %dma_wait3A_1052 = arith.constant 0 : i32
        %dma_wait3A_1053 = tpu.memref_slice %arg5[%dma_wait3A_1041, %dma_wait3A_1042, %dma_wait3A_1043, %dma_wait3A_1051, %dma_wait3A_1052] : memref<200x8x32x8x128xf32, #tpu.memory_space<hbm>> -> memref<1x1x1x8x128xf32, #tpu.memory_space<hbm>>
        %dma_wait3A_1054 = tpu.memref_squeeze %dma_wait3A_1053 : memref<1x1x1x8x128xf32, #tpu.memory_space<hbm>> -> memref<8x128xf32, #tpu.memory_space<hbm>>
        %dma_wait3A_1055 = arith.constant 32 : i32
        %dma_wait3A_1056 = arith.constant 0 : i32
        %dma_wait3A_1057 = tpu.memref_slice %arg12[%dma_wait3A_1055, %dma_wait3A_1056] : memref<64x129xf32, #tpu.memory_space<vmem>> -> memref<8x128xf32, #tpu.memory_space<vmem>>
        tpu.wait_dma2 semaphore(%arg18 : memref<!tpu.dma_semaphore, #tpu.memory_space<semaphore_mem>>) src(%dma_wait3A_1057 : memref<8x128xf32, #tpu.memory_space<vmem>>) dst(%dma_wait3A_1054 : memref<8x128xf32, #tpu.memory_space<hbm>>)
        %dma_wait3A_1058 = arith.constant 0 : i32
        %dma_wait3A_1059 = arith.constant 5 : i32
        %dma_wait3A_1060 = arith.constant 0 : i32
        %dma_wait3A_1061 = arith.constant 40 : i32
        %dma_wait3A_1062 = arith.constant 0 : i32
        %dma_wait3A_1063 = tpu.memref_slice %arg12[%dma_wait3A_1061, %dma_wait3A_1062] : memref<64x129xf32, #tpu.memory_space<vmem>> -> memref<8x128xf32, #tpu.memory_space<vmem>>
        %dma_wait3A_1064 = arith.constant 0 : i32
        %dma_wait3A_1065 = arith.constant 0 : i32
        %dma_wait3A_1066 = tpu.memref_slice %arg5[%dma_wait3A_1058, %dma_wait3A_1059, %dma_wait3A_1060, %dma_wait3A_1064, %dma_wait3A_1065] : memref<200x8x32x8x128xf32, #tpu.memory_space<hbm>> -> memref<1x1x1x8x128xf32, #tpu.memory_space<hbm>>
        %dma_wait3A_1067 = tpu.memref_squeeze %dma_wait3A_1066 : memref<1x1x1x8x128xf32, #tpu.memory_space<hbm>> -> memref<8x128xf32, #tpu.memory_space<hbm>>
        %dma_wait3A_1068 = arith.constant 0 : i32
        %dma_wait3A_1069 = arith.constant 0 : i32
        %dma_wait3A_1070 = tpu.memref_slice %arg5[%dma_wait3A_1058, %dma_wait3A_1059, %dma_wait3A_1060, %dma_wait3A_1068, %dma_wait3A_1069] : memref<200x8x32x8x128xf32, #tpu.memory_space<hbm>> -> memref<1x1x1x8x128xf32, #tpu.memory_space<hbm>>
        %dma_wait3A_1071 = tpu.memref_squeeze %dma_wait3A_1070 : memref<1x1x1x8x128xf32, #tpu.memory_space<hbm>> -> memref<8x128xf32, #tpu.memory_space<hbm>>
        %dma_wait3A_1072 = arith.constant 40 : i32
        %dma_wait3A_1073 = arith.constant 0 : i32
        %dma_wait3A_1074 = tpu.memref_slice %arg12[%dma_wait3A_1072, %dma_wait3A_1073] : memref<64x129xf32, #tpu.memory_space<vmem>> -> memref<8x128xf32, #tpu.memory_space<vmem>>
        tpu.wait_dma2 semaphore(%arg18 : memref<!tpu.dma_semaphore, #tpu.memory_space<semaphore_mem>>) src(%dma_wait3A_1074 : memref<8x128xf32, #tpu.memory_space<vmem>>) dst(%dma_wait3A_1071 : memref<8x128xf32, #tpu.memory_space<hbm>>)
        %dma_wait3A_1075 = arith.constant 0 : i32
        %dma_wait3A_1076 = arith.constant 6 : i32
        %dma_wait3A_1077 = arith.constant 0 : i32
        %dma_wait3A_1078 = arith.constant 48 : i32
        %dma_wait3A_1079 = arith.constant 0 : i32
        %dma_wait3A_1080 = tpu.memref_slice %arg12[%dma_wait3A_1078, %dma_wait3A_1079] : memref<64x129xf32, #tpu.memory_space<vmem>> -> memref<8x128xf32, #tpu.memory_space<vmem>>
        %dma_wait3A_1081 = arith.constant 0 : i32
        %dma_wait3A_1082 = arith.constant 0 : i32
        %dma_wait3A_1083 = tpu.memref_slice %arg5[%dma_wait3A_1075, %dma_wait3A_1076, %dma_wait3A_1077, %dma_wait3A_1081, %dma_wait3A_1082] : memref<200x8x32x8x128xf32, #tpu.memory_space<hbm>> -> memref<1x1x1x8x128xf32, #tpu.memory_space<hbm>>
        %dma_wait3A_1084 = tpu.memref_squeeze %dma_wait3A_1083 : memref<1x1x1x8x128xf32, #tpu.memory_space<hbm>> -> memref<8x128xf32, #tpu.memory_space<hbm>>
        %dma_wait3A_1085 = arith.constant 0 : i32
        %dma_wait3A_1086 = arith.constant 0 : i32
        %dma_wait3A_1087 = tpu.memref_slice %arg5[%dma_wait3A_1075, %dma_wait3A_1076, %dma_wait3A_1077, %dma_wait3A_1085, %dma_wait3A_1086] : memref<200x8x32x8x128xf32, #tpu.memory_space<hbm>> -> memref<1x1x1x8x128xf32, #tpu.memory_space<hbm>>
        %dma_wait3A_1088 = tpu.memref_squeeze %dma_wait3A_1087 : memref<1x1x1x8x128xf32, #tpu.memory_space<hbm>> -> memref<8x128xf32, #tpu.memory_space<hbm>>
        %dma_wait3A_1089 = arith.constant 48 : i32
        %dma_wait3A_1090 = arith.constant 0 : i32
        %dma_wait3A_1091 = tpu.memref_slice %arg12[%dma_wait3A_1089, %dma_wait3A_1090] : memref<64x129xf32, #tpu.memory_space<vmem>> -> memref<8x128xf32, #tpu.memory_space<vmem>>
        tpu.wait_dma2 semaphore(%arg18 : memref<!tpu.dma_semaphore, #tpu.memory_space<semaphore_mem>>) src(%dma_wait3A_1091 : memref<8x128xf32, #tpu.memory_space<vmem>>) dst(%dma_wait3A_1088 : memref<8x128xf32, #tpu.memory_space<hbm>>)
        %dma_wait3A_1092 = arith.constant 0 : i32
        %dma_wait3A_1093 = arith.constant 7 : i32
        %dma_wait3A_1094 = arith.constant 0 : i32
        %dma_wait3A_1095 = arith.constant 56 : i32
        %dma_wait3A_1096 = arith.constant 0 : i32
        %dma_wait3A_1097 = tpu.memref_slice %arg12[%dma_wait3A_1095, %dma_wait3A_1096] : memref<64x129xf32, #tpu.memory_space<vmem>> -> memref<8x128xf32, #tpu.memory_space<vmem>>
        %dma_wait3A_1098 = arith.constant 0 : i32
        %dma_wait3A_1099 = arith.constant 0 : i32
        %dma_wait3A_1100 = tpu.memref_slice %arg5[%dma_wait3A_1092, %dma_wait3A_1093, %dma_wait3A_1094, %dma_wait3A_1098, %dma_wait3A_1099] : memref<200x8x32x8x128xf32, #tpu.memory_space<hbm>> -> memref<1x1x1x8x128xf32, #tpu.memory_space<hbm>>
        %dma_wait3A_1101 = tpu.memref_squeeze %dma_wait3A_1100 : memref<1x1x1x8x128xf32, #tpu.memory_space<hbm>> -> memref<8x128xf32, #tpu.memory_space<hbm>>
        %dma_wait3A_1102 = arith.constant 0 : i32
        %dma_wait3A_1103 = arith.constant 0 : i32
        %dma_wait3A_1104 = tpu.memref_slice %arg5[%dma_wait3A_1092, %dma_wait3A_1093, %dma_wait3A_1094, %dma_wait3A_1102, %dma_wait3A_1103] : memref<200x8x32x8x128xf32, #tpu.memory_space<hbm>> -> memref<1x1x1x8x128xf32, #tpu.memory_space<hbm>>
        %dma_wait3A_1105 = tpu.memref_squeeze %dma_wait3A_1104 : memref<1x1x1x8x128xf32, #tpu.memory_space<hbm>> -> memref<8x128xf32, #tpu.memory_space<hbm>>
        %dma_wait3A_1106 = arith.constant 56 : i32
        %dma_wait3A_1107 = arith.constant 0 : i32
        %dma_wait3A_1108 = tpu.memref_slice %arg12[%dma_wait3A_1106, %dma_wait3A_1107] : memref<64x129xf32, #tpu.memory_space<vmem>> -> memref<8x128xf32, #tpu.memory_space<vmem>>
        tpu.wait_dma2 semaphore(%arg18 : memref<!tpu.dma_semaphore, #tpu.memory_space<semaphore_mem>>) src(%dma_wait3A_1108 : memref<8x128xf32, #tpu.memory_space<vmem>>) dst(%dma_wait3A_1105 : memref<8x128xf32, #tpu.memory_space<hbm>>)
      } else {
      }
      %get3A_657 = arith.index_cast %add3A_638 : i32 to index
      %get3A_658 = arith.constant 0 : index
      %get3A_659 = tpu.vector_load %arg7[%get3A_657, %get3A_658] {strides = array<i32>} : memref<200x64xf32, #tpu.memory_space<vmem>>, vector<16xf32>,
      %get3A_660 = arith.index_cast %add3A_638 : i32 to index
      %get3A_661 = arith.constant 16 : index
      %get3A_662 = tpu.vector_load %arg7[%get3A_660, %get3A_661] {strides = array<i32>} : memref<200x64xf32, #tpu.memory_space<vmem>>, vector<16xf32>,
      %get3A_663 = arith.index_cast %add3A_638 : i32 to index
      %get3A_664 = arith.constant 32 : index
      %get3A_665 = tpu.vector_load %arg7[%get3A_663, %get3A_664] {strides = array<i32>} : memref<200x64xf32, #tpu.memory_space<vmem>>, vector<16xf32>,
      %get3A_666 = arith.index_cast %add3A_638 : i32 to index
      %get3A_667 = arith.constant 48 : index
      %get3A_668 = tpu.vector_load %arg7[%get3A_666, %get3A_667] {strides = array<i32>} : memref<200x64xf32, #tpu.memory_space<vmem>>, vector<16xf32>,
      %add3A_669 = arith.constant 0 : i32
      %add3A_670 = vector.broadcast %add3A_669 : i32 to vector<16xi32>
      %add3A_671 = arith.addi %iota3A, %add3A_670 : vector<16xi32>
      %add3A_672 = arith.constant 16 : i32
      %add3A_673 = vector.broadcast %add3A_672 : i32 to vector<16xi32>
      %add3A_674 = arith.addi %iota3A, %add3A_673 : vector<16xi32>
      %add3A_675 = arith.constant 32 : i32
      %add3A_676 = vector.broadcast %add3A_675 : i32 to vector<16xi32>
      %add3A_677 = arith.addi %iota3A, %add3A_676 : vector<16xi32>
      %add3A_678 = arith.constant 48 : i32
      %add3A_679 = vector.broadcast %add3A_678 : i32 to vector<16xi32>
      %add3A_680 = arith.addi %iota3A, %add3A_679 : vector<16xi32>
      %parallel_loop3A_681 = arith.constant 0 : i32
      %parallel_loop3A_682 = arith.constant 128 : i32
      %parallel_loop3A_683 = arith.constant 1 : i32
      scf.for %parallel_loop3A_973 = %parallel_loop3A_681 to %parallel_loop3A_682 step %parallel_loop3A_683  : i32 {
        %parallel_loop3A_974 = vector.broadcast %parallel_loop3A_973 : i32 to vector<16xi32>
        %parallel_loop3A_975 = arith.index_cast %parallel_loop3A_973 : i32 to index
        %parallel_loop3A_976 = arith.constant 0 : index
        %parallel_loop3A_977 = tpu.vector_load %arg10[%parallel_loop3A_975, %parallel_loop3A_976] {strides = array<i32>} : memref<128x64xf32, #tpu.memory_space<vmem>>, vector<16xf32>,
        %parallel_loop3A_978 = arith.addf %parallel_loop3A_977, %get3A_659 : vector<16xf32>
        tpu.vector_store_idx %arg12[%add3A_671, %parallel_loop3A_974], %parallel_loop3A_978 : memref<64x129xf32, #tpu.memory_space<vmem>>[vector<16xi32>, vector<16xi32>], vector<16xf32>,
        %parallel_loop3A_979 = arith.index_cast %parallel_loop3A_973 : i32 to index
        %parallel_loop3A_980 = arith.constant 16 : index
        %parallel_loop3A_981 = tpu.vector_load %arg10[%parallel_loop3A_979, %parallel_loop3A_980] {strides = array<i32>} : memref<128x64xf32, #tpu.memory_space<vmem>>, vector<16xf32>,
        %parallel_loop3A_982 = arith.addf %parallel_loop3A_981, %get3A_662 : vector<16xf32>
        tpu.vector_store_idx %arg12[%add3A_674, %parallel_loop3A_974], %parallel_loop3A_982 : memref<64x129xf32, #tpu.memory_space<vmem>>[vector<16xi32>, vector<16xi32>], vector<16xf32>,
        %parallel_loop3A_983 = arith.index_cast %parallel_loop3A_973 : i32 to index
        %parallel_loop3A_984 = arith.constant 32 : index
        %parallel_loop3A_985 = tpu.vector_load %arg10[%parallel_loop3A_983, %parallel_loop3A_984] {strides = array<i32>} : memref<128x64xf32, #tpu.memory_space<vmem>>, vector<16xf32>,
        %parallel_loop3A_986 = arith.addf %parallel_loop3A_985, %get3A_665 : vector<16xf32>
        tpu.vector_store_idx %arg12[%add3A_677, %parallel_loop3A_974], %parallel_loop3A_986 : memref<64x129xf32, #tpu.memory_space<vmem>>[vector<16xi32>, vector<16xi32>], vector<16xf32>,
        %parallel_loop3A_987 = arith.index_cast %parallel_loop3A_973 : i32 to index
        %parallel_loop3A_988 = arith.constant 48 : index
        %parallel_loop3A_989 = tpu.vector_load %arg10[%parallel_loop3A_987, %parallel_loop3A_988] {strides = array<i32>} : memref<128x64xf32, #tpu.memory_space<vmem>>, vector<16xf32>,
        %parallel_loop3A_990 = arith.addf %parallel_loop3A_989, %get3A_668 : vector<16xf32>
        tpu.vector_store_idx %arg12[%add3A_680, %parallel_loop3A_974], %parallel_loop3A_990 : memref<64x129xf32, #tpu.memory_space<vmem>>[vector<16xi32>, vector<16xi32>], vector<16xf32>,
      } {sc.loop_unroll_factor = 4 : i64, sc.parallel_access}
      %dma_start3A_684 = arith.constant 0 : i32
      %dma_start3A_685 = arith.constant 0 : i32
      %dma_start3A_686 = arith.constant 0 : i32
      %dma_start3A_687 = tpu.memref_slice %arg12[%dma_start3A_685, %dma_start3A_686] : memref<64x129xf32, #tpu.memory_space<vmem>> -> memref<8x128xf32, #tpu.memory_space<vmem>>
      %dma_start3A_688 = arith.constant 0 : i32
      %dma_start3A_689 = arith.constant 0 : i32
      %dma_start3A_690 = tpu.memref_slice %arg5[%add3A_638, %dma_start3A_684, %add3A, %dma_start3A_688, %dma_start3A_689] : memref<200x8x32x8x128xf32, #tpu.memory_space<hbm>> -> memref<1x1x1x8x128xf32, #tpu.memory_space<hbm>>
      %dma_start3A_691 = tpu.memref_squeeze %dma_start3A_690 : memref<1x1x1x8x128xf32, #tpu.memory_space<hbm>> -> memref<8x128xf32, #tpu.memory_space<hbm>>
      %dma_start3A_692 = arith.constant 0 : i32
      %dma_start3A_693 = arith.constant 0 : i32
      %dma_start3A_694 = tpu.memref_slice %arg5[%add3A_638, %dma_start3A_684, %add3A, %dma_start3A_692, %dma_start3A_693] : memref<200x8x32x8x128xf32, #tpu.memory_space<hbm>> -> memref<1x1x1x8x128xf32, #tpu.memory_space<hbm>>
      %dma_start3A_695 = tpu.memref_squeeze %dma_start3A_694 : memref<1x1x1x8x128xf32, #tpu.memory_space<hbm>> -> memref<8x128xf32, #tpu.memory_space<hbm>>
      %dma_start3A_696 = arith.constant 0 : i32
      %dma_start3A_697 = arith.constant 0 : i32
      %dma_start3A_698 = tpu.memref_slice %arg12[%dma_start3A_696, %dma_start3A_697] : memref<64x129xf32, #tpu.memory_space<vmem>> -> memref<8x128xf32, #tpu.memory_space<vmem>>
      tpu.enqueue_dma source(%dma_start3A_698 : memref<8x128xf32, #tpu.memory_space<vmem>>) target(%dma_start3A_695 : memref<8x128xf32, #tpu.memory_space<hbm>>) target_semaphore(%arg18 : memref<!tpu.dma_semaphore, #tpu.memory_space<semaphore_mem>>)
      %dma_start3A_699 = arith.constant 1 : i32
      %dma_start3A_700 = arith.constant 8 : i32
      %dma_start3A_701 = arith.constant 0 : i32
      %dma_start3A_702 = tpu.memref_slice %arg12[%dma_start3A_700, %dma_start3A_701] : memref<64x129xf32, #tpu.memory_space<vmem>> -> memref<8x128xf32, #tpu.memory_space<vmem>>
      %dma_start3A_703 = arith.constant 0 : i32
      %dma_start3A_704 = arith.constant 0 : i32
      %dma_start3A_705 = tpu.memref_slice %arg5[%add3A_638, %dma_start3A_699, %add3A, %dma_start3A_703, %dma_start3A_704] : memref<200x8x32x8x128xf32, #tpu.memory_space<hbm>> -> memref<1x1x1x8x128xf32, #tpu.memory_space<hbm>>
      %dma_start3A_706 = tpu.memref_squeeze %dma_start3A_705 : memref<1x1x1x8x128xf32, #tpu.memory_space<hbm>> -> memref<8x128xf32, #tpu.memory_space<hbm>>
      %dma_start3A_707 = arith.constant 0 : i32
      %dma_start3A_708 = arith.constant 0 : i32
      %dma_start3A_709 = tpu.memref_slice %arg5[%add3A_638, %dma_start3A_699, %add3A, %dma_start3A_707, %dma_start3A_708] : memref<200x8x32x8x128xf32, #tpu.memory_space<hbm>> -> memref<1x1x1x8x128xf32, #tpu.memory_space<hbm>>
      %dma_start3A_710 = tpu.memref_squeeze %dma_start3A_709 : memref<1x1x1x8x128xf32, #tpu.memory_space<hbm>> -> memref<8x128xf32, #tpu.memory_space<hbm>>
      %dma_start3A_711 = arith.constant 8 : i32
      %dma_start3A_712 = arith.constant 0 : i32
      %dma_start3A_713 = tpu.memref_slice %arg12[%dma_start3A_711, %dma_start3A_712] : memref<64x129xf32, #tpu.memory_space<vmem>> -> memref<8x128xf32, #tpu.memory_space<vmem>>
      tpu.enqueue_dma source(%dma_start3A_713 : memref<8x128xf32, #tpu.memory_space<vmem>>) target(%dma_start3A_710 : memref<8x128xf32, #tpu.memory_space<hbm>>) target_semaphore(%arg18 : memref<!tpu.dma_semaphore, #tpu.memory_space<semaphore_mem>>)
      %dma_start3A_714 = arith.constant 2 : i32
      %dma_start3A_715 = arith.constant 16 : i32
      %dma_start3A_716 = arith.constant 0 : i32
      %dma_start3A_717 = tpu.memref_slice %arg12[%dma_start3A_715, %dma_start3A_716] : memref<64x129xf32, #tpu.memory_space<vmem>> -> memref<8x128xf32, #tpu.memory_space<vmem>>
      %dma_start3A_718 = arith.constant 0 : i32
      %dma_start3A_719 = arith.constant 0 : i32
      %dma_start3A_720 = tpu.memref_slice %arg5[%add3A_638, %dma_start3A_714, %add3A, %dma_start3A_718, %dma_start3A_719] : memref<200x8x32x8x128xf32, #tpu.memory_space<hbm>> -> memref<1x1x1x8x128xf32, #tpu.memory_space<hbm>>
      %dma_start3A_721 = tpu.memref_squeeze %dma_start3A_720 : memref<1x1x1x8x128xf32, #tpu.memory_space<hbm>> -> memref<8x128xf32, #tpu.memory_space<hbm>>
      %dma_start3A_722 = arith.constant 0 : i32
      %dma_start3A_723 = arith.constant 0 : i32
      %dma_start3A_724 = tpu.memref_slice %arg5[%add3A_638, %dma_start3A_714, %add3A, %dma_start3A_722, %dma_start3A_723] : memref<200x8x32x8x128xf32, #tpu.memory_space<hbm>> -> memref<1x1x1x8x128xf32, #tpu.memory_space<hbm>>
      %dma_start3A_725 = tpu.memref_squeeze %dma_start3A_724 : memref<1x1x1x8x128xf32, #tpu.memory_space<hbm>> -> memref<8x128xf32, #tpu.memory_space<hbm>>
      %dma_start3A_726 = arith.constant 16 : i32
      %dma_start3A_727 = arith.constant 0 : i32
      %dma_start3A_728 = tpu.memref_slice %arg12[%dma_start3A_726, %dma_start3A_727] : memref<64x129xf32, #tpu.memory_space<vmem>> -> memref<8x128xf32, #tpu.memory_space<vmem>>
      tpu.enqueue_dma source(%dma_start3A_728 : memref<8x128xf32, #tpu.memory_space<vmem>>) target(%dma_start3A_725 : memref<8x128xf32, #tpu.memory_space<hbm>>) target_semaphore(%arg18 : memref<!tpu.dma_semaphore, #tpu.memory_space<semaphore_mem>>)
      %dma_start3A_729 = arith.constant 3 : i32
      %dma_start3A_730 = arith.constant 24 : i32
      %dma_start3A_731 = arith.constant 0 : i32
      %dma_start3A_732 = tpu.memref_slice %arg12[%dma_start3A_730, %dma_start3A_731] : memref<64x129xf32, #tpu.memory_space<vmem>> -> memref<8x128xf32, #tpu.memory_space<vmem>>
      %dma_start3A_733 = arith.constant 0 : i32
      %dma_start3A_734 = arith.constant 0 : i32
      %dma_start3A_735 = tpu.memref_slice %arg5[%add3A_638, %dma_start3A_729, %add3A, %dma_start3A_733, %dma_start3A_734] : memref<200x8x32x8x128xf32, #tpu.memory_space<hbm>> -> memref<1x1x1x8x128xf32, #tpu.memory_space<hbm>>
      %dma_start3A_736 = tpu.memref_squeeze %dma_start3A_735 : memref<1x1x1x8x128xf32, #tpu.memory_space<hbm>> -> memref<8x128xf32, #tpu.memory_space<hbm>>
      %dma_start3A_737 = arith.constant 0 : i32
      %dma_start3A_738 = arith.constant 0 : i32
      %dma_start3A_739 = tpu.memref_slice %arg5[%add3A_638, %dma_start3A_729, %add3A, %dma_start3A_737, %dma_start3A_738] : memref<200x8x32x8x128xf32, #tpu.memory_space<hbm>> -> memref<1x1x1x8x128xf32, #tpu.memory_space<hbm>>
      %dma_start3A_740 = tpu.memref_squeeze %dma_start3A_739 : memref<1x1x1x8x128xf32, #tpu.memory_space<hbm>> -> memref<8x128xf32, #tpu.memory_space<hbm>>
      %dma_start3A_741 = arith.constant 24 : i32
      %dma_start3A_742 = arith.constant 0 : i32
      %dma_start3A_743 = tpu.memref_slice %arg12[%dma_start3A_741, %dma_start3A_742] : memref<64x129xf32, #tpu.memory_space<vmem>> -> memref<8x128xf32, #tpu.memory_space<vmem>>
      tpu.enqueue_dma source(%dma_start3A_743 : memref<8x128xf32, #tpu.memory_space<vmem>>) target(%dma_start3A_740 : memref<8x128xf32, #tpu.memory_space<hbm>>) target_semaphore(%arg18 : memref<!tpu.dma_semaphore, #tpu.memory_space<semaphore_mem>>)
      %dma_start3A_744 = arith.constant 4 : i32
      %dma_start3A_745 = arith.constant 32 : i32
      %dma_start3A_746 = arith.constant 0 : i32
      %dma_start3A_747 = tpu.memref_slice %arg12[%dma_start3A_745, %dma_start3A_746] : memref<64x129xf32, #tpu.memory_space<vmem>> -> memref<8x128xf32, #tpu.memory_space<vmem>>
      %dma_start3A_748 = arith.constant 0 : i32
      %dma_start3A_749 = arith.constant 0 : i32
      %dma_start3A_750 = tpu.memref_slice %arg5[%add3A_638, %dma_start3A_744, %add3A, %dma_start3A_748, %dma_start3A_749] : memref<200x8x32x8x128xf32, #tpu.memory_space<hbm>> -> memref<1x1x1x8x128xf32, #tpu.memory_space<hbm>>
      %dma_start3A_751 = tpu.memref_squeeze %dma_start3A_750 : memref<1x1x1x8x128xf32, #tpu.memory_space<hbm>> -> memref<8x128xf32, #tpu.memory_space<hbm>>
      %dma_start3A_752 = arith.constant 0 : i32
      %dma_start3A_753 = arith.constant 0 : i32
      %dma_start3A_754 = tpu.memref_slice %arg5[%add3A_638, %dma_start3A_744, %add3A, %dma_start3A_752, %dma_start3A_753] : memref<200x8x32x8x128xf32, #tpu.memory_space<hbm>> -> memref<1x1x1x8x128xf32, #tpu.memory_space<hbm>>
      %dma_start3A_755 = tpu.memref_squeeze %dma_start3A_754 : memref<1x1x1x8x128xf32, #tpu.memory_space<hbm>> -> memref<8x128xf32, #tpu.memory_space<hbm>>
      %dma_start3A_756 = arith.constant 32 : i32
      %dma_start3A_757 = arith.constant 0 : i32
      %dma_start3A_758 = tpu.memref_slice %arg12[%dma_start3A_756, %dma_start3A_757] : memref<64x129xf32, #tpu.memory_space<vmem>> -> memref<8x128xf32, #tpu.memory_space<vmem>>
      tpu.enqueue_dma source(%dma_start3A_758 : memref<8x128xf32, #tpu.memory_space<vmem>>) target(%dma_start3A_755 : memref<8x128xf32, #tpu.memory_space<hbm>>) target_semaphore(%arg18 : memref<!tpu.dma_semaphore, #tpu.memory_space<semaphore_mem>>)
      %dma_start3A_759 = arith.constant 5 : i32
      %dma_start3A_760 = arith.constant 40 : i32
      %dma_start3A_761 = arith.constant 0 : i32
      %dma_start3A_762 = tpu.memref_slice %arg12[%dma_start3A_760, %dma_start3A_761] : memref<64x129xf32, #tpu.memory_space<vmem>> -> memref<8x128xf32, #tpu.memory_space<vmem>>
      %dma_start3A_763 = arith.constant 0 : i32
      %dma_start3A_764 = arith.constant 0 : i32
      %dma_start3A_765 = tpu.memref_slice %arg5[%add3A_638, %dma_start3A_759, %add3A, %dma_start3A_763, %dma_start3A_764] : memref<200x8x32x8x128xf32, #tpu.memory_space<hbm>> -> memref<1x1x1x8x128xf32, #tpu.memory_space<hbm>>
      %dma_start3A_766 = tpu.memref_squeeze %dma_start3A_765 : memref<1x1x1x8x128xf32, #tpu.memory_space<hbm>> -> memref<8x128xf32, #tpu.memory_space<hbm>>
      %dma_start3A_767 = arith.constant 0 : i32
      %dma_start3A_768 = arith.constant 0 : i32
      %dma_start3A_769 = tpu.memref_slice %arg5[%add3A_638, %dma_start3A_759, %add3A, %dma_start3A_767, %dma_start3A_768] : memref<200x8x32x8x128xf32, #tpu.memory_space<hbm>> -> memref<1x1x1x8x128xf32, #tpu.memory_space<hbm>>
      %dma_start3A_770 = tpu.memref_squeeze %dma_start3A_769 : memref<1x1x1x8x128xf32, #tpu.memory_space<hbm>> -> memref<8x128xf32, #tpu.memory_space<hbm>>
      %dma_start3A_771 = arith.constant 40 : i32
      %dma_start3A_772 = arith.constant 0 : i32
      %dma_start3A_773 = tpu.memref_slice %arg12[%dma_start3A_771, %dma_start3A_772] : memref<64x129xf32, #tpu.memory_space<vmem>> -> memref<8x128xf32, #tpu.memory_space<vmem>>
      tpu.enqueue_dma source(%dma_start3A_773 : memref<8x128xf32, #tpu.memory_space<vmem>>) target(%dma_start3A_770 : memref<8x128xf32, #tpu.memory_space<hbm>>) target_semaphore(%arg18 : memref<!tpu.dma_semaphore, #tpu.memory_space<semaphore_mem>>)
      %dma_start3A_774 = arith.constant 6 : i32
      %dma_start3A_775 = arith.constant 48 : i32
      %dma_start3A_776 = arith.constant 0 : i32
      %dma_start3A_777 = tpu.memref_slice %arg12[%dma_start3A_775, %dma_start3A_776] : memref<64x129xf32, #tpu.memory_space<vmem>> -> memref<8x128xf32, #tpu.memory_space<vmem>>
      %dma_start3A_778 = arith.constant 0 : i32
      %dma_start3A_779 = arith.constant 0 : i32
      %dma_start3A_780 = tpu.memref_slice %arg5[%add3A_638, %dma_start3A_774, %add3A, %dma_start3A_778, %dma_start3A_779] : memref<200x8x32x8x128xf32, #tpu.memory_space<hbm>> -> memref<1x1x1x8x128xf32, #tpu.memory_space<hbm>>
      %dma_start3A_781 = tpu.memref_squeeze %dma_start3A_780 : memref<1x1x1x8x128xf32, #tpu.memory_space<hbm>> -> memref<8x128xf32, #tpu.memory_space<hbm>>
      %dma_start3A_782 = arith.constant 0 : i32
      %dma_start3A_783 = arith.constant 0 : i32
      %dma_start3A_784 = tpu.memref_slice %arg5[%add3A_638, %dma_start3A_774, %add3A, %dma_start3A_782, %dma_start3A_783] : memref<200x8x32x8x128xf32, #tpu.memory_space<hbm>> -> memref<1x1x1x8x128xf32, #tpu.memory_space<hbm>>
      %dma_start3A_785 = tpu.memref_squeeze %dma_start3A_784 : memref<1x1x1x8x128xf32, #tpu.memory_space<hbm>> -> memref<8x128xf32, #tpu.memory_space<hbm>>
      %dma_start3A_786 = arith.constant 48 : i32
      %dma_start3A_787 = arith.constant 0 : i32
      %dma_start3A_788 = tpu.memref_slice %arg12[%dma_start3A_786, %dma_start3A_787] : memref<64x129xf32, #tpu.memory_space<vmem>> -> memref<8x128xf32, #tpu.memory_space<vmem>>
      tpu.enqueue_dma source(%dma_start3A_788 : memref<8x128xf32, #tpu.memory_space<vmem>>) target(%dma_start3A_785 : memref<8x128xf32, #tpu.memory_space<hbm>>) target_semaphore(%arg18 : memref<!tpu.dma_semaphore, #tpu.memory_space<semaphore_mem>>)
      %dma_start3A_789 = arith.constant 7 : i32
      %dma_start3A_790 = arith.constant 56 : i32
      %dma_start3A_791 = arith.constant 0 : i32
      %dma_start3A_792 = tpu.memref_slice %arg12[%dma_start3A_790, %dma_start3A_791] : memref<64x129xf32, #tpu.memory_space<vmem>> -> memref<8x128xf32, #tpu.memory_space<vmem>>
      %dma_start3A_793 = arith.constant 0 : i32
      %dma_start3A_794 = arith.constant 0 : i32
      %dma_start3A_795 = tpu.memref_slice %arg5[%add3A_638, %dma_start3A_789, %add3A, %dma_start3A_793, %dma_start3A_794] : memref<200x8x32x8x128xf32, #tpu.memory_space<hbm>> -> memref<1x1x1x8x128xf32, #tpu.memory_space<hbm>>
      %dma_start3A_796 = tpu.memref_squeeze %dma_start3A_795 : memref<1x1x1x8x128xf32, #tpu.memory_space<hbm>> -> memref<8x128xf32, #tpu.memory_space<hbm>>
      %dma_start3A_797 = arith.constant 0 : i32
      %dma_start3A_798 = arith.constant 0 : i32
      %dma_start3A_799 = tpu.memref_slice %arg5[%add3A_638, %dma_start3A_789, %add3A, %dma_start3A_797, %dma_start3A_798] : memref<200x8x32x8x128xf32, #tpu.memory_space<hbm>> -> memref<1x1x1x8x128xf32, #tpu.memory_space<hbm>>
      %dma_start3A_800 = tpu.memref_squeeze %dma_start3A_799 : memref<1x1x1x8x128xf32, #tpu.memory_space<hbm>> -> memref<8x128xf32, #tpu.memory_space<hbm>>
      %dma_start3A_801 = arith.constant 56 : i32
      %dma_start3A_802 = arith.constant 0 : i32
      %dma_start3A_803 = tpu.memref_slice %arg12[%dma_start3A_801, %dma_start3A_802] : memref<64x129xf32, #tpu.memory_space<vmem>> -> memref<8x128xf32, #tpu.memory_space<vmem>>
      tpu.enqueue_dma source(%dma_start3A_803 : memref<8x128xf32, #tpu.memory_space<vmem>>) target(%dma_start3A_800 : memref<8x128xf32, #tpu.memory_space<hbm>>) target_semaphore(%arg18 : memref<!tpu.dma_semaphore, #tpu.memory_space<semaphore_mem>>)
      %mul3A_804 = arith.constant 4 : i32
      %mul3A_805 = arith.muli %add3A_302, %mul3A_804 : i32
      %add3A_806 = arith.constant 3 : i32
      %add3A_807 = arith.addi %mul3A_805, %add3A_806 : i32
      %dma_wait3A_808 = arith.constant 0 : i32
      %dma_wait3A_809 = arith.constant 0 : i32
      %dma_wait3A_810 = tpu.memref_slice %arg3[%dma_wait3A_808, %dma_wait3A_809] : memref<1000000x64xf32, #tpu.memory_space<hbm>> -> memref<128x64xf32, #tpu.memory_space<hbm>>
      %dma_wait3A_811 = arith.constant 0 : i32
      %dma_wait3A_812 = arith.constant 0 : i32
      %dma_wait3A_813 = tpu.memref_slice %arg3[%dma_wait3A_811, %dma_wait3A_812] : memref<1000000x64xf32, #tpu.memory_space<hbm>> -> memref<128x64xf32, #tpu.memory_space<hbm>>
      tpu.wait_dma2 semaphore(%arg17 : memref<!tpu.dma_semaphore, #tpu.memory_space<semaphore_mem>>) src(%dma_wait3A_813 : memref<128x64xf32, #tpu.memory_space<hbm>>) dst(%arg11 : memref<128x64xf32, #tpu.memory_space<vmem>>)
      %add3A_814 = arith.constant 3 : i32
      %add3A_815 = arith.addi %add3A_807, %add3A_814 : i32
      %lt3A_816 = arith.constant 200 : i32
      %lt3A_817 = arith.cmpi slt, %add3A_815, %lt3A_816 : i32
      %convert_element_type3A_818 = arith.extui %lt3A_817 : i1 to i32
      %cond3A_819 = arith.constant 0 : i32
      %cond3A_820 = arith.cmpi ne, %convert_element_type3A_818, %cond3A_819 : i32
      scf.if %cond3A_820 {
        %add3A_973 = arith.constant 3 : i32
        %add3A_974 = arith.addi %add3A_807, %add3A_973 : i32
        %dma_start3A_975 = arith.constant 0 : i32
        %dma_start3A_976 = tpu.memref_slice %arg6[%add3A_974, %dma_start3A_975] : memref<200x128xi32, #tpu.memory_space<vmem>> -> memref<1x128xi32, #tpu.memory_space<vmem>>
        %dma_start3A_977 = tpu.memref_squeeze %dma_start3A_976 : memref<1x128xi32, #tpu.memory_space<vmem>> -> memref<128xi32, #tpu.memory_space<vmem>>
        %dma_start3A_978 = arith.constant 0 : i32
        %dma_start3A_979 = arith.constant 0 : i32
        %dma_start3A_980 = tpu.memref_slice %arg3[%dma_start3A_978, %dma_start3A_979] : memref<1000000x64xf32, #tpu.memory_space<hbm>> -> memref<1000000x64xf32, #tpu.memory_space<hbm>>
        tpu.enqueue_indirect_dma source(%dma_start3A_980 : memref<1000000x64xf32, #tpu.memory_space<hbm>>) target(%arg10 : memref<128x64xf32, #tpu.memory_space<vmem>>) offsets(%dma_start3A_977 : memref<128xi32, #tpu.memory_space<vmem>>) semaphore(%arg16 : memref<!tpu.dma_semaphore, #tpu.memory_space<semaphore_mem>>)
      } else {
      }
      %ge3A_821 = arith.constant 2 : i32
      %ge3A_822 = arith.cmpi sge, %add3A_807, %ge3A_821 : i32
      %convert_element_type3A_823 = arith.extui %ge3A_822 : i1 to i32
      %cond3A_824 = arith.constant 0 : i32
      %cond3A_825 = arith.cmpi ne, %convert_element_type3A_823, %cond3A_824 : i32
      scf.if %cond3A_825 {
        %dma_wait3A_973 = arith.constant 0 : i32
        %dma_wait3A_974 = arith.constant 0 : i32
        %dma_wait3A_975 = arith.constant 0 : i32
        %dma_wait3A_976 = arith.constant 0 : i32
        %dma_wait3A_977 = arith.constant 0 : i32
        %dma_wait3A_978 = tpu.memref_slice %arg13[%dma_wait3A_976, %dma_wait3A_977] : memref<64x129xf32, #tpu.memory_space<vmem>> -> memref<8x128xf32, #tpu.memory_space<vmem>>
        %dma_wait3A_979 = arith.constant 0 : i32
        %dma_wait3A_980 = arith.constant 0 : i32
        %dma_wait3A_981 = tpu.memref_slice %arg5[%dma_wait3A_973, %dma_wait3A_974, %dma_wait3A_975, %dma_wait3A_979, %dma_wait3A_980] : memref<200x8x32x8x128xf32, #tpu.memory_space<hbm>> -> memref<1x1x1x8x128xf32, #tpu.memory_space<hbm>>
        %dma_wait3A_982 = tpu.memref_squeeze %dma_wait3A_981 : memref<1x1x1x8x128xf32, #tpu.memory_space<hbm>> -> memref<8x128xf32, #tpu.memory_space<hbm>>
        %dma_wait3A_983 = arith.constant 0 : i32
        %dma_wait3A_984 = arith.constant 0 : i32
        %dma_wait3A_985 = tpu.memref_slice %arg5[%dma_wait3A_973, %dma_wait3A_974, %dma_wait3A_975, %dma_wait3A_983, %dma_wait3A_984] : memref<200x8x32x8x128xf32, #tpu.memory_space<hbm>> -> memref<1x1x1x8x128xf32, #tpu.memory_space<hbm>>
        %dma_wait3A_986 = tpu.memref_squeeze %dma_wait3A_985 : memref<1x1x1x8x128xf32, #tpu.memory_space<hbm>> -> memref<8x128xf32, #tpu.memory_space<hbm>>
        %dma_wait3A_987 = arith.constant 0 : i32
        %dma_wait3A_988 = arith.constant 0 : i32
        %dma_wait3A_989 = tpu.memref_slice %arg13[%dma_wait3A_987, %dma_wait3A_988] : memref<64x129xf32, #tpu.memory_space<vmem>> -> memref<8x128xf32, #tpu.memory_space<vmem>>
        tpu.wait_dma2 semaphore(%arg19 : memref<!tpu.dma_semaphore, #tpu.memory_space<semaphore_mem>>) src(%dma_wait3A_989 : memref<8x128xf32, #tpu.memory_space<vmem>>) dst(%dma_wait3A_986 : memref<8x128xf32, #tpu.memory_space<hbm>>)
        %dma_wait3A_990 = arith.constant 0 : i32
        %dma_wait3A_991 = arith.constant 1 : i32
        %dma_wait3A_992 = arith.constant 0 : i32
        %dma_wait3A_993 = arith.constant 8 : i32
        %dma_wait3A_994 = arith.constant 0 : i32
        %dma_wait3A_995 = tpu.memref_slice %arg13[%dma_wait3A_993, %dma_wait3A_994] : memref<64x129xf32, #tpu.memory_space<vmem>> -> memref<8x128xf32, #tpu.memory_space<vmem>>
        %dma_wait3A_996 = arith.constant 0 : i32
        %dma_wait3A_997 = arith.constant 0 : i32
        %dma_wait3A_998 = tpu.memref_slice %arg5[%dma_wait3A_990, %dma_wait3A_991, %dma_wait3A_992, %dma_wait3A_996, %dma_wait3A_997] : memref<200x8x32x8x128xf32, #tpu.memory_space<hbm>> -> memref<1x1x1x8x128xf32, #tpu.memory_space<hbm>>
        %dma_wait3A_999 = tpu.memref_squeeze %dma_wait3A_998 : memref<1x1x1x8x128xf32, #tpu.memory_space<hbm>> -> memref<8x128xf32, #tpu.memory_space<hbm>>
        %dma_wait3A_1000 = arith.constant 0 : i32
        %dma_wait3A_1001 = arith.constant 0 : i32
        %dma_wait3A_1002 = tpu.memref_slice %arg5[%dma_wait3A_990, %dma_wait3A_991, %dma_wait3A_992, %dma_wait3A_1000, %dma_wait3A_1001] : memref<200x8x32x8x128xf32, #tpu.memory_space<hbm>> -> memref<1x1x1x8x128xf32, #tpu.memory_space<hbm>>
        %dma_wait3A_1003 = tpu.memref_squeeze %dma_wait3A_1002 : memref<1x1x1x8x128xf32, #tpu.memory_space<hbm>> -> memref<8x128xf32, #tpu.memory_space<hbm>>
        %dma_wait3A_1004 = arith.constant 8 : i32
        %dma_wait3A_1005 = arith.constant 0 : i32
        %dma_wait3A_1006 = tpu.memref_slice %arg13[%dma_wait3A_1004, %dma_wait3A_1005] : memref<64x129xf32, #tpu.memory_space<vmem>> -> memref<8x128xf32, #tpu.memory_space<vmem>>
        tpu.wait_dma2 semaphore(%arg19 : memref<!tpu.dma_semaphore, #tpu.memory_space<semaphore_mem>>) src(%dma_wait3A_1006 : memref<8x128xf32, #tpu.memory_space<vmem>>) dst(%dma_wait3A_1003 : memref<8x128xf32, #tpu.memory_space<hbm>>)
        %dma_wait3A_1007 = arith.constant 0 : i32
        %dma_wait3A_1008 = arith.constant 2 : i32
        %dma_wait3A_1009 = arith.constant 0 : i32
        %dma_wait3A_1010 = arith.constant 16 : i32
        %dma_wait3A_1011 = arith.constant 0 : i32
        %dma_wait3A_1012 = tpu.memref_slice %arg13[%dma_wait3A_1010, %dma_wait3A_1011] : memref<64x129xf32, #tpu.memory_space<vmem>> -> memref<8x128xf32, #tpu.memory_space<vmem>>
        %dma_wait3A_1013 = arith.constant 0 : i32
        %dma_wait3A_1014 = arith.constant 0 : i32
        %dma_wait3A_1015 = tpu.memref_slice %arg5[%dma_wait3A_1007, %dma_wait3A_1008, %dma_wait3A_1009, %dma_wait3A_1013, %dma_wait3A_1014] : memref<200x8x32x8x128xf32, #tpu.memory_space<hbm>> -> memref<1x1x1x8x128xf32, #tpu.memory_space<hbm>>
        %dma_wait3A_1016 = tpu.memref_squeeze %dma_wait3A_1015 : memref<1x1x1x8x128xf32, #tpu.memory_space<hbm>> -> memref<8x128xf32, #tpu.memory_space<hbm>>
        %dma_wait3A_1017 = arith.constant 0 : i32
        %dma_wait3A_1018 = arith.constant 0 : i32
        %dma_wait3A_1019 = tpu.memref_slice %arg5[%dma_wait3A_1007, %dma_wait3A_1008, %dma_wait3A_1009, %dma_wait3A_1017, %dma_wait3A_1018] : memref<200x8x32x8x128xf32, #tpu.memory_space<hbm>> -> memref<1x1x1x8x128xf32, #tpu.memory_space<hbm>>
        %dma_wait3A_1020 = tpu.memref_squeeze %dma_wait3A_1019 : memref<1x1x1x8x128xf32, #tpu.memory_space<hbm>> -> memref<8x128xf32, #tpu.memory_space<hbm>>
        %dma_wait3A_1021 = arith.constant 16 : i32
        %dma_wait3A_1022 = arith.constant 0 : i32
        %dma_wait3A_1023 = tpu.memref_slice %arg13[%dma_wait3A_1021, %dma_wait3A_1022] : memref<64x129xf32, #tpu.memory_space<vmem>> -> memref<8x128xf32, #tpu.memory_space<vmem>>
        tpu.wait_dma2 semaphore(%arg19 : memref<!tpu.dma_semaphore, #tpu.memory_space<semaphore_mem>>) src(%dma_wait3A_1023 : memref<8x128xf32, #tpu.memory_space<vmem>>) dst(%dma_wait3A_1020 : memref<8x128xf32, #tpu.memory_space<hbm>>)
        %dma_wait3A_1024 = arith.constant 0 : i32
        %dma_wait3A_1025 = arith.constant 3 : i32
        %dma_wait3A_1026 = arith.constant 0 : i32
        %dma_wait3A_1027 = arith.constant 24 : i32
        %dma_wait3A_1028 = arith.constant 0 : i32
        %dma_wait3A_1029 = tpu.memref_slice %arg13[%dma_wait3A_1027, %dma_wait3A_1028] : memref<64x129xf32, #tpu.memory_space<vmem>> -> memref<8x128xf32, #tpu.memory_space<vmem>>
        %dma_wait3A_1030 = arith.constant 0 : i32
        %dma_wait3A_1031 = arith.constant 0 : i32
        %dma_wait3A_1032 = tpu.memref_slice %arg5[%dma_wait3A_1024, %dma_wait3A_1025, %dma_wait3A_1026, %dma_wait3A_1030, %dma_wait3A_1031] : memref<200x8x32x8x128xf32, #tpu.memory_space<hbm>> -> memref<1x1x1x8x128xf32, #tpu.memory_space<hbm>>
        %dma_wait3A_1033 = tpu.memref_squeeze %dma_wait3A_1032 : memref<1x1x1x8x128xf32, #tpu.memory_space<hbm>> -> memref<8x128xf32, #tpu.memory_space<hbm>>
        %dma_wait3A_1034 = arith.constant 0 : i32
        %dma_wait3A_1035 = arith.constant 0 : i32
        %dma_wait3A_1036 = tpu.memref_slice %arg5[%dma_wait3A_1024, %dma_wait3A_1025, %dma_wait3A_1026, %dma_wait3A_1034, %dma_wait3A_1035] : memref<200x8x32x8x128xf32, #tpu.memory_space<hbm>> -> memref<1x1x1x8x128xf32, #tpu.memory_space<hbm>>
        %dma_wait3A_1037 = tpu.memref_squeeze %dma_wait3A_1036 : memref<1x1x1x8x128xf32, #tpu.memory_space<hbm>> -> memref<8x128xf32, #tpu.memory_space<hbm>>
        %dma_wait3A_1038 = arith.constant 24 : i32
        %dma_wait3A_1039 = arith.constant 0 : i32
        %dma_wait3A_1040 = tpu.memref_slice %arg13[%dma_wait3A_1038, %dma_wait3A_1039] : memref<64x129xf32, #tpu.memory_space<vmem>> -> memref<8x128xf32, #tpu.memory_space<vmem>>
        tpu.wait_dma2 semaphore(%arg19 : memref<!tpu.dma_semaphore, #tpu.memory_space<semaphore_mem>>) src(%dma_wait3A_1040 : memref<8x128xf32, #tpu.memory_space<vmem>>) dst(%dma_wait3A_1037 : memref<8x128xf32, #tpu.memory_space<hbm>>)
        %dma_wait3A_1041 = arith.constant 0 : i32
        %dma_wait3A_1042 = arith.constant 4 : i32
        %dma_wait3A_1043 = arith.constant 0 : i32
        %dma_wait3A_1044 = arith.constant 32 : i32
        %dma_wait3A_1045 = arith.constant 0 : i32
        %dma_wait3A_1046 = tpu.memref_slice %arg13[%dma_wait3A_1044, %dma_wait3A_1045] : memref<64x129xf32, #tpu.memory_space<vmem>> -> memref<8x128xf32, #tpu.memory_space<vmem>>
        %dma_wait3A_1047 = arith.constant 0 : i32
        %dma_wait3A_1048 = arith.constant 0 : i32
        %dma_wait3A_1049 = tpu.memref_slice %arg5[%dma_wait3A_1041, %dma_wait3A_1042, %dma_wait3A_1043, %dma_wait3A_1047, %dma_wait3A_1048] : memref<200x8x32x8x128xf32, #tpu.memory_space<hbm>> -> memref<1x1x1x8x128xf32, #tpu.memory_space<hbm>>
        %dma_wait3A_1050 = tpu.memref_squeeze %dma_wait3A_1049 : memref<1x1x1x8x128xf32, #tpu.memory_space<hbm>> -> memref<8x128xf32, #tpu.memory_space<hbm>>
        %dma_wait3A_1051 = arith.constant 0 : i32
        %dma_wait3A_1052 = arith.constant 0 : i32
        %dma_wait3A_1053 = tpu.memref_slice %arg5[%dma_wait3A_1041, %dma_wait3A_1042, %dma_wait3A_1043, %dma_wait3A_1051, %dma_wait3A_1052] : memref<200x8x32x8x128xf32, #tpu.memory_space<hbm>> -> memref<1x1x1x8x128xf32, #tpu.memory_space<hbm>>
        %dma_wait3A_1054 = tpu.memref_squeeze %dma_wait3A_1053 : memref<1x1x1x8x128xf32, #tpu.memory_space<hbm>> -> memref<8x128xf32, #tpu.memory_space<hbm>>
        %dma_wait3A_1055 = arith.constant 32 : i32
        %dma_wait3A_1056 = arith.constant 0 : i32
        %dma_wait3A_1057 = tpu.memref_slice %arg13[%dma_wait3A_1055, %dma_wait3A_1056] : memref<64x129xf32, #tpu.memory_space<vmem>> -> memref<8x128xf32, #tpu.memory_space<vmem>>
        tpu.wait_dma2 semaphore(%arg19 : memref<!tpu.dma_semaphore, #tpu.memory_space<semaphore_mem>>) src(%dma_wait3A_1057 : memref<8x128xf32, #tpu.memory_space<vmem>>) dst(%dma_wait3A_1054 : memref<8x128xf32, #tpu.memory_space<hbm>>)
        %dma_wait3A_1058 = arith.constant 0 : i32
        %dma_wait3A_1059 = arith.constant 5 : i32
        %dma_wait3A_1060 = arith.constant 0 : i32
        %dma_wait3A_1061 = arith.constant 40 : i32
        %dma_wait3A_1062 = arith.constant 0 : i32
        %dma_wait3A_1063 = tpu.memref_slice %arg13[%dma_wait3A_1061, %dma_wait3A_1062] : memref<64x129xf32, #tpu.memory_space<vmem>> -> memref<8x128xf32, #tpu.memory_space<vmem>>
        %dma_wait3A_1064 = arith.constant 0 : i32
        %dma_wait3A_1065 = arith.constant 0 : i32
        %dma_wait3A_1066 = tpu.memref_slice %arg5[%dma_wait3A_1058, %dma_wait3A_1059, %dma_wait3A_1060, %dma_wait3A_1064, %dma_wait3A_1065] : memref<200x8x32x8x128xf32, #tpu.memory_space<hbm>> -> memref<1x1x1x8x128xf32, #tpu.memory_space<hbm>>
        %dma_wait3A_1067 = tpu.memref_squeeze %dma_wait3A_1066 : memref<1x1x1x8x128xf32, #tpu.memory_space<hbm>> -> memref<8x128xf32, #tpu.memory_space<hbm>>
        %dma_wait3A_1068 = arith.constant 0 : i32
        %dma_wait3A_1069 = arith.constant 0 : i32
        %dma_wait3A_1070 = tpu.memref_slice %arg5[%dma_wait3A_1058, %dma_wait3A_1059, %dma_wait3A_1060, %dma_wait3A_1068, %dma_wait3A_1069] : memref<200x8x32x8x128xf32, #tpu.memory_space<hbm>> -> memref<1x1x1x8x128xf32, #tpu.memory_space<hbm>>
        %dma_wait3A_1071 = tpu.memref_squeeze %dma_wait3A_1070 : memref<1x1x1x8x128xf32, #tpu.memory_space<hbm>> -> memref<8x128xf32, #tpu.memory_space<hbm>>
        %dma_wait3A_1072 = arith.constant 40 : i32
        %dma_wait3A_1073 = arith.constant 0 : i32
        %dma_wait3A_1074 = tpu.memref_slice %arg13[%dma_wait3A_1072, %dma_wait3A_1073] : memref<64x129xf32, #tpu.memory_space<vmem>> -> memref<8x128xf32, #tpu.memory_space<vmem>>
        tpu.wait_dma2 semaphore(%arg19 : memref<!tpu.dma_semaphore, #tpu.memory_space<semaphore_mem>>) src(%dma_wait3A_1074 : memref<8x128xf32, #tpu.memory_space<vmem>>) dst(%dma_wait3A_1071 : memref<8x128xf32, #tpu.memory_space<hbm>>)
        %dma_wait3A_1075 = arith.constant 0 : i32
        %dma_wait3A_1076 = arith.constant 6 : i32
        %dma_wait3A_1077 = arith.constant 0 : i32
        %dma_wait3A_1078 = arith.constant 48 : i32
        %dma_wait3A_1079 = arith.constant 0 : i32
        %dma_wait3A_1080 = tpu.memref_slice %arg13[%dma_wait3A_1078, %dma_wait3A_1079] : memref<64x129xf32, #tpu.memory_space<vmem>> -> memref<8x128xf32, #tpu.memory_space<vmem>>
        %dma_wait3A_1081 = arith.constant 0 : i32
        %dma_wait3A_1082 = arith.constant 0 : i32
        %dma_wait3A_1083 = tpu.memref_slice %arg5[%dma_wait3A_1075, %dma_wait3A_1076, %dma_wait3A_1077, %dma_wait3A_1081, %dma_wait3A_1082] : memref<200x8x32x8x128xf32, #tpu.memory_space<hbm>> -> memref<1x1x1x8x128xf32, #tpu.memory_space<hbm>>
        %dma_wait3A_1084 = tpu.memref_squeeze %dma_wait3A_1083 : memref<1x1x1x8x128xf32, #tpu.memory_space<hbm>> -> memref<8x128xf32, #tpu.memory_space<hbm>>
        %dma_wait3A_1085 = arith.constant 0 : i32
        %dma_wait3A_1086 = arith.constant 0 : i32
        %dma_wait3A_1087 = tpu.memref_slice %arg5[%dma_wait3A_1075, %dma_wait3A_1076, %dma_wait3A_1077, %dma_wait3A_1085, %dma_wait3A_1086] : memref<200x8x32x8x128xf32, #tpu.memory_space<hbm>> -> memref<1x1x1x8x128xf32, #tpu.memory_space<hbm>>
        %dma_wait3A_1088 = tpu.memref_squeeze %dma_wait3A_1087 : memref<1x1x1x8x128xf32, #tpu.memory_space<hbm>> -> memref<8x128xf32, #tpu.memory_space<hbm>>
        %dma_wait3A_1089 = arith.constant 48 : i32
        %dma_wait3A_1090 = arith.constant 0 : i32
        %dma_wait3A_1091 = tpu.memref_slice %arg13[%dma_wait3A_1089, %dma_wait3A_1090] : memref<64x129xf32, #tpu.memory_space<vmem>> -> memref<8x128xf32, #tpu.memory_space<vmem>>
        tpu.wait_dma2 semaphore(%arg19 : memref<!tpu.dma_semaphore, #tpu.memory_space<semaphore_mem>>) src(%dma_wait3A_1091 : memref<8x128xf32, #tpu.memory_space<vmem>>) dst(%dma_wait3A_1088 : memref<8x128xf32, #tpu.memory_space<hbm>>)
        %dma_wait3A_1092 = arith.constant 0 : i32
        %dma_wait3A_1093 = arith.constant 7 : i32
        %dma_wait3A_1094 = arith.constant 0 : i32
        %dma_wait3A_1095 = arith.constant 56 : i32
        %dma_wait3A_1096 = arith.constant 0 : i32
        %dma_wait3A_1097 = tpu.memref_slice %arg13[%dma_wait3A_1095, %dma_wait3A_1096] : memref<64x129xf32, #tpu.memory_space<vmem>> -> memref<8x128xf32, #tpu.memory_space<vmem>>
        %dma_wait3A_1098 = arith.constant 0 : i32
        %dma_wait3A_1099 = arith.constant 0 : i32
        %dma_wait3A_1100 = tpu.memref_slice %arg5[%dma_wait3A_1092, %dma_wait3A_1093, %dma_wait3A_1094, %dma_wait3A_1098, %dma_wait3A_1099] : memref<200x8x32x8x128xf32, #tpu.memory_space<hbm>> -> memref<1x1x1x8x128xf32, #tpu.memory_space<hbm>>
        %dma_wait3A_1101 = tpu.memref_squeeze %dma_wait3A_1100 : memref<1x1x1x8x128xf32, #tpu.memory_space<hbm>> -> memref<8x128xf32, #tpu.memory_space<hbm>>
        %dma_wait3A_1102 = arith.constant 0 : i32
        %dma_wait3A_1103 = arith.constant 0 : i32
        %dma_wait3A_1104 = tpu.memref_slice %arg5[%dma_wait3A_1092, %dma_wait3A_1093, %dma_wait3A_1094, %dma_wait3A_1102, %dma_wait3A_1103] : memref<200x8x32x8x128xf32, #tpu.memory_space<hbm>> -> memref<1x1x1x8x128xf32, #tpu.memory_space<hbm>>
        %dma_wait3A_1105 = tpu.memref_squeeze %dma_wait3A_1104 : memref<1x1x1x8x128xf32, #tpu.memory_space<hbm>> -> memref<8x128xf32, #tpu.memory_space<hbm>>
        %dma_wait3A_1106 = arith.constant 56 : i32
        %dma_wait3A_1107 = arith.constant 0 : i32
        %dma_wait3A_1108 = tpu.memref_slice %arg13[%dma_wait3A_1106, %dma_wait3A_1107] : memref<64x129xf32, #tpu.memory_space<vmem>> -> memref<8x128xf32, #tpu.memory_space<vmem>>
        tpu.wait_dma2 semaphore(%arg19 : memref<!tpu.dma_semaphore, #tpu.memory_space<semaphore_mem>>) src(%dma_wait3A_1108 : memref<8x128xf32, #tpu.memory_space<vmem>>) dst(%dma_wait3A_1105 : memref<8x128xf32, #tpu.memory_space<hbm>>)
      } else {
      }
      %get3A_826 = arith.index_cast %add3A_807 : i32 to index
      %get3A_827 = arith.constant 0 : index
      %get3A_828 = tpu.vector_load %arg7[%get3A_826, %get3A_827] {strides = array<i32>} : memref<200x64xf32, #tpu.memory_space<vmem>>, vector<16xf32>,
      %get3A_829 = arith.index_cast %add3A_807 : i32 to index
      %get3A_830 = arith.constant 16 : index
      %get3A_831 = tpu.vector_load %arg7[%get3A_829, %get3A_830] {strides = array<i32>} : memref<200x64xf32, #tpu.memory_space<vmem>>, vector<16xf32>,
      %get3A_832 = arith.index_cast %add3A_807 : i32 to index
      %get3A_833 = arith.constant 32 : index
      %get3A_834 = tpu.vector_load %arg7[%get3A_832, %get3A_833] {strides = array<i32>} : memref<200x64xf32, #tpu.memory_space<vmem>>, vector<16xf32>,
      %get3A_835 = arith.index_cast %add3A_807 : i32 to index
      %get3A_836 = arith.constant 48 : index
      %get3A_837 = tpu.vector_load %arg7[%get3A_835, %get3A_836] {strides = array<i32>} : memref<200x64xf32, #tpu.memory_space<vmem>>, vector<16xf32>,
      %add3A_838 = arith.constant 0 : i32
      %add3A_839 = vector.broadcast %add3A_838 : i32 to vector<16xi32>
      %add3A_840 = arith.addi %iota3A, %add3A_839 : vector<16xi32>
      %add3A_841 = arith.constant 16 : i32
      %add3A_842 = vector.broadcast %add3A_841 : i32 to vector<16xi32>
      %add3A_843 = arith.addi %iota3A, %add3A_842 : vector<16xi32>
      %add3A_844 = arith.constant 32 : i32
      %add3A_845 = vector.broadcast %add3A_844 : i32 to vector<16xi32>
      %add3A_846 = arith.addi %iota3A, %add3A_845 : vector<16xi32>
      %add3A_847 = arith.constant 48 : i32
      %add3A_848 = vector.broadcast %add3A_847 : i32 to vector<16xi32>
      %add3A_849 = arith.addi %iota3A, %add3A_848 : vector<16xi32>
      %parallel_loop3A_850 = arith.constant 0 : i32
      %parallel_loop3A_851 = arith.constant 128 : i32
      %parallel_loop3A_852 = arith.constant 1 : i32
      scf.for %parallel_loop3A_973 = %parallel_loop3A_850 to %parallel_loop3A_851 step %parallel_loop3A_852  : i32 {
        %parallel_loop3A_974 = vector.broadcast %parallel_loop3A_973 : i32 to vector<16xi32>
        %parallel_loop3A_975 = arith.index_cast %parallel_loop3A_973 : i32 to index
        %parallel_loop3A_976 = arith.constant 0 : index
        %parallel_loop3A_977 = tpu.vector_load %arg11[%parallel_loop3A_975, %parallel_loop3A_976] {strides = array<i32>} : memref<128x64xf32, #tpu.memory_space<vmem>>, vector<16xf32>,
        %parallel_loop3A_978 = arith.addf %parallel_loop3A_977, %get3A_828 : vector<16xf32>
        tpu.vector_store_idx %arg13[%add3A_840, %parallel_loop3A_974], %parallel_loop3A_978 : memref<64x129xf32, #tpu.memory_space<vmem>>[vector<16xi32>, vector<16xi32>], vector<16xf32>,
        %parallel_loop3A_979 = arith.index_cast %parallel_loop3A_973 : i32 to index
        %parallel_loop3A_980 = arith.constant 16 : index
        %parallel_loop3A_981 = tpu.vector_load %arg11[%parallel_loop3A_979, %parallel_loop3A_980] {strides = array<i32>} : memref<128x64xf32, #tpu.memory_space<vmem>>, vector<16xf32>,
        %parallel_loop3A_982 = arith.addf %parallel_loop3A_981, %get3A_831 : vector<16xf32>
        tpu.vector_store_idx %arg13[%add3A_843, %parallel_loop3A_974], %parallel_loop3A_982 : memref<64x129xf32, #tpu.memory_space<vmem>>[vector<16xi32>, vector<16xi32>], vector<16xf32>,
        %parallel_loop3A_983 = arith.index_cast %parallel_loop3A_973 : i32 to index
        %parallel_loop3A_984 = arith.constant 32 : index
        %parallel_loop3A_985 = tpu.vector_load %arg11[%parallel_loop3A_983, %parallel_loop3A_984] {strides = array<i32>} : memref<128x64xf32, #tpu.memory_space<vmem>>, vector<16xf32>,
        %parallel_loop3A_986 = arith.addf %parallel_loop3A_985, %get3A_834 : vector<16xf32>
        tpu.vector_store_idx %arg13[%add3A_846, %parallel_loop3A_974], %parallel_loop3A_986 : memref<64x129xf32, #tpu.memory_space<vmem>>[vector<16xi32>, vector<16xi32>], vector<16xf32>,
        %parallel_loop3A_987 = arith.index_cast %parallel_loop3A_973 : i32 to index
        %parallel_loop3A_988 = arith.constant 48 : index
        %parallel_loop3A_989 = tpu.vector_load %arg11[%parallel_loop3A_987, %parallel_loop3A_988] {strides = array<i32>} : memref<128x64xf32, #tpu.memory_space<vmem>>, vector<16xf32>,
        %parallel_loop3A_990 = arith.addf %parallel_loop3A_989, %get3A_837 : vector<16xf32>
        tpu.vector_store_idx %arg13[%add3A_849, %parallel_loop3A_974], %parallel_loop3A_990 : memref<64x129xf32, #tpu.memory_space<vmem>>[vector<16xi32>, vector<16xi32>], vector<16xf32>,
      } {sc.loop_unroll_factor = 4 : i64, sc.parallel_access}
      %dma_start3A_853 = arith.constant 0 : i32
      %dma_start3A_854 = arith.constant 0 : i32
      %dma_start3A_855 = arith.constant 0 : i32
      %dma_start3A_856 = tpu.memref_slice %arg13[%dma_start3A_854, %dma_start3A_855] : memref<64x129xf32, #tpu.memory_space<vmem>> -> memref<8x128xf32, #tpu.memory_space<vmem>>
      %dma_start3A_857 = arith.constant 0 : i32
      %dma_start3A_858 = arith.constant 0 : i32
      %dma_start3A_859 = tpu.memref_slice %arg5[%add3A_807, %dma_start3A_853, %add3A, %dma_start3A_857, %dma_start3A_858] : memref<200x8x32x8x128xf32, #tpu.memory_space<hbm>> -> memref<1x1x1x8x128xf32, #tpu.memory_space<hbm>>
      %dma_start3A_860 = tpu.memref_squeeze %dma_start3A_859 : memref<1x1x1x8x128xf32, #tpu.memory_space<hbm>> -> memref<8x128xf32, #tpu.memory_space<hbm>>
      %dma_start3A_861 = arith.constant 0 : i32
      %dma_start3A_862 = arith.constant 0 : i32
      %dma_start3A_863 = tpu.memref_slice %arg5[%add3A_807, %dma_start3A_853, %add3A, %dma_start3A_861, %dma_start3A_862] : memref<200x8x32x8x128xf32, #tpu.memory_space<hbm>> -> memref<1x1x1x8x128xf32, #tpu.memory_space<hbm>>
      %dma_start3A_864 = tpu.memref_squeeze %dma_start3A_863 : memref<1x1x1x8x128xf32, #tpu.memory_space<hbm>> -> memref<8x128xf32, #tpu.memory_space<hbm>>
      %dma_start3A_865 = arith.constant 0 : i32
      %dma_start3A_866 = arith.constant 0 : i32
      %dma_start3A_867 = tpu.memref_slice %arg13[%dma_start3A_865, %dma_start3A_866] : memref<64x129xf32, #tpu.memory_space<vmem>> -> memref<8x128xf32, #tpu.memory_space<vmem>>
      tpu.enqueue_dma source(%dma_start3A_867 : memref<8x128xf32, #tpu.memory_space<vmem>>) target(%dma_start3A_864 : memref<8x128xf32, #tpu.memory_space<hbm>>) target_semaphore(%arg19 : memref<!tpu.dma_semaphore, #tpu.memory_space<semaphore_mem>>)
      %dma_start3A_868 = arith.constant 1 : i32
      %dma_start3A_869 = arith.constant 8 : i32
      %dma_start3A_870 = arith.constant 0 : i32
      %dma_start3A_871 = tpu.memref_slice %arg13[%dma_start3A_869, %dma_start3A_870] : memref<64x129xf32, #tpu.memory_space<vmem>> -> memref<8x128xf32, #tpu.memory_space<vmem>>
      %dma_start3A_872 = arith.constant 0 : i32
      %dma_start3A_873 = arith.constant 0 : i32
      %dma_start3A_874 = tpu.memref_slice %arg5[%add3A_807, %dma_start3A_868, %add3A, %dma_start3A_872, %dma_start3A_873] : memref<200x8x32x8x128xf32, #tpu.memory_space<hbm>> -> memref<1x1x1x8x128xf32, #tpu.memory_space<hbm>>
      %dma_start3A_875 = tpu.memref_squeeze %dma_start3A_874 : memref<1x1x1x8x128xf32, #tpu.memory_space<hbm>> -> memref<8x128xf32, #tpu.memory_space<hbm>>
      %dma_start3A_876 = arith.constant 0 : i32
      %dma_start3A_877 = arith.constant 0 : i32
      %dma_start3A_878 = tpu.memref_slice %arg5[%add3A_807, %dma_start3A_868, %add3A, %dma_start3A_876, %dma_start3A_877] : memref<200x8x32x8x128xf32, #tpu.memory_space<hbm>> -> memref<1x1x1x8x128xf32, #tpu.memory_space<hbm>>
      %dma_start3A_879 = tpu.memref_squeeze %dma_start3A_878 : memref<1x1x1x8x128xf32, #tpu.memory_space<hbm>> -> memref<8x128xf32, #tpu.memory_space<hbm>>
      %dma_start3A_880 = arith.constant 8 : i32
      %dma_start3A_881 = arith.constant 0 : i32
      %dma_start3A_882 = tpu.memref_slice %arg13[%dma_start3A_880, %dma_start3A_881] : memref<64x129xf32, #tpu.memory_space<vmem>> -> memref<8x128xf32, #tpu.memory_space<vmem>>
      tpu.enqueue_dma source(%dma_start3A_882 : memref<8x128xf32, #tpu.memory_space<vmem>>) target(%dma_start3A_879 : memref<8x128xf32, #tpu.memory_space<hbm>>) target_semaphore(%arg19 : memref<!tpu.dma_semaphore, #tpu.memory_space<semaphore_mem>>)
      %dma_start3A_883 = arith.constant 2 : i32
      %dma_start3A_884 = arith.constant 16 : i32
      %dma_start3A_885 = arith.constant 0 : i32
      %dma_start3A_886 = tpu.memref_slice %arg13[%dma_start3A_884, %dma_start3A_885] : memref<64x129xf32, #tpu.memory_space<vmem>> -> memref<8x128xf32, #tpu.memory_space<vmem>>
      %dma_start3A_887 = arith.constant 0 : i32
      %dma_start3A_888 = arith.constant 0 : i32
      %dma_start3A_889 = tpu.memref_slice %arg5[%add3A_807, %dma_start3A_883, %add3A, %dma_start3A_887, %dma_start3A_888] : memref<200x8x32x8x128xf32, #tpu.memory_space<hbm>> -> memref<1x1x1x8x128xf32, #tpu.memory_space<hbm>>
      %dma_start3A_890 = tpu.memref_squeeze %dma_start3A_889 : memref<1x1x1x8x128xf32, #tpu.memory_space<hbm>> -> memref<8x128xf32, #tpu.memory_space<hbm>>
      %dma_start3A_891 = arith.constant 0 : i32
      %dma_start3A_892 = arith.constant 0 : i32
      %dma_start3A_893 = tpu.memref_slice %arg5[%add3A_807, %dma_start3A_883, %add3A, %dma_start3A_891, %dma_start3A_892] : memref<200x8x32x8x128xf32, #tpu.memory_space<hbm>> -> memref<1x1x1x8x128xf32, #tpu.memory_space<hbm>>
      %dma_start3A_894 = tpu.memref_squeeze %dma_start3A_893 : memref<1x1x1x8x128xf32, #tpu.memory_space<hbm>> -> memref<8x128xf32, #tpu.memory_space<hbm>>
      %dma_start3A_895 = arith.constant 16 : i32
      %dma_start3A_896 = arith.constant 0 : i32
      %dma_start3A_897 = tpu.memref_slice %arg13[%dma_start3A_895, %dma_start3A_896] : memref<64x129xf32, #tpu.memory_space<vmem>> -> memref<8x128xf32, #tpu.memory_space<vmem>>
      tpu.enqueue_dma source(%dma_start3A_897 : memref<8x128xf32, #tpu.memory_space<vmem>>) target(%dma_start3A_894 : memref<8x128xf32, #tpu.memory_space<hbm>>) target_semaphore(%arg19 : memref<!tpu.dma_semaphore, #tpu.memory_space<semaphore_mem>>)
      %dma_start3A_898 = arith.constant 3 : i32
      %dma_start3A_899 = arith.constant 24 : i32
      %dma_start3A_900 = arith.constant 0 : i32
      %dma_start3A_901 = tpu.memref_slice %arg13[%dma_start3A_899, %dma_start3A_900] : memref<64x129xf32, #tpu.memory_space<vmem>> -> memref<8x128xf32, #tpu.memory_space<vmem>>
      %dma_start3A_902 = arith.constant 0 : i32
      %dma_start3A_903 = arith.constant 0 : i32
      %dma_start3A_904 = tpu.memref_slice %arg5[%add3A_807, %dma_start3A_898, %add3A, %dma_start3A_902, %dma_start3A_903] : memref<200x8x32x8x128xf32, #tpu.memory_space<hbm>> -> memref<1x1x1x8x128xf32, #tpu.memory_space<hbm>>
      %dma_start3A_905 = tpu.memref_squeeze %dma_start3A_904 : memref<1x1x1x8x128xf32, #tpu.memory_space<hbm>> -> memref<8x128xf32, #tpu.memory_space<hbm>>
      %dma_start3A_906 = arith.constant 0 : i32
      %dma_start3A_907 = arith.constant 0 : i32
      %dma_start3A_908 = tpu.memref_slice %arg5[%add3A_807, %dma_start3A_898, %add3A, %dma_start3A_906, %dma_start3A_907] : memref<200x8x32x8x128xf32, #tpu.memory_space<hbm>> -> memref<1x1x1x8x128xf32, #tpu.memory_space<hbm>>
      %dma_start3A_909 = tpu.memref_squeeze %dma_start3A_908 : memref<1x1x1x8x128xf32, #tpu.memory_space<hbm>> -> memref<8x128xf32, #tpu.memory_space<hbm>>
      %dma_start3A_910 = arith.constant 24 : i32
      %dma_start3A_911 = arith.constant 0 : i32
      %dma_start3A_912 = tpu.memref_slice %arg13[%dma_start3A_910, %dma_start3A_911] : memref<64x129xf32, #tpu.memory_space<vmem>> -> memref<8x128xf32, #tpu.memory_space<vmem>>
      tpu.enqueue_dma source(%dma_start3A_912 : memref<8x128xf32, #tpu.memory_space<vmem>>) target(%dma_start3A_909 : memref<8x128xf32, #tpu.memory_space<hbm>>) target_semaphore(%arg19 : memref<!tpu.dma_semaphore, #tpu.memory_space<semaphore_mem>>)
      %dma_start3A_913 = arith.constant 4 : i32
      %dma_start3A_914 = arith.constant 32 : i32
      %dma_start3A_915 = arith.constant 0 : i32
      %dma_start3A_916 = tpu.memref_slice %arg13[%dma_start3A_914, %dma_start3A_915] : memref<64x129xf32, #tpu.memory_space<vmem>> -> memref<8x128xf32, #tpu.memory_space<vmem>>
      %dma_start3A_917 = arith.constant 0 : i32
      %dma_start3A_918 = arith.constant 0 : i32
      %dma_start3A_919 = tpu.memref_slice %arg5[%add3A_807, %dma_start3A_913, %add3A, %dma_start3A_917, %dma_start3A_918] : memref<200x8x32x8x128xf32, #tpu.memory_space<hbm>> -> memref<1x1x1x8x128xf32, #tpu.memory_space<hbm>>
      %dma_start3A_920 = tpu.memref_squeeze %dma_start3A_919 : memref<1x1x1x8x128xf32, #tpu.memory_space<hbm>> -> memref<8x128xf32, #tpu.memory_space<hbm>>
      %dma_start3A_921 = arith.constant 0 : i32
      %dma_start3A_922 = arith.constant 0 : i32
      %dma_start3A_923 = tpu.memref_slice %arg5[%add3A_807, %dma_start3A_913, %add3A, %dma_start3A_921, %dma_start3A_922] : memref<200x8x32x8x128xf32, #tpu.memory_space<hbm>> -> memref<1x1x1x8x128xf32, #tpu.memory_space<hbm>>
      %dma_start3A_924 = tpu.memref_squeeze %dma_start3A_923 : memref<1x1x1x8x128xf32, #tpu.memory_space<hbm>> -> memref<8x128xf32, #tpu.memory_space<hbm>>
      %dma_start3A_925 = arith.constant 32 : i32
      %dma_start3A_926 = arith.constant 0 : i32
      %dma_start3A_927 = tpu.memref_slice %arg13[%dma_start3A_925, %dma_start3A_926] : memref<64x129xf32, #tpu.memory_space<vmem>> -> memref<8x128xf32, #tpu.memory_space<vmem>>
      tpu.enqueue_dma source(%dma_start3A_927 : memref<8x128xf32, #tpu.memory_space<vmem>>) target(%dma_start3A_924 : memref<8x128xf32, #tpu.memory_space<hbm>>) target_semaphore(%arg19 : memref<!tpu.dma_semaphore, #tpu.memory_space<semaphore_mem>>)
      %dma_start3A_928 = arith.constant 5 : i32
      %dma_start3A_929 = arith.constant 40 : i32
      %dma_start3A_930 = arith.constant 0 : i32
      %dma_start3A_931 = tpu.memref_slice %arg13[%dma_start3A_929, %dma_start3A_930] : memref<64x129xf32, #tpu.memory_space<vmem>> -> memref<8x128xf32, #tpu.memory_space<vmem>>
      %dma_start3A_932 = arith.constant 0 : i32
      %dma_start3A_933 = arith.constant 0 : i32
      %dma_start3A_934 = tpu.memref_slice %arg5[%add3A_807, %dma_start3A_928, %add3A, %dma_start3A_932, %dma_start3A_933] : memref<200x8x32x8x128xf32, #tpu.memory_space<hbm>> -> memref<1x1x1x8x128xf32, #tpu.memory_space<hbm>>
      %dma_start3A_935 = tpu.memref_squeeze %dma_start3A_934 : memref<1x1x1x8x128xf32, #tpu.memory_space<hbm>> -> memref<8x128xf32, #tpu.memory_space<hbm>>
      %dma_start3A_936 = arith.constant 0 : i32
      %dma_start3A_937 = arith.constant 0 : i32
      %dma_start3A_938 = tpu.memref_slice %arg5[%add3A_807, %dma_start3A_928, %add3A, %dma_start3A_936, %dma_start3A_937] : memref<200x8x32x8x128xf32, #tpu.memory_space<hbm>> -> memref<1x1x1x8x128xf32, #tpu.memory_space<hbm>>
      %dma_start3A_939 = tpu.memref_squeeze %dma_start3A_938 : memref<1x1x1x8x128xf32, #tpu.memory_space<hbm>> -> memref<8x128xf32, #tpu.memory_space<hbm>>
      %dma_start3A_940 = arith.constant 40 : i32
      %dma_start3A_941 = arith.constant 0 : i32
      %dma_start3A_942 = tpu.memref_slice %arg13[%dma_start3A_940, %dma_start3A_941] : memref<64x129xf32, #tpu.memory_space<vmem>> -> memref<8x128xf32, #tpu.memory_space<vmem>>
      tpu.enqueue_dma source(%dma_start3A_942 : memref<8x128xf32, #tpu.memory_space<vmem>>) target(%dma_start3A_939 : memref<8x128xf32, #tpu.memory_space<hbm>>) target_semaphore(%arg19 : memref<!tpu.dma_semaphore, #tpu.memory_space<semaphore_mem>>)
      %dma_start3A_943 = arith.constant 6 : i32
      %dma_start3A_944 = arith.constant 48 : i32
      %dma_start3A_945 = arith.constant 0 : i32
      %dma_start3A_946 = tpu.memref_slice %arg13[%dma_start3A_944, %dma_start3A_945] : memref<64x129xf32, #tpu.memory_space<vmem>> -> memref<8x128xf32, #tpu.memory_space<vmem>>
      %dma_start3A_947 = arith.constant 0 : i32
      %dma_start3A_948 = arith.constant 0 : i32
      %dma_start3A_949 = tpu.memref_slice %arg5[%add3A_807, %dma_start3A_943, %add3A, %dma_start3A_947, %dma_start3A_948] : memref<200x8x32x8x128xf32, #tpu.memory_space<hbm>> -> memref<1x1x1x8x128xf32, #tpu.memory_space<hbm>>
      %dma_start3A_950 = tpu.memref_squeeze %dma_start3A_949 : memref<1x1x1x8x128xf32, #tpu.memory_space<hbm>> -> memref<8x128xf32, #tpu.memory_space<hbm>>
      %dma_start3A_951 = arith.constant 0 : i32
      %dma_start3A_952 = arith.constant 0 : i32
      %dma_start3A_953 = tpu.memref_slice %arg5[%add3A_807, %dma_start3A_943, %add3A, %dma_start3A_951, %dma_start3A_952] : memref<200x8x32x8x128xf32, #tpu.memory_space<hbm>> -> memref<1x1x1x8x128xf32, #tpu.memory_space<hbm>>
      %dma_start3A_954 = tpu.memref_squeeze %dma_start3A_953 : memref<1x1x1x8x128xf32, #tpu.memory_space<hbm>> -> memref<8x128xf32, #tpu.memory_space<hbm>>
      %dma_start3A_955 = arith.constant 48 : i32
      %dma_start3A_956 = arith.constant 0 : i32
      %dma_start3A_957 = tpu.memref_slice %arg13[%dma_start3A_955, %dma_start3A_956] : memref<64x129xf32, #tpu.memory_space<vmem>> -> memref<8x128xf32, #tpu.memory_space<vmem>>
      tpu.enqueue_dma source(%dma_start3A_957 : memref<8x128xf32, #tpu.memory_space<vmem>>) target(%dma_start3A_954 : memref<8x128xf32, #tpu.memory_space<hbm>>) target_semaphore(%arg19 : memref<!tpu.dma_semaphore, #tpu.memory_space<semaphore_mem>>)
      %dma_start3A_958 = arith.constant 7 : i32
      %dma_start3A_959 = arith.constant 56 : i32
      %dma_start3A_960 = arith.constant 0 : i32
      %dma_start3A_961 = tpu.memref_slice %arg13[%dma_start3A_959, %dma_start3A_960] : memref<64x129xf32, #tpu.memory_space<vmem>> -> memref<8x128xf32, #tpu.memory_space<vmem>>
      %dma_start3A_962 = arith.constant 0 : i32
      %dma_start3A_963 = arith.constant 0 : i32
      %dma_start3A_964 = tpu.memref_slice %arg5[%add3A_807, %dma_start3A_958, %add3A, %dma_start3A_962, %dma_start3A_963] : memref<200x8x32x8x128xf32, #tpu.memory_space<hbm>> -> memref<1x1x1x8x128xf32, #tpu.memory_space<hbm>>
      %dma_start3A_965 = tpu.memref_squeeze %dma_start3A_964 : memref<1x1x1x8x128xf32, #tpu.memory_space<hbm>> -> memref<8x128xf32, #tpu.memory_space<hbm>>
      %dma_start3A_966 = arith.constant 0 : i32
      %dma_start3A_967 = arith.constant 0 : i32
      %dma_start3A_968 = tpu.memref_slice %arg5[%add3A_807, %dma_start3A_958, %add3A, %dma_start3A_966, %dma_start3A_967] : memref<200x8x32x8x128xf32, #tpu.memory_space<hbm>> -> memref<1x1x1x8x128xf32, #tpu.memory_space<hbm>>
      %dma_start3A_969 = tpu.memref_squeeze %dma_start3A_968 : memref<1x1x1x8x128xf32, #tpu.memory_space<hbm>> -> memref<8x128xf32, #tpu.memory_space<hbm>>
      %dma_start3A_970 = arith.constant 56 : i32
      %dma_start3A_971 = arith.constant 0 : i32
      %dma_start3A_972 = tpu.memref_slice %arg13[%dma_start3A_970, %dma_start3A_971] : memref<64x129xf32, #tpu.memory_space<vmem>> -> memref<8x128xf32, #tpu.memory_space<vmem>>
      tpu.enqueue_dma source(%dma_start3A_972 : memref<8x128xf32, #tpu.memory_space<vmem>>) target(%dma_start3A_969 : memref<8x128xf32, #tpu.memory_space<hbm>>) target_semaphore(%arg19 : memref<!tpu.dma_semaphore, #tpu.memory_space<semaphore_mem>>)
    }
    %scan3A_26 = arith.constant 50 : i32
    %dma_wait3A = arith.constant 0 : i32
    %dma_wait3A_27 = arith.constant 0 : i32
    %dma_wait3A_28 = arith.constant 0 : i32
    %dma_wait3A_29 = arith.constant 0 : i32
    %dma_wait3A_30 = arith.constant 0 : i32
    %dma_wait3A_31 = tpu.memref_slice %arg12[%dma_wait3A_29, %dma_wait3A_30] : memref<64x129xf32, #tpu.memory_space<vmem>> -> memref<8x128xf32, #tpu.memory_space<vmem>>
    %dma_wait3A_32 = arith.constant 0 : i32
    %dma_wait3A_33 = arith.constant 0 : i32
    %dma_wait3A_34 = tpu.memref_slice %arg5[%dma_wait3A, %dma_wait3A_27, %dma_wait3A_28, %dma_wait3A_32, %dma_wait3A_33] : memref<200x8x32x8x128xf32, #tpu.memory_space<hbm>> -> memref<1x1x1x8x128xf32, #tpu.memory_space<hbm>>
    %dma_wait3A_35 = tpu.memref_squeeze %dma_wait3A_34 : memref<1x1x1x8x128xf32, #tpu.memory_space<hbm>> -> memref<8x128xf32, #tpu.memory_space<hbm>>
    %dma_wait3A_36 = arith.constant 0 : i32
    %dma_wait3A_37 = arith.constant 0 : i32
    %dma_wait3A_38 = tpu.memref_slice %arg5[%dma_wait3A, %dma_wait3A_27, %dma_wait3A_28, %dma_wait3A_36, %dma_wait3A_37] : memref<200x8x32x8x128xf32, #tpu.memory_space<hbm>> -> memref<1x1x1x8x128xf32, #tpu.memory_space<hbm>>
    %dma_wait3A_39 = tpu.memref_squeeze %dma_wait3A_38 : memref<1x1x1x8x128xf32, #tpu.memory_space<hbm>> -> memref<8x128xf32, #tpu.memory_space<hbm>>
    %dma_wait3A_40 = arith.constant 0 : i32
    %dma_wait3A_41 = arith.constant 0 : i32
    %dma_wait3A_42 = tpu.memref_slice %arg12[%dma_wait3A_40, %dma_wait3A_41] : memref<64x129xf32, #tpu.memory_space<vmem>> -> memref<8x128xf32, #tpu.memory_space<vmem>>
    tpu.wait_dma2 semaphore(%arg18 : memref<!tpu.dma_semaphore, #tpu.memory_space<semaphore_mem>>) src(%dma_wait3A_42 : memref<8x128xf32, #tpu.memory_space<vmem>>) dst(%dma_wait3A_39 : memref<8x128xf32, #tpu.memory_space<hbm>>)
    %dma_wait3A_43 = arith.constant 0 : i32
    %dma_wait3A_44 = arith.constant 1 : i32
    %dma_wait3A_45 = arith.constant 0 : i32
    %dma_wait3A_46 = arith.constant 8 : i32
    %dma_wait3A_47 = arith.constant 0 : i32
    %dma_wait3A_48 = tpu.memref_slice %arg12[%dma_wait3A_46, %dma_wait3A_47] : memref<64x129xf32, #tpu.memory_space<vmem>> -> memref<8x128xf32, #tpu.memory_space<vmem>>
    %dma_wait3A_49 = arith.constant 0 : i32
    %dma_wait3A_50 = arith.constant 0 : i32
    %dma_wait3A_51 = tpu.memref_slice %arg5[%dma_wait3A_43, %dma_wait3A_44, %dma_wait3A_45, %dma_wait3A_49, %dma_wait3A_50] : memref<200x8x32x8x128xf32, #tpu.memory_space<hbm>> -> memref<1x1x1x8x128xf32, #tpu.memory_space<hbm>>
    %dma_wait3A_52 = tpu.memref_squeeze %dma_wait3A_51 : memref<1x1x1x8x128xf32, #tpu.memory_space<hbm>> -> memref<8x128xf32, #tpu.memory_space<hbm>>
    %dma_wait3A_53 = arith.constant 0 : i32
    %dma_wait3A_54 = arith.constant 0 : i32
    %dma_wait3A_55 = tpu.memref_slice %arg5[%dma_wait3A_43, %dma_wait3A_44, %dma_wait3A_45, %dma_wait3A_53, %dma_wait3A_54] : memref<200x8x32x8x128xf32, #tpu.memory_space<hbm>> -> memref<1x1x1x8x128xf32, #tpu.memory_space<hbm>>
    %dma_wait3A_56 = tpu.memref_squeeze %dma_wait3A_55 : memref<1x1x1x8x128xf32, #tpu.memory_space<hbm>> -> memref<8x128xf32, #tpu.memory_space<hbm>>
    %dma_wait3A_57 = arith.constant 8 : i32
    %dma_wait3A_58 = arith.constant 0 : i32
    %dma_wait3A_59 = tpu.memref_slice %arg12[%dma_wait3A_57, %dma_wait3A_58] : memref<64x129xf32, #tpu.memory_space<vmem>> -> memref<8x128xf32, #tpu.memory_space<vmem>>
    tpu.wait_dma2 semaphore(%arg18 : memref<!tpu.dma_semaphore, #tpu.memory_space<semaphore_mem>>) src(%dma_wait3A_59 : memref<8x128xf32, #tpu.memory_space<vmem>>) dst(%dma_wait3A_56 : memref<8x128xf32, #tpu.memory_space<hbm>>)
    %dma_wait3A_60 = arith.constant 0 : i32
    %dma_wait3A_61 = arith.constant 2 : i32
    %dma_wait3A_62 = arith.constant 0 : i32
    %dma_wait3A_63 = arith.constant 16 : i32
    %dma_wait3A_64 = arith.constant 0 : i32
    %dma_wait3A_65 = tpu.memref_slice %arg12[%dma_wait3A_63, %dma_wait3A_64] : memref<64x129xf32, #tpu.memory_space<vmem>> -> memref<8x128xf32, #tpu.memory_space<vmem>>
    %dma_wait3A_66 = arith.constant 0 : i32
    %dma_wait3A_67 = arith.constant 0 : i32
    %dma_wait3A_68 = tpu.memref_slice %arg5[%dma_wait3A_60, %dma_wait3A_61, %dma_wait3A_62, %dma_wait3A_66, %dma_wait3A_67] : memref<200x8x32x8x128xf32, #tpu.memory_space<hbm>> -> memref<1x1x1x8x128xf32, #tpu.memory_space<hbm>>
    %dma_wait3A_69 = tpu.memref_squeeze %dma_wait3A_68 : memref<1x1x1x8x128xf32, #tpu.memory_space<hbm>> -> memref<8x128xf32, #tpu.memory_space<hbm>>
    %dma_wait3A_70 = arith.constant 0 : i32
    %dma_wait3A_71 = arith.constant 0 : i32
    %dma_wait3A_72 = tpu.memref_slice %arg5[%dma_wait3A_60, %dma_wait3A_61, %dma_wait3A_62, %dma_wait3A_70, %dma_wait3A_71] : memref<200x8x32x8x128xf32, #tpu.memory_space<hbm>> -> memref<1x1x1x8x128xf32, #tpu.memory_space<hbm>>
    %dma_wait3A_73 = tpu.memref_squeeze %dma_wait3A_72 : memref<1x1x1x8x128xf32, #tpu.memory_space<hbm>> -> memref<8x128xf32, #tpu.memory_space<hbm>>
    %dma_wait3A_74 = arith.constant 16 : i32
    %dma_wait3A_75 = arith.constant 0 : i32
    %dma_wait3A_76 = tpu.memref_slice %arg12[%dma_wait3A_74, %dma_wait3A_75] : memref<64x129xf32, #tpu.memory_space<vmem>> -> memref<8x128xf32, #tpu.memory_space<vmem>>
    tpu.wait_dma2 semaphore(%arg18 : memref<!tpu.dma_semaphore, #tpu.memory_space<semaphore_mem>>) src(%dma_wait3A_76 : memref<8x128xf32, #tpu.memory_space<vmem>>) dst(%dma_wait3A_73 : memref<8x128xf32, #tpu.memory_space<hbm>>)
    %dma_wait3A_77 = arith.constant 0 : i32
    %dma_wait3A_78 = arith.constant 3 : i32
    %dma_wait3A_79 = arith.constant 0 : i32
    %dma_wait3A_80 = arith.constant 24 : i32
    %dma_wait3A_81 = arith.constant 0 : i32
    %dma_wait3A_82 = tpu.memref_slice %arg12[%dma_wait3A_80, %dma_wait3A_81] : memref<64x129xf32, #tpu.memory_space<vmem>> -> memref<8x128xf32, #tpu.memory_space<vmem>>
    %dma_wait3A_83 = arith.constant 0 : i32
    %dma_wait3A_84 = arith.constant 0 : i32
    %dma_wait3A_85 = tpu.memref_slice %arg5[%dma_wait3A_77, %dma_wait3A_78, %dma_wait3A_79, %dma_wait3A_83, %dma_wait3A_84] : memref<200x8x32x8x128xf32, #tpu.memory_space<hbm>> -> memref<1x1x1x8x128xf32, #tpu.memory_space<hbm>>
    %dma_wait3A_86 = tpu.memref_squeeze %dma_wait3A_85 : memref<1x1x1x8x128xf32, #tpu.memory_space<hbm>> -> memref<8x128xf32, #tpu.memory_space<hbm>>
    %dma_wait3A_87 = arith.constant 0 : i32
    %dma_wait3A_88 = arith.constant 0 : i32
    %dma_wait3A_89 = tpu.memref_slice %arg5[%dma_wait3A_77, %dma_wait3A_78, %dma_wait3A_79, %dma_wait3A_87, %dma_wait3A_88] : memref<200x8x32x8x128xf32, #tpu.memory_space<hbm>> -> memref<1x1x1x8x128xf32, #tpu.memory_space<hbm>>
    %dma_wait3A_90 = tpu.memref_squeeze %dma_wait3A_89 : memref<1x1x1x8x128xf32, #tpu.memory_space<hbm>> -> memref<8x128xf32, #tpu.memory_space<hbm>>
    %dma_wait3A_91 = arith.constant 24 : i32
    %dma_wait3A_92 = arith.constant 0 : i32
    %dma_wait3A_93 = tpu.memref_slice %arg12[%dma_wait3A_91, %dma_wait3A_92] : memref<64x129xf32, #tpu.memory_space<vmem>> -> memref<8x128xf32, #tpu.memory_space<vmem>>
    tpu.wait_dma2 semaphore(%arg18 : memref<!tpu.dma_semaphore, #tpu.memory_space<semaphore_mem>>) src(%dma_wait3A_93 : memref<8x128xf32, #tpu.memory_space<vmem>>) dst(%dma_wait3A_90 : memref<8x128xf32, #tpu.memory_space<hbm>>)
    %dma_wait3A_94 = arith.constant 0 : i32
    %dma_wait3A_95 = arith.constant 4 : i32
    %dma_wait3A_96 = arith.constant 0 : i32
    %dma_wait3A_97 = arith.constant 32 : i32
    %dma_wait3A_98 = arith.constant 0 : i32
    %dma_wait3A_99 = tpu.memref_slice %arg12[%dma_wait3A_97, %dma_wait3A_98] : memref<64x129xf32, #tpu.memory_space<vmem>> -> memref<8x128xf32, #tpu.memory_space<vmem>>
    %dma_wait3A_100 = arith.constant 0 : i32
    %dma_wait3A_101 = arith.constant 0 : i32
    %dma_wait3A_102 = tpu.memref_slice %arg5[%dma_wait3A_94, %dma_wait3A_95, %dma_wait3A_96, %dma_wait3A_100, %dma_wait3A_101] : memref<200x8x32x8x128xf32, #tpu.memory_space<hbm>> -> memref<1x1x1x8x128xf32, #tpu.memory_space<hbm>>
    %dma_wait3A_103 = tpu.memref_squeeze %dma_wait3A_102 : memref<1x1x1x8x128xf32, #tpu.memory_space<hbm>> -> memref<8x128xf32, #tpu.memory_space<hbm>>
    %dma_wait3A_104 = arith.constant 0 : i32
    %dma_wait3A_105 = arith.constant 0 : i32
    %dma_wait3A_106 = tpu.memref_slice %arg5[%dma_wait3A_94, %dma_wait3A_95, %dma_wait3A_96, %dma_wait3A_104, %dma_wait3A_105] : memref<200x8x32x8x128xf32, #tpu.memory_space<hbm>> -> memref<1x1x1x8x128xf32, #tpu.memory_space<hbm>>
    %dma_wait3A_107 = tpu.memref_squeeze %dma_wait3A_106 : memref<1x1x1x8x128xf32, #tpu.memory_space<hbm>> -> memref<8x128xf32, #tpu.memory_space<hbm>>
    %dma_wait3A_108 = arith.constant 32 : i32
    %dma_wait3A_109 = arith.constant 0 : i32
    %dma_wait3A_110 = tpu.memref_slice %arg12[%dma_wait3A_108, %dma_wait3A_109] : memref<64x129xf32, #tpu.memory_space<vmem>> -> memref<8x128xf32, #tpu.memory_space<vmem>>
    tpu.wait_dma2 semaphore(%arg18 : memref<!tpu.dma_semaphore, #tpu.memory_space<semaphore_mem>>) src(%dma_wait3A_110 : memref<8x128xf32, #tpu.memory_space<vmem>>) dst(%dma_wait3A_107 : memref<8x128xf32, #tpu.memory_space<hbm>>)
    %dma_wait3A_111 = arith.constant 0 : i32
    %dma_wait3A_112 = arith.constant 5 : i32
    %dma_wait3A_113 = arith.constant 0 : i32
    %dma_wait3A_114 = arith.constant 40 : i32
    %dma_wait3A_115 = arith.constant 0 : i32
    %dma_wait3A_116 = tpu.memref_slice %arg12[%dma_wait3A_114, %dma_wait3A_115] : memref<64x129xf32, #tpu.memory_space<vmem>> -> memref<8x128xf32, #tpu.memory_space<vmem>>
    %dma_wait3A_117 = arith.constant 0 : i32
    %dma_wait3A_118 = arith.constant 0 : i32
    %dma_wait3A_119 = tpu.memref_slice %arg5[%dma_wait3A_111, %dma_wait3A_112, %dma_wait3A_113, %dma_wait3A_117, %dma_wait3A_118] : memref<200x8x32x8x128xf32, #tpu.memory_space<hbm>> -> memref<1x1x1x8x128xf32, #tpu.memory_space<hbm>>
    %dma_wait3A_120 = tpu.memref_squeeze %dma_wait3A_119 : memref<1x1x1x8x128xf32, #tpu.memory_space<hbm>> -> memref<8x128xf32, #tpu.memory_space<hbm>>
    %dma_wait3A_121 = arith.constant 0 : i32
    %dma_wait3A_122 = arith.constant 0 : i32
    %dma_wait3A_123 = tpu.memref_slice %arg5[%dma_wait3A_111, %dma_wait3A_112, %dma_wait3A_113, %dma_wait3A_121, %dma_wait3A_122] : memref<200x8x32x8x128xf32, #tpu.memory_space<hbm>> -> memref<1x1x1x8x128xf32, #tpu.memory_space<hbm>>
    %dma_wait3A_124 = tpu.memref_squeeze %dma_wait3A_123 : memref<1x1x1x8x128xf32, #tpu.memory_space<hbm>> -> memref<8x128xf32, #tpu.memory_space<hbm>>
    %dma_wait3A_125 = arith.constant 40 : i32
    %dma_wait3A_126 = arith.constant 0 : i32
    %dma_wait3A_127 = tpu.memref_slice %arg12[%dma_wait3A_125, %dma_wait3A_126] : memref<64x129xf32, #tpu.memory_space<vmem>> -> memref<8x128xf32, #tpu.memory_space<vmem>>
    tpu.wait_dma2 semaphore(%arg18 : memref<!tpu.dma_semaphore, #tpu.memory_space<semaphore_mem>>) src(%dma_wait3A_127 : memref<8x128xf32, #tpu.memory_space<vmem>>) dst(%dma_wait3A_124 : memref<8x128xf32, #tpu.memory_space<hbm>>)
    %dma_wait3A_128 = arith.constant 0 : i32
    %dma_wait3A_129 = arith.constant 6 : i32
    %dma_wait3A_130 = arith.constant 0 : i32
    %dma_wait3A_131 = arith.constant 48 : i32
    %dma_wait3A_132 = arith.constant 0 : i32
    %dma_wait3A_133 = tpu.memref_slice %arg12[%dma_wait3A_131, %dma_wait3A_132] : memref<64x129xf32, #tpu.memory_space<vmem>> -> memref<8x128xf32, #tpu.memory_space<vmem>>
    %dma_wait3A_134 = arith.constant 0 : i32
    %dma_wait3A_135 = arith.constant 0 : i32
    %dma_wait3A_136 = tpu.memref_slice %arg5[%dma_wait3A_128, %dma_wait3A_129, %dma_wait3A_130, %dma_wait3A_134, %dma_wait3A_135] : memref<200x8x32x8x128xf32, #tpu.memory_space<hbm>> -> memref<1x1x1x8x128xf32, #tpu.memory_space<hbm>>
    %dma_wait3A_137 = tpu.memref_squeeze %dma_wait3A_136 : memref<1x1x1x8x128xf32, #tpu.memory_space<hbm>> -> memref<8x128xf32, #tpu.memory_space<hbm>>
    %dma_wait3A_138 = arith.constant 0 : i32
    %dma_wait3A_139 = arith.constant 0 : i32
    %dma_wait3A_140 = tpu.memref_slice %arg5[%dma_wait3A_128, %dma_wait3A_129, %dma_wait3A_130, %dma_wait3A_138, %dma_wait3A_139] : memref<200x8x32x8x128xf32, #tpu.memory_space<hbm>> -> memref<1x1x1x8x128xf32, #tpu.memory_space<hbm>>
    %dma_wait3A_141 = tpu.memref_squeeze %dma_wait3A_140 : memref<1x1x1x8x128xf32, #tpu.memory_space<hbm>> -> memref<8x128xf32, #tpu.memory_space<hbm>>
    %dma_wait3A_142 = arith.constant 48 : i32
    %dma_wait3A_143 = arith.constant 0 : i32
    %dma_wait3A_144 = tpu.memref_slice %arg12[%dma_wait3A_142, %dma_wait3A_143] : memref<64x129xf32, #tpu.memory_space<vmem>> -> memref<8x128xf32, #tpu.memory_space<vmem>>
    tpu.wait_dma2 semaphore(%arg18 : memref<!tpu.dma_semaphore, #tpu.memory_space<semaphore_mem>>) src(%dma_wait3A_144 : memref<8x128xf32, #tpu.memory_space<vmem>>) dst(%dma_wait3A_141 : memref<8x128xf32, #tpu.memory_space<hbm>>)
    %dma_wait3A_145 = arith.constant 0 : i32
    %dma_wait3A_146 = arith.constant 7 : i32
    %dma_wait3A_147 = arith.constant 0 : i32
    %dma_wait3A_148 = arith.constant 56 : i32
    %dma_wait3A_149 = arith.constant 0 : i32
    %dma_wait3A_150 = tpu.memref_slice %arg12[%dma_wait3A_148, %dma_wait3A_149] : memref<64x129xf32, #tpu.memory_space<vmem>> -> memref<8x128xf32, #tpu.memory_space<vmem>>
    %dma_wait3A_151 = arith.constant 0 : i32
    %dma_wait3A_152 = arith.constant 0 : i32
    %dma_wait3A_153 = tpu.memref_slice %arg5[%dma_wait3A_145, %dma_wait3A_146, %dma_wait3A_147, %dma_wait3A_151, %dma_wait3A_152] : memref<200x8x32x8x128xf32, #tpu.memory_space<hbm>> -> memref<1x1x1x8x128xf32, #tpu.memory_space<hbm>>
    %dma_wait3A_154 = tpu.memref_squeeze %dma_wait3A_153 : memref<1x1x1x8x128xf32, #tpu.memory_space<hbm>> -> memref<8x128xf32, #tpu.memory_space<hbm>>
    %dma_wait3A_155 = arith.constant 0 : i32
    %dma_wait3A_156 = arith.constant 0 : i32
    %dma_wait3A_157 = tpu.memref_slice %arg5[%dma_wait3A_145, %dma_wait3A_146, %dma_wait3A_147, %dma_wait3A_155, %dma_wait3A_156] : memref<200x8x32x8x128xf32, #tpu.memory_space<hbm>> -> memref<1x1x1x8x128xf32, #tpu.memory_space<hbm>>
    %dma_wait3A_158 = tpu.memref_squeeze %dma_wait3A_157 : memref<1x1x1x8x128xf32, #tpu.memory_space<hbm>> -> memref<8x128xf32, #tpu.memory_space<hbm>>
    %dma_wait3A_159 = arith.constant 56 : i32
    %dma_wait3A_160 = arith.constant 0 : i32
    %dma_wait3A_161 = tpu.memref_slice %arg12[%dma_wait3A_159, %dma_wait3A_160] : memref<64x129xf32, #tpu.memory_space<vmem>> -> memref<8x128xf32, #tpu.memory_space<vmem>>
    tpu.wait_dma2 semaphore(%arg18 : memref<!tpu.dma_semaphore, #tpu.memory_space<semaphore_mem>>) src(%dma_wait3A_161 : memref<8x128xf32, #tpu.memory_space<vmem>>) dst(%dma_wait3A_158 : memref<8x128xf32, #tpu.memory_space<hbm>>)
    %dma_wait3A_162 = arith.constant 0 : i32
    %dma_wait3A_163 = arith.constant 0 : i32
    %dma_wait3A_164 = arith.constant 0 : i32
    %dma_wait3A_165 = arith.constant 0 : i32
    %dma_wait3A_166 = arith.constant 0 : i32
    %dma_wait3A_167 = tpu.memref_slice %arg13[%dma_wait3A_165, %dma_wait3A_166] : memref<64x129xf32, #tpu.memory_space<vmem>> -> memref<8x128xf32, #tpu.memory_space<vmem>>
    %dma_wait3A_168 = arith.constant 0 : i32
    %dma_wait3A_169 = arith.constant 0 : i32
    %dma_wait3A_170 = tpu.memref_slice %arg5[%dma_wait3A_162, %dma_wait3A_163, %dma_wait3A_164, %dma_wait3A_168, %dma_wait3A_169] : memref<200x8x32x8x128xf32, #tpu.memory_space<hbm>> -> memref<1x1x1x8x128xf32, #tpu.memory_space<hbm>>
    %dma_wait3A_171 = tpu.memref_squeeze %dma_wait3A_170 : memref<1x1x1x8x128xf32, #tpu.memory_space<hbm>> -> memref<8x128xf32, #tpu.memory_space<hbm>>
    %dma_wait3A_172 = arith.constant 0 : i32
    %dma_wait3A_173 = arith.constant 0 : i32
    %dma_wait3A_174 = tpu.memref_slice %arg5[%dma_wait3A_162, %dma_wait3A_163, %dma_wait3A_164, %dma_wait3A_172, %dma_wait3A_173] : memref<200x8x32x8x128xf32, #tpu.memory_space<hbm>> -> memref<1x1x1x8x128xf32, #tpu.memory_space<hbm>>
    %dma_wait3A_175 = tpu.memref_squeeze %dma_wait3A_174 : memref<1x1x1x8x128xf32, #tpu.memory_space<hbm>> -> memref<8x128xf32, #tpu.memory_space<hbm>>
    %dma_wait3A_176 = arith.constant 0 : i32
    %dma_wait3A_177 = arith.constant 0 : i32
    %dma_wait3A_178 = tpu.memref_slice %arg13[%dma_wait3A_176, %dma_wait3A_177] : memref<64x129xf32, #tpu.memory_space<vmem>> -> memref<8x128xf32, #tpu.memory_space<vmem>>
    tpu.wait_dma2 semaphore(%arg19 : memref<!tpu.dma_semaphore, #tpu.memory_space<semaphore_mem>>) src(%dma_wait3A_178 : memref<8x128xf32, #tpu.memory_space<vmem>>) dst(%dma_wait3A_175 : memref<8x128xf32, #tpu.memory_space<hbm>>)
    %dma_wait3A_179 = arith.constant 0 : i32
    %dma_wait3A_180 = arith.constant 1 : i32
    %dma_wait3A_181 = arith.constant 0 : i32
    %dma_wait3A_182 = arith.constant 8 : i32
    %dma_wait3A_183 = arith.constant 0 : i32
    %dma_wait3A_184 = tpu.memref_slice %arg13[%dma_wait3A_182, %dma_wait3A_183] : memref<64x129xf32, #tpu.memory_space<vmem>> -> memref<8x128xf32, #tpu.memory_space<vmem>>
    %dma_wait3A_185 = arith.constant 0 : i32
    %dma_wait3A_186 = arith.constant 0 : i32
    %dma_wait3A_187 = tpu.memref_slice %arg5[%dma_wait3A_179, %dma_wait3A_180, %dma_wait3A_181, %dma_wait3A_185, %dma_wait3A_186] : memref<200x8x32x8x128xf32, #tpu.memory_space<hbm>> -> memref<1x1x1x8x128xf32, #tpu.memory_space<hbm>>
    %dma_wait3A_188 = tpu.memref_squeeze %dma_wait3A_187 : memref<1x1x1x8x128xf32, #tpu.memory_space<hbm>> -> memref<8x128xf32, #tpu.memory_space<hbm>>
    %dma_wait3A_189 = arith.constant 0 : i32
    %dma_wait3A_190 = arith.constant 0 : i32
    %dma_wait3A_191 = tpu.memref_slice %arg5[%dma_wait3A_179, %dma_wait3A_180, %dma_wait3A_181, %dma_wait3A_189, %dma_wait3A_190] : memref<200x8x32x8x128xf32, #tpu.memory_space<hbm>> -> memref<1x1x1x8x128xf32, #tpu.memory_space<hbm>>
    %dma_wait3A_192 = tpu.memref_squeeze %dma_wait3A_191 : memref<1x1x1x8x128xf32, #tpu.memory_space<hbm>> -> memref<8x128xf32, #tpu.memory_space<hbm>>
    %dma_wait3A_193 = arith.constant 8 : i32
    %dma_wait3A_194 = arith.constant 0 : i32
    %dma_wait3A_195 = tpu.memref_slice %arg13[%dma_wait3A_193, %dma_wait3A_194] : memref<64x129xf32, #tpu.memory_space<vmem>> -> memref<8x128xf32, #tpu.memory_space<vmem>>
    tpu.wait_dma2 semaphore(%arg19 : memref<!tpu.dma_semaphore, #tpu.memory_space<semaphore_mem>>) src(%dma_wait3A_195 : memref<8x128xf32, #tpu.memory_space<vmem>>) dst(%dma_wait3A_192 : memref<8x128xf32, #tpu.memory_space<hbm>>)
    %dma_wait3A_196 = arith.constant 0 : i32
    %dma_wait3A_197 = arith.constant 2 : i32
    %dma_wait3A_198 = arith.constant 0 : i32
    %dma_wait3A_199 = arith.constant 16 : i32
    %dma_wait3A_200 = arith.constant 0 : i32
    %dma_wait3A_201 = tpu.memref_slice %arg13[%dma_wait3A_199, %dma_wait3A_200] : memref<64x129xf32, #tpu.memory_space<vmem>> -> memref<8x128xf32, #tpu.memory_space<vmem>>
    %dma_wait3A_202 = arith.constant 0 : i32
    %dma_wait3A_203 = arith.constant 0 : i32
    %dma_wait3A_204 = tpu.memref_slice %arg5[%dma_wait3A_196, %dma_wait3A_197, %dma_wait3A_198, %dma_wait3A_202, %dma_wait3A_203] : memref<200x8x32x8x128xf32, #tpu.memory_space<hbm>> -> memref<1x1x1x8x128xf32, #tpu.memory_space<hbm>>
    %dma_wait3A_205 = tpu.memref_squeeze %dma_wait3A_204 : memref<1x1x1x8x128xf32, #tpu.memory_space<hbm>> -> memref<8x128xf32, #tpu.memory_space<hbm>>
    %dma_wait3A_206 = arith.constant 0 : i32
    %dma_wait3A_207 = arith.constant 0 : i32
    %dma_wait3A_208 = tpu.memref_slice %arg5[%dma_wait3A_196, %dma_wait3A_197, %dma_wait3A_198, %dma_wait3A_206, %dma_wait3A_207] : memref<200x8x32x8x128xf32, #tpu.memory_space<hbm>> -> memref<1x1x1x8x128xf32, #tpu.memory_space<hbm>>
    %dma_wait3A_209 = tpu.memref_squeeze %dma_wait3A_208 : memref<1x1x1x8x128xf32, #tpu.memory_space<hbm>> -> memref<8x128xf32, #tpu.memory_space<hbm>>
    %dma_wait3A_210 = arith.constant 16 : i32
    %dma_wait3A_211 = arith.constant 0 : i32
    %dma_wait3A_212 = tpu.memref_slice %arg13[%dma_wait3A_210, %dma_wait3A_211] : memref<64x129xf32, #tpu.memory_space<vmem>> -> memref<8x128xf32, #tpu.memory_space<vmem>>
    tpu.wait_dma2 semaphore(%arg19 : memref<!tpu.dma_semaphore, #tpu.memory_space<semaphore_mem>>) src(%dma_wait3A_212 : memref<8x128xf32, #tpu.memory_space<vmem>>) dst(%dma_wait3A_209 : memref<8x128xf32, #tpu.memory_space<hbm>>)
    %dma_wait3A_213 = arith.constant 0 : i32
    %dma_wait3A_214 = arith.constant 3 : i32
    %dma_wait3A_215 = arith.constant 0 : i32
    %dma_wait3A_216 = arith.constant 24 : i32
    %dma_wait3A_217 = arith.constant 0 : i32
    %dma_wait3A_218 = tpu.memref_slice %arg13[%dma_wait3A_216, %dma_wait3A_217] : memref<64x129xf32, #tpu.memory_space<vmem>> -> memref<8x128xf32, #tpu.memory_space<vmem>>
    %dma_wait3A_219 = arith.constant 0 : i32
    %dma_wait3A_220 = arith.constant 0 : i32
    %dma_wait3A_221 = tpu.memref_slice %arg5[%dma_wait3A_213, %dma_wait3A_214, %dma_wait3A_215, %dma_wait3A_219, %dma_wait3A_220] : memref<200x8x32x8x128xf32, #tpu.memory_space<hbm>> -> memref<1x1x1x8x128xf32, #tpu.memory_space<hbm>>
    %dma_wait3A_222 = tpu.memref_squeeze %dma_wait3A_221 : memref<1x1x1x8x128xf32, #tpu.memory_space<hbm>> -> memref<8x128xf32, #tpu.memory_space<hbm>>
    %dma_wait3A_223 = arith.constant 0 : i32
    %dma_wait3A_224 = arith.constant 0 : i32
    %dma_wait3A_225 = tpu.memref_slice %arg5[%dma_wait3A_213, %dma_wait3A_214, %dma_wait3A_215, %dma_wait3A_223, %dma_wait3A_224] : memref<200x8x32x8x128xf32, #tpu.memory_space<hbm>> -> memref<1x1x1x8x128xf32, #tpu.memory_space<hbm>>
    %dma_wait3A_226 = tpu.memref_squeeze %dma_wait3A_225 : memref<1x1x1x8x128xf32, #tpu.memory_space<hbm>> -> memref<8x128xf32, #tpu.memory_space<hbm>>
    %dma_wait3A_227 = arith.constant 24 : i32
    %dma_wait3A_228 = arith.constant 0 : i32
    %dma_wait3A_229 = tpu.memref_slice %arg13[%dma_wait3A_227, %dma_wait3A_228] : memref<64x129xf32, #tpu.memory_space<vmem>> -> memref<8x128xf32, #tpu.memory_space<vmem>>
    tpu.wait_dma2 semaphore(%arg19 : memref<!tpu.dma_semaphore, #tpu.memory_space<semaphore_mem>>) src(%dma_wait3A_229 : memref<8x128xf32, #tpu.memory_space<vmem>>) dst(%dma_wait3A_226 : memref<8x128xf32, #tpu.memory_space<hbm>>)
    %dma_wait3A_230 = arith.constant 0 : i32
    %dma_wait3A_231 = arith.constant 4 : i32
    %dma_wait3A_232 = arith.constant 0 : i32
    %dma_wait3A_233 = arith.constant 32 : i32
    %dma_wait3A_234 = arith.constant 0 : i32
    %dma_wait3A_235 = tpu.memref_slice %arg13[%dma_wait3A_233, %dma_wait3A_234] : memref<64x129xf32, #tpu.memory_space<vmem>> -> memref<8x128xf32, #tpu.memory_space<vmem>>
    %dma_wait3A_236 = arith.constant 0 : i32
    %dma_wait3A_237 = arith.constant 0 : i32
    %dma_wait3A_238 = tpu.memref_slice %arg5[%dma_wait3A_230, %dma_wait3A_231, %dma_wait3A_232, %dma_wait3A_236, %dma_wait3A_237] : memref<200x8x32x8x128xf32, #tpu.memory_space<hbm>> -> memref<1x1x1x8x128xf32, #tpu.memory_space<hbm>>
    %dma_wait3A_239 = tpu.memref_squeeze %dma_wait3A_238 : memref<1x1x1x8x128xf32, #tpu.memory_space<hbm>> -> memref<8x128xf32, #tpu.memory_space<hbm>>
    %dma_wait3A_240 = arith.constant 0 : i32
    %dma_wait3A_241 = arith.constant 0 : i32
    %dma_wait3A_242 = tpu.memref_slice %arg5[%dma_wait3A_230, %dma_wait3A_231, %dma_wait3A_232, %dma_wait3A_240, %dma_wait3A_241] : memref<200x8x32x8x128xf32, #tpu.memory_space<hbm>> -> memref<1x1x1x8x128xf32, #tpu.memory_space<hbm>>
    %dma_wait3A_243 = tpu.memref_squeeze %dma_wait3A_242 : memref<1x1x1x8x128xf32, #tpu.memory_space<hbm>> -> memref<8x128xf32, #tpu.memory_space<hbm>>
    %dma_wait3A_244 = arith.constant 32 : i32
    %dma_wait3A_245 = arith.constant 0 : i32
    %dma_wait3A_246 = tpu.memref_slice %arg13[%dma_wait3A_244, %dma_wait3A_245] : memref<64x129xf32, #tpu.memory_space<vmem>> -> memref<8x128xf32, #tpu.memory_space<vmem>>
    tpu.wait_dma2 semaphore(%arg19 : memref<!tpu.dma_semaphore, #tpu.memory_space<semaphore_mem>>) src(%dma_wait3A_246 : memref<8x128xf32, #tpu.memory_space<vmem>>) dst(%dma_wait3A_243 : memref<8x128xf32, #tpu.memory_space<hbm>>)
    %dma_wait3A_247 = arith.constant 0 : i32
    %dma_wait3A_248 = arith.constant 5 : i32
    %dma_wait3A_249 = arith.constant 0 : i32
    %dma_wait3A_250 = arith.constant 40 : i32
    %dma_wait3A_251 = arith.constant 0 : i32
    %dma_wait3A_252 = tpu.memref_slice %arg13[%dma_wait3A_250, %dma_wait3A_251] : memref<64x129xf32, #tpu.memory_space<vmem>> -> memref<8x128xf32, #tpu.memory_space<vmem>>
    %dma_wait3A_253 = arith.constant 0 : i32
    %dma_wait3A_254 = arith.constant 0 : i32
    %dma_wait3A_255 = tpu.memref_slice %arg5[%dma_wait3A_247, %dma_wait3A_248, %dma_wait3A_249, %dma_wait3A_253, %dma_wait3A_254] : memref<200x8x32x8x128xf32, #tpu.memory_space<hbm>> -> memref<1x1x1x8x128xf32, #tpu.memory_space<hbm>>
    %dma_wait3A_256 = tpu.memref_squeeze %dma_wait3A_255 : memref<1x1x1x8x128xf32, #tpu.memory_space<hbm>> -> memref<8x128xf32, #tpu.memory_space<hbm>>
    %dma_wait3A_257 = arith.constant 0 : i32
    %dma_wait3A_258 = arith.constant 0 : i32
    %dma_wait3A_259 = tpu.memref_slice %arg5[%dma_wait3A_247, %dma_wait3A_248, %dma_wait3A_249, %dma_wait3A_257, %dma_wait3A_258] : memref<200x8x32x8x128xf32, #tpu.memory_space<hbm>> -> memref<1x1x1x8x128xf32, #tpu.memory_space<hbm>>
    %dma_wait3A_260 = tpu.memref_squeeze %dma_wait3A_259 : memref<1x1x1x8x128xf32, #tpu.memory_space<hbm>> -> memref<8x128xf32, #tpu.memory_space<hbm>>
    %dma_wait3A_261 = arith.constant 40 : i32
    %dma_wait3A_262 = arith.constant 0 : i32
    %dma_wait3A_263 = tpu.memref_slice %arg13[%dma_wait3A_261, %dma_wait3A_262] : memref<64x129xf32, #tpu.memory_space<vmem>> -> memref<8x128xf32, #tpu.memory_space<vmem>>
    tpu.wait_dma2 semaphore(%arg19 : memref<!tpu.dma_semaphore, #tpu.memory_space<semaphore_mem>>) src(%dma_wait3A_263 : memref<8x128xf32, #tpu.memory_space<vmem>>) dst(%dma_wait3A_260 : memref<8x128xf32, #tpu.memory_space<hbm>>)
    %dma_wait3A_264 = arith.constant 0 : i32
    %dma_wait3A_265 = arith.constant 6 : i32
    %dma_wait3A_266 = arith.constant 0 : i32
    %dma_wait3A_267 = arith.constant 48 : i32
    %dma_wait3A_268 = arith.constant 0 : i32
    %dma_wait3A_269 = tpu.memref_slice %arg13[%dma_wait3A_267, %dma_wait3A_268] : memref<64x129xf32, #tpu.memory_space<vmem>> -> memref<8x128xf32, #tpu.memory_space<vmem>>
    %dma_wait3A_270 = arith.constant 0 : i32
    %dma_wait3A_271 = arith.constant 0 : i32
    %dma_wait3A_272 = tpu.memref_slice %arg5[%dma_wait3A_264, %dma_wait3A_265, %dma_wait3A_266, %dma_wait3A_270, %dma_wait3A_271] : memref<200x8x32x8x128xf32, #tpu.memory_space<hbm>> -> memref<1x1x1x8x128xf32, #tpu.memory_space<hbm>>
    %dma_wait3A_273 = tpu.memref_squeeze %dma_wait3A_272 : memref<1x1x1x8x128xf32, #tpu.memory_space<hbm>> -> memref<8x128xf32, #tpu.memory_space<hbm>>
    %dma_wait3A_274 = arith.constant 0 : i32
    %dma_wait3A_275 = arith.constant 0 : i32
    %dma_wait3A_276 = tpu.memref_slice %arg5[%dma_wait3A_264, %dma_wait3A_265, %dma_wait3A_266, %dma_wait3A_274, %dma_wait3A_275] : memref<200x8x32x8x128xf32, #tpu.memory_space<hbm>> -> memref<1x1x1x8x128xf32, #tpu.memory_space<hbm>>
    %dma_wait3A_277 = tpu.memref_squeeze %dma_wait3A_276 : memref<1x1x1x8x128xf32, #tpu.memory_space<hbm>> -> memref<8x128xf32, #tpu.memory_space<hbm>>
    %dma_wait3A_278 = arith.constant 48 : i32
    %dma_wait3A_279 = arith.constant 0 : i32
    %dma_wait3A_280 = tpu.memref_slice %arg13[%dma_wait3A_278, %dma_wait3A_279] : memref<64x129xf32, #tpu.memory_space<vmem>> -> memref<8x128xf32, #tpu.memory_space<vmem>>
    tpu.wait_dma2 semaphore(%arg19 : memref<!tpu.dma_semaphore, #tpu.memory_space<semaphore_mem>>) src(%dma_wait3A_280 : memref<8x128xf32, #tpu.memory_space<vmem>>) dst(%dma_wait3A_277 : memref<8x128xf32, #tpu.memory_space<hbm>>)
    %dma_wait3A_281 = arith.constant 0 : i32
    %dma_wait3A_282 = arith.constant 7 : i32
    %dma_wait3A_283 = arith.constant 0 : i32
    %dma_wait3A_284 = arith.constant 56 : i32
    %dma_wait3A_285 = arith.constant 0 : i32
    %dma_wait3A_286 = tpu.memref_slice %arg13[%dma_wait3A_284, %dma_wait3A_285] : memref<64x129xf32, #tpu.memory_space<vmem>> -> memref<8x128xf32, #tpu.memory_space<vmem>>
    %dma_wait3A_287 = arith.constant 0 : i32
    %dma_wait3A_288 = arith.constant 0 : i32
    %dma_wait3A_289 = tpu.memref_slice %arg5[%dma_wait3A_281, %dma_wait3A_282, %dma_wait3A_283, %dma_wait3A_287, %dma_wait3A_288] : memref<200x8x32x8x128xf32, #tpu.memory_space<hbm>> -> memref<1x1x1x8x128xf32, #tpu.memory_space<hbm>>
    %dma_wait3A_290 = tpu.memref_squeeze %dma_wait3A_289 : memref<1x1x1x8x128xf32, #tpu.memory_space<hbm>> -> memref<8x128xf32, #tpu.memory_space<hbm>>
    %dma_wait3A_291 = arith.constant 0 : i32
    %dma_wait3A_292 = arith.constant 0 : i32
    %dma_wait3A_293 = tpu.memref_slice %arg5[%dma_wait3A_281, %dma_wait3A_282, %dma_wait3A_283, %dma_wait3A_291, %dma_wait3A_292] : memref<200x8x32x8x128xf32, #tpu.memory_space<hbm>> -> memref<1x1x1x8x128xf32, #tpu.memory_space<hbm>>
    %dma_wait3A_294 = tpu.memref_squeeze %dma_wait3A_293 : memref<1x1x1x8x128xf32, #tpu.memory_space<hbm>> -> memref<8x128xf32, #tpu.memory_space<hbm>>
    %dma_wait3A_295 = arith.constant 56 : i32
    %dma_wait3A_296 = arith.constant 0 : i32
    %dma_wait3A_297 = tpu.memref_slice %arg13[%dma_wait3A_295, %dma_wait3A_296] : memref<64x129xf32, #tpu.memory_space<vmem>> -> memref<8x128xf32, #tpu.memory_space<vmem>>
    tpu.wait_dma2 semaphore(%arg19 : memref<!tpu.dma_semaphore, #tpu.memory_space<semaphore_mem>>) src(%dma_wait3A_297 : memref<8x128xf32, #tpu.memory_space<vmem>>) dst(%dma_wait3A_294 : memref<8x128xf32, #tpu.memory_space<hbm>>)
    return
  }
}

</mosaic_0001>

<sc_bundles>
// kernel: kernel.3.cloned.1.call-start
scs
__scs_entry_jumppad:
0x0: {  	(pc) =	sbr.rel $0x88, $3  }
0x1: {  	(tag) =	ssettag $0x0;
	lr =	simm.s32 $0x1  }
0x2: {  	[smem:$0x3F9E] =	sst lr;
	_ =	strace $0xD0000000  }
0x3: {  	_ = 	snop  }
0x4: {  	_ = 	snop  }
0x5: {  	_ = 	snop  }
0x6: {  	_ = 	snop  }
0x7: {  	_ = 	snop  }
__scs_overlays_trampoline_lowered:
0x8: {  	[smem:$0x3FAD] =	sst s0  }
0x9: {  	[smem:$0x3FAE] =	sst s1  }
0xa: {  	[smem:$0x3FAF] =	sst s2  }
0xb: {  	[smem:$0x3FB0] =	sst s3  }
0xc: {  	[smem:$0x3FB1] =	sst s4  }
0xd: {  	[smem:$0x3FB2] =	sst s5  }
0xe: {  	[smem:$0x3FB3] =	sst s6  }
0xf: {  	[smem:$0x3FB4] =	sst s7  }
0x10: {  	[smem:$0x3FB5] =	sst s8  }
0x11: {  	[smem:$0x3FB6] =	sst s9;
	s0 =	simm.s32 @!p0 $0x0  }
0x12: {  	s1 =	sld [smem:$0x3F9C];
	s0 =	simm.s32 @p0 $0x1  }
0x13: {  	[smem:$0x3FB7] =	sst s0;
	s0 =	simm.s32 @!p1 $0x0  }
0x14: {  	s2 =	sld [smem:$0x3F9B];
	s0 =	simm.s32 @p1 $0x1  }
0x15: {  	[smem:$0x3FB8] =	sst s0;
	s0 =	simm.s32 @!p2 $0x0  }
0x16: {  	s3 =	sld [smem:$0x3FDB];
	s0 =	simm.s32 @p2 $0x1  }
0x17: {  	s4 =	simm.s32 $0x1BF5;
	[smem:$0x3FBA] =	sst s0  }
0x18: {  	s0 =	sld [smem:$0x3F9D];
	_ =	swait.ge [sflag:s4], $0x0  }
0x19: {  	s7 =	sld [smem:$0x3F9E]  }
0x1a: {  	s8 =	sadd.s32 $0xFFFFE003, lr  }
0x1b: {  	s9 =	sadd.s32 $0xFFFFFEF7, lr;
	s5 =	simm.s32 $0xFFFFFFFF;
	p2 =	slt.u32 s8, $0xFFFFF086  }
0x1c: {  	p1 =	slt.u32 s9, $0xF7A;
	s5 =	simm.s32 @!p2 $0x0  }
0x1d: {  	s5 =	simm.s32 @p1 $0x1;
	p0 =	seq.s32 s7, s2  }
0x1e: {  	s7 =	smul.u32 @!p0 $0xF7A, s2;
	p2 =	seq.s32 @!p0 s5, $0x0  }
0x1f: {  	s9 =	smul.u32 $0xF7A, s1;
	s8 =	simm.s32 @!p0 $0x1BF5;
	p2 =	por !p2, p0  }
0x20: {  	[sflag:s8] =	ssyncset.s32 @!p0 $0xFFFFF086;
	s6 =	sadd.s32 @!p0 s3, s7;
	s7 =	simm.s32 @!p0 $0x108  }
0x21: {  	s3 =	sadd.s32 s3, s9;
	s6 =	sadd.s32 @!p0 $0x88, s6;
	s7 =	simm.s32 @p2 $0x1082  }
0x22: {  	[simem:s7], [sflag:s8] =	dma.local @!p0 [hbm:s6], $0xF7A  }
0x23: {  	s9 =	sor.u32 $0xD0000000, s2;
	s6 =	simm.s32 $0x108;
	_ =	swait.ge @!p0 [sflag:s8], $0x0  }
0x24: {  	s3 =	sadd.s32 $0x88, s3;
	s6 =	simm.s32 @!p1 $0x1082;
	[sflag:s4] =	ssyncset.s32 $0xFFFFF086  }
0x25: {  	[simem:s6], [sflag:s4] =	dma.local [hbm:s3], $0xF7A  }
0x26: {  	[smem:$0x3F9E] =	sst s1;
	(tag) =	ssettag s2;
	_ =	strace s9  }
0x27: {  	s1 =	sld [smem:$0x3FAE]  }
0x28: {  	s2 =	sld [smem:$0x3FAF]  }
0x29: {  	s4 =	sld [smem:$0x3FB1]  }
0x2a: {  	p0 =	seq.s32 s5, $0x0;
	s5 =	sld [smem:$0x3FB2]  }
0x2b: {  	s6 =	sld [smem:$0x3FB3]  }
0x2c: {  	s7 =	sld [smem:$0x3FB4]  }
0x2d: {  	s3 =	simm.s32 $0x108;
	s8 =	sld [smem:$0x3FB5]  }
0x2e: {  	s3 =	simm.s32 @!p0 $0x1082;
	s9 =	sld [smem:$0x3FB6]  }
0x2f: {  	lr =	sadd.s32 s0, s3;
	s0 =	sld [smem:$0x3FAD]  }
0x30: {  	s3 =	sld [smem:$0x3FB0]  }
0x31: {  	[smem:$0x3FB9] =	sst s10  }
0x32: {  	s10 =	sld [smem:$0x3FB7];
	_ =	sdelay $0x3  }
0x33: {  	p0 =	seq.s32 s10, $0x1;
	s10 =	sld [smem:$0x3FB9];
	_ =	sdelay $0x3  }
0x34: {  	[smem:$0x3FB9] =	sst s10  }
0x35: {  	s10 =	sld [smem:$0x3FB8];
	_ =	sdelay $0x3  }
0x36: {  	p1 =	seq.s32 s10, $0x1;
	s10 =	sld [smem:$0x3FB9];
	_ =	sdelay $0x3  }
0x37: {  	[smem:$0x3FB9] =	sst s10  }
0x38: {  	s10 =	sld [smem:$0x3FBA]  }
0x39: {  	_ = 	snop;
	(pc) =	sbr.ind lr, $3  }
0x3a: {  	_ = 	snop  }
0x3b: {  	_ = 	snop  }
0x3c: {  	p2 =	seq.s32 s10, $0x1;
	s10 =	sld [smem:$0x3FB9]  }
0x3d: {  	_ =	shalt  }
0x3e: {  	_ =	shalt  }
0x3f: {  	_ =	shalt  }
0x40: {  	_ =	shalt  }
0x41: {  	_ =	shalt  }
0x42: {  	_ =	shalt  }
0x43: {  	_ =	shalt  }
0x44: {  	_ =	shalt  }
0x45: {  	_ =	shalt  }
0x46: {  	_ =	shalt  }
0x47: {  	_ =	shalt  }
0x48: {  	_ =	shalt  }
0x49: {  	_ =	shalt  }
0x4a: {  	_ =	shalt  }
0x4b: {  	_ =	shalt  }
0x4c: {  	_ =	shalt  }
0x4d: {  	_ =	shalt  }
0x4e: {  	_ =	shalt  }
0x4f: {  	_ =	shalt  }
0x50: {  	_ =	shalt  }
0x51: {  	_ =	shalt  }
0x52: {  	_ =	shalt  }
0x53: {  	_ =	shalt  }
0x54: {  	_ =	shalt  }
0x55: {  	_ =	shalt  }
0x56: {  	_ =	shalt  }
0x57: {  	_ =	shalt  }
0x58: {  	_ =	shalt  }
0x59: {  	_ =	shalt  }
0x5a: {  	_ =	shalt  }
0x5b: {  	_ =	shalt  }
0x5c: {  	_ =	shalt  }
0x5d: {  	_ =	shalt  }
0x5e: {  	_ =	shalt  }
0x5f: {  	_ =	shalt  }
0x60: {  	_ =	shalt  }
0x61: {  	_ =	shalt  }
0x62: {  	_ =	shalt  }
0x63: {  	_ =	shalt  }
0x64: {  	_ =	shalt  }
0x65: {  	_ =	shalt  }
0x66: {  	_ =	shalt  }
0x67: {  	_ =	shalt  }
0x68: {  	_ =	shalt  }
0x69: {  	_ =	shalt  }
0x6a: {  	_ =	shalt  }
0x6b: {  	_ =	shalt  }
0x6c: {  	_ =	shalt  }
0x6d: {  	_ =	shalt  }
0x6e: {  	_ =	shalt  }
0x6f: {  	_ =	shalt  }
0x70: {  	_ =	shalt  }
0x71: {  	_ =	shalt  }
0x72: {  	_ =	shalt  }
0x73: {  	_ =	shalt  }
0x74: {  	_ =	shalt  }
0x75: {  	_ =	shalt  }
0x76: {  	_ =	shalt  }
0x77: {  	_ =	shalt  }
0x78: {  	_ =	shalt  }
0x79: {  	_ =	shalt  }
0x7a: {  	_ =	shalt  }
0x7b: {  	_ =	shalt  }
0x7c: {  	_ =	shalt  }
0x7d: {  	_ =	shalt  }
0x7e: {  	_ =	shalt  }
0x7f: {  	_ =	shalt  }
0x80: {  	_ =	shalt  }
0x81: {  	_ =	shalt  }
0x82: {  	_ =	shalt  }
0x83: {  	_ =	shalt  }
0x84: {  	_ =	shalt  }
0x85: {  	_ =	shalt  }
0x86: {  	_ =	shalt  }
0x87: {  	_ =	shalt  }
.Lfunc_end0:
.L_simem_size_0:
called_computation_lowered:
.L_overlay_start_0:
0x88: {  	s2 =	sld [smem:$0x3FD9]  }
0x89: {  	s3 =	sld [smem:$0x3FFE];
	_ =	sdelay $0x1  }
0x8a: {  	s1 =	srdreg.scid  }
0x8b: {  	s0 =	sand.u32 $0x1, s1  }
0x8c: {  	s17 =	sshll.u32 s0, $0xA;
	s2 =	sadd.s32 s3, s2  }
0x8d: {  	s2 =	sadd.s32 s2, s17  }
0x8e: {  	[smem:$0x3FC5] =	sst s2  }
0x8f: {  	_ = 	snop  }
0x90: {  	s2 =	sld [smem:$0x3FD0];
	(tm) =	ssettm $0x1  }
0x91: {  	s18 =	sld [smem:$0x3FFB];
	_ =	sdelay $0x3  }
0x92: {  	_ =	strace s18  }
0x93: {  	s3 =	sld [smem:$0x3FFC];
	_ =	sdelay $0x3  }
0x94: {  	_ =	strace s3  }
0x95: {  	s3 =	sld [smem:$0x3FFD];
	_ =	sdelay $0x3  }
0x96: {  	_ =	strace s3  }
0x97: {  	_ =	strace $0x8FFFFFFF  }
0x98: {  	s19 =	sld [smem:$0x3FDB];
	_ =	sdelay $0x1  }
0x99: {  	s4 =	simm.s32 $_scs_section_size  }
0x9a: {  	s5 =	simm.s32 $_size__tile_overlayer_lowered;
	s6 =	simm.s32 $_tile_overlayer_lowered  }
0x9b: {  	s22 =	simm.s32 $0x1BFF;
	s21 =	sshll.u32 s6, $0x1;
	s3 =	sadd.s32 s4, s19  }
0x9c: {  	s7 =	simm.s32 $0x0;
	s20 =	sshll.u32 s5, $0x1;
	s5 =	sadd.s32 s21, s3  }
0x9d: {  	[timem:s7], [sflag:s22] =	dma.local [hbm:s5], s20  }
0x9e: {  	_ =	swait.ge [sflag:s22], s20  }
0x9f: {  	s4 =	ssub.s32 $0x0, s20;
	[sflag:s22] =	ssyncset.done $0x0  }
0xa0: {  	[sflag:s22] =	ssyncadd.s32 s4;
	_ =	sdelay $0x1  }
0xa1: {  	s23 =	simm.s32 $0x1B8B  }
0xa2: {  	_ =	swait.ge [sflag:s23], $0x1  }
0xa3: {  	[sflag:s23] =	ssyncset.done $0x0  }
0xa4: {  	s25 =	simm.s32 $0x1B8E;
	s24 =	sld [smem:$0x3FFE];
	[sflag:s23] =	ssyncadd.s32 $0xFFFFFFFF  }
0xa5: {  	s26 =	simm.s32 $execute0_lowered;
	[smem:$0x3FD2] =	sst s25  }
0xa6: {  	s5 =	sshll.u32 s26, $0x1;
	_ =	strace $0x80000046;
	[dreg:$0x1] =	wrdreg $0xFFFFFFFF  }
0xa7: {  	s28 =	simm.s32 $_size_execute0_lowered;
	s3 =	sadd.s32 s3, s5;
	[dreg:$0x0] =	wrdreg $0x0  }
0xa8: {  	s5 =	sshll.u32 s28, $0x1;
	[dreg:$0x2] =	wrdreg s3  }
0xa9: {  	[dreg:$0x3] =	wrdreg s5  }
0xaa: {  	[dreg:$0x4] =	wrdreg $0xC0  }
0xab: {  	_ =	task [dreg:s7], $0x5FFFF  }
0xac: {  	[dreg:$0x1] =	wrdreg $0xFFFFFFFF  }
0xad: {  	[dreg:$0x0] =	wrdreg $0x60  }
0xae: {  	[dreg:$0x2] =	wrdreg s24  }
0xaf: {  	[dreg:$0x3] =	wrdreg s2  }
0xb0: {  	[dreg:$0x4] =	wrdreg $0x9  }
0xb1: {  	_ =	task.clear_ibuf [dreg:s7], $0x5FFFF;
	_ =	strace $0x90000046  }
0xb2: {  	s29 =	simm.s32 $0x9;
	_ =	strace $0x80000048  }
0xb3: {  	_ =	swait.ge [sflag:s29], $0x1  }
0xb4: {  	[sflag:s29] =	ssyncadd.s32 $0xFFFFFFFF  }
0xb5: {  	_ =	strace $0x90000048  }
0xb6: {  	_ =	sfence  }
0xb7: {  	s30 =	sld [smem:$0x0];
	_ =	sdelay $0x2  }
0xb8: {  	s31 =	sshll.u32 s1, $0xD;
	s1 =	sshrl.u32 s1, $0x2  }
0xb9: {  	s3 =	sand.u32 $0x4000, s31;
	s1 =	sadd.s32 s1, s30  }
0xba: {  	s0 =	sor.u32 s3, s0;
	s1 =	sshll.u32 s1, $0x11  }
0xbb: {  	s0 =	sor.u32 s1, s0  }
0xbc: {  	s0 =	sadd.s32 $0x8F2B, s0  }
0xbd: {  	[sflag:s0] =	ssyncadd.remote.s32 $0x1  }
0xbe: {  	_ =	sfence.sel $0xFFFF  }
0xbf: {  	[dreg:$0x0] =	wrdreg $0xFFFFFFFF;
	(pc) =	sbr.abs _section_cstart, $3  }
0xc0: {  	[dreg:$0x1] =	wrdreg $0xFFFFFFFF  }
0xc1: {  	_ =	task.clear_ibuf [dreg:s7], $0x2FFFF;
	_ =	strace $0x9FFFFFFF  }
0xc2: {  	(tm) =	ssettm $0x7FFFFFFF  }
0xc3: {  	_ =	shalt  }
tec
execute0_lowered:
.L_overlay_start_1:
0x0: {  	(tag) =	ssettag $0x1  }
0x1: {  	s0 =	rddreg [dreg:$0x0]  }
0x2: {  	s2 =	rddreg [dreg:$0x1];
	s1 =	srdreg.scid  }
0x3: {  	s4 =	stileid.u32;
	s3 =	simm.s32 $0x0;
	s24 =	simm.s32 $0x1  }
0x4: {  	s26 =	simm.s32 $0x11600;
	s31 =	simm.s32 $0x11688;
	s21 =	simm.s32 $0x2  }
0x5: {  	s22 =	simm.s32 $0x13800;
	s17 =	simm.s32 $0x158F0;
	s19 =	simm.s32 $0x15978  }
0x6: {  	s20 =	simm.s32 $0x3;
	s23 =	simm.s32 $0x5;
	s1 =	sand.u32 $0x1, s1  }
0x7: {  	s4 =	sshll.u32 s4, $0x1;
	[smem:$0x7FF] =	sst s3;
	s8 =	sadd.s32 $0x1000, s2  }
0x8: {  	s9 =	sadd.s32 $0x2000, s2;
	s10 =	sadd.s32 $0x3000, s2;
	s11 =	sadd.s32 $0x4000, s2  }
0x9: {  	s12 =	sadd.s32 $0x5000, s2;
	s13 =	sadd.s32 $0x6000, s2;
	s5 =	sor.u32 s1, s4  }
0xa: {  	s14 =	sadd.s32 $0x7000, s2;
	s1 =	ssub.s32 $0x2, s1;
	s4 =	sshll.u32 s5, $0x4  }
0xb: {  	_ =	strace $0x80000047;
	s7 =	sshrl.u32 s1, $0x1;
	s6 =	sadd.s32 s4, s0  }
0xc: {  	v0 =	vlaneseq.u32;
	s4 =	sadd.s32 $0xF42C00, s0;
	s0 =	sadd.s32 $0x19800, s0;
	s29 =	ssub.s32 s1, s7  }
0xd: {  	v0 =	vmul.u32 $0x88, v0;
	s7 =	sshll.u32 s5, $0xA;
	[dreg:$0x3] =	wrdreg s0;
	s30 =	sadd.s32 $0x800, s6  }
0xe: {  	s5 =	simm.s32 $0x4;
	s0 =	smax.u32 s29, $0x1;
	[dreg:$0x4] =	wrdreg s30  }
0xf: {  	v1 =	vadd.s32 $0x880, v0;
	v2 =	vadd.s32 $0x1100, v0;
	v3 =	vadd.s32 $0x1980, v0;
	s1 =	simm.s32 $0x0;
	s6 =	simm.s32 $0x6;
	[dreg:$0x5] =	wrdreg s0  }
.LBB2_1:
0x10: {  	[dreg:$0x6] =	wrdreg s1  }
0x11: {  	s0 =	rddreg [dreg:$0x4]  }
0x12: {  	s1 =	simm.s32 $0x80;
	s15 =	simm.s32 $0x1000;
	s30 =	simm.s32 $0x7  }
0x13: {  	[tilespmem:s3], [sflag:$0x7] =	stream.strided.gather [hbm4b:s0+s1], $0x6400, s15, s1, $0x38;
	[tilespmem:$0x15A00] =	vst v63  }
0x14: {  	_ =	swait.ge [sflag:s30], $0x6400  }
0x15: {  	[sflag:s30] =	ssyncset.done $0x0  }
0x16: {  	s16 =	simm.s32 $0x6400;
	s18 =	rddreg [dreg:$0x3];
	[sflag:s30] =	ssyncadd.s32 $0xFFFF9C00  }
0x17: {  	[tilespmem:s16], [sflag:$0x7] =	stream.linear.gather [hbm4b:s18+s3], $0x3200, $0x38;
	[tilespmem:$0x15A00] =	vst v63  }
0x18: {  	_ =	swait.ge [sflag:s30], $0x3200  }
0x19: {  	[sflag:s30] =	ssyncset.done $0x0  }
0x1a: {  	s25 =	simm.s32 $0x9600;
	[sflag:s30] =	ssyncadd.s32 $0xFFFFCE00  }
0x1b: {  	[tilespmem:s25], [sflag:$0x1] =	stream.indirect.gather [hbm4b:s4+s1], $0x40, s3, s1, $0xb8;
	[tilespmem:$0x15A00] =	vst v63  }
0x1c: {  	s28 =	simm.s32 $0xB600  }
0x1d: {  	[tilespmem:s28], [sflag:$0x2] =	stream.indirect.gather [hbm4b:s4+s1], $0x40, s1, s1, $0xb8;
	[tilespmem:$0x15A00] =	vst v63  }
0x1e: {  	s29 =	simm.s32 $0x100;
	s15 =	simm.s32 $0x0;
	s30 =	simm.s32 $0xD600  }
0x1f: {  	[tilespmem:s30], [sflag:$0x3] =	stream.indirect.gather [hbm4b:s4+s1], $0x40, s29, s1, $0xb8;
	[tilespmem:$0x15A00] =	vst v63  }
.LBB2_2:
0x20: {  	_ =	swait.ge [sflag:s24], $0x2000;
	s18 =	sshllo.u32 s15, $0x2;
	s1 =	simm.s32 $0x80  }
0x21: {  	s16 =	simm.s32 $0xF600;
	[sflag:s24] =	ssyncset.done $0x0;
	s0 =	sshll.u32 s18, $0x7  }
0x22: {  	p0 =	seq.s32 s15, $0x0;
	[sflag:s24] =	ssyncadd.s32 $0xFFFFE000;
	s0 =	sand.u32 $0x3FFFFF80, s0  }
0x23: {  	[tilespmem:s16], [sflag:$0x4] =	stream.indirect.gather [hbm4b:s4+s1], $0x40, s0, s1, $0xb8;
	[tilespmem:$0x15A00] =	vst v63  }
0x24: {  	s0 =	simm.s32 @!p0 $0x5  }
0x25: {  	_ =	swait.ge @!p0 [sflag:s0], $0x400  }
0x26: {  	[sflag:s0] =	ssyncset.done @!p0 $0x0  }
0x27: {  	[sflag:s0] =	ssyncadd.s32 @!p0 $0xFFFFFC00  }
0x28: {  	_ =	swait.ge @!p0 [sflag:s0], $0x400  }
0x29: {  	[sflag:s0] =	ssyncset.done @!p0 $0x0  }
0x2a: {  	[sflag:s0] =	ssyncadd.s32 @!p0 $0xFFFFFC00  }
0x2b: {  	_ =	swait.ge @!p0 [sflag:s0], $0x400  }
0x2c: {  	[sflag:s0] =	ssyncset.done @!p0 $0x0  }
0x2d: {  	[sflag:s0] =	ssyncadd.s32 @!p0 $0xFFFFFC00  }
0x2e: {  	_ =	swait.ge @!p0 [sflag:s0], $0x400  }
0x2f: {  	[sflag:s0] =	ssyncset.done @!p0 $0x0  }
0x30: {  	[sflag:s0] =	ssyncadd.s32 @!p0 $0xFFFFFC00  }
0x31: {  	_ =	swait.ge @!p0 [sflag:s0], $0x400  }
0x32: {  	[sflag:s0] =	ssyncset.done @!p0 $0x0  }
0x33: {  	[sflag:s0] =	ssyncadd.s32 @!p0 $0xFFFFFC00  }
0x34: {  	_ =	swait.ge @!p0 [sflag:s0], $0x400  }
0x35: {  	[sflag:s0] =	ssyncset.done @!p0 $0x0  }
0x36: {  	[sflag:s0] =	ssyncadd.s32 @!p0 $0xFFFFFC00  }
0x37: {  	_ =	swait.ge @!p0 [sflag:s0], $0x400  }
0x38: {  	[sflag:s0] =	ssyncset.done @!p0 $0x0  }
0x39: {  	[sflag:s0] =	ssyncadd.s32 @!p0 $0xFFFFFC00  }
0x3a: {  	_ =	swait.ge @!p0 [sflag:s0], $0x400  }
0x3b: {  	s30 =	sshll.u32 s15, $0x8;
	[sflag:s0] =	ssyncset.done @!p0 $0x0  }
0x3c: {  	[sflag:s0] =	ssyncadd.s32 @!p0 $0xFFFFFC00;
	s0 =	sand.u32 $0x3FFFFF00, s30  }
0x3d: {  	s25 =	simm.s32 $0x3;
	s16 =	simm.s32 $0x9680;
	v9 =	vld [tilespmem:s0+$0x6400]  }
0x3e: {  	v4 =	vmov s25;
	v7 =	vld [tilespmem:s16+$0x40]  }
0x3f: {  	v13 =	vand.u32 $0x7F, v4  }
0x40: {  	s1 =	simm.s32 $0x0;
	v8 =	vadd.s32 v0, v13;
	v6 =	vld [tilespmem:s0+$0x6410]  }
0x41: {  	s28 =	simm.s32 $0x2;
	v4 =	vmov s1;
	s30 =	simm.s32 $0x1;
	v10 =	vld [tilespmem:s16+$0xFFFFFF80]  }
0x42: {  	v14 =	vmov s28;
	v12 =	vand.u32 $0x7C, v4;
	v4 =	vmov s30;
	v11 =	vld [tilespmem:s16+$0xFFFFFFC0]  }
0x43: {  	v15 =	vadd.s32 v0, v12;
	v16 =	vld [tilespmem:s16+$0x0];
	v19 =	vand.u32 $0x7D, v4;
	v7 =	vadd.f32 v7, v9  }
0x44: {  	v20 =	vand.u32 $0x7E, v14;
	v5 =	vld [tilespmem:s0+$0x6420];
	v17 =	vadd.s32 v0, v19  }
0x45: {  	v14 =	vadd.s32 v0, v20;
	v4 =	vld [tilespmem:s0+$0x6430];
	[tilespmem:v8+s26+$0x0] =	vst.idx.msk $0xffff, v7  }
0x46: {  	v7 =	vadd.f32 v10, v9;
	v8 =	vld [tilespmem:s16+$0x50]  }
0x47: {  	v10 =	vadd.f32 v11, v9  }
0x48: {  	v11 =	vadd.s32 v1, v13;
	[tilespmem:v15+s26+$0x0] =	vst.idx.msk $0xffff, v7;
	v7 =	vadd.f32 v16, v9  }
0x49: {  	[tilespmem:v17+s26+$0x0] =	vst.idx.msk $0xffff, v10;
	v15 =	vld [tilespmem:s16+$0xFFFFFF90]  }
0x4a: {  	v10 =	vld [tilespmem:s16+$0xFFFFFFD0];
	[tilespmem:v14+s26+$0x0] =	vst.idx.msk $0xffff, v7  }
0x4b: {  	v14 =	vld [tilespmem:s16+$0x10];
	v7 =	vadd.f32 v8, v6  }
0x4c: {  	s28 =	simm.s32 $0x7;
	s25 =	simm.s32 $0x9780;
	v16 =	vadd.s32 v1, v19  }
0x4d: {  	v26 =	vadd.s32 v2, v13;
	s1 =	simm.s32 $0x4;
	v18 =	vld [tilespmem:s25+$0x40];
	v17 =	vadd.s32 v1, v20;
	[tilespmem:v11+s26+$0x0] =	vst.idx.msk $0xffff, v7;
	v7 =	vmov s28  }
0x4e: {  	v21 =	vadd.s32 v1, v12;
	v8 =	vmov s1;
	v7 =	vand.u32 $0x7F, v7;
	v22 =	vld [tilespmem:s16+$0x60]  }
0x4f: {  	s30 =	simm.s32 $0x5;
	v23 =	vld [tilespmem:s25+$0xFFFFFF80];
	v8 =	vand.u32 $0x7C, v8;
	v10 =	vadd.f32 v10, v6;
	v24 =	vadd.s32 v0, v7  }
0x50: {  	v25 =	vld [tilespmem:s25+$0xFFFFFFC0];
	s1 =	simm.s32 $0x6;
	v15 =	vadd.f32 v15, v6;
	v11 =	vadd.f32 v14, v6;
	v14 =	vmov s30  }
0x51: {  	v27 =	vadd.s32 v0, v8;
	[tilespmem:v16+s26+$0x0] =	vst.idx.msk $0xffff, v10;
	v16 =	vmov s1;
	v10 =	vand.u32 $0x7D, v14;
	v14 =	vld [tilespmem:s25+$0x0]  }
0x52: {  	[tilespmem:v17+s26+$0x0] =	vst.idx.msk $0xffff, v11;
	v17 =	vadd.s32 v0, v10;
	v11 =	vand.u32 $0x7E, v16;
	v16 =	vadd.f32 v18, v9;
	v18 =	vld [tilespmem:s16+$0xFFFFFFE0]  }
0x53: {  	[tilespmem:v21+s26+$0x0] =	vst.idx.msk $0xffff, v15;
	v15 =	vadd.s32 v0, v11;
	v21 =	vld [tilespmem:s16+$0x20];
	v22 =	vadd.f32 v22, v5  }
0x54: {  	v23 =	vadd.f32 v23, v9;
	[tilespmem:v24+s26+$0x0] =	vst.idx.msk $0xffff, v16;
	v16 =	vld [tilespmem:s16+$0xFFFFFFA0];
	v24 =	vadd.s32 v2, v19  }
0x55: {  	v29 =	vadd.s32 v2, v20;
	v25 =	vadd.f32 v25, v9;
	v28 =	vld [tilespmem:s25+$0x50];
	[tilespmem:v26+s26+$0x0] =	vst.idx.msk $0xffff, v22  }
0x56: {  	[tilespmem:v27+s26+$0x0] =	vst.idx.msk $0xffff, v23;
	v23 =	vadd.s32 v2, v12;
	v14 =	vadd.f32 v14, v9;
	v26 =	vld [tilespmem:s16+$0x70]  }
0x57: {  	v27 =	vld [tilespmem:s25+$0xFFFFFF90];
	[tilespmem:v17+s26+$0x0] =	vst.idx.msk $0xffff, v25;
	v25 =	vadd.s32 v1, v7;
	v18 =	vadd.f32 v18, v5  }
0x58: {  	v31 =	vadd.s32 v3, v13;
	v30 =	vld [tilespmem:s25+$0xFFFFFFD0];
	[tilespmem:v15+s26+$0x0] =	vst.idx.msk $0xffff, v14;
	v14 =	vadd.f32 v21, v5  }
0x59: {  	v22 =	vadd.s32 v1, v8;
	v17 =	vld [tilespmem:s25+$0x10];
	v13 =	vadd.f32 v16, v5;
	[tilespmem:v24+s26+$0x0] =	vst.idx.msk $0xffff, v18  }
0x5a: {  	s29 =	simm.s32 $0x8;
	v21 =	vadd.s32 v1, v10;
	[tilespmem:v29+s26+$0x0] =	vst.idx.msk $0xffff, v14;
	v18 =	vadd.f32 v28, v6;
	v16 =	vld [tilespmem:s16+$0xFFFFFFF0]  }
0x5b: {  	v24 =	vmov s29;
	v14 =	vadd.s32 v1, v11;
	v15 =	vld [tilespmem:s16+$0x30];
	[tilespmem:v23+s26+$0x0] =	vst.idx.msk $0xffff, v13;
	v63 =	vadd.f32 v26, v4  }
0x5c: {  	s28 =	simm.s32 $0x9880;
	s30 =	simm.s32 $0xB;
	v19 =	vadd.s32 v3, v19;
	v13 =	vand.u32 $0x7C, v24;
	v24 =	vadd.f32 v27, v6;
	[tilespmem:v25+s26+$0x0] =	vst.idx.msk $0xffff, v18;
	v18 =	vld [tilespmem:s16+$0xFFFFFFB0]  }
0x5d: {  	s0 =	simm.s32 $0xC;
	v20 =	vadd.s32 v3, v20;
	v26 =	vmov s30;
	v23 =	vld [tilespmem:s28+$0x40];
	s16 =	sshll.u32 s15, $0x2;
	v25 =	vadd.f32 v30, v6;
	[tilespmem:v31+s26+$0x0] =	vst.idx.msk $0xffff, v63  }
.LBB2_3:
0x5e: {  	p0 =	slt.u32 s0, $0x7C;
	s30 =	sadd.s32 $0x1, s29;
	v26 =	vand.u32 $0x7F, v26;
	[tilespmem:v22+s26+$0x0] =	vst.idx.msk $0xffff, v24;
	v17 =	vadd.f32 v17, v6;
	v22 =	vld [tilespmem:s25+$0x60];
	v24 =	vadd.s32 v3, v12  }
0x5f: {  	v30 =	vmovc v11;
	v27 =	vld [tilespmem:s28+$0xFFFFFF80];
	v28 =	vmov s30;
	s30 =	sadd.s32 $0x2, s29;
	v29 =	vadd.s32 v0, v26;
	[tilespmem:v21+s26+$0x0] =	vst.idx.msk $0xffff, v25;
	v16 =	vadd.f32 v16, v4;
	s29 =	smov.u32 s0  }
0x60: {  	v12 =	vmovc v8;
	v21 =	vld [tilespmem:s28+$0xFFFFFFC0];
	v11 =	vmov s30;
	[tilespmem:v14+s26+$0x0] =	vst.idx.msk $0xffff, v17;
	v14 =	vadd.s32 v2, v7;
	v15 =	vadd.f32 v15, v4  }
0x61: {  	v17 =	vadd.s32 v0, v13;
	v28 =	vand.u32 $0x7D, v28;
	v25 =	vld [tilespmem:s28+$0x0];
	v31 =	vadd.f32 v18, v4;
	[tilespmem:v19+s26+$0x0] =	vst.idx.msk $0xffff, v16  }
0x62: {  	v16 =	vadd.s32 v0, v28;
	v11 =	vand.u32 $0x7E, v11;
	v18 =	vadd.f32 v23, v9;
	v19 =	vld [tilespmem:s25+$0xFFFFFFE0];
	[tilespmem:v20+s26+$0x0] =	vst.idx.msk $0xffff, v15  }
0x63: {  	v8 =	vmov v13;
	v15 =	vadd.s32 v0, v11;
	v20 =	vld [tilespmem:s25+$0x20];
	v22 =	vadd.f32 v22, v5;
	[tilespmem:v24+s26+$0x0] =	vst.idx.msk $0xffff, v31  }
0x64: {  	v23 =	vadd.s32 v2, v10;
	v13 =	vadd.f32 v27, v9;
	[tilespmem:v29+s26+$0x0] =	vst.idx.msk $0xffff, v18;
	v18 =	vld [tilespmem:s25+$0xFFFFFFA0]  }
0x65: {  	v27 =	vadd.s32 v2, v30;
	v21 =	vadd.f32 v21, v9;
	v24 =	vld [tilespmem:s28+$0x50];
	[tilespmem:v14+s26+$0x0] =	vst.idx.msk $0xffff, v22  }
0x66: {  	[tilespmem:v17+s26+$0x0] =	vst.idx.msk $0xffff, v13;
	v13 =	vadd.f32 v25, v9;
	v25 =	vadd.s32 v2, v12;
	v29 =	vld [tilespmem:s25+$0x70]  }
0x67: {  	v32 =	vadd.s32 v1, v26;
	v31 =	vld [tilespmem:s28+$0xFFFFFF90];
	[tilespmem:v16+s26+$0x0] =	vst.idx.msk $0xffff, v21;
	v14 =	vadd.f32 v19, v5  }
0x68: {  	v34 =	vadd.s32 v3, v7;
	v7 =	vmov v26;
	v33 =	vld [tilespmem:s28+$0xFFFFFFD0];
	[tilespmem:v15+s26+$0x0] =	vst.idx.msk $0xffff, v13;
	v13 =	vadd.f32 v20, v5  }
.Ltmp0:
0x69: {  	v22 =	vadd.s32 v1, v8;
	v17 =	vld [tilespmem:s28+$0x10];
	v15 =	vadd.f32 v18, v5;
	[tilespmem:v23+s26+$0x0] =	vst.idx.msk $0xffff, v14;
	(pc) =	sbr.rel @p0 .LBB2_3-.Ltmp0, $4  }
0x6a: {  	v21 =	vadd.s32 v1, v28;
	v18 =	vadd.f32 v24, v6;
	v16 =	vld [tilespmem:s25+$0xFFFFFFF0];
	[tilespmem:v27+s26+$0x0] =	vst.idx.msk $0xffff, v13  }
0x6b: {  	v14 =	vadd.s32 v1, v11;
	v13 =	vmov s0;
	[tilespmem:v25+s26+$0x0] =	vst.idx.msk $0xffff, v15;
	v15 =	vld [tilespmem:s25+$0x30];
	v27 =	vadd.f32 v29, v4  }
0x6c: {  	s30 =	sadd.s32 $0x3, s0;
	v19 =	vadd.s32 v3, v10;
	v13 =	vand.u32 $0x7C, v13;
	v24 =	vadd.f32 v31, v6;
	[tilespmem:v32+s26+$0x0] =	vst.idx.msk $0xffff, v18;
	v18 =	vld [tilespmem:s25+$0xFFFFFFB0];
	s25 =	smov.u32 s28;
	s28 =	sadd.s32 $0x100, s28  }
0x6d: {  	v26 =	vmov s30;
	v10 =	vmovc v28;
	v20 =	vadd.s32 v3, v30;
	s0 =	sadd.s32 $0x4, s0;
	v23 =	vld [tilespmem:s28+$0x40];
	v25 =	vadd.f32 v33, v6;
	[tilespmem:v34+s26+$0x0] =	vst.idx.msk $0xffff, v27  }
0x6e: {  	s0 =	sadd.s32 $0x1, s29  }
0x6f: {  	v26 =	vand.u32 $0x7F, v26;
	s1 =	sadd.s32 $0x2, s29;
	v28 =	vld [tilespmem:s28+$0xFFFFFFC0];
	v27 =	vmov s0  }
0x70: {  	v31 =	vld [tilespmem:s28+$0x0];
	v29 =	vadd.s32 v0, v26;
	v30 =	vmov s1;
	v27 =	vand.u32 $0x7D, v27  }
0x71: {  	v32 =	vld [tilespmem:s28+$0xFFFFFF80];
	v30 =	vand.u32 $0x7E, v30;
	v33 =	vadd.s32 v0, v27  }
0x72: {  	v34 =	vadd.s32 v0, v30  }
0x73: {  	[tilespmem:v22+s26+$0x0] =	vst.idx.msk $0xffff, v24;
	v22 =	vadd.s32 v0, v13;
	v23 =	vadd.f32 v23, v9  }
0x74: {  	[tilespmem:v21+s26+$0x0] =	vst.idx.msk $0xffff, v25;
	v21 =	vadd.f32 v28, v9  }
0x75: {  	[tilespmem:v29+s26+$0x0] =	vst.idx.msk $0xffff, v23;
	v23 =	vadd.f32 v31, v9  }
0x76: {  	v9 =	vadd.f32 v32, v9;
	v24 =	vld [tilespmem:s28+$0x50];
	[tilespmem:v33+s26+$0x0] =	vst.idx.msk $0xffff, v21  }
0x77: {  	v17 =	vadd.f32 v17, v6;
	v12 =	vadd.s32 v3, v12;
	[tilespmem:v34+s26+$0x0] =	vst.idx.msk $0xffff, v23;
	v21 =	vld [tilespmem:s28+$0xFFFFFFD0]  }
0x78: {  	v16 =	vadd.f32 v16, v4;
	[tilespmem:v22+s26+$0x0] =	vst.idx.msk $0xffff, v9;
	v9 =	vadd.s32 v1, v26;
	v22 =	vld [tilespmem:s28+$0x10]  }
0x79: {  	[tilespmem:v14+s26+$0x0] =	vst.idx.msk $0xffff, v17;
	v14 =	vadd.f32 v15, v4;
	v17 =	vadd.s32 v1, v27;
	v15 =	vld [tilespmem:s28+$0xFFFFFF90]  }
0x7a: {  	v18 =	vadd.f32 v18, v4;
	[tilespmem:v19+s26+$0x0] =	vst.idx.msk $0xffff, v16;
	v16 =	vadd.s32 v1, v30;
	v23 =	vld [tilespmem:s25+$0x60]  }
0x7b: {  	v19 =	vld [tilespmem:s25+$0xFFFFFFE0];
	[tilespmem:v20+s26+$0x0] =	vst.idx.msk $0xffff, v14;
	v14 =	vadd.s32 v1, v13;
	v20 =	vadd.f32 v24, v6  }
0x7c: {  	v25 =	vld [tilespmem:s25+$0x20];
	[tilespmem:v12+s26+$0x0] =	vst.idx.msk $0xffff, v18;
	v24 =	vadd.s32 v2, v7;
	v12 =	vadd.f32 v21, v6  }
0x7d: {  	v18 =	vld [tilespmem:s25+$0xFFFFFFA0];
	v21 =	vadd.s32 v2, v10;
	[tilespmem:v9+s26+$0x0] =	vst.idx.msk $0xffff, v20;
	v9 =	vadd.f32 v22, v6  }
0x7e: {  	v20 =	vadd.s32 v2, v11;
	v6 =	vadd.f32 v15, v6;
	v15 =	vld [tilespmem:s28+$0x60];
	[tilespmem:v17+s26+$0x0] =	vst.idx.msk $0xffff, v12  }
0x7f: {  	v12 =	vadd.f32 v23, v5;
	v17 =	vadd.s32 v2, v8;
	[tilespmem:v16+s26+$0x0] =	vst.idx.msk $0xffff, v9;
	v9 =	vld [tilespmem:s28+$0xFFFFFFE0]  }
0x80: {  	v16 =	vadd.f32 v19, v5;
	[tilespmem:v14+s26+$0x0] =	vst.idx.msk $0xffff, v6;
	v6 =	vadd.s32 v2, v26;
	v14 =	vld [tilespmem:s28+$0x20]  }
0x81: {  	v22 =	vadd.s32 v2, v27;
	v19 =	vld [tilespmem:s28+$0xFFFFFFA0];
	[tilespmem:v24+s26+$0x0] =	vst.idx.msk $0xffff, v12;
	v12 =	vadd.f32 v25, v5  }
0x82: {  	v18 =	vadd.f32 v18, v5;
	v23 =	vld [tilespmem:s25+$0x70];
	[tilespmem:v21+s26+$0x0] =	vst.idx.msk $0xffff, v16;
	v16 =	vadd.s32 v2, v30  }
0x83: {  	v21 =	vld [tilespmem:s25+$0xFFFFFFF0];
	[tilespmem:v20+s26+$0x0] =	vst.idx.msk $0xffff, v12;
	v12 =	vadd.f32 v15, v5;
	v15 =	vadd.s32 v2, v13  }
0x84: {  	v7 =	vadd.s32 v3, v7;
	[tilespmem:v17+s26+$0x0] =	vst.idx.msk $0xffff, v18;
	v17 =	vld [tilespmem:s25+$0x30];
	v9 =	vadd.f32 v9, v5  }
0x85: {  	v10 =	vadd.s32 v3, v10;
	v18 =	vld [tilespmem:s25+$0xFFFFFFB0];
	[tilespmem:v6+s26+$0x0] =	vst.idx.msk $0xffff, v12;
	v6 =	vadd.f32 v14, v5  }
0x86: {  	v11 =	vadd.s32 v3, v11;
	v5 =	vadd.f32 v19, v5;
	v12 =	vld [tilespmem:s28+$0x70];
	[tilespmem:v22+s26+$0x0] =	vst.idx.msk $0xffff, v9  }
0x87: {  	v8 =	vadd.s32 v3, v8;
	v9 =	vadd.f32 v23, v4;
	[tilespmem:v16+s26+$0x0] =	vst.idx.msk $0xffff, v6;
	v14 =	vld [tilespmem:s28+$0xFFFFFFF0]  }
0x88: {  	v16 =	vadd.s32 v3, v26;
	v6 =	vadd.f32 v21, v4;
	[tilespmem:v15+s26+$0x0] =	vst.idx.msk $0xffff, v5;
	v5 =	vld [tilespmem:s28+$0x30]  }
0x89: {  	v15 =	vadd.s32 v3, v27;
	[tilespmem:v7+s26+$0x0] =	vst.idx.msk $0xffff, v9;
	v7 =	vadd.f32 v17, v4;
	v9 =	vld [tilespmem:s28+$0xFFFFFFB0]  }
0x8a: {  	v17 =	vadd.f32 v18, v4;
	[tilespmem:v10+s26+$0x0] =	vst.idx.msk $0xffff, v6;
	v6 =	vadd.s32 v3, v30  }
0x8b: {  	v10 =	vadd.s32 v3, v13;
	[tilespmem:v11+s26+$0x0] =	vst.idx.msk $0xffff, v7;
	v7 =	vadd.f32 v12, v4  }
0x8c: {  	[tilespmem:v8+s26+$0x0] =	vst.idx.msk $0xffff, v17;
	v8 =	vadd.f32 v14, v4  }
0x8d: {  	s1 =	sshll.u32 s15, $0x14;
	[tilespmem:v16+s26+$0x0] =	vst.idx.msk $0xffff, v7;
	v5 =	vadd.f32 v5, v4  }
0x8e: {  	s0 =	sor.u32 s7, s1;
	v4 =	vadd.f32 v9, v4;
	[tilespmem:v15+s26+$0x0] =	vst.idx.msk $0xffff, v8  }
0x8f: {  	s25 =	sshrl.u32 s0, $0x3;
	[tilespmem:v6+s26+$0x0] =	vst.idx.msk $0xffff, v5  }
0x90: {  	s0 =	sadd.s32 s2, s25;
	[tilespmem:v10+s26+$0x0] =	vst.idx.msk $0xffff, v4  }
0x91: {  	[hbm4b:s0+s3] =	stream.linear.scatter [tilespmem:s26], [sflag:$0x5], $0x80, $0x38;
	[tilespmem:$0x15A00] =	vst v63  }
0x92: {  	s28 =	sadd.s32 $0x10, s0  }
0x93: {  	[hbm4b:s28+s3] =	stream.linear.scatter [tilespmem:s31], [sflag:$0x5], $0x80, $0x38;
	[tilespmem:$0x15A00] =	vst v63  }
0x94: {  	s1 =	simm.s32 $0x11710;
	s28 =	sadd.s32 $0x20, s0  }
0x95: {  	[hbm4b:s28+s3] =	stream.linear.scatter [tilespmem:s1], [sflag:$0x5], $0x80, $0x38;
	[tilespmem:$0x15A00] =	vst v63  }
0x96: {  	s28 =	sadd.s32 $0x30, s0;
	s1 =	simm.s32 $0x11798  }
0x97: {  	[hbm4b:s28+s3] =	stream.linear.scatter [tilespmem:s1], [sflag:$0x5], $0x80, $0x38;
	[tilespmem:$0x15A00] =	vst v63  }
0x98: {  	s28 =	sadd.s32 $0x40, s0;
	s1 =	simm.s32 $0x11820  }
0x99: {  	[hbm4b:s28+s3] =	stream.linear.scatter [tilespmem:s1], [sflag:$0x5], $0x80, $0x38;
	[tilespmem:$0x15A00] =	vst v63  }
0x9a: {  	s28 =	sadd.s32 $0x50, s0;
	s1 =	simm.s32 $0x118A8  }
0x9b: {  	[hbm4b:s28+s3] =	stream.linear.scatter [tilespmem:s1], [sflag:$0x5], $0x80, $0x38;
	[tilespmem:$0x15A00] =	vst v63  }
0x9c: {  	s28 =	sadd.s32 $0x60, s0;
	s1 =	simm.s32 $0x11930  }
0x9d: {  	[hbm4b:s28+s3] =	stream.linear.scatter [tilespmem:s1], [sflag:$0x5], $0x80, $0x38;
	[tilespmem:$0x15A00] =	vst v63  }
0x9e: {  	s0 =	sadd.s32 $0x70, s0;
	s1 =	simm.s32 $0x119B8  }
0x9f: {  	[hbm4b:s0+s3] =	stream.linear.scatter [tilespmem:s1], [sflag:$0x5], $0x80, $0x38;
	[tilespmem:$0x15A00] =	vst v63  }
0xa0: {  	s0 =	sadd.s32 s25, s8;
	s1 =	simm.s32 $0x11A40  }
0xa1: {  	[hbm4b:s0+s3] =	stream.linear.scatter [tilespmem:s1], [sflag:$0x5], $0x80, $0x38;
	[tilespmem:$0x15A00] =	vst v63  }
0xa2: {  	s28 =	sadd.s32 $0x10, s0;
	s1 =	simm.s32 $0x11AC8  }
0xa3: {  	[hbm4b:s28+s3] =	stream.linear.scatter [tilespmem:s1], [sflag:$0x5], $0x80, $0x38;
	[tilespmem:$0x15A00] =	vst v63  }
0xa4: {  	s28 =	sadd.s32 $0x20, s0;
	s1 =	simm.s32 $0x11B50  }
0xa5: {  	[hbm4b:s28+s3] =	stream.linear.scatter [tilespmem:s1], [sflag:$0x5], $0x80, $0x38;
	[tilespmem:$0x15A00] =	vst v63  }
0xa6: {  	s28 =	sadd.s32 $0x30, s0;
	s1 =	simm.s32 $0x11BD8  }
0xa7: {  	[hbm4b:s28+s3] =	stream.linear.scatter [tilespmem:s1], [sflag:$0x5], $0x80, $0x38;
	[tilespmem:$0x15A00] =	vst v63  }
0xa8: {  	s28 =	sadd.s32 $0x40, s0;
	s1 =	simm.s32 $0x11C60  }
0xa9: {  	[hbm4b:s28+s3] =	stream.linear.scatter [tilespmem:s1], [sflag:$0x5], $0x80, $0x38;
	[tilespmem:$0x15A00] =	vst v63  }
0xaa: {  	s28 =	sadd.s32 $0x50, s0;
	s1 =	simm.s32 $0x11CE8  }
0xab: {  	[hbm4b:s28+s3] =	stream.linear.scatter [tilespmem:s1], [sflag:$0x5], $0x80, $0x38;
	[tilespmem:$0x15A00] =	vst v63  }
0xac: {  	s28 =	sadd.s32 $0x60, s0;
	s1 =	simm.s32 $0x11D70  }
0xad: {  	[hbm4b:s28+s3] =	stream.linear.scatter [tilespmem:s1], [sflag:$0x5], $0x80, $0x38;
	[tilespmem:$0x15A00] =	vst v63  }
0xae: {  	s0 =	sadd.s32 $0x70, s0;
	s1 =	simm.s32 $0x11DF8  }
0xaf: {  	[hbm4b:s0+s3] =	stream.linear.scatter [tilespmem:s1], [sflag:$0x5], $0x80, $0x38;
	[tilespmem:$0x15A00] =	vst v63  }
0xb0: {  	s0 =	sadd.s32 s25, s9;
	s1 =	simm.s32 $0x11E80  }
0xb1: {  	[hbm4b:s0+s3] =	stream.linear.scatter [tilespmem:s1], [sflag:$0x5], $0x80, $0x38;
	[tilespmem:$0x15A00] =	vst v63  }
0xb2: {  	s28 =	sadd.s32 $0x10, s0;
	s1 =	simm.s32 $0x11F08  }
0xb3: {  	[hbm4b:s28+s3] =	stream.linear.scatter [tilespmem:s1], [sflag:$0x5], $0x80, $0x38;
	[tilespmem:$0x15A00] =	vst v63  }
0xb4: {  	s28 =	sadd.s32 $0x20, s0;
	s1 =	simm.s32 $0x11F90  }
0xb5: {  	[hbm4b:s28+s3] =	stream.linear.scatter [tilespmem:s1], [sflag:$0x5], $0x80, $0x38;
	[tilespmem:$0x15A00] =	vst v63  }
0xb6: {  	s28 =	sadd.s32 $0x30, s0;
	s1 =	simm.s32 $0x12018  }
0xb7: {  	[hbm4b:s28+s3] =	stream.linear.scatter [tilespmem:s1], [sflag:$0x5], $0x80, $0x38;
	[tilespmem:$0x15A00] =	vst v63  }
0xb8: {  	s28 =	sadd.s32 $0x40, s0;
	s1 =	simm.s32 $0x120A0  }
0xb9: {  	[hbm4b:s28+s3] =	stream.linear.scatter [tilespmem:s1], [sflag:$0x5], $0x80, $0x38;
	[tilespmem:$0x15A00] =	vst v63  }
0xba: {  	s28 =	sadd.s32 $0x50, s0;
	s1 =	simm.s32 $0x12128  }
0xbb: {  	[hbm4b:s28+s3] =	stream.linear.scatter [tilespmem:s1], [sflag:$0x5], $0x80, $0x38;
	[tilespmem:$0x15A00] =	vst v63  }
0xbc: {  	s28 =	sadd.s32 $0x60, s0;
	s1 =	simm.s32 $0x121B0  }
0xbd: {  	[hbm4b:s28+s3] =	stream.linear.scatter [tilespmem:s1], [sflag:$0x5], $0x80, $0x38;
	[tilespmem:$0x15A00] =	vst v63  }
0xbe: {  	s0 =	sadd.s32 $0x70, s0;
	s1 =	simm.s32 $0x12238  }
0xbf: {  	[hbm4b:s0+s3] =	stream.linear.scatter [tilespmem:s1], [sflag:$0x5], $0x80, $0x38;
	[tilespmem:$0x15A00] =	vst v63  }
0xc0: {  	s0 =	sadd.s32 s25, s10;
	s1 =	simm.s32 $0x122C0  }
0xc1: {  	[hbm4b:s0+s3] =	stream.linear.scatter [tilespmem:s1], [sflag:$0x5], $0x80, $0x38;
	[tilespmem:$0x15A00] =	vst v63  }
0xc2: {  	s28 =	sadd.s32 $0x10, s0;
	s1 =	simm.s32 $0x12348  }
0xc3: {  	[hbm4b:s28+s3] =	stream.linear.scatter [tilespmem:s1], [sflag:$0x5], $0x80, $0x38;
	[tilespmem:$0x15A00] =	vst v63  }
0xc4: {  	s28 =	sadd.s32 $0x20, s0;
	s1 =	simm.s32 $0x123D0  }
0xc5: {  	[hbm4b:s28+s3] =	stream.linear.scatter [tilespmem:s1], [sflag:$0x5], $0x80, $0x38;
	[tilespmem:$0x15A00] =	vst v63  }
0xc6: {  	s28 =	sadd.s32 $0x30, s0;
	s1 =	simm.s32 $0x12458  }
0xc7: {  	[hbm4b:s28+s3] =	stream.linear.scatter [tilespmem:s1], [sflag:$0x5], $0x80, $0x38;
	[tilespmem:$0x15A00] =	vst v63  }
0xc8: {  	s28 =	sadd.s32 $0x40, s0;
	s1 =	simm.s32 $0x124E0  }
0xc9: {  	[hbm4b:s28+s3] =	stream.linear.scatter [tilespmem:s1], [sflag:$0x5], $0x80, $0x38;
	[tilespmem:$0x15A00] =	vst v63  }
0xca: {  	s28 =	sadd.s32 $0x50, s0;
	s1 =	simm.s32 $0x12568  }
0xcb: {  	[hbm4b:s28+s3] =	stream.linear.scatter [tilespmem:s1], [sflag:$0x5], $0x80, $0x38;
	[tilespmem:$0x15A00] =	vst v63  }
0xcc: {  	s28 =	sadd.s32 $0x60, s0;
	s1 =	simm.s32 $0x125F0  }
0xcd: {  	[hbm4b:s28+s3] =	stream.linear.scatter [tilespmem:s1], [sflag:$0x5], $0x80, $0x38;
	[tilespmem:$0x15A00] =	vst v63  }
0xce: {  	s0 =	sadd.s32 $0x70, s0;
	s1 =	simm.s32 $0x12678  }
0xcf: {  	[hbm4b:s0+s3] =	stream.linear.scatter [tilespmem:s1], [sflag:$0x5], $0x80, $0x38;
	[tilespmem:$0x15A00] =	vst v63  }
0xd0: {  	s0 =	sadd.s32 s25, s11;
	s1 =	simm.s32 $0x12700  }
0xd1: {  	[hbm4b:s0+s3] =	stream.linear.scatter [tilespmem:s1], [sflag:$0x5], $0x80, $0x38;
	[tilespmem:$0x15A00] =	vst v63  }
0xd2: {  	s28 =	sadd.s32 $0x10, s0;
	s1 =	simm.s32 $0x12788  }
0xd3: {  	[hbm4b:s28+s3] =	stream.linear.scatter [tilespmem:s1], [sflag:$0x5], $0x80, $0x38;
	[tilespmem:$0x15A00] =	vst v63  }
0xd4: {  	s28 =	sadd.s32 $0x20, s0;
	s1 =	simm.s32 $0x12810  }
0xd5: {  	[hbm4b:s28+s3] =	stream.linear.scatter [tilespmem:s1], [sflag:$0x5], $0x80, $0x38;
	[tilespmem:$0x15A00] =	vst v63  }
0xd6: {  	s28 =	sadd.s32 $0x30, s0;
	s1 =	simm.s32 $0x12898  }
0xd7: {  	[hbm4b:s28+s3] =	stream.linear.scatter [tilespmem:s1], [sflag:$0x5], $0x80, $0x38;
	[tilespmem:$0x15A00] =	vst v63  }
0xd8: {  	s28 =	sadd.s32 $0x40, s0;
	s1 =	simm.s32 $0x12920  }
0xd9: {  	[hbm4b:s28+s3] =	stream.linear.scatter [tilespmem:s1], [sflag:$0x5], $0x80, $0x38;
	[tilespmem:$0x15A00] =	vst v63  }
0xda: {  	s28 =	sadd.s32 $0x50, s0;
	s1 =	simm.s32 $0x129A8  }
0xdb: {  	[hbm4b:s28+s3] =	stream.linear.scatter [tilespmem:s1], [sflag:$0x5], $0x80, $0x38;
	[tilespmem:$0x15A00] =	vst v63  }
0xdc: {  	s28 =	sadd.s32 $0x60, s0;
	s1 =	simm.s32 $0x12A30  }
0xdd: {  	[hbm4b:s28+s3] =	stream.linear.scatter [tilespmem:s1], [sflag:$0x5], $0x80, $0x38;
	[tilespmem:$0x15A00] =	vst v63  }
0xde: {  	s0 =	sadd.s32 $0x70, s0;
	s1 =	simm.s32 $0x12AB8  }
0xdf: {  	[hbm4b:s0+s3] =	stream.linear.scatter [tilespmem:s1], [sflag:$0x5], $0x80, $0x38;
	[tilespmem:$0x15A00] =	vst v63  }
0xe0: {  	s0 =	sadd.s32 s25, s12;
	s1 =	simm.s32 $0x12B40  }
0xe1: {  	[hbm4b:s0+s3] =	stream.linear.scatter [tilespmem:s1], [sflag:$0x5], $0x80, $0x38;
	[tilespmem:$0x15A00] =	vst v63  }
0xe2: {  	s28 =	sadd.s32 $0x10, s0;
	s1 =	simm.s32 $0x12BC8  }
0xe3: {  	[hbm4b:s28+s3] =	stream.linear.scatter [tilespmem:s1], [sflag:$0x5], $0x80, $0x38;
	[tilespmem:$0x15A00] =	vst v63  }
0xe4: {  	s28 =	sadd.s32 $0x20, s0;
	s1 =	simm.s32 $0x12C50  }
0xe5: {  	[hbm4b:s28+s3] =	stream.linear.scatter [tilespmem:s1], [sflag:$0x5], $0x80, $0x38;
	[tilespmem:$0x15A00] =	vst v63  }
0xe6: {  	s28 =	sadd.s32 $0x30, s0;
	s1 =	simm.s32 $0x12CD8  }
0xe7: {  	[hbm4b:s28+s3] =	stream.linear.scatter [tilespmem:s1], [sflag:$0x5], $0x80, $0x38;
	[tilespmem:$0x15A00] =	vst v63  }
0xe8: {  	s28 =	sadd.s32 $0x40, s0;
	s1 =	simm.s32 $0x12D60  }
0xe9: {  	[hbm4b:s28+s3] =	stream.linear.scatter [tilespmem:s1], [sflag:$0x5], $0x80, $0x38;
	[tilespmem:$0x15A00] =	vst v63  }
0xea: {  	s28 =	sadd.s32 $0x50, s0;
	s1 =	simm.s32 $0x12DE8  }
0xeb: {  	[hbm4b:s28+s3] =	stream.linear.scatter [tilespmem:s1], [sflag:$0x5], $0x80, $0x38;
	[tilespmem:$0x15A00] =	vst v63  }
0xec: {  	s28 =	sadd.s32 $0x60, s0;
	s1 =	simm.s32 $0x12E70  }
0xed: {  	[hbm4b:s28+s3] =	stream.linear.scatter [tilespmem:s1], [sflag:$0x5], $0x80, $0x38;
	[tilespmem:$0x15A00] =	vst v63  }
0xee: {  	s0 =	sadd.s32 $0x70, s0;
	s1 =	simm.s32 $0x12EF8  }
0xef: {  	[hbm4b:s0+s3] =	stream.linear.scatter [tilespmem:s1], [sflag:$0x5], $0x80, $0x38;
	[tilespmem:$0x15A00] =	vst v63  }
0xf0: {  	s0 =	sadd.s32 s25, s13;
	s1 =	simm.s32 $0x12F80  }
0xf1: {  	[hbm4b:s0+s3] =	stream.linear.scatter [tilespmem:s1], [sflag:$0x5], $0x80, $0x38;
	[tilespmem:$0x15A00] =	vst v63  }
0xf2: {  	s28 =	sadd.s32 $0x10, s0;
	s1 =	simm.s32 $0x13008  }
0xf3: {  	[hbm4b:s28+s3] =	stream.linear.scatter [tilespmem:s1], [sflag:$0x5], $0x80, $0x38;
	[tilespmem:$0x15A00] =	vst v63  }
0xf4: {  	s28 =	sadd.s32 $0x20, s0;
	s1 =	simm.s32 $0x13090  }
0xf5: {  	[hbm4b:s28+s3] =	stream.linear.scatter [tilespmem:s1], [sflag:$0x5], $0x80, $0x38;
	[tilespmem:$0x15A00] =	vst v63  }
0xf6: {  	s28 =	sadd.s32 $0x30, s0;
	s1 =	simm.s32 $0x13118  }
0xf7: {  	[hbm4b:s28+s3] =	stream.linear.scatter [tilespmem:s1], [sflag:$0x5], $0x80, $0x38;
	[tilespmem:$0x15A00] =	vst v63  }
0xf8: {  	s28 =	sadd.s32 $0x40, s0;
	s1 =	simm.s32 $0x131A0  }
0xf9: {  	[hbm4b:s28+s3] =	stream.linear.scatter [tilespmem:s1], [sflag:$0x5], $0x80, $0x38;
	[tilespmem:$0x15A00] =	vst v63  }
0xfa: {  	s28 =	sadd.s32 $0x50, s0;
	s1 =	simm.s32 $0x13228  }
0xfb: {  	[hbm4b:s28+s3] =	stream.linear.scatter [tilespmem:s1], [sflag:$0x5], $0x80, $0x38;
	[tilespmem:$0x15A00] =	vst v63  }
0xfc: {  	s28 =	sadd.s32 $0x60, s0;
	s1 =	simm.s32 $0x132B0  }
0xfd: {  	[hbm4b:s28+s3] =	stream.linear.scatter [tilespmem:s1], [sflag:$0x5], $0x80, $0x38;
	[tilespmem:$0x15A00] =	vst v63  }
0xfe: {  	s0 =	sadd.s32 $0x70, s0;
	s1 =	simm.s32 $0x13338  }
0xff: {  	[hbm4b:s0+s3] =	stream.linear.scatter [tilespmem:s1], [sflag:$0x5], $0x80, $0x38;
	[tilespmem:$0x15A00] =	vst v63  }
0x100: {  	s0 =	sadd.s32 s25, s14;
	s25 =	simm.s32 $0x133C0  }
0x101: {  	[hbm4b:s0+s3] =	stream.linear.scatter [tilespmem:s25], [sflag:$0x5], $0x80, $0x38;
	[tilespmem:$0x15A00] =	vst v63  }
0x102: {  	s1 =	simm.s32 $0x13448;
	s25 =	sadd.s32 $0x10, s0  }
0x103: {  	[hbm4b:s25+s3] =	stream.linear.scatter [tilespmem:s1], [sflag:$0x5], $0x80, $0x38;
	[tilespmem:$0x15A00] =	vst v63  }
0x104: {  	s25 =	sadd.s32 $0x20, s0;
	s1 =	simm.s32 $0x134D0  }
0x105: {  	[hbm4b:s25+s3] =	stream.linear.scatter [tilespmem:s1], [sflag:$0x5], $0x80, $0x38;
	[tilespmem:$0x15A00] =	vst v63  }
0x106: {  	s25 =	sadd.s32 $0x30, s0;
	s1 =	simm.s32 $0x13558  }
0x107: {  	[hbm4b:s25+s3] =	stream.linear.scatter [tilespmem:s1], [sflag:$0x5], $0x80, $0x38;
	[tilespmem:$0x15A00] =	vst v63  }
0x108: {  	s25 =	sadd.s32 $0x40, s0;
	s1 =	simm.s32 $0x135E0  }
0x109: {  	[hbm4b:s25+s3] =	stream.linear.scatter [tilespmem:s1], [sflag:$0x5], $0x80, $0x38;
	[tilespmem:$0x15A00] =	vst v63  }
0x10a: {  	s25 =	sadd.s32 $0x50, s0;
	s1 =	simm.s32 $0x13668  }
0x10b: {  	[hbm4b:s25+s3] =	stream.linear.scatter [tilespmem:s1], [sflag:$0x5], $0x80, $0x38;
	[tilespmem:$0x15A00] =	vst v63  }
0x10c: {  	p0 =	seq.s32 s15, $0x31;
	s25 =	sadd.s32 $0x60, s0;
	s1 =	simm.s32 $0x136F0  }
0x10d: {  	[hbm4b:s25+s3] =	stream.linear.scatter [tilespmem:s1], [sflag:$0x5], $0x80, $0x38;
	[tilespmem:$0x15A00] =	vst v63  }
0x10e: {  	s29 =	simm.s32 @!p0 $0x9600;
	s0 =	sadd.s32 $0x70, s0;
	s25 =	simm.s32 $0x13778  }
0x10f: {  	[hbm4b:s0+s3] =	stream.linear.scatter [tilespmem:s25], [sflag:$0x5], $0x80, $0x38;
	[tilespmem:$0x15A00] =	vst v63  }
0x110: {  	p1 =	seq.s32 @!p0 s15, $0x0;
	s0 =	sshll.u32 @!p0 s15, $0x9;
	_ =	swait.ge [sflag:s21], $0x2000  }
0x111: {  	p1 =	por p0, !p1;
	s25 =	sand.u32 @!p0 $0x3FFFFE00, s0;
	[sflag:s21] =	ssyncset.done $0x0  }
0x112: {  	s28 =	simm.s32 @!p0 $0x80;
	s0 =	sadd.s32 @!p0 $0x200, s25;
	[sflag:s21] =	ssyncadd.s32 $0xFFFFE000  }
0x113: {  	[tilespmem:s29], [sflag:$0x1] =	stream.indirect.gather @!p0 [hbm4b:s4+s28], $0x40, s0, s28, $0xb8;
	[tilespmem:$0x15A00] =	vst v63  }
0x114: {  	_ =	swait.ge @p1 [sflag:s6], $0x400  }
0x115: {  	[sflag:s6] =	ssyncset.done @p1 $0x0  }
0x116: {  	[sflag:s6] =	ssyncadd.s32 @p1 $0xFFFFFC00  }
0x117: {  	_ =	swait.ge @p1 [sflag:s6], $0x400  }
0x118: {  	[sflag:s6] =	ssyncset.done @p1 $0x0  }
0x119: {  	[sflag:s6] =	ssyncadd.s32 @p1 $0xFFFFFC00  }
0x11a: {  	_ =	swait.ge @p1 [sflag:s6], $0x400  }
0x11b: {  	[sflag:s6] =	ssyncset.done @p1 $0x0  }
0x11c: {  	[sflag:s6] =	ssyncadd.s32 @p1 $0xFFFFFC00  }
0x11d: {  	_ =	swait.ge @p1 [sflag:s6], $0x400  }
0x11e: {  	[sflag:s6] =	ssyncset.done @p1 $0x0  }
0x11f: {  	[sflag:s6] =	ssyncadd.s32 @p1 $0xFFFFFC00  }
0x120: {  	_ =	swait.ge @p1 [sflag:s6], $0x400  }
0x121: {  	[sflag:s6] =	ssyncset.done @p1 $0x0  }
0x122: {  	[sflag:s6] =	ssyncadd.s32 @p1 $0xFFFFFC00  }
0x123: {  	_ =	swait.ge @p1 [sflag:s6], $0x400  }
0x124: {  	[sflag:s6] =	ssyncset.done @p1 $0x0  }
0x125: {  	[sflag:s6] =	ssyncadd.s32 @p1 $0xFFFFFC00  }
0x126: {  	_ =	swait.ge @p1 [sflag:s6], $0x400  }
0x127: {  	[sflag:s6] =	ssyncset.done @p1 $0x0  }
0x128: {  	[sflag:s6] =	ssyncadd.s32 @p1 $0xFFFFFC00  }
0x129: {  	s28 =	sor.u32 $0x1, s16;
	_ =	swait.ge @p1 [sflag:s6], $0x400  }
0x12a: {  	s1 =	sshll.u32 s28, $0x6;
	[sflag:s6] =	ssyncset.done @p1 $0x0  }
0x12b: {  	s29 =	sand.u32 $0x3FFFFFC0, s1;
	[sflag:s6] =	ssyncadd.s32 @p1 $0xFFFFFC00  }
0x12c: {  	s30 =	simm.s32 $0x3;
	s0 =	simm.s32 $0xB680;
	v9 =	vld [tilespmem:s29+$0x6400]  }
0x12d: {  	v4 =	vmov s30;
	v7 =	vld [tilespmem:s0+$0x40]  }
0x12e: {  	s30 =	simm.s32 $0x0;
	v13 =	vand.u32 $0x7F, v4  }
0x12f: {  	v4 =	vmov s30;
	v8 =	vadd.s32 v0, v13;
	v6 =	vld [tilespmem:s29+$0x6410]  }
0x130: {  	s30 =	simm.s32 $0x1;
	v12 =	vand.u32 $0x7C, v4;
	v10 =	vld [tilespmem:s0+$0xFFFFFF80]  }
0x131: {  	v4 =	vmov s30;
	s31 =	simm.s32 $0x2;
	v15 =	vadd.s32 v0, v12;
	v11 =	vld [tilespmem:s0+$0xFFFFFFC0]  }
0x132: {  	v19 =	vand.u32 $0x7D, v4;
	v14 =	vmov s31;
	v16 =	vld [tilespmem:s0+$0x0];
	v7 =	vadd.f32 v7, v9  }
0x133: {  	v17 =	vadd.s32 v0, v19;
	v20 =	vand.u32 $0x7E, v14;
	v5 =	vld [tilespmem:s29+$0x6420]  }
0x134: {  	v14 =	vadd.s32 v0, v20;
	v4 =	vld [tilespmem:s29+$0x6430];
	[tilespmem:v8+s22+$0x0] =	vst.idx.msk $0xffff, v7  }
0x135: {  	v7 =	vadd.f32 v10, v9;
	v8 =	vld [tilespmem:s0+$0x50]  }
0x136: {  	v10 =	vadd.f32 v11, v9  }
0x137: {  	v11 =	vadd.s32 v1, v13;
	[tilespmem:v15+s22+$0x0] =	vst.idx.msk $0xffff, v7;
	v7 =	vadd.f32 v16, v9  }
0x138: {  	[tilespmem:v17+s22+$0x0] =	vst.idx.msk $0xffff, v10;
	v15 =	vld [tilespmem:s0+$0xFFFFFF90]  }
0x139: {  	v10 =	vld [tilespmem:s0+$0xFFFFFFD0];
	[tilespmem:v14+s22+$0x0] =	vst.idx.msk $0xffff, v7  }
0x13a: {  	v14 =	vld [tilespmem:s0+$0x10];
	v7 =	vadd.f32 v8, v6  }
0x13b: {  	s31 =	simm.s32 $0x7;
	s29 =	simm.s32 $0xB780;
	v16 =	vadd.s32 v1, v19  }
0x13c: {  	s30 =	simm.s32 $0x4;
	v26 =	vadd.s32 v2, v13;
	v18 =	vld [tilespmem:s29+$0x40];
	v17 =	vadd.s32 v1, v20;
	[tilespmem:v11+s22+$0x0] =	vst.idx.msk $0xffff, v7;
	v7 =	vmov s31  }
0x13d: {  	v21 =	vadd.s32 v1, v12;
	v8 =	vmov s30;
	v7 =	vand.u32 $0x7F, v7;
	v22 =	vld [tilespmem:s0+$0x60]  }
0x13e: {  	v23 =	vld [tilespmem:s29+$0xFFFFFF80];
	s30 =	simm.s32 $0x5;
	v8 =	vand.u32 $0x7C, v8;
	v10 =	vadd.f32 v10, v6;
	v24 =	vadd.s32 v0, v7  }
0x13f: {  	v25 =	vld [tilespmem:s29+$0xFFFFFFC0];
	v15 =	vadd.f32 v15, v6;
	v11 =	vadd.f32 v14, v6;
	v14 =	vmov s30;
	s30 =	simm.s32 $0x6  }
0x140: {  	v27 =	vadd.s32 v0, v8;
	[tilespmem:v16+s22+$0x0] =	vst.idx.msk $0xffff, v10;
	v16 =	vmov s30;
	v10 =	vand.u32 $0x7D, v14;
	v14 =	vld [tilespmem:s29+$0x0]  }
0x141: {  	[tilespmem:v17+s22+$0x0] =	vst.idx.msk $0xffff, v11;
	v17 =	vadd.s32 v0, v10;
	v11 =	vand.u32 $0x7E, v16;
	v16 =	vadd.f32 v18, v9;
	v18 =	vld [tilespmem:s0+$0xFFFFFFE0]  }
0x142: {  	[tilespmem:v21+s22+$0x0] =	vst.idx.msk $0xffff, v15;
	v15 =	vadd.s32 v0, v11;
	v21 =	vld [tilespmem:s0+$0x20];
	v22 =	vadd.f32 v22, v5  }
0x143: {  	v23 =	vadd.f32 v23, v9;
	[tilespmem:v24+s22+$0x0] =	vst.idx.msk $0xffff, v16;
	v16 =	vld [tilespmem:s0+$0xFFFFFFA0];
	v24 =	vadd.s32 v2, v19  }
0x144: {  	v60 =	vadd.s32 v2, v20;
	v25 =	vadd.f32 v25, v9;
	v59 =	vld [tilespmem:s29+$0x50];
	[tilespmem:v26+s22+$0x0] =	vst.idx.msk $0xffff, v22  }
0x145: {  	[tilespmem:v27+s22+$0x0] =	vst.idx.msk $0xffff, v23;
	v23 =	vadd.s32 v2, v12;
	v14 =	vadd.f32 v14, v9;
	v26 =	vld [tilespmem:s0+$0x70]  }
0x146: {  	v27 =	vld [tilespmem:s29+$0xFFFFFF90];
	[tilespmem:v17+s22+$0x0] =	vst.idx.msk $0xffff, v25;
	v25 =	vadd.s32 v1, v7;
	v18 =	vadd.f32 v18, v5  }
0x147: {  	v62 =	vadd.s32 v3, v13;
	v61 =	vld [tilespmem:s29+$0xFFFFFFD0];
	[tilespmem:v15+s22+$0x0] =	vst.idx.msk $0xffff, v14;
	v14 =	vadd.f32 v21, v5  }
0x148: {  	v22 =	vadd.s32 v1, v8;
	v17 =	vld [tilespmem:s29+$0x10];
	v13 =	vadd.f32 v16, v5;
	[tilespmem:v24+s22+$0x0] =	vst.idx.msk $0xffff, v18  }
0x149: {  	s31 =	simm.s32 $0x8;
	v21 =	vadd.s32 v1, v10;
	[tilespmem:v60+s22+$0x0] =	vst.idx.msk $0xffff, v14;
	v18 =	vadd.f32 v59, v6;
	v16 =	vld [tilespmem:s0+$0xFFFFFFF0]  }
0x14a: {  	v24 =	vmov s31;
	v14 =	vadd.s32 v1, v11;
	v15 =	vld [tilespmem:s0+$0x30];
	[tilespmem:v23+s22+$0x0] =	vst.idx.msk $0xffff, v13;
	v63 =	vadd.f32 v26, v4  }
0x14b: {  	s1 =	simm.s32 $0xB;
	s30 =	simm.s32 $0xB880;
	v19 =	vadd.s32 v3, v19;
	v13 =	vand.u32 $0x7C, v24;
	v24 =	vadd.f32 v27, v6;
	[tilespmem:v25+s22+$0x0] =	vst.idx.msk $0xffff, v18;
	v18 =	vld [tilespmem:s0+$0xFFFFFFB0]  }
0x14c: {  	v20 =	vadd.s32 v3, v20;
	v26 =	vmov s1;
	v23 =	vld [tilespmem:s30+$0x40];
	s0 =	simm.s32 $0xC;
	v25 =	vadd.f32 v61, v6;
	[tilespmem:v62+s22+$0x0] =	vst.idx.msk $0xffff, v63  }
.LBB2_5:
0x14d: {  	p1 =	slt.u32 s0, $0x7C;
	s1 =	sadd.s32 $0x1, s31;
	v26 =	vand.u32 $0x7F, v26;
	[tilespmem:v22+s22+$0x0] =	vst.idx.msk $0xffff, v24;
	v17 =	vadd.f32 v17, v6;
	v22 =	vld [tilespmem:s29+$0x60];
	v24 =	vadd.s32 v3, v12  }
0x14e: {  	v30 =	vmovc v11;
	v27 =	vld [tilespmem:s30+$0xFFFFFF80];
	v28 =	vmov s1;
	s1 =	sadd.s32 $0x2, s31;
	v29 =	vadd.s32 v0, v26;
	[tilespmem:v21+s22+$0x0] =	vst.idx.msk $0xffff, v25;
	v16 =	vadd.f32 v16, v4;
	s31 =	smov.u32 s0  }
0x14f: {  	v12 =	vmovc v8;
	v21 =	vld [tilespmem:s30+$0xFFFFFFC0];
	v11 =	vmov s1;
	[tilespmem:v14+s22+$0x0] =	vst.idx.msk $0xffff, v17;
	v14 =	vadd.s32 v2, v7;
	v15 =	vadd.f32 v15, v4  }
0x150: {  	v17 =	vadd.s32 v0, v13;
	v28 =	vand.u32 $0x7D, v28;
	v25 =	vld [tilespmem:s30+$0x0];
	v31 =	vadd.f32 v18, v4;
	[tilespmem:v19+s22+$0x0] =	vst.idx.msk $0xffff, v16  }
0x151: {  	v16 =	vadd.s32 v0, v28;
	v11 =	vand.u32 $0x7E, v11;
	v18 =	vadd.f32 v23, v9;
	v19 =	vld [tilespmem:s29+$0xFFFFFFE0];
	[tilespmem:v20+s22+$0x0] =	vst.idx.msk $0xffff, v15  }
0x152: {  	v8 =	vmov v13;
	v15 =	vadd.s32 v0, v11;
	v20 =	vld [tilespmem:s29+$0x20];
	v22 =	vadd.f32 v22, v5;
	[tilespmem:v24+s22+$0x0] =	vst.idx.msk $0xffff, v31  }
0x153: {  	v23 =	vadd.s32 v2, v10;
	v13 =	vadd.f32 v27, v9;
	[tilespmem:v29+s22+$0x0] =	vst.idx.msk $0xffff, v18;
	v18 =	vld [tilespmem:s29+$0xFFFFFFA0]  }
0x154: {  	v27 =	vadd.s32 v2, v30;
	v21 =	vadd.f32 v21, v9;
	v24 =	vld [tilespmem:s30+$0x50];
	[tilespmem:v14+s22+$0x0] =	vst.idx.msk $0xffff, v22  }
0x155: {  	[tilespmem:v17+s22+$0x0] =	vst.idx.msk $0xffff, v13;
	v13 =	vadd.f32 v25, v9;
	v25 =	vadd.s32 v2, v12;
	v29 =	vld [tilespmem:s29+$0x70]  }
0x156: {  	v32 =	vadd.s32 v1, v26;
	v31 =	vld [tilespmem:s30+$0xFFFFFF90];
	[tilespmem:v16+s22+$0x0] =	vst.idx.msk $0xffff, v21;
	v14 =	vadd.f32 v19, v5  }
0x157: {  	v34 =	vadd.s32 v3, v7;
	v7 =	vmov v26;
	v33 =	vld [tilespmem:s30+$0xFFFFFFD0];
	[tilespmem:v15+s22+$0x0] =	vst.idx.msk $0xffff, v13;
	v13 =	vadd.f32 v20, v5  }
.Ltmp1:
0x158: {  	v22 =	vadd.s32 v1, v8;
	v17 =	vld [tilespmem:s30+$0x10];
	v15 =	vadd.f32 v18, v5;
	[tilespmem:v23+s22+$0x0] =	vst.idx.msk $0xffff, v14;
	(pc) =	sbr.rel @p1 .LBB2_5-.Ltmp1, $4  }
0x159: {  	v21 =	vadd.s32 v1, v28;
	v18 =	vadd.f32 v24, v6;
	v16 =	vld [tilespmem:s29+$0xFFFFFFF0];
	[tilespmem:v27+s22+$0x0] =	vst.idx.msk $0xffff, v13  }
0x15a: {  	v14 =	vadd.s32 v1, v11;
	v13 =	vmov s0;
	[tilespmem:v25+s22+$0x0] =	vst.idx.msk $0xffff, v15;
	v15 =	vld [tilespmem:s29+$0x30];
	v27 =	vadd.f32 v29, v4  }
0x15b: {  	s1 =	sadd.s32 $0x3, s0;
	v19 =	vadd.s32 v3, v10;
	v13 =	vand.u32 $0x7C, v13;
	v24 =	vadd.f32 v31, v6;
	[tilespmem:v32+s22+$0x0] =	vst.idx.msk $0xffff, v18;
	v18 =	vld [tilespmem:s29+$0xFFFFFFB0];
	s29 =	smov.u32 s30;
	s30 =	sadd.s32 $0x100, s30  }
0x15c: {  	v26 =	vmov s1;
	v10 =	vmovc v28;
	v20 =	vadd.s32 v3, v30;
	s0 =	sadd.s32 $0x4, s0;
	v23 =	vld [tilespmem:s30+$0x40];
	v25 =	vadd.f32 v33, v6;
	[tilespmem:v34+s22+$0x0] =	vst.idx.msk $0xffff, v27  }
0x15d: {  	s0 =	sadd.s32 $0x1, s31  }
0x15e: {  	v26 =	vand.u32 $0x7F, v26;
	s31 =	sadd.s32 $0x2, s31;
	v28 =	vld [tilespmem:s30+$0xFFFFFFC0];
	v27 =	vmov s0  }
0x15f: {  	v31 =	vld [tilespmem:s30+$0x0];
	v29 =	vadd.s32 v0, v26;
	v30 =	vmov s31;
	v27 =	vand.u32 $0x7D, v27  }
0x160: {  	v32 =	vld [tilespmem:s30+$0xFFFFFF80];
	v30 =	vand.u32 $0x7E, v30;
	v33 =	vadd.s32 v0, v27  }
0x161: {  	v34 =	vadd.s32 v0, v30  }
0x162: {  	[tilespmem:v22+s22+$0x0] =	vst.idx.msk $0xffff, v24;
	v22 =	vadd.s32 v0, v13;
	v23 =	vadd.f32 v23, v9  }
0x163: {  	[tilespmem:v21+s22+$0x0] =	vst.idx.msk $0xffff, v25;
	v21 =	vadd.f32 v28, v9  }
0x164: {  	[tilespmem:v29+s22+$0x0] =	vst.idx.msk $0xffff, v23;
	v23 =	vadd.f32 v31, v9  }
0x165: {  	v9 =	vadd.f32 v32, v9;
	v24 =	vld [tilespmem:s30+$0x50];
	[tilespmem:v33+s22+$0x0] =	vst.idx.msk $0xffff, v21  }
0x166: {  	v17 =	vadd.f32 v17, v6;
	v12 =	vadd.s32 v3, v12;
	[tilespmem:v34+s22+$0x0] =	vst.idx.msk $0xffff, v23;
	v21 =	vld [tilespmem:s30+$0xFFFFFFD0]  }
0x167: {  	v16 =	vadd.f32 v16, v4;
	[tilespmem:v22+s22+$0x0] =	vst.idx.msk $0xffff, v9;
	v9 =	vadd.s32 v1, v26;
	v22 =	vld [tilespmem:s30+$0x10]  }
0x168: {  	[tilespmem:v14+s22+$0x0] =	vst.idx.msk $0xffff, v17;
	v14 =	vadd.f32 v15, v4;
	v17 =	vadd.s32 v1, v27;
	v15 =	vld [tilespmem:s30+$0xFFFFFF90]  }
0x169: {  	v18 =	vadd.f32 v18, v4;
	[tilespmem:v19+s22+$0x0] =	vst.idx.msk $0xffff, v16;
	v16 =	vadd.s32 v1, v30;
	v23 =	vld [tilespmem:s29+$0x60]  }
0x16a: {  	v19 =	vld [tilespmem:s29+$0xFFFFFFE0];
	[tilespmem:v20+s22+$0x0] =	vst.idx.msk $0xffff, v14;
	v14 =	vadd.s32 v1, v13;
	v20 =	vadd.f32 v24, v6  }
0x16b: {  	v25 =	vld [tilespmem:s29+$0x20];
	[tilespmem:v12+s22+$0x0] =	vst.idx.msk $0xffff, v18;
	v24 =	vadd.s32 v2, v7;
	v12 =	vadd.f32 v21, v6  }
0x16c: {  	v18 =	vld [tilespmem:s29+$0xFFFFFFA0];
	v21 =	vadd.s32 v2, v10;
	[tilespmem:v9+s22+$0x0] =	vst.idx.msk $0xffff, v20;
	v9 =	vadd.f32 v22, v6  }
0x16d: {  	v20 =	vadd.s32 v2, v11;
	v6 =	vadd.f32 v15, v6;
	v15 =	vld [tilespmem:s30+$0x60];
	[tilespmem:v17+s22+$0x0] =	vst.idx.msk $0xffff, v12  }
0x16e: {  	v12 =	vadd.f32 v23, v5;
	v17 =	vadd.s32 v2, v8;
	[tilespmem:v16+s22+$0x0] =	vst.idx.msk $0xffff, v9;
	v9 =	vld [tilespmem:s30+$0xFFFFFFE0]  }
0x16f: {  	v16 =	vadd.f32 v19, v5;
	[tilespmem:v14+s22+$0x0] =	vst.idx.msk $0xffff, v6;
	v6 =	vadd.s32 v2, v26;
	v14 =	vld [tilespmem:s30+$0x20]  }
0x170: {  	v22 =	vadd.s32 v2, v27;
	v19 =	vld [tilespmem:s30+$0xFFFFFFA0];
	[tilespmem:v24+s22+$0x0] =	vst.idx.msk $0xffff, v12;
	v12 =	vadd.f32 v25, v5  }
0x171: {  	v18 =	vadd.f32 v18, v5;
	v23 =	vld [tilespmem:s29+$0x70];
	[tilespmem:v21+s22+$0x0] =	vst.idx.msk $0xffff, v16;
	v16 =	vadd.s32 v2, v30  }
0x172: {  	v21 =	vld [tilespmem:s29+$0xFFFFFFF0];
	[tilespmem:v20+s22+$0x0] =	vst.idx.msk $0xffff, v12;
	v12 =	vadd.f32 v15, v5;
	v15 =	vadd.s32 v2, v13  }
0x173: {  	v7 =	vadd.s32 v3, v7;
	[tilespmem:v17+s22+$0x0] =	vst.idx.msk $0xffff, v18;
	v17 =	vld [tilespmem:s29+$0x30];
	v9 =	vadd.f32 v9, v5  }
0x174: {  	v10 =	vadd.s32 v3, v10;
	v18 =	vld [tilespmem:s29+$0xFFFFFFB0];
	[tilespmem:v6+s22+$0x0] =	vst.idx.msk $0xffff, v12;
	v6 =	vadd.f32 v14, v5  }
0x175: {  	v11 =	vadd.s32 v3, v11;
	v5 =	vadd.f32 v19, v5;
	v12 =	vld [tilespmem:s30+$0x70];
	[tilespmem:v22+s22+$0x0] =	vst.idx.msk $0xffff, v9  }
0x176: {  	v8 =	vadd.s32 v3, v8;
	v9 =	vadd.f32 v23, v4;
	[tilespmem:v16+s22+$0x0] =	vst.idx.msk $0xffff, v6;
	v14 =	vld [tilespmem:s30+$0xFFFFFFF0]  }
0x177: {  	v16 =	vadd.s32 v3, v26;
	v6 =	vadd.f32 v21, v4;
	[tilespmem:v15+s22+$0x0] =	vst.idx.msk $0xffff, v5;
	v5 =	vld [tilespmem:s30+$0x30]  }
0x178: {  	v15 =	vadd.s32 v3, v27;
	[tilespmem:v7+s22+$0x0] =	vst.idx.msk $0xffff, v9;
	v7 =	vadd.f32 v17, v4;
	v9 =	vld [tilespmem:s30+$0xFFFFFFB0]  }
0x179: {  	v17 =	vadd.f32 v18, v4;
	[tilespmem:v10+s22+$0x0] =	vst.idx.msk $0xffff, v6;
	v6 =	vadd.s32 v3, v30  }
0x17a: {  	v10 =	vadd.s32 v3, v13;
	[tilespmem:v11+s22+$0x0] =	vst.idx.msk $0xffff, v7;
	v7 =	vadd.f32 v12, v4  }
0x17b: {  	[tilespmem:v8+s22+$0x0] =	vst.idx.msk $0xffff, v17;
	v8 =	vadd.f32 v14, v4  }
0x17c: {  	s1 =	sshll.u32 s28, $0x12;
	[tilespmem:v16+s22+$0x0] =	vst.idx.msk $0xffff, v7;
	v5 =	vadd.f32 v5, v4  }
0x17d: {  	s0 =	sor.u32 s7, s1;
	v4 =	vadd.f32 v9, v4;
	[tilespmem:v15+s22+$0x0] =	vst.idx.msk $0xffff, v8  }
0x17e: {  	s0 =	sshrl.u32 s0, $0x3;
	[tilespmem:v6+s22+$0x0] =	vst.idx.msk $0xffff, v5  }
0x17f: {  	s1 =	sadd.s32 s2, s0;
	[tilespmem:v10+s22+$0x0] =	vst.idx.msk $0xffff, v4  }
0x180: {  	[hbm4b:s1+s3] =	stream.linear.scatter [tilespmem:s22], [sflag:$0x6], $0x80, $0x38;
	[tilespmem:$0x15A00] =	vst v63  }
0x181: {  	s28 =	sadd.s32 $0x10, s1;
	s29 =	simm.s32 $0x13888  }
0x182: {  	[hbm4b:s28+s3] =	stream.linear.scatter [tilespmem:s29], [sflag:$0x6], $0x80, $0x38;
	[tilespmem:$0x15A00] =	vst v63  }
0x183: {  	s28 =	sadd.s32 $0x20, s1;
	s29 =	simm.s32 $0x13910  }
0x184: {  	[hbm4b:s28+s3] =	stream.linear.scatter [tilespmem:s29], [sflag:$0x6], $0x80, $0x38;
	[tilespmem:$0x15A00] =	vst v63  }
0x185: {  	s28 =	sadd.s32 $0x30, s1;
	s29 =	simm.s32 $0x13998  }
0x186: {  	[hbm4b:s28+s3] =	stream.linear.scatter [tilespmem:s29], [sflag:$0x6], $0x80, $0x38;
	[tilespmem:$0x15A00] =	vst v63  }
0x187: {  	s28 =	sadd.s32 $0x40, s1;
	s29 =	simm.s32 $0x13A20  }
0x188: {  	[hbm4b:s28+s3] =	stream.linear.scatter [tilespmem:s29], [sflag:$0x6], $0x80, $0x38;
	[tilespmem:$0x15A00] =	vst v63  }
0x189: {  	s28 =	sadd.s32 $0x50, s1;
	s29 =	simm.s32 $0x13AA8  }
0x18a: {  	[hbm4b:s28+s3] =	stream.linear.scatter [tilespmem:s29], [sflag:$0x6], $0x80, $0x38;
	[tilespmem:$0x15A00] =	vst v63  }
0x18b: {  	s28 =	sadd.s32 $0x60, s1;
	s29 =	simm.s32 $0x13B30  }
0x18c: {  	[hbm4b:s28+s3] =	stream.linear.scatter [tilespmem:s29], [sflag:$0x6], $0x80, $0x38;
	[tilespmem:$0x15A00] =	vst v63  }
0x18d: {  	s1 =	sadd.s32 $0x70, s1;
	s28 =	simm.s32 $0x13BB8  }
0x18e: {  	[hbm4b:s1+s3] =	stream.linear.scatter [tilespmem:s28], [sflag:$0x6], $0x80, $0x38;
	[tilespmem:$0x15A00] =	vst v63  }
0x18f: {  	s31 =	sadd.s32 s0, s8;
	s28 =	simm.s32 $0x13C40  }
0x190: {  	[hbm4b:s31+s3] =	stream.linear.scatter [tilespmem:s28], [sflag:$0x6], $0x80, $0x38;
	[tilespmem:$0x15A00] =	vst v63  }
0x191: {  	s29 =	simm.s32 $0x13CC8;
	s28 =	sadd.s32 $0x10, s31  }
0x192: {  	[hbm4b:s28+s3] =	stream.linear.scatter [tilespmem:s29], [sflag:$0x6], $0x80, $0x38;
	[tilespmem:$0x15A00] =	vst v63  }
0x193: {  	s28 =	sadd.s32 $0x20, s31;
	s29 =	simm.s32 $0x13D50  }
0x194: {  	[hbm4b:s28+s3] =	stream.linear.scatter [tilespmem:s29], [sflag:$0x6], $0x80, $0x38;
	[tilespmem:$0x15A00] =	vst v63  }
0x195: {  	s28 =	sadd.s32 $0x30, s31;
	s29 =	simm.s32 $0x13DD8  }
0x196: {  	[hbm4b:s28+s3] =	stream.linear.scatter [tilespmem:s29], [sflag:$0x6], $0x80, $0x38;
	[tilespmem:$0x15A00] =	vst v63  }
0x197: {  	s28 =	sadd.s32 $0x40, s31;
	s29 =	simm.s32 $0x13E60  }
0x198: {  	[hbm4b:s28+s3] =	stream.linear.scatter [tilespmem:s29], [sflag:$0x6], $0x80, $0x38;
	[tilespmem:$0x15A00] =	vst v63  }
0x199: {  	s28 =	sadd.s32 $0x50, s31;
	s29 =	simm.s32 $0x13EE8  }
0x19a: {  	[hbm4b:s28+s3] =	stream.linear.scatter [tilespmem:s29], [sflag:$0x6], $0x80, $0x38;
	[tilespmem:$0x15A00] =	vst v63  }
0x19b: {  	s28 =	sadd.s32 $0x60, s31;
	s29 =	simm.s32 $0x13F70  }
0x19c: {  	[hbm4b:s28+s3] =	stream.linear.scatter [tilespmem:s29], [sflag:$0x6], $0x80, $0x38;
	[tilespmem:$0x15A00] =	vst v63  }
0x19d: {  	s1 =	sadd.s32 $0x70, s31;
	s28 =	simm.s32 $0x13FF8  }
0x19e: {  	[hbm4b:s1+s3] =	stream.linear.scatter [tilespmem:s28], [sflag:$0x6], $0x80, $0x38;
	[tilespmem:$0x15A00] =	vst v63  }
0x19f: {  	s31 =	sadd.s32 s0, s9;
	s28 =	simm.s32 $0x14080  }
0x1a0: {  	[hbm4b:s31+s3] =	stream.linear.scatter [tilespmem:s28], [sflag:$0x6], $0x80, $0x38;
	[tilespmem:$0x15A00] =	vst v63  }
0x1a1: {  	s29 =	simm.s32 $0x14108;
	s28 =	sadd.s32 $0x10, s31  }
0x1a2: {  	[hbm4b:s28+s3] =	stream.linear.scatter [tilespmem:s29], [sflag:$0x6], $0x80, $0x38;
	[tilespmem:$0x15A00] =	vst v63  }
0x1a3: {  	s28 =	sadd.s32 $0x20, s31;
	s29 =	simm.s32 $0x14190  }
0x1a4: {  	[hbm4b:s28+s3] =	stream.linear.scatter [tilespmem:s29], [sflag:$0x6], $0x80, $0x38;
	[tilespmem:$0x15A00] =	vst v63  }
0x1a5: {  	s28 =	sadd.s32 $0x30, s31;
	s29 =	simm.s32 $0x14218  }
0x1a6: {  	[hbm4b:s28+s3] =	stream.linear.scatter [tilespmem:s29], [sflag:$0x6], $0x80, $0x38;
	[tilespmem:$0x15A00] =	vst v63  }
0x1a7: {  	s28 =	sadd.s32 $0x40, s31;
	s29 =	simm.s32 $0x142A0  }
0x1a8: {  	[hbm4b:s28+s3] =	stream.linear.scatter [tilespmem:s29], [sflag:$0x6], $0x80, $0x38;
	[tilespmem:$0x15A00] =	vst v63  }
0x1a9: {  	s28 =	sadd.s32 $0x50, s31;
	s29 =	simm.s32 $0x14328  }
0x1aa: {  	[hbm4b:s28+s3] =	stream.linear.scatter [tilespmem:s29], [sflag:$0x6], $0x80, $0x38;
	[tilespmem:$0x15A00] =	vst v63  }
0x1ab: {  	s28 =	sadd.s32 $0x60, s31;
	s29 =	simm.s32 $0x143B0  }
0x1ac: {  	[hbm4b:s28+s3] =	stream.linear.scatter [tilespmem:s29], [sflag:$0x6], $0x80, $0x38;
	[tilespmem:$0x15A00] =	vst v63  }
0x1ad: {  	s1 =	sadd.s32 $0x70, s31;
	s28 =	simm.s32 $0x14438  }
0x1ae: {  	[hbm4b:s1+s3] =	stream.linear.scatter [tilespmem:s28], [sflag:$0x6], $0x80, $0x38;
	[tilespmem:$0x15A00] =	vst v63  }
0x1af: {  	s31 =	sadd.s32 s0, s10;
	s28 =	simm.s32 $0x144C0  }
0x1b0: {  	[hbm4b:s31+s3] =	stream.linear.scatter [tilespmem:s28], [sflag:$0x6], $0x80, $0x38;
	[tilespmem:$0x15A00] =	vst v63  }
0x1b1: {  	s29 =	simm.s32 $0x14548;
	s28 =	sadd.s32 $0x10, s31  }
0x1b2: {  	[hbm4b:s28+s3] =	stream.linear.scatter [tilespmem:s29], [sflag:$0x6], $0x80, $0x38;
	[tilespmem:$0x15A00] =	vst v63  }
0x1b3: {  	s28 =	sadd.s32 $0x20, s31;
	s29 =	simm.s32 $0x145D0  }
0x1b4: {  	[hbm4b:s28+s3] =	stream.linear.scatter [tilespmem:s29], [sflag:$0x6], $0x80, $0x38;
	[tilespmem:$0x15A00] =	vst v63  }
0x1b5: {  	s28 =	sadd.s32 $0x30, s31;
	s29 =	simm.s32 $0x14658  }
0x1b6: {  	[hbm4b:s28+s3] =	stream.linear.scatter [tilespmem:s29], [sflag:$0x6], $0x80, $0x38;
	[tilespmem:$0x15A00] =	vst v63  }
0x1b7: {  	s28 =	sadd.s32 $0x40, s31;
	s29 =	simm.s32 $0x146E0  }
0x1b8: {  	[hbm4b:s28+s3] =	stream.linear.scatter [tilespmem:s29], [sflag:$0x6], $0x80, $0x38;
	[tilespmem:$0x15A00] =	vst v63  }
0x1b9: {  	s28 =	sadd.s32 $0x50, s31;
	s29 =	simm.s32 $0x14768  }
0x1ba: {  	[hbm4b:s28+s3] =	stream.linear.scatter [tilespmem:s29], [sflag:$0x6], $0x80, $0x38;
	[tilespmem:$0x15A00] =	vst v63  }
0x1bb: {  	s28 =	sadd.s32 $0x60, s31;
	s29 =	simm.s32 $0x147F0  }
0x1bc: {  	[hbm4b:s28+s3] =	stream.linear.scatter [tilespmem:s29], [sflag:$0x6], $0x80, $0x38;
	[tilespmem:$0x15A00] =	vst v63  }
0x1bd: {  	s1 =	sadd.s32 $0x70, s31;
	s28 =	simm.s32 $0x14878  }
0x1be: {  	[hbm4b:s1+s3] =	stream.linear.scatter [tilespmem:s28], [sflag:$0x6], $0x80, $0x38;
	[tilespmem:$0x15A00] =	vst v63  }
0x1bf: {  	s31 =	sadd.s32 s0, s11;
	s28 =	simm.s32 $0x14900  }
0x1c0: {  	[hbm4b:s31+s3] =	stream.linear.scatter [tilespmem:s28], [sflag:$0x6], $0x80, $0x38;
	[tilespmem:$0x15A00] =	vst v63  }
0x1c1: {  	s29 =	simm.s32 $0x14988;
	s28 =	sadd.s32 $0x10, s31  }
0x1c2: {  	[hbm4b:s28+s3] =	stream.linear.scatter [tilespmem:s29], [sflag:$0x6], $0x80, $0x38;
	[tilespmem:$0x15A00] =	vst v63  }
0x1c3: {  	s28 =	sadd.s32 $0x20, s31;
	s29 =	simm.s32 $0x14A10  }
0x1c4: {  	[hbm4b:s28+s3] =	stream.linear.scatter [tilespmem:s29], [sflag:$0x6], $0x80, $0x38;
	[tilespmem:$0x15A00] =	vst v63  }
0x1c5: {  	s28 =	sadd.s32 $0x30, s31;
	s29 =	simm.s32 $0x14A98  }
0x1c6: {  	[hbm4b:s28+s3] =	stream.linear.scatter [tilespmem:s29], [sflag:$0x6], $0x80, $0x38;
	[tilespmem:$0x15A00] =	vst v63  }
0x1c7: {  	s28 =	sadd.s32 $0x40, s31;
	s29 =	simm.s32 $0x14B20  }
0x1c8: {  	[hbm4b:s28+s3] =	stream.linear.scatter [tilespmem:s29], [sflag:$0x6], $0x80, $0x38;
	[tilespmem:$0x15A00] =	vst v63  }
0x1c9: {  	s28 =	sadd.s32 $0x50, s31;
	s29 =	simm.s32 $0x14BA8  }
0x1ca: {  	[hbm4b:s28+s3] =	stream.linear.scatter [tilespmem:s29], [sflag:$0x6], $0x80, $0x38;
	[tilespmem:$0x15A00] =	vst v63  }
0x1cb: {  	s28 =	sadd.s32 $0x60, s31;
	s29 =	simm.s32 $0x14C30  }
0x1cc: {  	[hbm4b:s28+s3] =	stream.linear.scatter [tilespmem:s29], [sflag:$0x6], $0x80, $0x38;
	[tilespmem:$0x15A00] =	vst v63  }
0x1cd: {  	s1 =	sadd.s32 $0x70, s31;
	s28 =	simm.s32 $0x14CB8  }
0x1ce: {  	[hbm4b:s1+s3] =	stream.linear.scatter [tilespmem:s28], [sflag:$0x6], $0x80, $0x38;
	[tilespmem:$0x15A00] =	vst v63  }
0x1cf: {  	s31 =	sadd.s32 s0, s12;
	s28 =	simm.s32 $0x14D40  }
0x1d0: {  	[hbm4b:s31+s3] =	stream.linear.scatter [tilespmem:s28], [sflag:$0x6], $0x80, $0x38;
	[tilespmem:$0x15A00] =	vst v63  }
0x1d1: {  	s29 =	simm.s32 $0x14DC8;
	s28 =	sadd.s32 $0x10, s31  }
0x1d2: {  	[hbm4b:s28+s3] =	stream.linear.scatter [tilespmem:s29], [sflag:$0x6], $0x80, $0x38;
	[tilespmem:$0x15A00] =	vst v63  }
0x1d3: {  	s28 =	sadd.s32 $0x20, s31;
	s29 =	simm.s32 $0x14E50  }
0x1d4: {  	[hbm4b:s28+s3] =	stream.linear.scatter [tilespmem:s29], [sflag:$0x6], $0x80, $0x38;
	[tilespmem:$0x15A00] =	vst v63  }
0x1d5: {  	s28 =	sadd.s32 $0x30, s31;
	s29 =	simm.s32 $0x14ED8  }
0x1d6: {  	[hbm4b:s28+s3] =	stream.linear.scatter [tilespmem:s29], [sflag:$0x6], $0x80, $0x38;
	[tilespmem:$0x15A00] =	vst v63  }
0x1d7: {  	s28 =	sadd.s32 $0x40, s31;
	s29 =	simm.s32 $0x14F60  }
0x1d8: {  	[hbm4b:s28+s3] =	stream.linear.scatter [tilespmem:s29], [sflag:$0x6], $0x80, $0x38;
	[tilespmem:$0x15A00] =	vst v63  }
0x1d9: {  	s28 =	sadd.s32 $0x50, s31;
	s29 =	simm.s32 $0x14FE8  }
0x1da: {  	[hbm4b:s28+s3] =	stream.linear.scatter [tilespmem:s29], [sflag:$0x6], $0x80, $0x38;
	[tilespmem:$0x15A00] =	vst v63  }
0x1db: {  	s28 =	sadd.s32 $0x60, s31;
	s29 =	simm.s32 $0x15070  }
0x1dc: {  	[hbm4b:s28+s3] =	stream.linear.scatter [tilespmem:s29], [sflag:$0x6], $0x80, $0x38;
	[tilespmem:$0x15A00] =	vst v63  }
0x1dd: {  	s1 =	sadd.s32 $0x70, s31;
	s28 =	simm.s32 $0x150F8  }
0x1de: {  	[hbm4b:s1+s3] =	stream.linear.scatter [tilespmem:s28], [sflag:$0x6], $0x80, $0x38;
	[tilespmem:$0x15A00] =	vst v63  }
0x1df: {  	s31 =	sadd.s32 s0, s13;
	s28 =	simm.s32 $0x15180  }
0x1e0: {  	[hbm4b:s31+s3] =	stream.linear.scatter [tilespmem:s28], [sflag:$0x6], $0x80, $0x38;
	[tilespmem:$0x15A00] =	vst v63  }
0x1e1: {  	s29 =	simm.s32 $0x15208;
	s28 =	sadd.s32 $0x10, s31  }
0x1e2: {  	[hbm4b:s28+s3] =	stream.linear.scatter [tilespmem:s29], [sflag:$0x6], $0x80, $0x38;
	[tilespmem:$0x15A00] =	vst v63  }
0x1e3: {  	s28 =	sadd.s32 $0x20, s31;
	s29 =	simm.s32 $0x15290  }
0x1e4: {  	[hbm4b:s28+s3] =	stream.linear.scatter [tilespmem:s29], [sflag:$0x6], $0x80, $0x38;
	[tilespmem:$0x15A00] =	vst v63  }
0x1e5: {  	s28 =	sadd.s32 $0x30, s31;
	s29 =	simm.s32 $0x15318  }
0x1e6: {  	[hbm4b:s28+s3] =	stream.linear.scatter [tilespmem:s29], [sflag:$0x6], $0x80, $0x38;
	[tilespmem:$0x15A00] =	vst v63  }
0x1e7: {  	s28 =	sadd.s32 $0x40, s31;
	s29 =	simm.s32 $0x153A0  }
0x1e8: {  	[hbm4b:s28+s3] =	stream.linear.scatter [tilespmem:s29], [sflag:$0x6], $0x80, $0x38;
	[tilespmem:$0x15A00] =	vst v63  }
0x1e9: {  	s28 =	sadd.s32 $0x50, s31;
	s29 =	simm.s32 $0x15428  }
0x1ea: {  	[hbm4b:s28+s3] =	stream.linear.scatter [tilespmem:s29], [sflag:$0x6], $0x80, $0x38;
	[tilespmem:$0x15A00] =	vst v63  }
0x1eb: {  	s28 =	sadd.s32 $0x60, s31;
	s29 =	simm.s32 $0x154B0  }
0x1ec: {  	[hbm4b:s28+s3] =	stream.linear.scatter [tilespmem:s29], [sflag:$0x6], $0x80, $0x38;
	[tilespmem:$0x15A00] =	vst v63  }
0x1ed: {  	s1 =	sadd.s32 $0x70, s31;
	s28 =	simm.s32 $0x15538  }
0x1ee: {  	[hbm4b:s1+s3] =	stream.linear.scatter [tilespmem:s28], [sflag:$0x6], $0x80, $0x38;
	[tilespmem:$0x15A00] =	vst v63  }
0x1ef: {  	s0 =	sadd.s32 s0, s14;
	s31 =	simm.s32 $0x155C0  }
0x1f0: {  	[hbm4b:s0+s3] =	stream.linear.scatter [tilespmem:s31], [sflag:$0x6], $0x80, $0x38;
	[tilespmem:$0x15A00] =	vst v63  }
0x1f1: {  	s28 =	simm.s32 $0x15648;
	s31 =	sadd.s32 $0x10, s0  }
0x1f2: {  	[hbm4b:s31+s3] =	stream.linear.scatter [tilespmem:s28], [sflag:$0x6], $0x80, $0x38;
	[tilespmem:$0x15A00] =	vst v63  }
0x1f3: {  	s31 =	sadd.s32 $0x20, s0;
	s28 =	simm.s32 $0x156D0  }
0x1f4: {  	[hbm4b:s31+s3] =	stream.linear.scatter [tilespmem:s28], [sflag:$0x6], $0x80, $0x38;
	[tilespmem:$0x15A00] =	vst v63  }
0x1f5: {  	s31 =	sadd.s32 $0x30, s0;
	s28 =	simm.s32 $0x15758  }
0x1f6: {  	[hbm4b:s31+s3] =	stream.linear.scatter [tilespmem:s28], [sflag:$0x6], $0x80, $0x38;
	[tilespmem:$0x15A00] =	vst v63  }
0x1f7: {  	s31 =	sadd.s32 $0x40, s0;
	s28 =	simm.s32 $0x157E0  }
0x1f8: {  	[hbm4b:s31+s3] =	stream.linear.scatter [tilespmem:s28], [sflag:$0x6], $0x80, $0x38;
	[tilespmem:$0x15A00] =	vst v63  }
0x1f9: {  	s31 =	sadd.s32 $0x50, s0;
	s28 =	simm.s32 $0x15868  }
0x1fa: {  	[hbm4b:s31+s3] =	stream.linear.scatter [tilespmem:s28], [sflag:$0x6], $0x80, $0x38;
	[tilespmem:$0x15A00] =	vst v63  }
0x1fb: {  	s31 =	sadd.s32 $0x60, s0  }
0x1fc: {  	[hbm4b:s31+s3] =	stream.linear.scatter [tilespmem:s17], [sflag:$0x6], $0x80, $0x38;
	[tilespmem:$0x15A00] =	vst v63  }
0x1fd: {  	s0 =	sadd.s32 $0x70, s0  }
0x1fe: {  	[hbm4b:s0+s3] =	stream.linear.scatter [tilespmem:s19], [sflag:$0x6], $0x80, $0x38;
	[tilespmem:$0x15A00] =	vst v63  }
0x1ff: {  	_ =	swait.ge [sflag:s20], $0x2000  }
0x200: {  	s1 =	simm.s32 @!p0 $0x80;
	[sflag:s20] =	ssyncset.done $0x0  }
0x201: {  	s28 =	simm.s32 @!p0 $0xB600;
	s0 =	sadd.s32 @!p0 $0x280, s25;
	[sflag:s20] =	ssyncadd.s32 $0xFFFFE000  }
0x202: {  	[tilespmem:s28], [sflag:$0x2] =	stream.indirect.gather @!p0 [hbm4b:s4+s1], $0x40, s0, s1, $0xb8;
	[tilespmem:$0x15A00] =	vst v63  }
0x203: {  	_ =	swait.ge [sflag:s23], $0x400  }
0x204: {  	[sflag:s23] =	ssyncset.done $0x0  }
0x205: {  	[sflag:s23] =	ssyncadd.s32 $0xFFFFFC00  }
0x206: {  	_ =	swait.ge [sflag:s23], $0x400  }
0x207: {  	[sflag:s23] =	ssyncset.done $0x0  }
0x208: {  	[sflag:s23] =	ssyncadd.s32 $0xFFFFFC00  }
0x209: {  	_ =	swait.ge [sflag:s23], $0x400  }
0x20a: {  	[sflag:s23] =	ssyncset.done $0x0  }
0x20b: {  	[sflag:s23] =	ssyncadd.s32 $0xFFFFFC00  }
0x20c: {  	_ =	swait.ge [sflag:s23], $0x400  }
0x20d: {  	[sflag:s23] =	ssyncset.done $0x0  }
0x20e: {  	[sflag:s23] =	ssyncadd.s32 $0xFFFFFC00  }
0x20f: {  	_ =	swait.ge [sflag:s23], $0x400  }
0x210: {  	[sflag:s23] =	ssyncset.done $0x0  }
0x211: {  	[sflag:s23] =	ssyncadd.s32 $0xFFFFFC00  }
0x212: {  	_ =	swait.ge [sflag:s23], $0x400  }
0x213: {  	[sflag:s23] =	ssyncset.done $0x0  }
0x214: {  	[sflag:s23] =	ssyncadd.s32 $0xFFFFFC00  }
0x215: {  	_ =	swait.ge [sflag:s23], $0x400  }
0x216: {  	[sflag:s23] =	ssyncset.done $0x0  }
0x217: {  	[sflag:s23] =	ssyncadd.s32 $0xFFFFFC00  }
0x218: {  	s16 =	sor.u32 $0x2, s16;
	_ =	swait.ge [sflag:s23], $0x400  }
0x219: {  	s1 =	sshll.u32 s16, $0x6;
	[sflag:s23] =	ssyncset.done $0x0  }
0x21a: {  	s31 =	sand.u32 $0x3FFFFFC0, s1;
	[sflag:s23] =	ssyncadd.s32 $0xFFFFFC00  }
0x21b: {  	s0 =	simm.s32 $0xD680;
	s28 =	simm.s32 $0x3;
	v9 =	vld [tilespmem:s31+$0x6400]  }
0x21c: {  	v4 =	vmov s28;
	v7 =	vld [tilespmem:s0+$0x40]  }
0x21d: {  	v13 =	vand.u32 $0x7F, v4  }
0x21e: {  	s28 =	simm.s32 $0x0;
	v8 =	vadd.s32 v0, v13;
	v6 =	vld [tilespmem:s31+$0x6410]  }
0x21f: {  	s29 =	simm.s32 $0x2;
	v4 =	vmov s28;
	s28 =	simm.s32 $0x1;
	v10 =	vld [tilespmem:s0+$0xFFFFFF80]  }
0x220: {  	v14 =	vmov s29;
	v12 =	vand.u32 $0x7C, v4;
	v4 =	vmov s28;
	v11 =	vld [tilespmem:s0+$0xFFFFFFC0]  }
0x221: {  	v15 =	vadd.s32 v0, v12;
	v19 =	vand.u32 $0x7D, v4;
	v16 =	vld [tilespmem:s0+$0x0];
	v7 =	vadd.f32 v7, v9  }
0x222: {  	v20 =	vand.u32 $0x7E, v14;
	v17 =	vadd.s32 v0, v19;
	v5 =	vld [tilespmem:s31+$0x6420]  }
0x223: {  	v14 =	vadd.s32 v0, v20;
	v4 =	vld [tilespmem:s31+$0x6430];
	[tilespmem:v8+s26+$0x0] =	vst.idx.msk $0xffff, v7  }
0x224: {  	v7 =	vadd.f32 v10, v9;
	v8 =	vld [tilespmem:s0+$0x50]  }
0x225: {  	v10 =	vadd.f32 v11, v9  }
0x226: {  	v11 =	vadd.s32 v1, v13;
	[tilespmem:v15+s26+$0x0] =	vst.idx.msk $0xffff, v7;
	v7 =	vadd.f32 v16, v9  }
0x227: {  	[tilespmem:v17+s26+$0x0] =	vst.idx.msk $0xffff, v10;
	v15 =	vld [tilespmem:s0+$0xFFFFFF90]  }
0x228: {  	v10 =	vld [tilespmem:s0+$0xFFFFFFD0];
	[tilespmem:v14+s26+$0x0] =	vst.idx.msk $0xffff, v7  }
0x229: {  	v14 =	vld [tilespmem:s0+$0x10];
	v7 =	vadd.f32 v8, v6  }
0x22a: {  	s29 =	simm.s32 $0x7;
	s28 =	simm.s32 $0xD780;
	v16 =	vadd.s32 v1, v19  }
0x22b: {  	v26 =	vadd.s32 v2, v13;
	s31 =	simm.s32 $0x4;
	v18 =	vld [tilespmem:s28+$0x40];
	v17 =	vadd.s32 v1, v20;
	[tilespmem:v11+s26+$0x0] =	vst.idx.msk $0xffff, v7;
	v7 =	vmov s29  }
0x22c: {  	v21 =	vadd.s32 v1, v12;
	v8 =	vmov s31;
	v7 =	vand.u32 $0x7F, v7;
	v22 =	vld [tilespmem:s0+$0x60]  }
0x22d: {  	v23 =	vld [tilespmem:s28+$0xFFFFFF80];
	s31 =	simm.s32 $0x5;
	v8 =	vand.u32 $0x7C, v8;
	v10 =	vadd.f32 v10, v6;
	v24 =	vadd.s32 v0, v7  }
0x22e: {  	v25 =	vld [tilespmem:s28+$0xFFFFFFC0];
	v15 =	vadd.f32 v15, v6;
	v11 =	vadd.f32 v14, v6;
	v14 =	vmov s31;
	s31 =	simm.s32 $0x6  }
0x22f: {  	v27 =	vadd.s32 v0, v8;
	[tilespmem:v16+s26+$0x0] =	vst.idx.msk $0xffff, v10;
	v16 =	vmov s31;
	v10 =	vand.u32 $0x7D, v14;
	v14 =	vld [tilespmem:s28+$0x0]  }
0x230: {  	[tilespmem:v17+s26+$0x0] =	vst.idx.msk $0xffff, v11;
	v17 =	vadd.s32 v0, v10;
	v11 =	vand.u32 $0x7E, v16;
	v16 =	vadd.f32 v18, v9;
	v18 =	vld [tilespmem:s0+$0xFFFFFFE0]  }
0x231: {  	[tilespmem:v21+s26+$0x0] =	vst.idx.msk $0xffff, v15;
	v15 =	vadd.s32 v0, v11;
	v21 =	vld [tilespmem:s0+$0x20];
	v22 =	vadd.f32 v22, v5  }
0x232: {  	v23 =	vadd.f32 v23, v9;
	[tilespmem:v24+s26+$0x0] =	vst.idx.msk $0xffff, v16;
	v16 =	vld [tilespmem:s0+$0xFFFFFFA0];
	v24 =	vadd.s32 v2, v19  }
0x233: {  	v60 =	vadd.s32 v2, v20;
	v25 =	vadd.f32 v25, v9;
	v59 =	vld [tilespmem:s28+$0x50];
	[tilespmem:v26+s26+$0x0] =	vst.idx.msk $0xffff, v22  }
0x234: {  	[tilespmem:v27+s26+$0x0] =	vst.idx.msk $0xffff, v23;
	v23 =	vadd.s32 v2, v12;
	v14 =	vadd.f32 v14, v9;
	v26 =	vld [tilespmem:s0+$0x70]  }
0x235: {  	v27 =	vld [tilespmem:s28+$0xFFFFFF90];
	[tilespmem:v17+s26+$0x0] =	vst.idx.msk $0xffff, v25;
	v25 =	vadd.s32 v1, v7;
	v18 =	vadd.f32 v18, v5  }
0x236: {  	v62 =	vadd.s32 v3, v13;
	v61 =	vld [tilespmem:s28+$0xFFFFFFD0];
	[tilespmem:v15+s26+$0x0] =	vst.idx.msk $0xffff, v14;
	v14 =	vadd.f32 v21, v5  }
0x237: {  	v22 =	vadd.s32 v1, v8;
	v17 =	vld [tilespmem:s28+$0x10];
	v13 =	vadd.f32 v16, v5;
	[tilespmem:v24+s26+$0x0] =	vst.idx.msk $0xffff, v18  }
0x238: {  	s30 =	simm.s32 $0x8;
	v21 =	vadd.s32 v1, v10;
	[tilespmem:v60+s26+$0x0] =	vst.idx.msk $0xffff, v14;
	v18 =	vadd.f32 v59, v6;
	v16 =	vld [tilespmem:s0+$0xFFFFFFF0]  }
0x239: {  	v24 =	vmov s30;
	v14 =	vadd.s32 v1, v11;
	v15 =	vld [tilespmem:s0+$0x30];
	[tilespmem:v23+s26+$0x0] =	vst.idx.msk $0xffff, v13;
	v63 =	vadd.f32 v26, v4  }
0x23a: {  	s29 =	simm.s32 $0xD880;
	s31 =	simm.s32 $0xB;
	v19 =	vadd.s32 v3, v19;
	v13 =	vand.u32 $0x7C, v24;
	v24 =	vadd.f32 v27, v6;
	[tilespmem:v25+s26+$0x0] =	vst.idx.msk $0xffff, v18;
	v18 =	vld [tilespmem:s0+$0xFFFFFFB0]  }
0x23b: {  	v20 =	vadd.s32 v3, v20;
	v26 =	vmov s31;
	v23 =	vld [tilespmem:s29+$0x40];
	s0 =	simm.s32 $0xC;
	v25 =	vadd.f32 v61, v6;
	[tilespmem:v62+s26+$0x0] =	vst.idx.msk $0xffff, v63  }
.LBB2_7:
0x23c: {  	p1 =	slt.u32 s0, $0x7C;
	s1 =	sadd.s32 $0x1, s30;
	v26 =	vand.u32 $0x7F, v26;
	[tilespmem:v22+s26+$0x0] =	vst.idx.msk $0xffff, v24;
	v17 =	vadd.f32 v17, v6;
	v22 =	vld [tilespmem:s28+$0x60];
	v24 =	vadd.s32 v3, v12  }
0x23d: {  	v30 =	vmovc v11;
	v27 =	vld [tilespmem:s29+$0xFFFFFF80];
	v28 =	vmov s1;
	s1 =	sadd.s32 $0x2, s30;
	v29 =	vadd.s32 v0, v26;
	[tilespmem:v21+s26+$0x0] =	vst.idx.msk $0xffff, v25;
	v16 =	vadd.f32 v16, v4;
	s30 =	smov.u32 s0  }
0x23e: {  	v12 =	vmovc v8;
	v21 =	vld [tilespmem:s29+$0xFFFFFFC0];
	v11 =	vmov s1;
	[tilespmem:v14+s26+$0x0] =	vst.idx.msk $0xffff, v17;
	v14 =	vadd.s32 v2, v7;
	v15 =	vadd.f32 v15, v4  }
0x23f: {  	v17 =	vadd.s32 v0, v13;
	v28 =	vand.u32 $0x7D, v28;
	v25 =	vld [tilespmem:s29+$0x0];
	v31 =	vadd.f32 v18, v4;
	[tilespmem:v19+s26+$0x0] =	vst.idx.msk $0xffff, v16  }
0x240: {  	v16 =	vadd.s32 v0, v28;
	v11 =	vand.u32 $0x7E, v11;
	v18 =	vadd.f32 v23, v9;
	v19 =	vld [tilespmem:s28+$0xFFFFFFE0];
	[tilespmem:v20+s26+$0x0] =	vst.idx.msk $0xffff, v15  }
0x241: {  	v8 =	vmov v13;
	v15 =	vadd.s32 v0, v11;
	v20 =	vld [tilespmem:s28+$0x20];
	v22 =	vadd.f32 v22, v5;
	[tilespmem:v24+s26+$0x0] =	vst.idx.msk $0xffff, v31  }
0x242: {  	v23 =	vadd.s32 v2, v10;
	v13 =	vadd.f32 v27, v9;
	[tilespmem:v29+s26+$0x0] =	vst.idx.msk $0xffff, v18;
	v18 =	vld [tilespmem:s28+$0xFFFFFFA0]  }
0x243: {  	v27 =	vadd.s32 v2, v30;
	v21 =	vadd.f32 v21, v9;
	v24 =	vld [tilespmem:s29+$0x50];
	[tilespmem:v14+s26+$0x0] =	vst.idx.msk $0xffff, v22  }
0x244: {  	[tilespmem:v17+s26+$0x0] =	vst.idx.msk $0xffff, v13;
	v13 =	vadd.f32 v25, v9;
	v25 =	vadd.s32 v2, v12;
	v29 =	vld [tilespmem:s28+$0x70]  }
0x245: {  	v32 =	vadd.s32 v1, v26;
	v31 =	vld [tilespmem:s29+$0xFFFFFF90];
	[tilespmem:v16+s26+$0x0] =	vst.idx.msk $0xffff, v21;
	v14 =	vadd.f32 v19, v5  }
0x246: {  	v34 =	vadd.s32 v3, v7;
	v7 =	vmov v26;
	v33 =	vld [tilespmem:s29+$0xFFFFFFD0];
	[tilespmem:v15+s26+$0x0] =	vst.idx.msk $0xffff, v13;
	v13 =	vadd.f32 v20, v5  }
.Ltmp2:
0x247: {  	v22 =	vadd.s32 v1, v8;
	v17 =	vld [tilespmem:s29+$0x10];
	v15 =	vadd.f32 v18, v5;
	[tilespmem:v23+s26+$0x0] =	vst.idx.msk $0xffff, v14;
	(pc) =	sbr.rel @p1 .LBB2_7-.Ltmp2, $4  }
0x248: {  	v21 =	vadd.s32 v1, v28;
	v18 =	vadd.f32 v24, v6;
	v16 =	vld [tilespmem:s28+$0xFFFFFFF0];
	[tilespmem:v27+s26+$0x0] =	vst.idx.msk $0xffff, v13  }
0x249: {  	v14 =	vadd.s32 v1, v11;
	v13 =	vmov s0;
	[tilespmem:v25+s26+$0x0] =	vst.idx.msk $0xffff, v15;
	v15 =	vld [tilespmem:s28+$0x30];
	v27 =	vadd.f32 v29, v4  }
0x24a: {  	s1 =	sadd.s32 $0x3, s0;
	v19 =	vadd.s32 v3, v10;
	v13 =	vand.u32 $0x7C, v13;
	v24 =	vadd.f32 v31, v6;
	[tilespmem:v32+s26+$0x0] =	vst.idx.msk $0xffff, v18;
	v18 =	vld [tilespmem:s28+$0xFFFFFFB0];
	s28 =	smov.u32 s29;
	s29 =	sadd.s32 $0x100, s29  }
0x24b: {  	v26 =	vmov s1;
	v10 =	vmovc v28;
	v20 =	vadd.s32 v3, v30;
	s0 =	sadd.s32 $0x4, s0;
	v23 =	vld [tilespmem:s29+$0x40];
	v25 =	vadd.f32 v33, v6;
	[tilespmem:v34+s26+$0x0] =	vst.idx.msk $0xffff, v27  }
0x24c: {  	s0 =	sadd.s32 $0x1, s30  }
0x24d: {  	v26 =	vand.u32 $0x7F, v26;
	s1 =	sadd.s32 $0x2, s30;
	v28 =	vld [tilespmem:s29+$0xFFFFFFC0];
	v27 =	vmov s0  }
0x24e: {  	v31 =	vld [tilespmem:s29+$0x0];
	v29 =	vmov s1;
	v30 =	vadd.s32 v0, v26;
	v27 =	vand.u32 $0x7D, v27  }
0x24f: {  	v32 =	vld [tilespmem:s29+$0xFFFFFF80];
	v29 =	vand.u32 $0x7E, v29;
	v33 =	vadd.s32 v0, v27  }
0x250: {  	v34 =	vadd.s32 v0, v29  }
0x251: {  	[tilespmem:v22+s26+$0x0] =	vst.idx.msk $0xffff, v24;
	v22 =	vadd.s32 v0, v13;
	v23 =	vadd.f32 v23, v9  }
0x252: {  	[tilespmem:v21+s26+$0x0] =	vst.idx.msk $0xffff, v25;
	v21 =	vadd.f32 v28, v9  }
0x253: {  	[tilespmem:v30+s26+$0x0] =	vst.idx.msk $0xffff, v23;
	v23 =	vadd.f32 v31, v9  }
0x254: {  	v9 =	vadd.f32 v32, v9;
	v24 =	vld [tilespmem:s29+$0x50];
	[tilespmem:v33+s26+$0x0] =	vst.idx.msk $0xffff, v21  }
0x255: {  	v17 =	vadd.f32 v17, v6;
	v12 =	vadd.s32 v3, v12;
	[tilespmem:v34+s26+$0x0] =	vst.idx.msk $0xffff, v23;
	v21 =	vld [tilespmem:s29+$0xFFFFFFD0]  }
0x256: {  	v16 =	vadd.f32 v16, v4;
	[tilespmem:v22+s26+$0x0] =	vst.idx.msk $0xffff, v9;
	v9 =	vadd.s32 v1, v26;
	v22 =	vld [tilespmem:s29+$0x10]  }
0x257: {  	[tilespmem:v14+s26+$0x0] =	vst.idx.msk $0xffff, v17;
	v14 =	vadd.f32 v15, v4;
	v17 =	vadd.s32 v1, v27;
	v15 =	vld [tilespmem:s29+$0xFFFFFF90]  }
0x258: {  	v18 =	vadd.f32 v18, v4;
	[tilespmem:v19+s26+$0x0] =	vst.idx.msk $0xffff, v16;
	v16 =	vadd.s32 v1, v29;
	v23 =	vld [tilespmem:s28+$0x60]  }
0x259: {  	v19 =	vld [tilespmem:s28+$0xFFFFFFE0];
	[tilespmem:v20+s26+$0x0] =	vst.idx.msk $0xffff, v14;
	v14 =	vadd.s32 v1, v13;
	v20 =	vadd.f32 v24, v6  }
0x25a: {  	v25 =	vld [tilespmem:s28+$0x20];
	[tilespmem:v12+s26+$0x0] =	vst.idx.msk $0xffff, v18;
	v24 =	vadd.s32 v2, v7;
	v12 =	vadd.f32 v21, v6  }
0x25b: {  	v18 =	vld [tilespmem:s28+$0xFFFFFFA0];
	v21 =	vadd.s32 v2, v10;
	[tilespmem:v9+s26+$0x0] =	vst.idx.msk $0xffff, v20;
	v9 =	vadd.f32 v22, v6  }
0x25c: {  	v20 =	vadd.s32 v2, v11;
	v6 =	vadd.f32 v15, v6;
	v15 =	vld [tilespmem:s29+$0x60];
	[tilespmem:v17+s26+$0x0] =	vst.idx.msk $0xffff, v12  }
0x25d: {  	v12 =	vadd.f32 v23, v5;
	v17 =	vadd.s32 v2, v8;
	[tilespmem:v16+s26+$0x0] =	vst.idx.msk $0xffff, v9;
	v9 =	vld [tilespmem:s29+$0xFFFFFFE0]  }
0x25e: {  	v16 =	vadd.f32 v19, v5;
	[tilespmem:v14+s26+$0x0] =	vst.idx.msk $0xffff, v6;
	v6 =	vadd.s32 v2, v26;
	v14 =	vld [tilespmem:s29+$0x20]  }
0x25f: {  	v22 =	vadd.s32 v2, v27;
	v19 =	vld [tilespmem:s29+$0xFFFFFFA0];
	[tilespmem:v24+s26+$0x0] =	vst.idx.msk $0xffff, v12;
	v12 =	vadd.f32 v25, v5  }
0x260: {  	v18 =	vadd.f32 v18, v5;
	v23 =	vld [tilespmem:s28+$0x70];
	[tilespmem:v21+s26+$0x0] =	vst.idx.msk $0xffff, v16;
	v16 =	vadd.s32 v2, v29  }
0x261: {  	v21 =	vld [tilespmem:s28+$0xFFFFFFF0];
	[tilespmem:v20+s26+$0x0] =	vst.idx.msk $0xffff, v12;
	v12 =	vadd.f32 v15, v5;
	v15 =	vadd.s32 v2, v13  }
0x262: {  	v7 =	vadd.s32 v3, v7;
	[tilespmem:v17+s26+$0x0] =	vst.idx.msk $0xffff, v18;
	v17 =	vld [tilespmem:s28+$0x30];
	v9 =	vadd.f32 v9, v5  }
0x263: {  	v10 =	vadd.s32 v3, v10;
	v18 =	vld [tilespmem:s28+$0xFFFFFFB0];
	[tilespmem:v6+s26+$0x0] =	vst.idx.msk $0xffff, v12;
	v6 =	vadd.f32 v14, v5  }
0x264: {  	v11 =	vadd.s32 v3, v11;
	v5 =	vadd.f32 v19, v5;
	v12 =	vld [tilespmem:s29+$0x70];
	[tilespmem:v22+s26+$0x0] =	vst.idx.msk $0xffff, v9  }
0x265: {  	v8 =	vadd.s32 v3, v8;
	v9 =	vadd.f32 v23, v4;
	[tilespmem:v16+s26+$0x0] =	vst.idx.msk $0xffff, v6;
	v14 =	vld [tilespmem:s29+$0xFFFFFFF0]  }
0x266: {  	v16 =	vadd.s32 v3, v26;
	v6 =	vadd.f32 v21, v4;
	[tilespmem:v15+s26+$0x0] =	vst.idx.msk $0xffff, v5;
	v5 =	vld [tilespmem:s29+$0x30]  }
0x267: {  	v15 =	vadd.s32 v3, v27;
	[tilespmem:v7+s26+$0x0] =	vst.idx.msk $0xffff, v9;
	v7 =	vadd.f32 v17, v4;
	v9 =	vld [tilespmem:s29+$0xFFFFFFB0]  }
0x268: {  	v17 =	vadd.f32 v18, v4;
	[tilespmem:v10+s26+$0x0] =	vst.idx.msk $0xffff, v6;
	v6 =	vadd.s32 v3, v29  }
0x269: {  	v10 =	vadd.s32 v3, v13;
	[tilespmem:v11+s26+$0x0] =	vst.idx.msk $0xffff, v7;
	v7 =	vadd.f32 v12, v4  }
0x26a: {  	[tilespmem:v8+s26+$0x0] =	vst.idx.msk $0xffff, v17;
	v8 =	vadd.f32 v14, v4  }
0x26b: {  	s29 =	sshll.u32 s16, $0x12;
	[tilespmem:v16+s26+$0x0] =	vst.idx.msk $0xffff, v7;
	v5 =	vadd.f32 v5, v4  }
0x26c: {  	s0 =	sor.u32 s7, s29;
	v4 =	vadd.f32 v9, v4;
	[tilespmem:v15+s26+$0x0] =	vst.idx.msk $0xffff, v8  }
0x26d: {  	s0 =	sshrl.u32 s0, $0x3;
	[tilespmem:v6+s26+$0x0] =	vst.idx.msk $0xffff, v5  }
0x26e: {  	s1 =	sadd.s32 s2, s0;
	[tilespmem:v10+s26+$0x0] =	vst.idx.msk $0xffff, v4  }
0x26f: {  	[hbm4b:s1+s3] =	stream.linear.scatter [tilespmem:s26], [sflag:$0x5], $0x80, $0x38;
	[tilespmem:$0x15A00] =	vst v63  }
0x270: {  	s31 =	simm.s32 $0x11688;
	s30 =	sadd.s32 $0x10, s1  }
0x271: {  	[hbm4b:s30+s3] =	stream.linear.scatter [tilespmem:s31], [sflag:$0x5], $0x80, $0x38;
	[tilespmem:$0x15A00] =	vst v63  }
0x272: {  	s28 =	simm.s32 $0x11710;
	s29 =	sadd.s32 $0x20, s1  }
0x273: {  	[hbm4b:s29+s3] =	stream.linear.scatter [tilespmem:s28], [sflag:$0x5], $0x80, $0x38;
	[tilespmem:$0x15A00] =	vst v63  }
0x274: {  	s30 =	sadd.s32 $0x30, s1;
	s28 =	simm.s32 $0x11798  }
0x275: {  	[hbm4b:s30+s3] =	stream.linear.scatter [tilespmem:s28], [sflag:$0x5], $0x80, $0x38;
	[tilespmem:$0x15A00] =	vst v63  }
0x276: {  	s29 =	sadd.s32 $0x40, s1;
	s28 =	simm.s32 $0x11820  }
0x277: {  	[hbm4b:s29+s3] =	stream.linear.scatter [tilespmem:s28], [sflag:$0x5], $0x80, $0x38;
	[tilespmem:$0x15A00] =	vst v63  }
0x278: {  	s30 =	sadd.s32 $0x50, s1;
	s28 =	simm.s32 $0x118A8  }
0x279: {  	[hbm4b:s30+s3] =	stream.linear.scatter [tilespmem:s28], [sflag:$0x5], $0x80, $0x38;
	[tilespmem:$0x15A00] =	vst v63  }
0x27a: {  	s29 =	sadd.s32 $0x60, s1;
	s28 =	simm.s32 $0x11930  }
0x27b: {  	[hbm4b:s29+s3] =	stream.linear.scatter [tilespmem:s28], [sflag:$0x5], $0x80, $0x38;
	[tilespmem:$0x15A00] =	vst v63  }
0x27c: {  	s1 =	sadd.s32 $0x70, s1;
	s30 =	simm.s32 $0x119B8  }
0x27d: {  	[hbm4b:s1+s3] =	stream.linear.scatter [tilespmem:s30], [sflag:$0x5], $0x80, $0x38;
	[tilespmem:$0x15A00] =	vst v63  }
0x27e: {  	s29 =	simm.s32 $0x11A40;
	s1 =	sadd.s32 s0, s8  }
0x27f: {  	[hbm4b:s1+s3] =	stream.linear.scatter [tilespmem:s29], [sflag:$0x5], $0x80, $0x38;
	[tilespmem:$0x15A00] =	vst v63  }
0x280: {  	s28 =	simm.s32 $0x11AC8;
	s30 =	sadd.s32 $0x10, s1  }
0x281: {  	[hbm4b:s30+s3] =	stream.linear.scatter [tilespmem:s28], [sflag:$0x5], $0x80, $0x38;
	[tilespmem:$0x15A00] =	vst v63  }
0x282: {  	s29 =	sadd.s32 $0x20, s1;
	s28 =	simm.s32 $0x11B50  }
0x283: {  	[hbm4b:s29+s3] =	stream.linear.scatter [tilespmem:s28], [sflag:$0x5], $0x80, $0x38;
	[tilespmem:$0x15A00] =	vst v63  }
0x284: {  	s30 =	sadd.s32 $0x30, s1;
	s28 =	simm.s32 $0x11BD8  }
0x285: {  	[hbm4b:s30+s3] =	stream.linear.scatter [tilespmem:s28], [sflag:$0x5], $0x80, $0x38;
	[tilespmem:$0x15A00] =	vst v63  }
0x286: {  	s29 =	sadd.s32 $0x40, s1;
	s28 =	simm.s32 $0x11C60  }
0x287: {  	[hbm4b:s29+s3] =	stream.linear.scatter [tilespmem:s28], [sflag:$0x5], $0x80, $0x38;
	[tilespmem:$0x15A00] =	vst v63  }
0x288: {  	s30 =	sadd.s32 $0x50, s1;
	s28 =	simm.s32 $0x11CE8  }
0x289: {  	[hbm4b:s30+s3] =	stream.linear.scatter [tilespmem:s28], [sflag:$0x5], $0x80, $0x38;
	[tilespmem:$0x15A00] =	vst v63  }
0x28a: {  	s29 =	sadd.s32 $0x60, s1;
	s28 =	simm.s32 $0x11D70  }
0x28b: {  	[hbm4b:s29+s3] =	stream.linear.scatter [tilespmem:s28], [sflag:$0x5], $0x80, $0x38;
	[tilespmem:$0x15A00] =	vst v63  }
0x28c: {  	s1 =	sadd.s32 $0x70, s1;
	s30 =	simm.s32 $0x11DF8  }
0x28d: {  	[hbm4b:s1+s3] =	stream.linear.scatter [tilespmem:s30], [sflag:$0x5], $0x80, $0x38;
	[tilespmem:$0x15A00] =	vst v63  }
0x28e: {  	s29 =	simm.s32 $0x11E80;
	s1 =	sadd.s32 s0, s9  }
0x28f: {  	[hbm4b:s1+s3] =	stream.linear.scatter [tilespmem:s29], [sflag:$0x5], $0x80, $0x38;
	[tilespmem:$0x15A00] =	vst v63  }
0x290: {  	s28 =	simm.s32 $0x11F08;
	s30 =	sadd.s32 $0x10, s1  }
0x291: {  	[hbm4b:s30+s3] =	stream.linear.scatter [tilespmem:s28], [sflag:$0x5], $0x80, $0x38;
	[tilespmem:$0x15A00] =	vst v63  }
0x292: {  	s29 =	sadd.s32 $0x20, s1;
	s28 =	simm.s32 $0x11F90  }
0x293: {  	[hbm4b:s29+s3] =	stream.linear.scatter [tilespmem:s28], [sflag:$0x5], $0x80, $0x38;
	[tilespmem:$0x15A00] =	vst v63  }
0x294: {  	s30 =	sadd.s32 $0x30, s1;
	s28 =	simm.s32 $0x12018  }
0x295: {  	[hbm4b:s30+s3] =	stream.linear.scatter [tilespmem:s28], [sflag:$0x5], $0x80, $0x38;
	[tilespmem:$0x15A00] =	vst v63  }
0x296: {  	s29 =	sadd.s32 $0x40, s1;
	s28 =	simm.s32 $0x120A0  }
0x297: {  	[hbm4b:s29+s3] =	stream.linear.scatter [tilespmem:s28], [sflag:$0x5], $0x80, $0x38;
	[tilespmem:$0x15A00] =	vst v63  }
0x298: {  	s30 =	sadd.s32 $0x50, s1;
	s28 =	simm.s32 $0x12128  }
0x299: {  	[hbm4b:s30+s3] =	stream.linear.scatter [tilespmem:s28], [sflag:$0x5], $0x80, $0x38;
	[tilespmem:$0x15A00] =	vst v63  }
0x29a: {  	s29 =	sadd.s32 $0x60, s1;
	s28 =	simm.s32 $0x121B0  }
0x29b: {  	[hbm4b:s29+s3] =	stream.linear.scatter [tilespmem:s28], [sflag:$0x5], $0x80, $0x38;
	[tilespmem:$0x15A00] =	vst v63  }
0x29c: {  	s1 =	sadd.s32 $0x70, s1;
	s30 =	simm.s32 $0x12238  }
0x29d: {  	[hbm4b:s1+s3] =	stream.linear.scatter [tilespmem:s30], [sflag:$0x5], $0x80, $0x38;
	[tilespmem:$0x15A00] =	vst v63  }
0x29e: {  	s29 =	simm.s32 $0x122C0;
	s1 =	sadd.s32 s0, s10  }
0x29f: {  	[hbm4b:s1+s3] =	stream.linear.scatter [tilespmem:s29], [sflag:$0x5], $0x80, $0x38;
	[tilespmem:$0x15A00] =	vst v63  }
0x2a0: {  	s28 =	simm.s32 $0x12348;
	s30 =	sadd.s32 $0x10, s1  }
0x2a1: {  	[hbm4b:s30+s3] =	stream.linear.scatter [tilespmem:s28], [sflag:$0x5], $0x80, $0x38;
	[tilespmem:$0x15A00] =	vst v63  }
0x2a2: {  	s29 =	sadd.s32 $0x20, s1;
	s28 =	simm.s32 $0x123D0  }
0x2a3: {  	[hbm4b:s29+s3] =	stream.linear.scatter [tilespmem:s28], [sflag:$0x5], $0x80, $0x38;
	[tilespmem:$0x15A00] =	vst v63  }
0x2a4: {  	s30 =	sadd.s32 $0x30, s1;
	s28 =	simm.s32 $0x12458  }
0x2a5: {  	[hbm4b:s30+s3] =	stream.linear.scatter [tilespmem:s28], [sflag:$0x5], $0x80, $0x38;
	[tilespmem:$0x15A00] =	vst v63  }
0x2a6: {  	s29 =	sadd.s32 $0x40, s1;
	s28 =	simm.s32 $0x124E0  }
0x2a7: {  	[hbm4b:s29+s3] =	stream.linear.scatter [tilespmem:s28], [sflag:$0x5], $0x80, $0x38;
	[tilespmem:$0x15A00] =	vst v63  }
0x2a8: {  	s30 =	sadd.s32 $0x50, s1;
	s28 =	simm.s32 $0x12568  }
0x2a9: {  	[hbm4b:s30+s3] =	stream.linear.scatter [tilespmem:s28], [sflag:$0x5], $0x80, $0x38;
	[tilespmem:$0x15A00] =	vst v63  }
0x2aa: {  	s29 =	sadd.s32 $0x60, s1;
	s28 =	simm.s32 $0x125F0  }
0x2ab: {  	[hbm4b:s29+s3] =	stream.linear.scatter [tilespmem:s28], [sflag:$0x5], $0x80, $0x38;
	[tilespmem:$0x15A00] =	vst v63  }
0x2ac: {  	s1 =	sadd.s32 $0x70, s1;
	s30 =	simm.s32 $0x12678  }
0x2ad: {  	[hbm4b:s1+s3] =	stream.linear.scatter [tilespmem:s30], [sflag:$0x5], $0x80, $0x38;
	[tilespmem:$0x15A00] =	vst v63  }
0x2ae: {  	s29 =	simm.s32 $0x12700;
	s1 =	sadd.s32 s0, s11  }
0x2af: {  	[hbm4b:s1+s3] =	stream.linear.scatter [tilespmem:s29], [sflag:$0x5], $0x80, $0x38;
	[tilespmem:$0x15A00] =	vst v63  }
0x2b0: {  	s28 =	simm.s32 $0x12788;
	s30 =	sadd.s32 $0x10, s1  }
0x2b1: {  	[hbm4b:s30+s3] =	stream.linear.scatter [tilespmem:s28], [sflag:$0x5], $0x80, $0x38;
	[tilespmem:$0x15A00] =	vst v63  }
0x2b2: {  	s29 =	sadd.s32 $0x20, s1;
	s28 =	simm.s32 $0x12810  }
0x2b3: {  	[hbm4b:s29+s3] =	stream.linear.scatter [tilespmem:s28], [sflag:$0x5], $0x80, $0x38;
	[tilespmem:$0x15A00] =	vst v63  }
0x2b4: {  	s30 =	sadd.s32 $0x30, s1;
	s28 =	simm.s32 $0x12898  }
0x2b5: {  	[hbm4b:s30+s3] =	stream.linear.scatter [tilespmem:s28], [sflag:$0x5], $0x80, $0x38;
	[tilespmem:$0x15A00] =	vst v63  }
0x2b6: {  	s29 =	sadd.s32 $0x40, s1;
	s28 =	simm.s32 $0x12920  }
0x2b7: {  	[hbm4b:s29+s3] =	stream.linear.scatter [tilespmem:s28], [sflag:$0x5], $0x80, $0x38;
	[tilespmem:$0x15A00] =	vst v63  }
0x2b8: {  	s30 =	sadd.s32 $0x50, s1;
	s28 =	simm.s32 $0x129A8  }
0x2b9: {  	[hbm4b:s30+s3] =	stream.linear.scatter [tilespmem:s28], [sflag:$0x5], $0x80, $0x38;
	[tilespmem:$0x15A00] =	vst v63  }
0x2ba: {  	s29 =	sadd.s32 $0x60, s1;
	s28 =	simm.s32 $0x12A30  }
0x2bb: {  	[hbm4b:s29+s3] =	stream.linear.scatter [tilespmem:s28], [sflag:$0x5], $0x80, $0x38;
	[tilespmem:$0x15A00] =	vst v63  }
0x2bc: {  	s1 =	sadd.s32 $0x70, s1;
	s30 =	simm.s32 $0x12AB8  }
0x2bd: {  	[hbm4b:s1+s3] =	stream.linear.scatter [tilespmem:s30], [sflag:$0x5], $0x80, $0x38;
	[tilespmem:$0x15A00] =	vst v63  }
0x2be: {  	s29 =	simm.s32 $0x12B40;
	s1 =	sadd.s32 s0, s12  }
0x2bf: {  	[hbm4b:s1+s3] =	stream.linear.scatter [tilespmem:s29], [sflag:$0x5], $0x80, $0x38;
	[tilespmem:$0x15A00] =	vst v63  }
0x2c0: {  	s28 =	simm.s32 $0x12BC8;
	s30 =	sadd.s32 $0x10, s1  }
0x2c1: {  	[hbm4b:s30+s3] =	stream.linear.scatter [tilespmem:s28], [sflag:$0x5], $0x80, $0x38;
	[tilespmem:$0x15A00] =	vst v63  }
0x2c2: {  	s29 =	sadd.s32 $0x20, s1;
	s28 =	simm.s32 $0x12C50  }
0x2c3: {  	[hbm4b:s29+s3] =	stream.linear.scatter [tilespmem:s28], [sflag:$0x5], $0x80, $0x38;
	[tilespmem:$0x15A00] =	vst v63  }
0x2c4: {  	s30 =	sadd.s32 $0x30, s1;
	s28 =	simm.s32 $0x12CD8  }
0x2c5: {  	[hbm4b:s30+s3] =	stream.linear.scatter [tilespmem:s28], [sflag:$0x5], $0x80, $0x38;
	[tilespmem:$0x15A00] =	vst v63  }
0x2c6: {  	s29 =	sadd.s32 $0x40, s1;
	s28 =	simm.s32 $0x12D60  }
0x2c7: {  	[hbm4b:s29+s3] =	stream.linear.scatter [tilespmem:s28], [sflag:$0x5], $0x80, $0x38;
	[tilespmem:$0x15A00] =	vst v63  }
0x2c8: {  	s30 =	sadd.s32 $0x50, s1;
	s28 =	simm.s32 $0x12DE8  }
0x2c9: {  	[hbm4b:s30+s3] =	stream.linear.scatter [tilespmem:s28], [sflag:$0x5], $0x80, $0x38;
	[tilespmem:$0x15A00] =	vst v63  }
0x2ca: {  	s29 =	sadd.s32 $0x60, s1;
	s28 =	simm.s32 $0x12E70  }
0x2cb: {  	[hbm4b:s29+s3] =	stream.linear.scatter [tilespmem:s28], [sflag:$0x5], $0x80, $0x38;
	[tilespmem:$0x15A00] =	vst v63  }
0x2cc: {  	s1 =	sadd.s32 $0x70, s1;
	s30 =	simm.s32 $0x12EF8  }
0x2cd: {  	[hbm4b:s1+s3] =	stream.linear.scatter [tilespmem:s30], [sflag:$0x5], $0x80, $0x38;
	[tilespmem:$0x15A00] =	vst v63  }
0x2ce: {  	s29 =	simm.s32 $0x12F80;
	s1 =	sadd.s32 s0, s13  }
0x2cf: {  	[hbm4b:s1+s3] =	stream.linear.scatter [tilespmem:s29], [sflag:$0x5], $0x80, $0x38;
	[tilespmem:$0x15A00] =	vst v63  }
0x2d0: {  	s28 =	simm.s32 $0x13008;
	s30 =	sadd.s32 $0x10, s1  }
0x2d1: {  	[hbm4b:s30+s3] =	stream.linear.scatter [tilespmem:s28], [sflag:$0x5], $0x80, $0x38;
	[tilespmem:$0x15A00] =	vst v63  }
0x2d2: {  	s29 =	sadd.s32 $0x20, s1;
	s28 =	simm.s32 $0x13090  }
0x2d3: {  	[hbm4b:s29+s3] =	stream.linear.scatter [tilespmem:s28], [sflag:$0x5], $0x80, $0x38;
	[tilespmem:$0x15A00] =	vst v63  }
0x2d4: {  	s30 =	sadd.s32 $0x30, s1;
	s28 =	simm.s32 $0x13118  }
0x2d5: {  	[hbm4b:s30+s3] =	stream.linear.scatter [tilespmem:s28], [sflag:$0x5], $0x80, $0x38;
	[tilespmem:$0x15A00] =	vst v63  }
0x2d6: {  	s29 =	sadd.s32 $0x40, s1;
	s28 =	simm.s32 $0x131A0  }
0x2d7: {  	[hbm4b:s29+s3] =	stream.linear.scatter [tilespmem:s28], [sflag:$0x5], $0x80, $0x38;
	[tilespmem:$0x15A00] =	vst v63  }
0x2d8: {  	s30 =	sadd.s32 $0x50, s1;
	s28 =	simm.s32 $0x13228  }
0x2d9: {  	[hbm4b:s30+s3] =	stream.linear.scatter [tilespmem:s28], [sflag:$0x5], $0x80, $0x38;
	[tilespmem:$0x15A00] =	vst v63  }
0x2da: {  	s29 =	sadd.s32 $0x60, s1;
	s28 =	simm.s32 $0x132B0  }
0x2db: {  	[hbm4b:s29+s3] =	stream.linear.scatter [tilespmem:s28], [sflag:$0x5], $0x80, $0x38;
	[tilespmem:$0x15A00] =	vst v63  }
0x2dc: {  	s1 =	sadd.s32 $0x70, s1;
	s30 =	simm.s32 $0x13338  }
0x2dd: {  	[hbm4b:s1+s3] =	stream.linear.scatter [tilespmem:s30], [sflag:$0x5], $0x80, $0x38;
	[tilespmem:$0x15A00] =	vst v63  }
0x2de: {  	s16 =	simm.s32 $0x133C0;
	s0 =	sadd.s32 s0, s14  }
0x2df: {  	[hbm4b:s0+s3] =	stream.linear.scatter [tilespmem:s16], [sflag:$0x5], $0x80, $0x38;
	[tilespmem:$0x15A00] =	vst v63  }
0x2e0: {  	s29 =	sadd.s32 $0x10, s0;
	s30 =	simm.s32 $0x13448  }
0x2e1: {  	[hbm4b:s29+s3] =	stream.linear.scatter [tilespmem:s30], [sflag:$0x5], $0x80, $0x38;
	[tilespmem:$0x15A00] =	vst v63  }
0x2e2: {  	s29 =	sadd.s32 $0x20, s0;
	s30 =	simm.s32 $0x134D0  }
0x2e3: {  	[hbm4b:s29+s3] =	stream.linear.scatter [tilespmem:s30], [sflag:$0x5], $0x80, $0x38;
	[tilespmem:$0x15A00] =	vst v63  }
0x2e4: {  	s29 =	sadd.s32 $0x30, s0;
	s30 =	simm.s32 $0x13558  }
0x2e5: {  	[hbm4b:s29+s3] =	stream.linear.scatter [tilespmem:s30], [sflag:$0x5], $0x80, $0x38;
	[tilespmem:$0x15A00] =	vst v63  }
0x2e6: {  	s29 =	sadd.s32 $0x40, s0;
	s30 =	simm.s32 $0x135E0  }
0x2e7: {  	[hbm4b:s29+s3] =	stream.linear.scatter [tilespmem:s30], [sflag:$0x5], $0x80, $0x38;
	[tilespmem:$0x15A00] =	vst v63  }
0x2e8: {  	s29 =	sadd.s32 $0x50, s0;
	s30 =	simm.s32 $0x13668  }
0x2e9: {  	[hbm4b:s29+s3] =	stream.linear.scatter [tilespmem:s30], [sflag:$0x5], $0x80, $0x38;
	[tilespmem:$0x15A00] =	vst v63  }
0x2ea: {  	s29 =	sadd.s32 $0x60, s0;
	s30 =	simm.s32 $0x136F0  }
0x2eb: {  	[hbm4b:s29+s3] =	stream.linear.scatter [tilespmem:s30], [sflag:$0x5], $0x80, $0x38;
	[tilespmem:$0x15A00] =	vst v63  }
0x2ec: {  	s16 =	simm.s32 $0x13778;
	s0 =	sadd.s32 $0x70, s0  }
0x2ed: {  	[hbm4b:s0+s3] =	stream.linear.scatter [tilespmem:s16], [sflag:$0x5], $0x80, $0x38;
	[tilespmem:$0x15A00] =	vst v63  }
0x2ee: {  	_ =	swait.ge [sflag:s5], $0x2000  }
0x2ef: {  	s1 =	simm.s32 @!p0 $0x80;
	[sflag:s5] =	ssyncset.done $0x0  }
0x2f0: {  	s0 =	sadd.s32 @!p0 $0x300, s25;
	s16 =	simm.s32 @!p0 $0xD600;
	[sflag:s5] =	ssyncadd.s32 $0xFFFFE000  }
0x2f1: {  	[tilespmem:s16], [sflag:$0x3] =	stream.indirect.gather @!p0 [hbm4b:s4+s1], $0x40, s0, s1, $0xb8;
	[tilespmem:$0x15A00] =	vst v63  }
0x2f2: {  	_ =	swait.ge [sflag:s6], $0x400  }
0x2f3: {  	[sflag:s6] =	ssyncset.done $0x0  }
0x2f4: {  	[sflag:s6] =	ssyncadd.s32 $0xFFFFFC00  }
0x2f5: {  	_ =	swait.ge [sflag:s6], $0x400  }
0x2f6: {  	[sflag:s6] =	ssyncset.done $0x0  }
0x2f7: {  	[sflag:s6] =	ssyncadd.s32 $0xFFFFFC00  }
0x2f8: {  	_ =	swait.ge [sflag:s6], $0x400  }
0x2f9: {  	[sflag:s6] =	ssyncset.done $0x0  }
0x2fa: {  	[sflag:s6] =	ssyncadd.s32 $0xFFFFFC00  }
0x2fb: {  	_ =	swait.ge [sflag:s6], $0x400  }
0x2fc: {  	[sflag:s6] =	ssyncset.done $0x0  }
0x2fd: {  	[sflag:s6] =	ssyncadd.s32 $0xFFFFFC00  }
0x2fe: {  	_ =	swait.ge [sflag:s6], $0x400  }
0x2ff: {  	[sflag:s6] =	ssyncset.done $0x0  }
0x300: {  	[sflag:s6] =	ssyncadd.s32 $0xFFFFFC00  }
0x301: {  	_ =	swait.ge [sflag:s6], $0x400  }
0x302: {  	[sflag:s6] =	ssyncset.done $0x0  }
0x303: {  	[sflag:s6] =	ssyncadd.s32 $0xFFFFFC00  }
0x304: {  	_ =	swait.ge [sflag:s6], $0x400  }
0x305: {  	[sflag:s6] =	ssyncset.done $0x0  }
0x306: {  	[sflag:s6] =	ssyncadd.s32 $0xFFFFFC00  }
0x307: {  	_ =	swait.ge [sflag:s6], $0x400  }
0x308: {  	s29 =	sshll.u32 s18, $0x6;
	[sflag:s6] =	ssyncset.done $0x0  }
0x309: {  	s1 =	sand.u32 $0x3FFFFFC0, s29;
	[sflag:s6] =	ssyncadd.s32 $0xFFFFFC00  }
0x30a: {  	s30 =	simm.s32 $0x3;
	s0 =	simm.s32 $0xF680;
	v9 =	vld [tilespmem:s1+$0x6400]  }
0x30b: {  	v4 =	vmov s30;
	v7 =	vld [tilespmem:s0+$0x40]  }
0x30c: {  	v13 =	vand.u32 $0x7F, v4  }
0x30d: {  	s25 =	simm.s32 $0x0;
	v8 =	vadd.s32 v0, v13;
	v6 =	vld [tilespmem:s1+$0x6410]  }
0x30e: {  	s30 =	simm.s32 $0x2;
	v4 =	vmov s25;
	s29 =	simm.s32 $0x1;
	v10 =	vld [tilespmem:s0+$0xFFFFFF80]  }
0x30f: {  	v14 =	vmov s30;
	v12 =	vand.u32 $0x7C, v4;
	v4 =	vmov s29;
	v11 =	vld [tilespmem:s0+$0xFFFFFFC0]  }
0x310: {  	v15 =	vadd.s32 v0, v12;
	v19 =	vand.u32 $0x7D, v4;
	v16 =	vld [tilespmem:s0+$0x0];
	v7 =	vadd.f32 v7, v9  }
0x311: {  	v20 =	vand.u32 $0x7E, v14;
	v17 =	vadd.s32 v0, v19;
	v5 =	vld [tilespmem:s1+$0x6420]  }
0x312: {  	v14 =	vadd.s32 v0, v20;
	v4 =	vld [tilespmem:s1+$0x6430];
	[tilespmem:v8+s22+$0x0] =	vst.idx.msk $0xffff, v7  }
0x313: {  	v7 =	vadd.f32 v10, v9;
	v8 =	vld [tilespmem:s0+$0x50]  }
0x314: {  	v10 =	vadd.f32 v11, v9  }
0x315: {  	v11 =	vadd.s32 v1, v13;
	[tilespmem:v15+s22+$0x0] =	vst.idx.msk $0xffff, v7;
	v7 =	vadd.f32 v16, v9  }
0x316: {  	[tilespmem:v17+s22+$0x0] =	vst.idx.msk $0xffff, v10;
	v15 =	vld [tilespmem:s0+$0xFFFFFF90]  }
0x317: {  	v10 =	vld [tilespmem:s0+$0xFFFFFFD0];
	[tilespmem:v14+s22+$0x0] =	vst.idx.msk $0xffff, v7  }
0x318: {  	v14 =	vld [tilespmem:s0+$0x10];
	v7 =	vadd.f32 v8, v6  }
0x319: {  	s30 =	simm.s32 $0x7;
	s16 =	simm.s32 $0xF780;
	v16 =	vadd.s32 v1, v19  }
0x31a: {  	v26 =	vadd.s32 v2, v13;
	s29 =	simm.s32 $0x4;
	v18 =	vld [tilespmem:s16+$0x40];
	v17 =	vadd.s32 v1, v20;
	[tilespmem:v11+s22+$0x0] =	vst.idx.msk $0xffff, v7;
	v7 =	vmov s30  }
0x31b: {  	v21 =	vadd.s32 v1, v12;
	v8 =	vmov s29;
	v7 =	vand.u32 $0x7F, v7;
	v22 =	vld [tilespmem:s0+$0x60]  }
0x31c: {  	s25 =	simm.s32 $0x5;
	v23 =	vld [tilespmem:s16+$0xFFFFFF80];
	v8 =	vand.u32 $0x7C, v8;
	v10 =	vadd.f32 v10, v6;
	v24 =	vadd.s32 v0, v7  }
0x31d: {  	v25 =	vld [tilespmem:s16+$0xFFFFFFC0];
	s29 =	simm.s32 $0x6;
	v15 =	vadd.f32 v15, v6;
	v11 =	vadd.f32 v14, v6;
	v14 =	vmov s25  }
0x31e: {  	v27 =	vadd.s32 v0, v8;
	[tilespmem:v16+s22+$0x0] =	vst.idx.msk $0xffff, v10;
	v16 =	vmov s29;
	v10 =	vand.u32 $0x7D, v14;
	v14 =	vld [tilespmem:s16+$0x0]  }
0x31f: {  	[tilespmem:v17+s22+$0x0] =	vst.idx.msk $0xffff, v11;
	v17 =	vadd.s32 v0, v10;
	v11 =	vand.u32 $0x7E, v16;
	v16 =	vadd.f32 v18, v9;
	v18 =	vld [tilespmem:s0+$0xFFFFFFE0]  }
0x320: {  	[tilespmem:v21+s22+$0x0] =	vst.idx.msk $0xffff, v15;
	v15 =	vadd.s32 v0, v11;
	v21 =	vld [tilespmem:s0+$0x20];
	v22 =	vadd.f32 v22, v5  }
0x321: {  	v23 =	vadd.f32 v23, v9;
	[tilespmem:v24+s22+$0x0] =	vst.idx.msk $0xffff, v16;
	v16 =	vld [tilespmem:s0+$0xFFFFFFA0];
	v24 =	vadd.s32 v2, v19  }
0x322: {  	v60 =	vadd.s32 v2, v20;
	v25 =	vadd.f32 v25, v9;
	v59 =	vld [tilespmem:s16+$0x50];
	[tilespmem:v26+s22+$0x0] =	vst.idx.msk $0xffff, v22  }
0x323: {  	[tilespmem:v27+s22+$0x0] =	vst.idx.msk $0xffff, v23;
	v23 =	vadd.s32 v2, v12;
	v14 =	vadd.f32 v14, v9;
	v26 =	vld [tilespmem:s0+$0x70]  }
0x324: {  	v27 =	vld [tilespmem:s16+$0xFFFFFF90];
	[tilespmem:v17+s22+$0x0] =	vst.idx.msk $0xffff, v25;
	v25 =	vadd.s32 v1, v7;
	v18 =	vadd.f32 v18, v5  }
0x325: {  	v62 =	vadd.s32 v3, v13;
	v61 =	vld [tilespmem:s16+$0xFFFFFFD0];
	[tilespmem:v15+s22+$0x0] =	vst.idx.msk $0xffff, v14;
	v14 =	vadd.f32 v21, v5  }
0x326: {  	v22 =	vadd.s32 v1, v8;
	v17 =	vld [tilespmem:s16+$0x10];
	v13 =	vadd.f32 v16, v5;
	[tilespmem:v24+s22+$0x0] =	vst.idx.msk $0xffff, v18  }
0x327: {  	s28 =	simm.s32 $0x8;
	v21 =	vadd.s32 v1, v10;
	[tilespmem:v60+s22+$0x0] =	vst.idx.msk $0xffff, v14;
	v18 =	vadd.f32 v59, v6;
	v16 =	vld [tilespmem:s0+$0xFFFFFFF0]  }
0x328: {  	v24 =	vmov s28;
	v14 =	vadd.s32 v1, v11;
	v15 =	vld [tilespmem:s0+$0x30];
	[tilespmem:v23+s22+$0x0] =	vst.idx.msk $0xffff, v13;
	v63 =	vadd.f32 v26, v4  }
0x329: {  	s30 =	simm.s32 $0xB;
	s25 =	simm.s32 $0xF880;
	v19 =	vadd.s32 v3, v19;
	v13 =	vand.u32 $0x7C, v24;
	v24 =	vadd.f32 v27, v6;
	[tilespmem:v25+s22+$0x0] =	vst.idx.msk $0xffff, v18;
	v18 =	vld [tilespmem:s0+$0xFFFFFFB0]  }
0x32a: {  	v20 =	vadd.s32 v3, v20;
	v26 =	vmov s30;
	v23 =	vld [tilespmem:s25+$0x40];
	s0 =	simm.s32 $0xC;
	v25 =	vadd.f32 v61, v6;
	[tilespmem:v62+s22+$0x0] =	vst.idx.msk $0xffff, v63  }
.LBB2_9:
0x32b: {  	p0 =	slt.u32 s0, $0x7C;
	s1 =	sadd.s32 $0x1, s28;
	v26 =	vand.u32 $0x7F, v26;
	[tilespmem:v22+s22+$0x0] =	vst.idx.msk $0xffff, v24;
	v17 =	vadd.f32 v17, v6;
	v22 =	vld [tilespmem:s16+$0x60];
	v24 =	vadd.s32 v3, v12  }
0x32c: {  	v30 =	vmovc v11;
	v27 =	vld [tilespmem:s25+$0xFFFFFF80];
	v28 =	vmov s1;
	s1 =	sadd.s32 $0x2, s28;
	v29 =	vadd.s32 v0, v26;
	[tilespmem:v21+s22+$0x0] =	vst.idx.msk $0xffff, v25;
	v16 =	vadd.f32 v16, v4;
	s28 =	smov.u32 s0  }
0x32d: {  	v12 =	vmovc v8;
	v21 =	vld [tilespmem:s25+$0xFFFFFFC0];
	v11 =	vmov s1;
	[tilespmem:v14+s22+$0x0] =	vst.idx.msk $0xffff, v17;
	v14 =	vadd.s32 v2, v7;
	v15 =	vadd.f32 v15, v4  }
0x32e: {  	v17 =	vadd.s32 v0, v13;
	v28 =	vand.u32 $0x7D, v28;
	v25 =	vld [tilespmem:s25+$0x0];
	v31 =	vadd.f32 v18, v4;
	[tilespmem:v19+s22+$0x0] =	vst.idx.msk $0xffff, v16  }
0x32f: {  	v16 =	vadd.s32 v0, v28;
	v11 =	vand.u32 $0x7E, v11;
	v18 =	vadd.f32 v23, v9;
	v19 =	vld [tilespmem:s16+$0xFFFFFFE0];
	[tilespmem:v20+s22+$0x0] =	vst.idx.msk $0xffff, v15  }
0x330: {  	v8 =	vmov v13;
	v15 =	vadd.s32 v0, v11;
	v20 =	vld [tilespmem:s16+$0x20];
	v22 =	vadd.f32 v22, v5;
	[tilespmem:v24+s22+$0x0] =	vst.idx.msk $0xffff, v31  }
0x331: {  	v23 =	vadd.s32 v2, v10;
	v13 =	vadd.f32 v27, v9;
	[tilespmem:v29+s22+$0x0] =	vst.idx.msk $0xffff, v18;
	v18 =	vld [tilespmem:s16+$0xFFFFFFA0]  }
0x332: {  	v27 =	vadd.s32 v2, v30;
	v21 =	vadd.f32 v21, v9;
	v24 =	vld [tilespmem:s25+$0x50];
	[tilespmem:v14+s22+$0x0] =	vst.idx.msk $0xffff, v22  }
0x333: {  	[tilespmem:v17+s22+$0x0] =	vst.idx.msk $0xffff, v13;
	v13 =	vadd.f32 v25, v9;
	v25 =	vadd.s32 v2, v12;
	v29 =	vld [tilespmem:s16+$0x70]  }
0x334: {  	v32 =	vadd.s32 v1, v26;
	v31 =	vld [tilespmem:s25+$0xFFFFFF90];
	[tilespmem:v16+s22+$0x0] =	vst.idx.msk $0xffff, v21;
	v14 =	vadd.f32 v19, v5  }
0x335: {  	v34 =	vadd.s32 v3, v7;
	v7 =	vmov v26;
	v33 =	vld [tilespmem:s25+$0xFFFFFFD0];
	[tilespmem:v15+s22+$0x0] =	vst.idx.msk $0xffff, v13;
	v13 =	vadd.f32 v20, v5  }
.Ltmp3:
0x336: {  	v22 =	vadd.s32 v1, v8;
	v17 =	vld [tilespmem:s25+$0x10];
	v15 =	vadd.f32 v18, v5;
	[tilespmem:v23+s22+$0x0] =	vst.idx.msk $0xffff, v14;
	(pc) =	sbr.rel @p0 .LBB2_9-.Ltmp3, $4  }
0x337: {  	v21 =	vadd.s32 v1, v28;
	v18 =	vadd.f32 v24, v6;
	v16 =	vld [tilespmem:s16+$0xFFFFFFF0];
	[tilespmem:v27+s22+$0x0] =	vst.idx.msk $0xffff, v13  }
0x338: {  	v14 =	vadd.s32 v1, v11;
	v13 =	vmov s0;
	[tilespmem:v25+s22+$0x0] =	vst.idx.msk $0xffff, v15;
	v15 =	vld [tilespmem:s16+$0x30];
	v27 =	vadd.f32 v29, v4  }
0x339: {  	s1 =	sadd.s32 $0x3, s0;
	v19 =	vadd.s32 v3, v10;
	v13 =	vand.u32 $0x7C, v13;
	v24 =	vadd.f32 v31, v6;
	[tilespmem:v32+s22+$0x0] =	vst.idx.msk $0xffff, v18;
	v18 =	vld [tilespmem:s16+$0xFFFFFFB0];
	s16 =	smov.u32 s25;
	s25 =	sadd.s32 $0x100, s25  }
0x33a: {  	v26 =	vmov s1;
	v10 =	vmovc v28;
	v20 =	vadd.s32 v3, v30;
	s0 =	sadd.s32 $0x4, s0;
	v23 =	vld [tilespmem:s25+$0x40];
	v25 =	vadd.f32 v33, v6;
	[tilespmem:v34+s22+$0x0] =	vst.idx.msk $0xffff, v27  }
0x33b: {  	s0 =	sadd.s32 $0x1, s28  }
0x33c: {  	v26 =	vand.u32 $0x7F, v26;
	s1 =	sadd.s32 $0x2, s28;
	v28 =	vld [tilespmem:s25+$0xFFFFFFC0];
	v27 =	vmov s0  }
0x33d: {  	v31 =	vld [tilespmem:s25+$0x0];
	v29 =	vmov s1;
	v30 =	vadd.s32 v0, v26;
	v27 =	vand.u32 $0x7D, v27  }
0x33e: {  	v32 =	vld [tilespmem:s25+$0xFFFFFF80];
	v29 =	vand.u32 $0x7E, v29;
	v33 =	vadd.s32 v0, v27  }
0x33f: {  	v34 =	vadd.s32 v0, v29  }
0x340: {  	[tilespmem:v22+s22+$0x0] =	vst.idx.msk $0xffff, v24;
	v44 =	vadd.s32 v0, v13;
	v23 =	vadd.f32 v23, v9  }
0x341: {  	[tilespmem:v21+s22+$0x0] =	vst.idx.msk $0xffff, v25;
	v45 =	vadd.f32 v28, v9  }
0x342: {  	v46 =	vadd.f32 v31, v9;
	[tilespmem:v30+s22+$0x0] =	vst.idx.msk $0xffff, v23  }
0x343: {  	v47 =	vadd.f32 v32, v9;
	v48 =	vld [tilespmem:s25+$0x50];
	[tilespmem:v33+s22+$0x0] =	vst.idx.msk $0xffff, v45  }
0x344: {  	v17 =	vadd.f32 v17, v6;
	v12 =	vadd.s32 v3, v12;
	[tilespmem:v34+s22+$0x0] =	vst.idx.msk $0xffff, v46;
	v21 =	vld [tilespmem:s25+$0xFFFFFFD0]  }
0x345: {  	v16 =	vadd.f32 v16, v4;
	v49 =	vadd.s32 v1, v26;
	[tilespmem:v44+s22+$0x0] =	vst.idx.msk $0xffff, v47;
	v50 =	vld [tilespmem:s25+$0x10]  }
0x346: {  	[tilespmem:v14+s22+$0x0] =	vst.idx.msk $0xffff, v17;
	v51 =	vadd.f32 v15, v4;
	v53 =	vadd.s32 v1, v27;
	v52 =	vld [tilespmem:s25+$0xFFFFFF90]  }
0x347: {  	v54 =	vld [tilespmem:s16+$0x60];
	v18 =	vadd.f32 v18, v4;
	[tilespmem:v19+s22+$0x0] =	vst.idx.msk $0xffff, v16;
	v55 =	vadd.s32 v1, v29  }
0x348: {  	v57 =	vadd.s32 v1, v13;
	v60 =	vld [tilespmem:s16+$0x20];
	[tilespmem:v20+s22+$0x0] =	vst.idx.msk $0xffff, v51;
	v58 =	vadd.f32 v48, v6  }
0x349: {  	v59 =	vadd.s32 v2, v7;
	v56 =	vld [tilespmem:s16+$0xFFFFFFE0];
	[tilespmem:v12+s22+$0x0] =	vst.idx.msk $0xffff, v18;
	v61 =	vadd.f32 v21, v6  }
0x34a: {  	v62 =	vld [tilespmem:s16+$0xFFFFFFA0];
	v30 =	vadd.s32 v2, v11;
	[tilespmem:v49+s22+$0x0] =	vst.idx.msk $0xffff, v58;
	v28 =	vadd.f32 v50, v6  }
0x34b: {  	v63 =	vadd.s32 v2, v10;
	v31 =	vadd.f32 v52, v6;
	v32 =	vld [tilespmem:s25+$0x60];
	[tilespmem:v53+s22+$0x0] =	vst.idx.msk $0xffff, v61  }
0x34c: {  	v33 =	vadd.f32 v54, v5;
	v34 =	vadd.s32 v2, v8;
	[tilespmem:v55+s22+$0x0] =	vst.idx.msk $0xffff, v28;
	v35 =	vld [tilespmem:s25+$0xFFFFFFE0]  }
0x34d: {  	v37 =	vadd.s32 v2, v26;
	v39 =	vadd.f32 v60, v5;
	[tilespmem:v57+s22+$0x0] =	vst.idx.msk $0xffff, v31;
	v38 =	vld [tilespmem:s25+$0x20]  }
0x34e: {  	v41 =	vadd.s32 v2, v27;
	v36 =	vadd.f32 v56, v5;
	[tilespmem:v59+s22+$0x0] =	vst.idx.msk $0xffff, v33;
	v40 =	vld [tilespmem:s25+$0xFFFFFFA0]  }
0x34f: {  	v43 =	vadd.s32 v2, v29;
	v18 =	vadd.f32 v62, v5;
	v42 =	vld [tilespmem:s16+$0x70];
	[tilespmem:v30+s22+$0x0] =	vst.idx.msk $0xffff, v39  }
0x350: {  	v45 =	vadd.s32 v2, v13;
	[tilespmem:v63+s22+$0x0] =	vst.idx.msk $0xffff, v36;
	v47 =	vld [tilespmem:s16+$0x30];
	v44 =	vadd.f32 v32, v5  }
0x351: {  	v46 =	vadd.s32 v3, v7;
	[tilespmem:v34+s22+$0x0] =	vst.idx.msk $0xffff, v18;
	v21 =	vld [tilespmem:s16+$0xFFFFFFF0];
	v9 =	vadd.f32 v35, v5  }
0x352: {  	v18 =	vld [tilespmem:s16+$0xFFFFFFB0];
	v50 =	vadd.s32 v3, v11;
	[tilespmem:v37+s22+$0x0] =	vst.idx.msk $0xffff, v44;
	v49 =	vadd.f32 v38, v5  }
0x353: {  	v48 =	vadd.s32 v3, v10;
	v5 =	vadd.f32 v40, v5;
	v12 =	vld [tilespmem:s25+$0x70];
	[tilespmem:v41+s22+$0x0] =	vst.idx.msk $0xffff, v9  }
0x354: {  	v52 =	vadd.s32 v3, v8;
	v51 =	vadd.f32 v42, v4;
	[tilespmem:v43+s22+$0x0] =	vst.idx.msk $0xffff, v49;
	v53 =	vld [tilespmem:s25+$0xFFFFFFF0]  }
0x355: {  	v55 =	vadd.s32 v3, v26;
	v56 =	vadd.f32 v47, v4;
	[tilespmem:v45+s22+$0x0] =	vst.idx.msk $0xffff, v5;
	v5 =	vld [tilespmem:s25+$0x30]  }
0x356: {  	v58 =	vadd.s32 v3, v27;
	[tilespmem:v46+s22+$0x0] =	vst.idx.msk $0xffff, v51;
	v54 =	vadd.f32 v21, v4;
	v57 =	vld [tilespmem:s25+$0xFFFFFFB0]  }
0x357: {  	v60 =	vadd.s32 v3, v29;
	v59 =	vadd.f32 v18, v4;
	[tilespmem:v50+s22+$0x0] =	vst.idx.msk $0xffff, v56  }
0x358: {  	v62 =	vadd.s32 v3, v13;
	[tilespmem:v48+s22+$0x0] =	vst.idx.msk $0xffff, v54;
	v61 =	vadd.f32 v12, v4  }
0x359: {  	[tilespmem:v52+s22+$0x0] =	vst.idx.msk $0xffff, v59;
	v63 =	vadd.f32 v53, v4  }
0x35a: {  	s18 =	sshll.u32 s18, $0x12;
	[tilespmem:v55+s22+$0x0] =	vst.idx.msk $0xffff, v61;
	v5 =	vadd.f32 v5, v4  }
0x35b: {  	s0 =	sor.u32 s7, s18;
	v4 =	vadd.f32 v57, v4;
	[tilespmem:v58+s22+$0x0] =	vst.idx.msk $0xffff, v63  }
0x35c: {  	s0 =	sshrl.u32 s0, $0x3;
	[tilespmem:v60+s22+$0x0] =	vst.idx.msk $0xffff, v5  }
0x35d: {  	s1 =	sadd.s32 s2, s0;
	[tilespmem:v62+s22+$0x0] =	vst.idx.msk $0xffff, v4  }
0x35e: {  	[hbm4b:s1+s3] =	stream.linear.scatter [tilespmem:s22], [sflag:$0x6], $0x80, $0x38;
	[tilespmem:$0x15A00] =	vst v63  }
0x35f: {  	s28 =	simm.s32 $0x13888;
	s25 =	sadd.s32 $0x10, s1  }
0x360: {  	[hbm4b:s25+s3] =	stream.linear.scatter [tilespmem:s28], [sflag:$0x6], $0x80, $0x38;
	[tilespmem:$0x15A00] =	vst v63  }
0x361: {  	s30 =	simm.s32 $0x13910;
	s29 =	sadd.s32 $0x20, s1  }
0x362: {  	[hbm4b:s29+s3] =	stream.linear.scatter [tilespmem:s30], [sflag:$0x6], $0x80, $0x38;
	[tilespmem:$0x15A00] =	vst v63  }
0x363: {  	s25 =	sadd.s32 $0x30, s1;
	s28 =	simm.s32 $0x13998  }
0x364: {  	[hbm4b:s25+s3] =	stream.linear.scatter [tilespmem:s28], [sflag:$0x6], $0x80, $0x38;
	[tilespmem:$0x15A00] =	vst v63  }
0x365: {  	s29 =	sadd.s32 $0x40, s1;
	s30 =	simm.s32 $0x13A20  }
0x366: {  	[hbm4b:s29+s3] =	stream.linear.scatter [tilespmem:s30], [sflag:$0x6], $0x80, $0x38;
	[tilespmem:$0x15A00] =	vst v63  }
0x367: {  	s18 =	sadd.s32 $0x50, s1;
	s25 =	simm.s32 $0x13AA8  }
0x368: {  	[hbm4b:s18+s3] =	stream.linear.scatter [tilespmem:s25], [sflag:$0x6], $0x80, $0x38;
	[tilespmem:$0x15A00] =	vst v63  }
0x369: {  	s28 =	sadd.s32 $0x60, s1;
	s29 =	simm.s32 $0x13B30  }
0x36a: {  	[hbm4b:s28+s3] =	stream.linear.scatter [tilespmem:s29], [sflag:$0x6], $0x80, $0x38;
	[tilespmem:$0x15A00] =	vst v63  }
0x36b: {  	s1 =	sadd.s32 $0x70, s1;
	s30 =	simm.s32 $0x13BB8  }
0x36c: {  	[hbm4b:s1+s3] =	stream.linear.scatter [tilespmem:s30], [sflag:$0x6], $0x80, $0x38;
	[tilespmem:$0x15A00] =	vst v63  }
0x36d: {  	s18 =	simm.s32 $0x13C40;
	s1 =	sadd.s32 s0, s8  }
0x36e: {  	[hbm4b:s1+s3] =	stream.linear.scatter [tilespmem:s18], [sflag:$0x6], $0x80, $0x38;
	[tilespmem:$0x15A00] =	vst v63  }
0x36f: {  	s28 =	simm.s32 $0x13CC8;
	s25 =	sadd.s32 $0x10, s1  }
0x370: {  	[hbm4b:s25+s3] =	stream.linear.scatter [tilespmem:s28], [sflag:$0x6], $0x80, $0x38;
	[tilespmem:$0x15A00] =	vst v63  }
0x371: {  	s30 =	simm.s32 $0x13D50;
	s29 =	sadd.s32 $0x20, s1  }
0x372: {  	[hbm4b:s29+s3] =	stream.linear.scatter [tilespmem:s30], [sflag:$0x6], $0x80, $0x38;
	[tilespmem:$0x15A00] =	vst v63  }
0x373: {  	s25 =	sadd.s32 $0x30, s1;
	s28 =	simm.s32 $0x13DD8  }
0x374: {  	[hbm4b:s25+s3] =	stream.linear.scatter [tilespmem:s28], [sflag:$0x6], $0x80, $0x38;
	[tilespmem:$0x15A00] =	vst v63  }
0x375: {  	s29 =	sadd.s32 $0x40, s1;
	s30 =	simm.s32 $0x13E60  }
0x376: {  	[hbm4b:s29+s3] =	stream.linear.scatter [tilespmem:s30], [sflag:$0x6], $0x80, $0x38;
	[tilespmem:$0x15A00] =	vst v63  }
0x377: {  	s18 =	sadd.s32 $0x50, s1;
	s25 =	simm.s32 $0x13EE8  }
0x378: {  	[hbm4b:s18+s3] =	stream.linear.scatter [tilespmem:s25], [sflag:$0x6], $0x80, $0x38;
	[tilespmem:$0x15A00] =	vst v63  }
0x379: {  	s28 =	sadd.s32 $0x60, s1;
	s29 =	simm.s32 $0x13F70  }
0x37a: {  	[hbm4b:s28+s3] =	stream.linear.scatter [tilespmem:s29], [sflag:$0x6], $0x80, $0x38;
	[tilespmem:$0x15A00] =	vst v63  }
0x37b: {  	s1 =	sadd.s32 $0x70, s1;
	s30 =	simm.s32 $0x13FF8  }
0x37c: {  	[hbm4b:s1+s3] =	stream.linear.scatter [tilespmem:s30], [sflag:$0x6], $0x80, $0x38;
	[tilespmem:$0x15A00] =	vst v63  }
0x37d: {  	s18 =	simm.s32 $0x14080;
	s1 =	sadd.s32 s0, s9  }
0x37e: {  	[hbm4b:s1+s3] =	stream.linear.scatter [tilespmem:s18], [sflag:$0x6], $0x80, $0x38;
	[tilespmem:$0x15A00] =	vst v63  }
0x37f: {  	s28 =	simm.s32 $0x14108;
	s25 =	sadd.s32 $0x10, s1  }
0x380: {  	[hbm4b:s25+s3] =	stream.linear.scatter [tilespmem:s28], [sflag:$0x6], $0x80, $0x38;
	[tilespmem:$0x15A00] =	vst v63  }
0x381: {  	s30 =	simm.s32 $0x14190;
	s29 =	sadd.s32 $0x20, s1  }
0x382: {  	[hbm4b:s29+s3] =	stream.linear.scatter [tilespmem:s30], [sflag:$0x6], $0x80, $0x38;
	[tilespmem:$0x15A00] =	vst v63  }
0x383: {  	s25 =	sadd.s32 $0x30, s1;
	s28 =	simm.s32 $0x14218  }
0x384: {  	[hbm4b:s25+s3] =	stream.linear.scatter [tilespmem:s28], [sflag:$0x6], $0x80, $0x38;
	[tilespmem:$0x15A00] =	vst v63  }
0x385: {  	s29 =	sadd.s32 $0x40, s1;
	s30 =	simm.s32 $0x142A0  }
0x386: {  	[hbm4b:s29+s3] =	stream.linear.scatter [tilespmem:s30], [sflag:$0x6], $0x80, $0x38;
	[tilespmem:$0x15A00] =	vst v63  }
0x387: {  	s18 =	sadd.s32 $0x50, s1;
	s25 =	simm.s32 $0x14328  }
0x388: {  	[hbm4b:s18+s3] =	stream.linear.scatter [tilespmem:s25], [sflag:$0x6], $0x80, $0x38;
	[tilespmem:$0x15A00] =	vst v63  }
0x389: {  	s28 =	sadd.s32 $0x60, s1;
	s29 =	simm.s32 $0x143B0  }
0x38a: {  	[hbm4b:s28+s3] =	stream.linear.scatter [tilespmem:s29], [sflag:$0x6], $0x80, $0x38;
	[tilespmem:$0x15A00] =	vst v63  }
0x38b: {  	s1 =	sadd.s32 $0x70, s1;
	s30 =	simm.s32 $0x14438  }
0x38c: {  	[hbm4b:s1+s3] =	stream.linear.scatter [tilespmem:s30], [sflag:$0x6], $0x80, $0x38;
	[tilespmem:$0x15A00] =	vst v63  }
0x38d: {  	s18 =	simm.s32 $0x144C0;
	s1 =	sadd.s32 s0, s10  }
0x38e: {  	[hbm4b:s1+s3] =	stream.linear.scatter [tilespmem:s18], [sflag:$0x6], $0x80, $0x38;
	[tilespmem:$0x15A00] =	vst v63  }
0x38f: {  	s28 =	simm.s32 $0x14548;
	s25 =	sadd.s32 $0x10, s1  }
0x390: {  	[hbm4b:s25+s3] =	stream.linear.scatter [tilespmem:s28], [sflag:$0x6], $0x80, $0x38;
	[tilespmem:$0x15A00] =	vst v63  }
0x391: {  	s30 =	simm.s32 $0x145D0;
	s29 =	sadd.s32 $0x20, s1  }
0x392: {  	[hbm4b:s29+s3] =	stream.linear.scatter [tilespmem:s30], [sflag:$0x6], $0x80, $0x38;
	[tilespmem:$0x15A00] =	vst v63  }
0x393: {  	s25 =	sadd.s32 $0x30, s1;
	s28 =	simm.s32 $0x14658  }
0x394: {  	[hbm4b:s25+s3] =	stream.linear.scatter [tilespmem:s28], [sflag:$0x6], $0x80, $0x38;
	[tilespmem:$0x15A00] =	vst v63  }
0x395: {  	s29 =	sadd.s32 $0x40, s1;
	s30 =	simm.s32 $0x146E0  }
0x396: {  	[hbm4b:s29+s3] =	stream.linear.scatter [tilespmem:s30], [sflag:$0x6], $0x80, $0x38;
	[tilespmem:$0x15A00] =	vst v63  }
0x397: {  	s18 =	sadd.s32 $0x50, s1;
	s25 =	simm.s32 $0x14768  }
0x398: {  	[hbm4b:s18+s3] =	stream.linear.scatter [tilespmem:s25], [sflag:$0x6], $0x80, $0x38;
	[tilespmem:$0x15A00] =	vst v63  }
0x399: {  	s28 =	sadd.s32 $0x60, s1;
	s29 =	simm.s32 $0x147F0  }
0x39a: {  	[hbm4b:s28+s3] =	stream.linear.scatter [tilespmem:s29], [sflag:$0x6], $0x80, $0x38;
	[tilespmem:$0x15A00] =	vst v63  }
0x39b: {  	s1 =	sadd.s32 $0x70, s1;
	s30 =	simm.s32 $0x14878  }
0x39c: {  	[hbm4b:s1+s3] =	stream.linear.scatter [tilespmem:s30], [sflag:$0x6], $0x80, $0x38;
	[tilespmem:$0x15A00] =	vst v63  }
0x39d: {  	s18 =	simm.s32 $0x14900;
	s1 =	sadd.s32 s0, s11  }
0x39e: {  	[hbm4b:s1+s3] =	stream.linear.scatter [tilespmem:s18], [sflag:$0x6], $0x80, $0x38;
	[tilespmem:$0x15A00] =	vst v63  }
0x39f: {  	s28 =	simm.s32 $0x14988;
	s25 =	sadd.s32 $0x10, s1  }
0x3a0: {  	[hbm4b:s25+s3] =	stream.linear.scatter [tilespmem:s28], [sflag:$0x6], $0x80, $0x38;
	[tilespmem:$0x15A00] =	vst v63  }
0x3a1: {  	s30 =	simm.s32 $0x14A10;
	s29 =	sadd.s32 $0x20, s1  }
0x3a2: {  	[hbm4b:s29+s3] =	stream.linear.scatter [tilespmem:s30], [sflag:$0x6], $0x80, $0x38;
	[tilespmem:$0x15A00] =	vst v63  }
0x3a3: {  	s25 =	sadd.s32 $0x30, s1;
	s28 =	simm.s32 $0x14A98  }
0x3a4: {  	[hbm4b:s25+s3] =	stream.linear.scatter [tilespmem:s28], [sflag:$0x6], $0x80, $0x38;
	[tilespmem:$0x15A00] =	vst v63  }
0x3a5: {  	s29 =	sadd.s32 $0x40, s1;
	s30 =	simm.s32 $0x14B20  }
0x3a6: {  	[hbm4b:s29+s3] =	stream.linear.scatter [tilespmem:s30], [sflag:$0x6], $0x80, $0x38;
	[tilespmem:$0x15A00] =	vst v63  }
0x3a7: {  	s18 =	sadd.s32 $0x50, s1;
	s25 =	simm.s32 $0x14BA8  }
0x3a8: {  	[hbm4b:s18+s3] =	stream.linear.scatter [tilespmem:s25], [sflag:$0x6], $0x80, $0x38;
	[tilespmem:$0x15A00] =	vst v63  }
0x3a9: {  	s28 =	sadd.s32 $0x60, s1;
	s29 =	simm.s32 $0x14C30  }
0x3aa: {  	[hbm4b:s28+s3] =	stream.linear.scatter [tilespmem:s29], [sflag:$0x6], $0x80, $0x38;
	[tilespmem:$0x15A00] =	vst v63  }
0x3ab: {  	s1 =	sadd.s32 $0x70, s1;
	s30 =	simm.s32 $0x14CB8  }
0x3ac: {  	[hbm4b:s1+s3] =	stream.linear.scatter [tilespmem:s30], [sflag:$0x6], $0x80, $0x38;
	[tilespmem:$0x15A00] =	vst v63  }
0x3ad: {  	s18 =	simm.s32 $0x14D40;
	s1 =	sadd.s32 s0, s12  }
0x3ae: {  	[hbm4b:s1+s3] =	stream.linear.scatter [tilespmem:s18], [sflag:$0x6], $0x80, $0x38;
	[tilespmem:$0x15A00] =	vst v63  }
0x3af: {  	s28 =	simm.s32 $0x14DC8;
	s25 =	sadd.s32 $0x10, s1  }
0x3b0: {  	[hbm4b:s25+s3] =	stream.linear.scatter [tilespmem:s28], [sflag:$0x6], $0x80, $0x38;
	[tilespmem:$0x15A00] =	vst v63  }
0x3b1: {  	s30 =	simm.s32 $0x14E50;
	s29 =	sadd.s32 $0x20, s1  }
0x3b2: {  	[hbm4b:s29+s3] =	stream.linear.scatter [tilespmem:s30], [sflag:$0x6], $0x80, $0x38;
	[tilespmem:$0x15A00] =	vst v63  }
0x3b3: {  	s25 =	sadd.s32 $0x30, s1;
	s28 =	simm.s32 $0x14ED8  }
0x3b4: {  	[hbm4b:s25+s3] =	stream.linear.scatter [tilespmem:s28], [sflag:$0x6], $0x80, $0x38;
	[tilespmem:$0x15A00] =	vst v63  }
0x3b5: {  	s29 =	sadd.s32 $0x40, s1;
	s30 =	simm.s32 $0x14F60  }
0x3b6: {  	[hbm4b:s29+s3] =	stream.linear.scatter [tilespmem:s30], [sflag:$0x6], $0x80, $0x38;
	[tilespmem:$0x15A00] =	vst v63  }
0x3b7: {  	s25 =	sadd.s32 $0x50, s1;
	s28 =	simm.s32 $0x14FE8  }
0x3b8: {  	[hbm4b:s25+s3] =	stream.linear.scatter [tilespmem:s28], [sflag:$0x6], $0x80, $0x38;
	[tilespmem:$0x15A00] =	vst v63  }
0x3b9: {  	s29 =	sadd.s32 $0x60, s1;
	s30 =	simm.s32 $0x15070  }
0x3ba: {  	[hbm4b:s29+s3] =	stream.linear.scatter [tilespmem:s30], [sflag:$0x6], $0x80, $0x38;
	[tilespmem:$0x15A00] =	vst v63  }
0x3bb: {  	s1 =	sadd.s32 $0x70, s1;
	s25 =	simm.s32 $0x150F8  }
0x3bc: {  	[hbm4b:s1+s3] =	stream.linear.scatter [tilespmem:s25], [sflag:$0x6], $0x80, $0x38;
	[tilespmem:$0x15A00] =	vst v63  }
0x3bd: {  	s28 =	simm.s32 $0x15180;
	s1 =	sadd.s32 s0, s13  }
0x3be: {  	[hbm4b:s1+s3] =	stream.linear.scatter [tilespmem:s28], [sflag:$0x6], $0x80, $0x38;
	[tilespmem:$0x15A00] =	vst v63  }
0x3bf: {  	s30 =	simm.s32 $0x15208;
	s29 =	sadd.s32 $0x10, s1  }
0x3c0: {  	[hbm4b:s29+s3] =	stream.linear.scatter [tilespmem:s30], [sflag:$0x6], $0x80, $0x38;
	[tilespmem:$0x15A00] =	vst v63  }
0x3c1: {  	s25 =	sadd.s32 $0x20, s1;
	s28 =	simm.s32 $0x15290  }
0x3c2: {  	[hbm4b:s25+s3] =	stream.linear.scatter [tilespmem:s28], [sflag:$0x6], $0x80, $0x38;
	[tilespmem:$0x15A00] =	vst v63  }
0x3c3: {  	s29 =	sadd.s32 $0x30, s1;
	s30 =	simm.s32 $0x15318  }
0x3c4: {  	[hbm4b:s29+s3] =	stream.linear.scatter [tilespmem:s30], [sflag:$0x6], $0x80, $0x38;
	[tilespmem:$0x15A00] =	vst v63  }
0x3c5: {  	s25 =	sadd.s32 $0x40, s1;
	s28 =	simm.s32 $0x153A0  }
0x3c6: {  	[hbm4b:s25+s3] =	stream.linear.scatter [tilespmem:s28], [sflag:$0x6], $0x80, $0x38;
	[tilespmem:$0x15A00] =	vst v63  }
0x3c7: {  	s29 =	sadd.s32 $0x50, s1;
	s30 =	simm.s32 $0x15428  }
0x3c8: {  	[hbm4b:s29+s3] =	stream.linear.scatter [tilespmem:s30], [sflag:$0x6], $0x80, $0x38;
	[tilespmem:$0x15A00] =	vst v63  }
0x3c9: {  	s25 =	sadd.s32 $0x60, s1;
	s28 =	simm.s32 $0x154B0  }
0x3ca: {  	[hbm4b:s25+s3] =	stream.linear.scatter [tilespmem:s28], [sflag:$0x6], $0x80, $0x38;
	[tilespmem:$0x15A00] =	vst v63  }
0x3cb: {  	s1 =	sadd.s32 $0x70, s1;
	s29 =	simm.s32 $0x15538  }
0x3cc: {  	[hbm4b:s1+s3] =	stream.linear.scatter [tilespmem:s29], [sflag:$0x6], $0x80, $0x38;
	[tilespmem:$0x15A00] =	vst v63  }
0x3cd: {  	s0 =	sadd.s32 s0, s14;
	s30 =	simm.s32 $0x155C0  }
0x3ce: {  	[hbm4b:s0+s3] =	stream.linear.scatter [tilespmem:s30], [sflag:$0x6], $0x80, $0x38;
	[tilespmem:$0x15A00] =	vst v63  }
0x3cf: {  	s18 =	simm.s32 $0x15648;
	s16 =	sadd.s32 $0x10, s0  }
0x3d0: {  	[hbm4b:s16+s3] =	stream.linear.scatter [tilespmem:s18], [sflag:$0x6], $0x80, $0x38;
	[tilespmem:$0x15A00] =	vst v63  }
0x3d1: {  	s25 =	sadd.s32 $0x20, s0;
	s28 =	simm.s32 $0x156D0  }
0x3d2: {  	[hbm4b:s25+s3] =	stream.linear.scatter [tilespmem:s28], [sflag:$0x6], $0x80, $0x38;
	[tilespmem:$0x15A00] =	vst v63  }
0x3d3: {  	s29 =	sadd.s32 $0x30, s0;
	s30 =	simm.s32 $0x15758  }
0x3d4: {  	[hbm4b:s29+s3] =	stream.linear.scatter [tilespmem:s30], [sflag:$0x6], $0x80, $0x38;
	[tilespmem:$0x15A00] =	vst v63  }
0x3d5: {  	s15 =	sadd.s32 $0x1, s15;
	s18 =	sadd.s32 $0x40, s0;
	s25 =	simm.s32 $0x157E0  }
0x3d6: {  	[hbm4b:s18+s3] =	stream.linear.scatter [tilespmem:s25], [sflag:$0x6], $0x80, $0x38;
	[tilespmem:$0x15A00] =	vst v63  }
0x3d7: {  	p0 =	sne.s32 s15, $0x32;
	s28 =	sadd.s32 $0x50, s0;
	s29 =	simm.s32 $0x15868  }
0x3d8: {  	[hbm4b:s28+s3] =	stream.linear.scatter [tilespmem:s29], [sflag:$0x6], $0x80, $0x38;
	[tilespmem:$0x15A00] =	vst v63  }
.Ltmp4:
0x3d9: {  	_ = 	snop;
	(pc) =	sbr.rel @p0 .LBB2_2-.Ltmp4, $4  }
0x3da: {  	s30 =	sadd.s32 $0x60, s0  }
0x3db: {  	[hbm4b:s30+s3] =	stream.linear.scatter [tilespmem:s17], [sflag:$0x6], $0x80, $0x38;
	[tilespmem:$0x15A00] =	vst v63  }
0x3dc: {  	s0 =	sadd.s32 $0x70, s0  }
0x3dd: {  	[hbm4b:s0+s3] =	stream.linear.scatter [tilespmem:s19], [sflag:$0x6], $0x80, $0x38;
	[tilespmem:$0x15A00] =	vst v63  }
0x3de: {  	_ =	swait.ge [sflag:s23], $0x400  }
0x3df: {  	[sflag:s23] =	ssyncset.done $0x0  }
0x3e0: {  	[sflag:s23] =	ssyncadd.s32 $0xFFFFFC00  }
0x3e1: {  	_ =	swait.ge [sflag:s23], $0x400  }
0x3e2: {  	[sflag:s23] =	ssyncset.done $0x0  }
0x3e3: {  	[sflag:s23] =	ssyncadd.s32 $0xFFFFFC00  }
0x3e4: {  	_ =	swait.ge [sflag:s23], $0x400  }
0x3e5: {  	[sflag:s23] =	ssyncset.done $0x0  }
0x3e6: {  	[sflag:s23] =	ssyncadd.s32 $0xFFFFFC00  }
0x3e7: {  	_ =	swait.ge [sflag:s23], $0x400  }
0x3e8: {  	[sflag:s23] =	ssyncset.done $0x0  }
0x3e9: {  	[sflag:s23] =	ssyncadd.s32 $0xFFFFFC00  }
0x3ea: {  	_ =	swait.ge [sflag:s23], $0x400  }
0x3eb: {  	[sflag:s23] =	ssyncset.done $0x0  }
0x3ec: {  	[sflag:s23] =	ssyncadd.s32 $0xFFFFFC00  }
0x3ed: {  	_ =	swait.ge [sflag:s23], $0x400  }
0x3ee: {  	[sflag:s23] =	ssyncset.done $0x0  }
0x3ef: {  	[sflag:s23] =	ssyncadd.s32 $0xFFFFFC00  }
0x3f0: {  	_ =	swait.ge [sflag:s23], $0x400  }
0x3f1: {  	[sflag:s23] =	ssyncset.done $0x0  }
0x3f2: {  	[sflag:s23] =	ssyncadd.s32 $0xFFFFFC00  }
0x3f3: {  	_ =	swait.ge [sflag:s23], $0x400  }
0x3f4: {  	[sflag:s23] =	ssyncset.done $0x0  }
0x3f5: {  	[sflag:s23] =	ssyncadd.s32 $0xFFFFFC00  }
0x3f6: {  	_ =	swait.ge [sflag:s6], $0x400  }
0x3f7: {  	[sflag:s6] =	ssyncset.done $0x0  }
0x3f8: {  	[sflag:s6] =	ssyncadd.s32 $0xFFFFFC00  }
0x3f9: {  	_ =	swait.ge [sflag:s6], $0x400  }
0x3fa: {  	[sflag:s6] =	ssyncset.done $0x0  }
0x3fb: {  	[sflag:s6] =	ssyncadd.s32 $0xFFFFFC00  }
0x3fc: {  	_ =	swait.ge [sflag:s6], $0x400  }
0x3fd: {  	[sflag:s6] =	ssyncset.done $0x0  }
0x3fe: {  	[sflag:s6] =	ssyncadd.s32 $0xFFFFFC00  }
0x3ff: {  	_ =	swait.ge [sflag:s6], $0x400  }
0x400: {  	[sflag:s6] =	ssyncset.done $0x0  }
0x401: {  	[sflag:s6] =	ssyncadd.s32 $0xFFFFFC00  }
0x402: {  	_ =	swait.ge [sflag:s6], $0x400  }
0x403: {  	[sflag:s6] =	ssyncset.done $0x0  }
0x404: {  	[sflag:s6] =	ssyncadd.s32 $0xFFFFFC00  }
0x405: {  	_ =	swait.ge [sflag:s6], $0x400  }
0x406: {  	[sflag:s6] =	ssyncset.done $0x0  }
0x407: {  	[sflag:s6] =	ssyncadd.s32 $0xFFFFFC00  }
0x408: {  	_ =	swait.ge [sflag:s6], $0x400  }
0x409: {  	[sflag:s6] =	ssyncset.done $0x0  }
0x40a: {  	[sflag:s6] =	ssyncadd.s32 $0xFFFFFC00  }
0x40b: {  	_ =	swait.ge [sflag:s6], $0x400  }
0x40c: {  	s1 =	rddreg [dreg:$0x6]  }
0x40d: {  	s0 =	rddreg [dreg:$0x5];
	s1 =	sadd.s32 $0x1, s1  }
0x40e: {  	p0 =	sne.s32 s1, s0  }
.Ltmp5:
0x40f: {  	_ = 	snop;
	(pc) =	sbr.rel @p0 .LBB2_1-.Ltmp5, $3  }
0x410: {  	_ =	sdelay $0x1  }
0x411: {  	[sflag:s6] =	ssyncset.done $0x0  }
0x412: {  	[sflag:s6] =	ssyncadd.s32 $0xFFFFFC00  }
0x413: {  	_ =	sfence.sel $0x180000  }
0x414: {  	[bflag:$0x0] =	sbarrier.arrive $0xFFFF  }
0x415: {  	_ =	strace $0x90000047  }
0x416: {  	s0 =	stileid.u32;
	[bflag:$0x2] =	sbarrier.arrive $0xFFFF  }
0x417: {  	p0 =	sne.s32 s0, $0x0;
	s0 =	rddreg [dreg:$0x2]  }
0x418: {  	s0 =	sadd.s32 @!p0 $0x100000, s0  }
0x419: {  	[sflag:s0] =	ssyncadd.tile.s32 @!p0 $0x1;
	_ =	shalt  }
.Lfunc_end2:
_tile_overlayer_lowered:
.L_overlay_start_2:
0x41a: {  	(tag) =	ssettag $0x2  }
0x41b: {  	s0 =	rddreg [dreg:$0x0];
	s2 =	stileid.u32  }
0x41c: {  	s1 =	rddreg [dreg:$0x1];
	p0 =	sne.s32 s2, $0x0  }
0x41d: {  	s3 =	rddreg [dreg:$0x2];
	[bflag:$0x3] =	sbarrier.arrive $0xFFFF;
	s2 =	simm.s32 @!p0 $0x1C07  }
0x41e: {  	[timem:s3], [sflag:s2] =	dma.local @!p0 [hbm:s0], s1  }
0x41f: {  	s0 =	simm.s32 @!p0 $0x7  }
0x420: {  	_ =	swait.ge @!p0 [sflag:s0], s1  }
0x421: {  	s1 =	ssub.s32 @!p0 $0x0, s1;
	[sflag:s0] =	ssyncset.done @!p0 $0x0  }
0x422: {  	[sflag:s0] =	ssyncadd.s32 @!p0 s1  }
0x423: {  	[bflag:$0x3] =	sbarrier.arrive $0xFFFF  }
0x424: {  	_ =	shalt  }

</sc_bundles>
